<compile_context>
chip_gen: v7x
topology: tpu7x:2x2x1
jax: 0.10.2.dev20260603
libtpu: 0.0.44.dev20260713+nightly
codegen_flags: <defaults>
</compile_context>

<pallas_src>
import functools

import jax
import jax.numpy as jnp
from jax import lax
from jax.experimental import pallas as pl
from jax.experimental.pallas import tpu as pltpu
from jax.experimental.pallas import tpu_sc as plsc

N = 10000
E = 320000
F_IN = 128
HID = 64
NCLS = 64
K = 10

NT = 16
NC = 2
N_PAD = 10240
RPT = N_PAD // NT
F2 = HID // 2
EW = 80
PAD_ROW = N

_MESH = plsc.VectorSubcoreMesh(core_axis_name="c", subcore_axis_name="s")


def _zero16():
    return jnp.zeros((16,), jnp.float32)


def _bc(scalar, dtype=jnp.float32):
    return jnp.full((16,), scalar, dtype)


def _rsqrt16(dg):
    m = dg > 0.0
    xx = jnp.where(m, dg, 1.0)
    i = jax.lax.bitcast_convert_type(xx, jnp.int32)
    i = jnp.int32(0x5F3759DF) - jax.lax.shift_right_arithmetic(i, 1)
    y = jax.lax.bitcast_convert_type(i, jnp.float32)
    for _ in range(4):
        y = y * (1.5 - 0.5 * xx * y * y)
    return jnp.where(m, y, 0.0)


def _sc1_body(row1, col1, degp, colp, rowp, degs, rb, cb, wb, cpb, rpb, zb, ob):
    c = lax.axis_index("c")
    t = lax.axis_index("s")
    rbase = t * RPT

    for i in range(RPT // 16):
        zb[pl.ds(i * 16, 16)] = _zero16()
    pltpu.sync_copy(zb, degs.at[pl.ds(rbase, RPT)])
    plsc.subcore_barrier()

    per_tile = E // (NC * NT)
    e00 = c * (E // NC) + t * per_tile
    nunits = per_tile // EW

    pad16 = _bc(PAD_ROW, jnp.int32)
    npad16 = _bc(N_PAD, jnp.int32)

    def unit(uu, _):
        e0 = e00 + uu * EW
        pltpu.sync_copy(row1.at[pl.ds(e0, EW)], rb)
        pltpu.sync_copy(col1.at[pl.ds(e0, EW)], cb)
        for i in range(EW // 16):
            sl = pl.ds(i * 16, 16)
            r16 = rb[sl]
            c16 = cb[sl]
            m = r16 != c16
            wb[sl] = jnp.where(m, 1.0, 0.0)
            cpb[sl] = jnp.where(m, c16, pad16)
            rpb[sl] = r16 + npad16
        pltpu.sync_copy(cpb, colp.at[pl.ds(e0, EW)])
        pltpu.sync_copy(rpb, rowp.at[pl.ds(e0, EW)])
        pltpu.sync_copy(wb, degs.at[rb], add=True)
        return ()

    lax.fori_loop(0, nunits, unit, (), unroll=False)
    plsc.subcore_barrier()

    pltpu.sync_copy(degs.at[pl.ds(rbase, RPT)], ob)
    pltpu.sync_copy(ob, degp.at[pl.ds(c * N_PAD + rbase, RPT)])


_sc1 = functools.partial(
    pl.kernel,
    out_type=(
        jax.ShapeDtypeStruct((NC * N_PAD,), jnp.float32),
        jax.ShapeDtypeStruct((E,), jnp.int32),
        jax.ShapeDtypeStruct((E,), jnp.int32),
    ),
    mesh=_MESH,
    compiler_params=pltpu.CompilerParams(use_tc_tiling_on_sc=False),
    scratch_types=(
        pltpu.VMEM_SHARED((N_PAD,), jnp.float32),
        pltpu.VMEM((EW,), jnp.int32),
        pltpu.VMEM((EW,), jnp.int32),
        pltpu.VMEM((EW,), jnp.float32),
        pltpu.VMEM((EW,), jnp.int32),
        pltpu.VMEM((EW,), jnp.int32),
        pltpu.VMEM((RPT,), jnp.float32),
        pltpu.VMEM((RPT,), jnp.float32),
    ),
)(_sc1_body)


def _sc2_body(h2, degp, colp, rowp, cw, comb, ss,
              tx3, cmb, sv, gb, cb, rb, dv, d1v, cwv, sem):
    c = lax.axis_index("c")
    t = lax.axis_index("s")
    co = c * N_PAD
    rbase = t * RPT

    def zrow(i, _):
        sv[i, pl.ds(0, 16)] = _zero16()
        sv[i, pl.ds(16, 16)] = _zero16()
        return ()

    pltpu.sync_copy(cw, cwv)

    pltpu.sync_copy(degp.at[pl.ds(rbase, RPT)], dv)
    pltpu.sync_copy(degp.at[pl.ds(N_PAD + rbase, RPT)], d1v)

    def dinv_row(i, _):
        sl = pl.ds(i * 16, 16)
        dg = dv[sl] + d1v[sl]
        dv[sl] = _rsqrt16(dg)
        return ()
    lax.fori_loop(0, RPT // 16, dinv_row, (), unroll=False)

    pltpu.sync_copy(h2.at[pl.ds(co + rbase, RPT)], tx3.at[0])
    cvec = cwv[...]
    c0 = _bc(cvec[0])

    def init_row(i16, _):
        dvec = dv[pl.ds(i16 * 16, 16)]
        for j in range(16):
            i = i16 * 16 + j
            d16 = _bc(dvec[j])
            for hh in range(2):
                sl = pl.ds(hh * 16, 16)
                h16 = tx3[0, i, sl]
                cmb[i, sl] = c0 * h16
                sv[i, sl] = d16 * h16
        return ()
    lax.fori_loop(0, RPT // 16, init_row, (), unroll=False)
    pltpu.sync_copy(sv, ss.at[pl.ds(rbase, RPT)])
    lax.fori_loop(0, RPT, zrow, (), unroll=False)
    pltpu.sync_copy(sv, ss.at[pl.ds(N_PAD + rbase, RPT)])
    plsc.subcore_barrier()

    e00 = t * (E // NT)
    nunits = (E // NT) // EW

    def gather_scatter_phase():
        def unit(uu, _):
            e0 = e00 + uu * EW
            pltpu.sync_copy(colp.at[pl.ds(e0, EW)], cb)
            pltpu.sync_copy(rowp.at[pl.ds(e0, EW)], rb)
            pltpu.async_copy(ss.at[cb], gb, sem).wait()
            pltpu.sync_copy(gb, ss.at[rb], add=True)
            return ()
        lax.fori_loop(0, nunits, unit, (), unroll=False)
        plsc.subcore_barrier()

    def recurrence_phase(k, first):
        pltpu.sync_copy(ss.at[pl.ds(N_PAD + rbase, RPT)], sv)
        ck = jnp.take(cvec, jnp.full((16,), k, jnp.int32))
        p = jax.lax.rem(k, 2)

        def rowk(i16, _):
            dvec = dv[pl.ds(i16 * 16, 16)]
            for j in range(16):
                i = i16 * 16 + j
                d16 = _bc(dvec[j])
                for hh in range(2):
                    sl = pl.ds(hh * 16, 16)
                    if first:
                        tn = -(d16 * sv[i, sl])
                    else:
                        tn = -2.0 * (d16 * sv[i, sl]) - tx3[p, i, sl]
                    tx3[p, i, sl] = tn
                    sv[i, sl] = d16 * tn
                    cmb[i, sl] = cmb[i, sl] + ck * tn
            return ()
        lax.fori_loop(0, RPT // 16, rowk, (), unroll=False)
        pltpu.sync_copy(sv, ss.at[pl.ds(rbase, RPT)])
        lax.fori_loop(0, RPT, zrow, (), unroll=False)
        pltpu.sync_copy(sv, ss.at[pl.ds(N_PAD + rbase, RPT)])
        plsc.subcore_barrier()

    gather_scatter_phase()
    recurrence_phase(jnp.int32(1), True)

    def round_k(k, _):
        gather_scatter_phase()
        recurrence_phase(k, False)
        return ()
    lax.fori_loop(2, K + 1, round_k, (), unroll=False)

    pltpu.sync_copy(cmb, comb.at[pl.ds(co + rbase, RPT)])


_sc2 = functools.partial(
    pl.kernel,
    out_type=jax.ShapeDtypeStruct((NC * N_PAD, F2), jnp.float32),
    mesh=_MESH,
    compiler_params=pltpu.CompilerParams(use_tc_tiling_on_sc=False),
    scratch_types=(
        pltpu.VMEM_SHARED((2 * N_PAD, F2), jnp.float32),
        pltpu.VMEM((2, RPT, F2), jnp.float32),
        pltpu.VMEM((RPT, F2), jnp.float32),
        pltpu.VMEM((RPT, F2), jnp.float32),
        pltpu.VMEM((EW, F2), jnp.float32),
        pltpu.VMEM((EW,), jnp.int32),
        pltpu.VMEM((EW,), jnp.int32),
        pltpu.VMEM((RPT,), jnp.float32),
        pltpu.VMEM((RPT,), jnp.float32),
        pltpu.VMEM((16,), jnp.float32),
        pltpu.SemaphoreType.DMA,
    ),
)(_sc2_body)


def _tca_body(x_ref, w1_ref, o_ref):
    h = jnp.maximum(jnp.dot(x_ref[...], w1_ref[...],
                            preferred_element_type=jnp.float32), 0.0)
    o_ref[0] = h[:, :F2]
    o_ref[1] = h[:, F2:]


def _tca(x_pad, W1):
    R = 1024
    return pl.pallas_call(
        _tca_body,
        grid=(N_PAD // R,),
        in_specs=[
            pl.BlockSpec((R, F_IN), lambda r: (r, 0)),
            pl.BlockSpec((F_IN, HID), lambda r: (0, 0)),
        ],
        out_specs=pl.BlockSpec((2, R, F2), lambda r: (0, r, 0)),
        out_shape=jax.ShapeDtypeStruct((2, N_PAD, F2), jnp.float32),
    )(x_pad, W1)


def _tcb_body(lo_ref, hi_ref, w2_ref, o_ref):
    cb = jnp.concatenate([lo_ref[...], hi_ref[...]], axis=1)
    o_ref[...] = jnp.dot(cb, w2_ref[...], preferred_element_type=jnp.float32)


def _tcb(comb_flat, W2):
    R = 1024
    nb = N_PAD // R
    return pl.pallas_call(
        _tcb_body,
        grid=(nb,),
        in_specs=[
            pl.BlockSpec((R, F2), lambda r: (r, 0)),
            pl.BlockSpec((R, F2), lambda r, _nb=nb: (_nb + r, 0)),
            pl.BlockSpec((HID, NCLS), lambda r: (0, 0)),
        ],
        out_specs=pl.BlockSpec((R, NCLS), lambda r: (r, 0)),
        out_shape=jax.ShapeDtypeStruct((N_PAD, NCLS), jnp.float32),
    )(comb_flat, comb_flat, W2)


@jax.jit
def kernel(x, edge_index, W1, W2, comb_weight):
    row1 = edge_index[0]
    col1 = edge_index[1]
    x_pad = jnp.pad(x, ((0, N_PAD - N), (0, 0)))
    cw16 = jnp.pad(comb_weight, (0, 16 - (K + 1)))

    degp, colp, rowp = _sc1(row1, col1)
    h2 = _tca(x_pad, W1).reshape(NC * N_PAD, F2)
    comb = _sc2(h2, degp, colp, rowp, cw16)
    out = _tcb(comb, W2)
    return out[:N]

# --- scband reference (transcript-rebuilt; emitter-appended) ---
"""Pipeline reference for scband-poly-net-5153960755967 (READ-ONLY COPY).

The authoritative reference and input builder live on the scoring server;
editing this copy changes nothing except your own understanding.
"""

import jax, jax.numpy as jnp
import numpy as np

N = 10000
E = 320000
F_IN = 128
HID = 64
NCLS = 64
K = 10  # polynomial order; conv returns K+1 terms


def setup_inputs(seed: int = 0) -> dict:
    key = jax.random.key(seed)
    k1, k2, k3, k4 = jax.random.split(key, 4)
    x = jax.random.normal(k1, (N, F_IN), dtype=jnp.float32)
    edge_index = jax.random.randint(k2, (2, E), 0, N, dtype=jnp.int32)
    W1 = jax.random.normal(k3, (F_IN, HID), dtype=jnp.float32) * (1.0 / np.sqrt(F_IN))
    W2 = jax.random.normal(k4, (HID, NCLS), dtype=jnp.float32) * (1.0 / np.sqrt(HID))
    comb_weight = jnp.ones((K + 1,), dtype=jnp.float32)
    return {"x": x, "edge_index": edge_index, "W1": W1, "W2": W2, "comb_weight": comb_weight}


def _cheb_basis(h, edge_index):
    # polyChebConv.__norm__: remove self loops, sym-normalized Laplacian L = I - D^-1/2 A D^-1/2,
    # then add self loops with fill -1.0 -> scaled Laplacian Ltilde = L - I (lambda_max = 2).
    # Off-diagonal of Ltilde: -d^-1/2 * d^-1/2 ; diagonal: 0.
    row, col = edge_index[0], edge_index[1]
    w = (row != col).astype(h.dtype)  # remove_self_loops; unit edge weights otherwise
    deg = jnp.zeros((N,), dtype=h.dtype).at[row].add(w)
    dinv = jnp.where(deg > 0, 1.0 / jnp.sqrt(jnp.where(deg > 0, deg, 1.0)), 0.0)
    lap_w = -dinv[row] * w * dinv[col]

    def matvec(z):
        msg = lap_w[:, None] * z[col]
        return jnp.zeros_like(z).at[row].add(msg)

    xs = [h]
    Tx0 = h
    Tx1 = matvec(h)  # K>1 branch: Tx_1 = Ltilde @ x
    xs.append(Tx1)
    for _ in range(2, K + 1):
        Tx2 = 2.0 * matvec(Tx1) - Tx0
        xs.append(Tx2)
        Tx0, Tx1 = Tx1, Tx2
    return xs


def reference(x, edge_index, W1, W2, comb_weight):
    # PolyNet forward (GPR-style): lin1 -> relu -> polynomial propagation ->
    # weighted combination via comb_weight -> lin2 (dropout is identity in eval).
    h = jax.nn.relu(x @ W1)
    xs = _cheb_basis(h, edge_index)
    combined = xs[0] * comb_weight[0]
    for k in range(1, K + 1):
        combined = combined + comb_weight[k] * xs[k]
    out = combined @ W2
    return out

if __name__ == "__main__":
    import jax
    _d = setup_inputs()
    print(jax.jit(kernel)(*tuple(_d.values())))

</pallas_src>

<mosaic_0001>
#map = affine_map<(d0, d1) -> (0, 0)>
#map1 = affine_map<(d0, d1) -> (0)>
module attributes {stable_mosaic.version = 14 : i64} {
  func.func @_sc2_body(%arg0: i32, %arg1: i32, %arg2: memref<20480x32xf32, #tpu.memory_space<hbm>>, %arg3: memref<20480xf32, #tpu.memory_space<hbm>>, %arg4: memref<320000xi32, #tpu.memory_space<hbm>>, %arg5: memref<320000xi32, #tpu.memory_space<hbm>>, %arg6: memref<16xf32, #tpu.memory_space<hbm>>, %arg7: memref<20480x32xf32, #tpu.memory_space<hbm>>, %arg8: memref<20480x32xf32, #tpu.memory_space<vmem_shared>>, %arg9: memref<2x640x32xf32, #tpu.memory_space<vmem>>, %arg10: memref<640x32xf32, #tpu.memory_space<vmem>>, %arg11: memref<640x32xf32, #tpu.memory_space<vmem>>, %arg12: memref<80x32xf32, #tpu.memory_space<vmem>>, %arg13: memref<80xi32, #tpu.memory_space<vmem>>, %arg14: memref<80xi32, #tpu.memory_space<vmem>>, %arg15: memref<640xf32, #tpu.memory_space<vmem>>, %arg16: memref<640xf32, #tpu.memory_space<vmem>>, %arg17: memref<16xf32, #tpu.memory_space<vmem>>, %arg18: memref<!tpu.dma_semaphore, #tpu.memory_space<semaphore_mem>>) attributes {dimension_semantics = [#tpu.dimension_semantics<core_parallel>, #tpu.dimension_semantics<subcore_parallel>], iteration_bounds = array<i64: 2, 16>, scalar_prefetch = 0 : i64, scratch_operands = 11 : i64, tpu.core_type = #tpu.core_type<sc_vector_subcore>, window_params = [{transform_indices = #map}, {transform_indices = #map1}, {transform_indices = #map1}, {transform_indices = #map1}, {transform_indices = #map1}, {transform_indices = #map}]} {
    %mul3A = arith.constant 10240 : i32
    %mul3A_0 = arith.muli %arg0, %mul3A : i32
    %mul3A_1 = arith.constant 640 : i32
    %mul3A_2 = arith.muli %arg1, %mul3A_1 : i32
    "tpu.region"() ({
      %run_scoped3A_63 = tpu.sem_alloc : memref<!tpu.dma_semaphore, #tpu.memory_space<semaphore_mem>>
      tpu.enqueue_dma source(%arg6 : memref<16xf32, #tpu.memory_space<hbm>>) target(%arg17 : memref<16xf32, #tpu.memory_space<vmem>>) target_semaphore(%run_scoped3A_63 : memref<!tpu.dma_semaphore, #tpu.memory_space<semaphore_mem>>)
      tpu.wait_dma2 semaphore(%run_scoped3A_63 : memref<!tpu.dma_semaphore, #tpu.memory_space<semaphore_mem>>) src(%arg6 : memref<16xf32, #tpu.memory_space<hbm>>) dst(%arg17 : memref<16xf32, #tpu.memory_space<vmem>>)
      tpu.yield
    }) : () -> ()
    "tpu.region"() ({
      %run_scoped3A_63 = tpu.sem_alloc : memref<!tpu.dma_semaphore, #tpu.memory_space<semaphore_mem>>
      %dma_start3A = tpu.memref_slice %arg3[%mul3A_2] : memref<20480xf32, #tpu.memory_space<hbm>> -> memref<640xf32, #tpu.memory_space<hbm>>
      %dma_start3A_64 = tpu.memref_slice %arg3[%mul3A_2] : memref<20480xf32, #tpu.memory_space<hbm>> -> memref<640xf32, #tpu.memory_space<hbm>>
      tpu.enqueue_dma source(%dma_start3A_64 : memref<640xf32, #tpu.memory_space<hbm>>) target(%arg15 : memref<640xf32, #tpu.memory_space<vmem>>) target_semaphore(%run_scoped3A_63 : memref<!tpu.dma_semaphore, #tpu.memory_space<semaphore_mem>>)
      %dma_wait3A = tpu.memref_slice %arg3[%mul3A_2] : memref<20480xf32, #tpu.memory_space<hbm>> -> memref<640xf32, #tpu.memory_space<hbm>>
      %dma_wait3A_65 = tpu.memref_slice %arg3[%mul3A_2] : memref<20480xf32, #tpu.memory_space<hbm>> -> memref<640xf32, #tpu.memory_space<hbm>>
      tpu.wait_dma2 semaphore(%run_scoped3A_63 : memref<!tpu.dma_semaphore, #tpu.memory_space<semaphore_mem>>) src(%dma_wait3A_65 : memref<640xf32, #tpu.memory_space<hbm>>) dst(%arg15 : memref<640xf32, #tpu.memory_space<vmem>>)
      tpu.yield
    }) : () -> ()
    %add3A = arith.constant 10240 : i32
    %add3A_3 = arith.addi %add3A, %mul3A_2 : i32
    "tpu.region"() ({
      %run_scoped3A_63 = tpu.sem_alloc : memref<!tpu.dma_semaphore, #tpu.memory_space<semaphore_mem>>
      %dma_start3A = tpu.memref_slice %arg3[%add3A_3] : memref<20480xf32, #tpu.memory_space<hbm>> -> memref<640xf32, #tpu.memory_space<hbm>>
      %dma_start3A_64 = tpu.memref_slice %arg3[%add3A_3] : memref<20480xf32, #tpu.memory_space<hbm>> -> memref<640xf32, #tpu.memory_space<hbm>>
      tpu.enqueue_dma source(%dma_start3A_64 : memref<640xf32, #tpu.memory_space<hbm>>) target(%arg16 : memref<640xf32, #tpu.memory_space<vmem>>) target_semaphore(%run_scoped3A_63 : memref<!tpu.dma_semaphore, #tpu.memory_space<semaphore_mem>>)
      %dma_wait3A = tpu.memref_slice %arg3[%add3A_3] : memref<20480xf32, #tpu.memory_space<hbm>> -> memref<640xf32, #tpu.memory_space<hbm>>
      %dma_wait3A_65 = tpu.memref_slice %arg3[%add3A_3] : memref<20480xf32, #tpu.memory_space<hbm>> -> memref<640xf32, #tpu.memory_space<hbm>>
      tpu.wait_dma2 semaphore(%run_scoped3A_63 : memref<!tpu.dma_semaphore, #tpu.memory_space<semaphore_mem>>) src(%dma_wait3A_65 : memref<640xf32, #tpu.memory_space<hbm>>) dst(%arg16 : memref<640xf32, #tpu.memory_space<vmem>>)
      tpu.yield
    }) : () -> ()
    %scan3A = arith.constant 0 : i32
    %scan3A_4 = arith.constant 40 : i32
    %scan3A_5 = arith.addi %scan3A, %scan3A_4 : i32
    %scan3A_6 = arith.constant 1 : i32
    scf.for %scan3A_63 = %scan3A to %scan3A_5 step %scan3A_6  : i32 {
      %mul3A_64 = arith.constant 16 : i32
      %mul3A_65 = arith.muli %scan3A_63, %mul3A_64 : i32
      %get3A_66 = arith.index_cast %mul3A_65 : i32 to index
      %get3A_67 = tpu.vector_load %arg15[%get3A_66] {strides = array<i32>} : memref<640xf32, #tpu.memory_space<vmem>>, vector<16xf32>,
      %get3A_68 = vector.shape_cast %get3A_67 : vector<16xf32> to vector<16xf32>
      %get3A_69 = arith.index_cast %mul3A_65 : i32 to index
      %get3A_70 = tpu.vector_load %arg16[%get3A_69] {strides = array<i32>} : memref<640xf32, #tpu.memory_space<vmem>>, vector<16xf32>,
      %get3A_71 = vector.shape_cast %get3A_70 : vector<16xf32> to vector<16xf32>
      %add3A_72 = arith.addf %get3A_68, %get3A_71 : vector<16xf32>
      %gt3A = arith.constant 0.000000e+00 : f32
      %gt3A_73 = vector.broadcast %gt3A : f32 to vector<16xf32>
      %gt3A_74 = arith.cmpf ogt, %add3A_72, %gt3A_73 : vector<16xf32>
      %jit3A = arith.constant 1.000000e+00 : f32
      %broadcast_in_dim3A_75 = vector.broadcast %jit3A : f32 to vector<16xf32>
      %select_n3A_76 = arith.select %gt3A_74, %add3A_72, %broadcast_in_dim3A_75 : vector<16xi1>, vector<16xf32>
      %bitcast_convert_type3A = tpu.bitcast %select_n3A_76 : vector<16xf32> -> vector<16xi32>
      %shift_right_arithmetic3A = arith.constant 1 : i32
      %shift_right_arithmetic3A_77 = vector.broadcast %shift_right_arithmetic3A : i32 to vector<16xi32>
      %shift_right_arithmetic3A_78 = arith.shrsi %bitcast_convert_type3A, %shift_right_arithmetic3A_77 : vector<16xi32>
      %sub3A = arith.constant 1597463007 : i32
      %sub3A_79 = vector.broadcast %sub3A : i32 to vector<16xi32>
      %sub3A_80 = arith.subi %sub3A_79, %shift_right_arithmetic3A_78 : vector<16xi32>
      %bitcast_convert_type3A_81 = tpu.bitcast %sub3A_80 : vector<16xi32> -> vector<16xf32>
      %mul3A_82 = arith.constant 5.000000e-01 : f32
      %mul3A_83 = vector.broadcast %mul3A_82 : f32 to vector<16xf32>
      %mul3A_84 = arith.mulf %mul3A_83, %select_n3A_76 : vector<16xf32>
      %mul3A_85 = arith.mulf %mul3A_84, %bitcast_convert_type3A_81 : vector<16xf32>
      %mul3A_86 = arith.mulf %mul3A_85, %bitcast_convert_type3A_81 : vector<16xf32>
      %sub3A_87 = arith.constant 1.500000e+00 : f32
      %sub3A_88 = vector.broadcast %sub3A_87 : f32 to vector<16xf32>
      %sub3A_89 = arith.subf %sub3A_88, %mul3A_86 : vector<16xf32>
      %mul3A_90 = arith.mulf %bitcast_convert_type3A_81, %sub3A_89 : vector<16xf32>
      %mul3A_91 = arith.constant 5.000000e-01 : f32
      %mul3A_92 = vector.broadcast %mul3A_91 : f32 to vector<16xf32>
      %mul3A_93 = arith.mulf %mul3A_92, %select_n3A_76 : vector<16xf32>
      %mul3A_94 = arith.mulf %mul3A_93, %mul3A_90 : vector<16xf32>
      %mul3A_95 = arith.mulf %mul3A_94, %mul3A_90 : vector<16xf32>
      %sub3A_96 = arith.constant 1.500000e+00 : f32
      %sub3A_97 = vector.broadcast %sub3A_96 : f32 to vector<16xf32>
      %sub3A_98 = arith.subf %sub3A_97, %mul3A_95 : vector<16xf32>
      %mul3A_99 = arith.mulf %mul3A_90, %sub3A_98 : vector<16xf32>
      %mul3A_100 = arith.constant 5.000000e-01 : f32
      %mul3A_101 = vector.broadcast %mul3A_100 : f32 to vector<16xf32>
      %mul3A_102 = arith.mulf %mul3A_101, %select_n3A_76 : vector<16xf32>
      %mul3A_103 = arith.mulf %mul3A_102, %mul3A_99 : vector<16xf32>
      %mul3A_104 = arith.mulf %mul3A_103, %mul3A_99 : vector<16xf32>
      %sub3A_105 = arith.constant 1.500000e+00 : f32
      %sub3A_106 = vector.broadcast %sub3A_105 : f32 to vector<16xf32>
      %sub3A_107 = arith.subf %sub3A_106, %mul3A_104 : vector<16xf32>
      %mul3A_108 = arith.mulf %mul3A_99, %sub3A_107 : vector<16xf32>
      %mul3A_109 = arith.constant 5.000000e-01 : f32
      %mul3A_110 = vector.broadcast %mul3A_109 : f32 to vector<16xf32>
      %mul3A_111 = arith.mulf %mul3A_110, %select_n3A_76 : vector<16xf32>
      %mul3A_112 = arith.mulf %mul3A_111, %mul3A_108 : vector<16xf32>
      %mul3A_113 = arith.mulf %mul3A_112, %mul3A_108 : vector<16xf32>
      %sub3A_114 = arith.constant 1.500000e+00 : f32
      %sub3A_115 = vector.broadcast %sub3A_114 : f32 to vector<16xf32>
      %sub3A_116 = arith.subf %sub3A_115, %mul3A_113 : vector<16xf32>
      %mul3A_117 = arith.mulf %mul3A_108, %sub3A_116 : vector<16xf32>
      %jit3A_118 = arith.constant 0.000000e+00 : f32
      %broadcast_in_dim3A_119 = vector.broadcast %jit3A_118 : f32 to vector<16xf32>
      %select_n3A_120 = arith.select %gt3A_74, %mul3A_117, %broadcast_in_dim3A_119 : vector<16xi1>, vector<16xf32>
      %swap3A = arith.index_cast %mul3A_65 : i32 to index
      %swap3A_121 = tpu.vector_load %arg15[%swap3A] {strides = array<i32>} : memref<640xf32, #tpu.memory_space<vmem>>, vector<16xf32>,
      %swap3A_122 = vector.shape_cast %swap3A_121 : vector<16xf32> to vector<16xf32>
      %swap3A_123 = vector.shape_cast %select_n3A_120 : vector<16xf32> to vector<16xf32>
      tpu.vector_store %arg15[%swap3A], %swap3A_123 {strides = array<i32>} : memref<640xf32, #tpu.memory_space<vmem>>, vector<16xf32>,
    }
    %scan3A_7 = arith.constant 40 : i32
    %add3A_8 = arith.addi %mul3A_0, %mul3A_2 : i32
    %run_scoped3A = arith.constant 0 : i32
    "tpu.region"() ({
      %run_scoped3A_63 = tpu.sem_alloc : memref<!tpu.dma_semaphore, #tpu.memory_space<semaphore_mem>>
      %dma_start3A = arith.constant 0 : i32
      %dma_start3A_64 = arith.constant 0 : i32
      %dma_start3A_65 = tpu.memref_slice %arg9[%run_scoped3A, %dma_start3A, %dma_start3A_64] : memref<2x640x32xf32, #tpu.memory_space<vmem>> -> memref<1x640x32xf32, #tpu.memory_space<vmem>>
      %dma_start3A_66 = tpu.memref_squeeze %dma_start3A_65 : memref<1x640x32xf32, #tpu.memory_space<vmem>> -> memref<640x32xf32, #tpu.memory_space<vmem>>
      %dma_start3A_67 = arith.constant 0 : i32
      %dma_start3A_68 = tpu.memref_slice %arg2[%add3A_8, %dma_start3A_67] : memref<20480x32xf32, #tpu.memory_space<hbm>> -> memref<640x32xf32, #tpu.memory_space<hbm>>
      %dma_start3A_69 = arith.constant 0 : i32
      %dma_start3A_70 = arith.constant 0 : i32
      %dma_start3A_71 = tpu.memref_slice %arg9[%run_scoped3A, %dma_start3A_69, %dma_start3A_70] : memref<2x640x32xf32, #tpu.memory_space<vmem>> -> memref<1x640x32xf32, #tpu.memory_space<vmem>>
      %dma_start3A_72 = tpu.memref_squeeze %dma_start3A_71 : memref<1x640x32xf32, #tpu.memory_space<vmem>> -> memref<640x32xf32, #tpu.memory_space<vmem>>
      %dma_start3A_73 = arith.constant 0 : i32
      %dma_start3A_74 = tpu.memref_slice %arg2[%add3A_8, %dma_start3A_73] : memref<20480x32xf32, #tpu.memory_space<hbm>> -> memref<640x32xf32, #tpu.memory_space<hbm>>
      tpu.enqueue_dma source(%dma_start3A_74 : memref<640x32xf32, #tpu.memory_space<hbm>>) target(%dma_start3A_72 : memref<640x32xf32, #tpu.memory_space<vmem>>) target_semaphore(%run_scoped3A_63 : memref<!tpu.dma_semaphore, #tpu.memory_space<semaphore_mem>>)
      %dma_wait3A = arith.constant 0 : i32
      %dma_wait3A_75 = arith.constant 0 : i32
      %dma_wait3A_76 = tpu.memref_slice %arg9[%run_scoped3A, %dma_wait3A, %dma_wait3A_75] : memref<2x640x32xf32, #tpu.memory_space<vmem>> -> memref<1x640x32xf32, #tpu.memory_space<vmem>>
      %dma_wait3A_77 = tpu.memref_squeeze %dma_wait3A_76 : memref<1x640x32xf32, #tpu.memory_space<vmem>> -> memref<640x32xf32, #tpu.memory_space<vmem>>
      %dma_wait3A_78 = arith.constant 0 : i32
      %dma_wait3A_79 = tpu.memref_slice %arg2[%add3A_8, %dma_wait3A_78] : memref<20480x32xf32, #tpu.memory_space<hbm>> -> memref<640x32xf32, #tpu.memory_space<hbm>>
      %dma_wait3A_80 = arith.constant 0 : i32
      %dma_wait3A_81 = arith.constant 0 : i32
      %dma_wait3A_82 = tpu.memref_slice %arg9[%run_scoped3A, %dma_wait3A_80, %dma_wait3A_81] : memref<2x640x32xf32, #tpu.memory_space<vmem>> -> memref<1x640x32xf32, #tpu.memory_space<vmem>>
      %dma_wait3A_83 = tpu.memref_squeeze %dma_wait3A_82 : memref<1x640x32xf32, #tpu.memory_space<vmem>> -> memref<640x32xf32, #tpu.memory_space<vmem>>
      %dma_wait3A_84 = arith.constant 0 : i32
      %dma_wait3A_85 = tpu.memref_slice %arg2[%add3A_8, %dma_wait3A_84] : memref<20480x32xf32, #tpu.memory_space<hbm>> -> memref<640x32xf32, #tpu.memory_space<hbm>>
      tpu.wait_dma2 semaphore(%run_scoped3A_63 : memref<!tpu.dma_semaphore, #tpu.memory_space<semaphore_mem>>) src(%dma_wait3A_85 : memref<640x32xf32, #tpu.memory_space<hbm>>) dst(%dma_wait3A_83 : memref<640x32xf32, #tpu.memory_space<vmem>>)
      tpu.yield
    }) : () -> ()
    %get3A = arith.constant 0 : index
    %get3A_9 = tpu.vector_load %arg17[%get3A] {strides = array<i32>} : memref<16xf32, #tpu.memory_space<vmem>>, vector<16xf32>,
    %get3A_10 = vector.shape_cast %get3A_9 : vector<16xf32> to vector<16xf32>
    %slice3A = vector.extract_strided_slice %get3A_10 {offsets = [0], sizes = [1], strides = [1]} : vector<16xf32> to vector<1xf32>
    %squeeze3A = vector.extract %slice3A[0] : f32 from vector<1xf32>
    %broadcast_in_dim3A = vector.broadcast %squeeze3A : f32 to vector<16xf32>
    %scan3A_11 = arith.constant 0 : i32
    %scan3A_12 = arith.constant 40 : i32
    %scan3A_13 = arith.addi %scan3A_11, %scan3A_12 : i32
    %scan3A_14 = arith.constant 1 : i32
    scf.for %scan3A_63 = %scan3A_11 to %scan3A_13 step %scan3A_14  : i32 {
      %mul3A_64 = arith.constant 16 : i32
      %mul3A_65 = arith.muli %scan3A_63, %mul3A_64 : i32
      %get3A_66 = arith.index_cast %mul3A_65 : i32 to index
      %get3A_67 = tpu.vector_load %arg15[%get3A_66] {strides = array<i32>} : memref<640xf32, #tpu.memory_space<vmem>>, vector<16xf32>,
      %get3A_68 = vector.shape_cast %get3A_67 : vector<16xf32> to vector<16xf32>
      %mul3A_69 = arith.constant 16 : i32
      %mul3A_70 = arith.muli %scan3A_63, %mul3A_69 : i32
      %add3A_71 = arith.constant 0 : i32
      %add3A_72 = arith.addi %mul3A_70, %add3A_71 : i32
      %slice3A_73 = vector.extract_strided_slice %get3A_68 {offsets = [0], sizes = [1], strides = [1]} : vector<16xf32> to vector<1xf32>
      %squeeze3A_74 = vector.extract %slice3A_73[0] : f32 from vector<1xf32>
      %broadcast_in_dim3A_75 = vector.broadcast %squeeze3A_74 : f32 to vector<16xf32>
      %get3A_76 = arith.constant 0 : i32
      %get3A_77 = arith.index_cast %get3A_76 : i32 to index
      %get3A_78 = arith.index_cast %add3A_72 : i32 to index
      %get3A_79 = arith.constant 0 : index
      %get3A_80 = tpu.vector_load %arg9[%get3A_77, %get3A_78, %get3A_79] {strides = array<i32>} : memref<2x640x32xf32, #tpu.memory_space<vmem>>, vector<1x1x16xf32>,
      %get3A_81 = vector.shape_cast %get3A_80 : vector<1x1x16xf32> to vector<16xf32>
      %mul3A_82 = arith.mulf %broadcast_in_dim3A, %get3A_81 : vector<16xf32>
      %swap3A = arith.index_cast %add3A_72 : i32 to index
      %swap3A_83 = arith.constant 0 : index
      %swap3A_84 = tpu.vector_load %arg10[%swap3A, %swap3A_83] {strides = array<i32>} : memref<640x32xf32, #tpu.memory_space<vmem>>, vector<1x16xf32>,
      %swap3A_85 = vector.shape_cast %swap3A_84 : vector<1x16xf32> to vector<16xf32>
      %swap3A_86 = vector.shape_cast %mul3A_82 : vector<16xf32> to vector<1x16xf32>
      tpu.vector_store %arg10[%swap3A, %swap3A_83], %swap3A_86 {strides = array<i32>} : memref<640x32xf32, #tpu.memory_space<vmem>>, vector<1x16xf32>,
      %mul3A_87 = arith.mulf %broadcast_in_dim3A_75, %get3A_81 : vector<16xf32>
      %swap3A_88 = arith.index_cast %add3A_72 : i32 to index
      %swap3A_89 = arith.constant 0 : index
      %swap3A_90 = tpu.vector_load %arg11[%swap3A_88, %swap3A_89] {strides = array<i32>} : memref<640x32xf32, #tpu.memory_space<vmem>>, vector<1x16xf32>,
      %swap3A_91 = vector.shape_cast %swap3A_90 : vector<1x16xf32> to vector<16xf32>
      %swap3A_92 = vector.shape_cast %mul3A_87 : vector<16xf32> to vector<1x16xf32>
      tpu.vector_store %arg11[%swap3A_88, %swap3A_89], %swap3A_92 {strides = array<i32>} : memref<640x32xf32, #tpu.memory_space<vmem>>, vector<1x16xf32>,
      %get3A_93 = arith.constant 0 : i32
      %get3A_94 = arith.index_cast %get3A_93 : i32 to index
      %get3A_95 = arith.index_cast %add3A_72 : i32 to index
      %get3A_96 = arith.constant 16 : index
      %get3A_97 = tpu.vector_load %arg9[%get3A_94, %get3A_95, %get3A_96] {strides = array<i32>} : memref<2x640x32xf32, #tpu.memory_space<vmem>>, vector<1x1x16xf32>,
      %get3A_98 = vector.shape_cast %get3A_97 : vector<1x1x16xf32> to vector<16xf32>
      %mul3A_99 = arith.mulf %broadcast_in_dim3A, %get3A_98 : vector<16xf32>
      %swap3A_100 = arith.index_cast %add3A_72 : i32 to index
      %swap3A_101 = arith.constant 16 : index
      %swap3A_102 = tpu.vector_load %arg10[%swap3A_100, %swap3A_101] {strides = array<i32>} : memref<640x32xf32, #tpu.memory_space<vmem>>, vector<1x16xf32>,
      %swap3A_103 = vector.shape_cast %swap3A_102 : vector<1x16xf32> to vector<16xf32>
      %swap3A_104 = vector.shape_cast %mul3A_99 : vector<16xf32> to vector<1x16xf32>
      tpu.vector_store %arg10[%swap3A_100, %swap3A_101], %swap3A_104 {strides = array<i32>} : memref<640x32xf32, #tpu.memory_space<vmem>>, vector<1x16xf32>,
      %mul3A_105 = arith.mulf %broadcast_in_dim3A_75, %get3A_98 : vector<16xf32>
      %swap3A_106 = arith.index_cast %add3A_72 : i32 to index
      %swap3A_107 = arith.constant 16 : index
      %swap3A_108 = tpu.vector_load %arg11[%swap3A_106, %swap3A_107] {strides = array<i32>} : memref<640x32xf32, #tpu.memory_space<vmem>>, vector<1x16xf32>,
      %swap3A_109 = vector.shape_cast %swap3A_108 : vector<1x16xf32> to vector<16xf32>
      %swap3A_110 = vector.shape_cast %mul3A_105 : vector<16xf32> to vector<1x16xf32>
      tpu.vector_store %arg11[%swap3A_106, %swap3A_107], %swap3A_110 {strides = array<i32>} : memref<640x32xf32, #tpu.memory_space<vmem>>, vector<1x16xf32>,
      %mul3A_111 = arith.constant 16 : i32
      %mul3A_112 = arith.muli %scan3A_63, %mul3A_111 : i32
      %add3A_113 = arith.constant 1 : i32
      %add3A_114 = arith.addi %mul3A_112, %add3A_113 : i32
      %slice3A_115 = vector.extract_strided_slice %get3A_68 {offsets = [1], sizes = [1], strides = [1]} : vector<16xf32> to vector<1xf32>
      %squeeze3A_116 = vector.extract %slice3A_115[0] : f32 from vector<1xf32>
      %broadcast_in_dim3A_117 = vector.broadcast %squeeze3A_116 : f32 to vector<16xf32>
      %get3A_118 = arith.constant 0 : i32
      %get3A_119 = arith.index_cast %get3A_118 : i32 to index
      %get3A_120 = arith.index_cast %add3A_114 : i32 to index
      %get3A_121 = arith.constant 0 : index
      %get3A_122 = tpu.vector_load %arg9[%get3A_119, %get3A_120, %get3A_121] {strides = array<i32>} : memref<2x640x32xf32, #tpu.memory_space<vmem>>, vector<1x1x16xf32>,
      %get3A_123 = vector.shape_cast %get3A_122 : vector<1x1x16xf32> to vector<16xf32>
      %mul3A_124 = arith.mulf %broadcast_in_dim3A, %get3A_123 : vector<16xf32>
      %swap3A_125 = arith.index_cast %add3A_114 : i32 to index
      %swap3A_126 = arith.constant 0 : index
      %swap3A_127 = tpu.vector_load %arg10[%swap3A_125, %swap3A_126] {strides = array<i32>} : memref<640x32xf32, #tpu.memory_space<vmem>>, vector<1x16xf32>,
      %swap3A_128 = vector.shape_cast %swap3A_127 : vector<1x16xf32> to vector<16xf32>
      %swap3A_129 = vector.shape_cast %mul3A_124 : vector<16xf32> to vector<1x16xf32>
      tpu.vector_store %arg10[%swap3A_125, %swap3A_126], %swap3A_129 {strides = array<i32>} : memref<640x32xf32, #tpu.memory_space<vmem>>, vector<1x16xf32>,
      %mul3A_130 = arith.mulf %broadcast_in_dim3A_117, %get3A_123 : vector<16xf32>
      %swap3A_131 = arith.index_cast %add3A_114 : i32 to index
      %swap3A_132 = arith.constant 0 : index
      %swap3A_133 = tpu.vector_load %arg11[%swap3A_131, %swap3A_132] {strides = array<i32>} : memref<640x32xf32, #tpu.memory_space<vmem>>, vector<1x16xf32>,
      %swap3A_134 = vector.shape_cast %swap3A_133 : vector<1x16xf32> to vector<16xf32>
      %swap3A_135 = vector.shape_cast %mul3A_130 : vector<16xf32> to vector<1x16xf32>
      tpu.vector_store %arg11[%swap3A_131, %swap3A_132], %swap3A_135 {strides = array<i32>} : memref<640x32xf32, #tpu.memory_space<vmem>>, vector<1x16xf32>,
      %get3A_136 = arith.constant 0 : i32
      %get3A_137 = arith.index_cast %get3A_136 : i32 to index
      %get3A_138 = arith.index_cast %add3A_114 : i32 to index
      %get3A_139 = arith.constant 16 : index
      %get3A_140 = tpu.vector_load %arg9[%get3A_137, %get3A_138, %get3A_139] {strides = array<i32>} : memref<2x640x32xf32, #tpu.memory_space<vmem>>, vector<1x1x16xf32>,
      %get3A_141 = vector.shape_cast %get3A_140 : vector<1x1x16xf32> to vector<16xf32>
      %mul3A_142 = arith.mulf %broadcast_in_dim3A, %get3A_141 : vector<16xf32>
      %swap3A_143 = arith.index_cast %add3A_114 : i32 to index
      %swap3A_144 = arith.constant 16 : index
      %swap3A_145 = tpu.vector_load %arg10[%swap3A_143, %swap3A_144] {strides = array<i32>} : memref<640x32xf32, #tpu.memory_space<vmem>>, vector<1x16xf32>,
      %swap3A_146 = vector.shape_cast %swap3A_145 : vector<1x16xf32> to vector<16xf32>
      %swap3A_147 = vector.shape_cast %mul3A_142 : vector<16xf32> to vector<1x16xf32>
      tpu.vector_store %arg10[%swap3A_143, %swap3A_144], %swap3A_147 {strides = array<i32>} : memref<640x32xf32, #tpu.memory_space<vmem>>, vector<1x16xf32>,
      %mul3A_148 = arith.mulf %broadcast_in_dim3A_117, %get3A_141 : vector<16xf32>
      %swap3A_149 = arith.index_cast %add3A_114 : i32 to index
      %swap3A_150 = arith.constant 16 : index
      %swap3A_151 = tpu.vector_load %arg11[%swap3A_149, %swap3A_150] {strides = array<i32>} : memref<640x32xf32, #tpu.memory_space<vmem>>, vector<1x16xf32>,
      %swap3A_152 = vector.shape_cast %swap3A_151 : vector<1x16xf32> to vector<16xf32>
      %swap3A_153 = vector.shape_cast %mul3A_148 : vector<16xf32> to vector<1x16xf32>
      tpu.vector_store %arg11[%swap3A_149, %swap3A_150], %swap3A_153 {strides = array<i32>} : memref<640x32xf32, #tpu.memory_space<vmem>>, vector<1x16xf32>,
      %mul3A_154 = arith.constant 16 : i32
      %mul3A_155 = arith.muli %scan3A_63, %mul3A_154 : i32
      %add3A_156 = arith.constant 2 : i32
      %add3A_157 = arith.addi %mul3A_155, %add3A_156 : i32
      %slice3A_158 = vector.extract_strided_slice %get3A_68 {offsets = [2], sizes = [1], strides = [1]} : vector<16xf32> to vector<1xf32>
      %squeeze3A_159 = vector.extract %slice3A_158[0] : f32 from vector<1xf32>
      %broadcast_in_dim3A_160 = vector.broadcast %squeeze3A_159 : f32 to vector<16xf32>
      %get3A_161 = arith.constant 0 : i32
      %get3A_162 = arith.index_cast %get3A_161 : i32 to index
      %get3A_163 = arith.index_cast %add3A_157 : i32 to index
      %get3A_164 = arith.constant 0 : index
      %get3A_165 = tpu.vector_load %arg9[%get3A_162, %get3A_163, %get3A_164] {strides = array<i32>} : memref<2x640x32xf32, #tpu.memory_space<vmem>>, vector<1x1x16xf32>,
      %get3A_166 = vector.shape_cast %get3A_165 : vector<1x1x16xf32> to vector<16xf32>
      %mul3A_167 = arith.mulf %broadcast_in_dim3A, %get3A_166 : vector<16xf32>
      %swap3A_168 = arith.index_cast %add3A_157 : i32 to index
      %swap3A_169 = arith.constant 0 : index
      %swap3A_170 = tpu.vector_load %arg10[%swap3A_168, %swap3A_169] {strides = array<i32>} : memref<640x32xf32, #tpu.memory_space<vmem>>, vector<1x16xf32>,
      %swap3A_171 = vector.shape_cast %swap3A_170 : vector<1x16xf32> to vector<16xf32>
      %swap3A_172 = vector.shape_cast %mul3A_167 : vector<16xf32> to vector<1x16xf32>
      tpu.vector_store %arg10[%swap3A_168, %swap3A_169], %swap3A_172 {strides = array<i32>} : memref<640x32xf32, #tpu.memory_space<vmem>>, vector<1x16xf32>,
      %mul3A_173 = arith.mulf %broadcast_in_dim3A_160, %get3A_166 : vector<16xf32>
      %swap3A_174 = arith.index_cast %add3A_157 : i32 to index
      %swap3A_175 = arith.constant 0 : index
      %swap3A_176 = tpu.vector_load %arg11[%swap3A_174, %swap3A_175] {strides = array<i32>} : memref<640x32xf32, #tpu.memory_space<vmem>>, vector<1x16xf32>,
      %swap3A_177 = vector.shape_cast %swap3A_176 : vector<1x16xf32> to vector<16xf32>
      %swap3A_178 = vector.shape_cast %mul3A_173 : vector<16xf32> to vector<1x16xf32>
      tpu.vector_store %arg11[%swap3A_174, %swap3A_175], %swap3A_178 {strides = array<i32>} : memref<640x32xf32, #tpu.memory_space<vmem>>, vector<1x16xf32>,
      %get3A_179 = arith.constant 0 : i32
      %get3A_180 = arith.index_cast %get3A_179 : i32 to index
      %get3A_181 = arith.index_cast %add3A_157 : i32 to index
      %get3A_182 = arith.constant 16 : index
      %get3A_183 = tpu.vector_load %arg9[%get3A_180, %get3A_181, %get3A_182] {strides = array<i32>} : memref<2x640x32xf32, #tpu.memory_space<vmem>>, vector<1x1x16xf32>,
      %get3A_184 = vector.shape_cast %get3A_183 : vector<1x1x16xf32> to vector<16xf32>
      %mul3A_185 = arith.mulf %broadcast_in_dim3A, %get3A_184 : vector<16xf32>
      %swap3A_186 = arith.index_cast %add3A_157 : i32 to index
      %swap3A_187 = arith.constant 16 : index
      %swap3A_188 = tpu.vector_load %arg10[%swap3A_186, %swap3A_187] {strides = array<i32>} : memref<640x32xf32, #tpu.memory_space<vmem>>, vector<1x16xf32>,
      %swap3A_189 = vector.shape_cast %swap3A_188 : vector<1x16xf32> to vector<16xf32>
      %swap3A_190 = vector.shape_cast %mul3A_185 : vector<16xf32> to vector<1x16xf32>
      tpu.vector_store %arg10[%swap3A_186, %swap3A_187], %swap3A_190 {strides = array<i32>} : memref<640x32xf32, #tpu.memory_space<vmem>>, vector<1x16xf32>,
      %mul3A_191 = arith.mulf %broadcast_in_dim3A_160, %get3A_184 : vector<16xf32>
      %swap3A_192 = arith.index_cast %add3A_157 : i32 to index
      %swap3A_193 = arith.constant 16 : index
      %swap3A_194 = tpu.vector_load %arg11[%swap3A_192, %swap3A_193] {strides = array<i32>} : memref<640x32xf32, #tpu.memory_space<vmem>>, vector<1x16xf32>,
      %swap3A_195 = vector.shape_cast %swap3A_194 : vector<1x16xf32> to vector<16xf32>
      %swap3A_196 = vector.shape_cast %mul3A_191 : vector<16xf32> to vector<1x16xf32>
      tpu.vector_store %arg11[%swap3A_192, %swap3A_193], %swap3A_196 {strides = array<i32>} : memref<640x32xf32, #tpu.memory_space<vmem>>, vector<1x16xf32>,
      %mul3A_197 = arith.constant 16 : i32
      %mul3A_198 = arith.muli %scan3A_63, %mul3A_197 : i32
      %add3A_199 = arith.constant 3 : i32
      %add3A_200 = arith.addi %mul3A_198, %add3A_199 : i32
      %slice3A_201 = vector.extract_strided_slice %get3A_68 {offsets = [3], sizes = [1], strides = [1]} : vector<16xf32> to vector<1xf32>
      %squeeze3A_202 = vector.extract %slice3A_201[0] : f32 from vector<1xf32>
      %broadcast_in_dim3A_203 = vector.broadcast %squeeze3A_202 : f32 to vector<16xf32>
      %get3A_204 = arith.constant 0 : i32
      %get3A_205 = arith.index_cast %get3A_204 : i32 to index
      %get3A_206 = arith.index_cast %add3A_200 : i32 to index
      %get3A_207 = arith.constant 0 : index
      %get3A_208 = tpu.vector_load %arg9[%get3A_205, %get3A_206, %get3A_207] {strides = array<i32>} : memref<2x640x32xf32, #tpu.memory_space<vmem>>, vector<1x1x16xf32>,
      %get3A_209 = vector.shape_cast %get3A_208 : vector<1x1x16xf32> to vector<16xf32>
      %mul3A_210 = arith.mulf %broadcast_in_dim3A, %get3A_209 : vector<16xf32>
      %swap3A_211 = arith.index_cast %add3A_200 : i32 to index
      %swap3A_212 = arith.constant 0 : index
      %swap3A_213 = tpu.vector_load %arg10[%swap3A_211, %swap3A_212] {strides = array<i32>} : memref<640x32xf32, #tpu.memory_space<vmem>>, vector<1x16xf32>,
      %swap3A_214 = vector.shape_cast %swap3A_213 : vector<1x16xf32> to vector<16xf32>
      %swap3A_215 = vector.shape_cast %mul3A_210 : vector<16xf32> to vector<1x16xf32>
      tpu.vector_store %arg10[%swap3A_211, %swap3A_212], %swap3A_215 {strides = array<i32>} : memref<640x32xf32, #tpu.memory_space<vmem>>, vector<1x16xf32>,
      %mul3A_216 = arith.mulf %broadcast_in_dim3A_203, %get3A_209 : vector<16xf32>
      %swap3A_217 = arith.index_cast %add3A_200 : i32 to index
      %swap3A_218 = arith.constant 0 : index
      %swap3A_219 = tpu.vector_load %arg11[%swap3A_217, %swap3A_218] {strides = array<i32>} : memref<640x32xf32, #tpu.memory_space<vmem>>, vector<1x16xf32>,
      %swap3A_220 = vector.shape_cast %swap3A_219 : vector<1x16xf32> to vector<16xf32>
      %swap3A_221 = vector.shape_cast %mul3A_216 : vector<16xf32> to vector<1x16xf32>
      tpu.vector_store %arg11[%swap3A_217, %swap3A_218], %swap3A_221 {strides = array<i32>} : memref<640x32xf32, #tpu.memory_space<vmem>>, vector<1x16xf32>,
      %get3A_222 = arith.constant 0 : i32
      %get3A_223 = arith.index_cast %get3A_222 : i32 to index
      %get3A_224 = arith.index_cast %add3A_200 : i32 to index
      %get3A_225 = arith.constant 16 : index
      %get3A_226 = tpu.vector_load %arg9[%get3A_223, %get3A_224, %get3A_225] {strides = array<i32>} : memref<2x640x32xf32, #tpu.memory_space<vmem>>, vector<1x1x16xf32>,
      %get3A_227 = vector.shape_cast %get3A_226 : vector<1x1x16xf32> to vector<16xf32>
      %mul3A_228 = arith.mulf %broadcast_in_dim3A, %get3A_227 : vector<16xf32>
      %swap3A_229 = arith.index_cast %add3A_200 : i32 to index
      %swap3A_230 = arith.constant 16 : index
      %swap3A_231 = tpu.vector_load %arg10[%swap3A_229, %swap3A_230] {strides = array<i32>} : memref<640x32xf32, #tpu.memory_space<vmem>>, vector<1x16xf32>,
      %swap3A_232 = vector.shape_cast %swap3A_231 : vector<1x16xf32> to vector<16xf32>
      %swap3A_233 = vector.shape_cast %mul3A_228 : vector<16xf32> to vector<1x16xf32>
      tpu.vector_store %arg10[%swap3A_229, %swap3A_230], %swap3A_233 {strides = array<i32>} : memref<640x32xf32, #tpu.memory_space<vmem>>, vector<1x16xf32>,
      %mul3A_234 = arith.mulf %broadcast_in_dim3A_203, %get3A_227 : vector<16xf32>
      %swap3A_235 = arith.index_cast %add3A_200 : i32 to index
      %swap3A_236 = arith.constant 16 : index
      %swap3A_237 = tpu.vector_load %arg11[%swap3A_235, %swap3A_236] {strides = array<i32>} : memref<640x32xf32, #tpu.memory_space<vmem>>, vector<1x16xf32>,
      %swap3A_238 = vector.shape_cast %swap3A_237 : vector<1x16xf32> to vector<16xf32>
      %swap3A_239 = vector.shape_cast %mul3A_234 : vector<16xf32> to vector<1x16xf32>
      tpu.vector_store %arg11[%swap3A_235, %swap3A_236], %swap3A_239 {strides = array<i32>} : memref<640x32xf32, #tpu.memory_space<vmem>>, vector<1x16xf32>,
      %mul3A_240 = arith.constant 16 : i32
      %mul3A_241 = arith.muli %scan3A_63, %mul3A_240 : i32
      %add3A_242 = arith.constant 4 : i32
      %add3A_243 = arith.addi %mul3A_241, %add3A_242 : i32
      %slice3A_244 = vector.extract_strided_slice %get3A_68 {offsets = [4], sizes = [1], strides = [1]} : vector<16xf32> to vector<1xf32>
      %squeeze3A_245 = vector.extract %slice3A_244[0] : f32 from vector<1xf32>
      %broadcast_in_dim3A_246 = vector.broadcast %squeeze3A_245 : f32 to vector<16xf32>
      %get3A_247 = arith.constant 0 : i32
      %get3A_248 = arith.index_cast %get3A_247 : i32 to index
      %get3A_249 = arith.index_cast %add3A_243 : i32 to index
      %get3A_250 = arith.constant 0 : index
      %get3A_251 = tpu.vector_load %arg9[%get3A_248, %get3A_249, %get3A_250] {strides = array<i32>} : memref<2x640x32xf32, #tpu.memory_space<vmem>>, vector<1x1x16xf32>,
      %get3A_252 = vector.shape_cast %get3A_251 : vector<1x1x16xf32> to vector<16xf32>
      %mul3A_253 = arith.mulf %broadcast_in_dim3A, %get3A_252 : vector<16xf32>
      %swap3A_254 = arith.index_cast %add3A_243 : i32 to index
      %swap3A_255 = arith.constant 0 : index
      %swap3A_256 = tpu.vector_load %arg10[%swap3A_254, %swap3A_255] {strides = array<i32>} : memref<640x32xf32, #tpu.memory_space<vmem>>, vector<1x16xf32>,
      %swap3A_257 = vector.shape_cast %swap3A_256 : vector<1x16xf32> to vector<16xf32>
      %swap3A_258 = vector.shape_cast %mul3A_253 : vector<16xf32> to vector<1x16xf32>
      tpu.vector_store %arg10[%swap3A_254, %swap3A_255], %swap3A_258 {strides = array<i32>} : memref<640x32xf32, #tpu.memory_space<vmem>>, vector<1x16xf32>,
      %mul3A_259 = arith.mulf %broadcast_in_dim3A_246, %get3A_252 : vector<16xf32>
      %swap3A_260 = arith.index_cast %add3A_243 : i32 to index
      %swap3A_261 = arith.constant 0 : index
      %swap3A_262 = tpu.vector_load %arg11[%swap3A_260, %swap3A_261] {strides = array<i32>} : memref<640x32xf32, #tpu.memory_space<vmem>>, vector<1x16xf32>,
      %swap3A_263 = vector.shape_cast %swap3A_262 : vector<1x16xf32> to vector<16xf32>
      %swap3A_264 = vector.shape_cast %mul3A_259 : vector<16xf32> to vector<1x16xf32>
      tpu.vector_store %arg11[%swap3A_260, %swap3A_261], %swap3A_264 {strides = array<i32>} : memref<640x32xf32, #tpu.memory_space<vmem>>, vector<1x16xf32>,
      %get3A_265 = arith.constant 0 : i32
      %get3A_266 = arith.index_cast %get3A_265 : i32 to index
      %get3A_267 = arith.index_cast %add3A_243 : i32 to index
      %get3A_268 = arith.constant 16 : index
      %get3A_269 = tpu.vector_load %arg9[%get3A_266, %get3A_267, %get3A_268] {strides = array<i32>} : memref<2x640x32xf32, #tpu.memory_space<vmem>>, vector<1x1x16xf32>,
      %get3A_270 = vector.shape_cast %get3A_269 : vector<1x1x16xf32> to vector<16xf32>
      %mul3A_271 = arith.mulf %broadcast_in_dim3A, %get3A_270 : vector<16xf32>
      %swap3A_272 = arith.index_cast %add3A_243 : i32 to index
      %swap3A_273 = arith.constant 16 : index
      %swap3A_274 = tpu.vector_load %arg10[%swap3A_272, %swap3A_273] {strides = array<i32>} : memref<640x32xf32, #tpu.memory_space<vmem>>, vector<1x16xf32>,
      %swap3A_275 = vector.shape_cast %swap3A_274 : vector<1x16xf32> to vector<16xf32>
      %swap3A_276 = vector.shape_cast %mul3A_271 : vector<16xf32> to vector<1x16xf32>
      tpu.vector_store %arg10[%swap3A_272, %swap3A_273], %swap3A_276 {strides = array<i32>} : memref<640x32xf32, #tpu.memory_space<vmem>>, vector<1x16xf32>,
      %mul3A_277 = arith.mulf %broadcast_in_dim3A_246, %get3A_270 : vector<16xf32>
      %swap3A_278 = arith.index_cast %add3A_243 : i32 to index
      %swap3A_279 = arith.constant 16 : index
      %swap3A_280 = tpu.vector_load %arg11[%swap3A_278, %swap3A_279] {strides = array<i32>} : memref<640x32xf32, #tpu.memory_space<vmem>>, vector<1x16xf32>,
      %swap3A_281 = vector.shape_cast %swap3A_280 : vector<1x16xf32> to vector<16xf32>
      %swap3A_282 = vector.shape_cast %mul3A_277 : vector<16xf32> to vector<1x16xf32>
      tpu.vector_store %arg11[%swap3A_278, %swap3A_279], %swap3A_282 {strides = array<i32>} : memref<640x32xf32, #tpu.memory_space<vmem>>, vector<1x16xf32>,
      %mul3A_283 = arith.constant 16 : i32
      %mul3A_284 = arith.muli %scan3A_63, %mul3A_283 : i32
      %add3A_285 = arith.constant 5 : i32
      %add3A_286 = arith.addi %mul3A_284, %add3A_285 : i32
      %slice3A_287 = vector.extract_strided_slice %get3A_68 {offsets = [5], sizes = [1], strides = [1]} : vector<16xf32> to vector<1xf32>
      %squeeze3A_288 = vector.extract %slice3A_287[0] : f32 from vector<1xf32>
      %broadcast_in_dim3A_289 = vector.broadcast %squeeze3A_288 : f32 to vector<16xf32>
      %get3A_290 = arith.constant 0 : i32
      %get3A_291 = arith.index_cast %get3A_290 : i32 to index
      %get3A_292 = arith.index_cast %add3A_286 : i32 to index
      %get3A_293 = arith.constant 0 : index
      %get3A_294 = tpu.vector_load %arg9[%get3A_291, %get3A_292, %get3A_293] {strides = array<i32>} : memref<2x640x32xf32, #tpu.memory_space<vmem>>, vector<1x1x16xf32>,
      %get3A_295 = vector.shape_cast %get3A_294 : vector<1x1x16xf32> to vector<16xf32>
      %mul3A_296 = arith.mulf %broadcast_in_dim3A, %get3A_295 : vector<16xf32>
      %swap3A_297 = arith.index_cast %add3A_286 : i32 to index
      %swap3A_298 = arith.constant 0 : index
      %swap3A_299 = tpu.vector_load %arg10[%swap3A_297, %swap3A_298] {strides = array<i32>} : memref<640x32xf32, #tpu.memory_space<vmem>>, vector<1x16xf32>,
      %swap3A_300 = vector.shape_cast %swap3A_299 : vector<1x16xf32> to vector<16xf32>
      %swap3A_301 = vector.shape_cast %mul3A_296 : vector<16xf32> to vector<1x16xf32>
      tpu.vector_store %arg10[%swap3A_297, %swap3A_298], %swap3A_301 {strides = array<i32>} : memref<640x32xf32, #tpu.memory_space<vmem>>, vector<1x16xf32>,
      %mul3A_302 = arith.mulf %broadcast_in_dim3A_289, %get3A_295 : vector<16xf32>
      %swap3A_303 = arith.index_cast %add3A_286 : i32 to index
      %swap3A_304 = arith.constant 0 : index
      %swap3A_305 = tpu.vector_load %arg11[%swap3A_303, %swap3A_304] {strides = array<i32>} : memref<640x32xf32, #tpu.memory_space<vmem>>, vector<1x16xf32>,
      %swap3A_306 = vector.shape_cast %swap3A_305 : vector<1x16xf32> to vector<16xf32>
      %swap3A_307 = vector.shape_cast %mul3A_302 : vector<16xf32> to vector<1x16xf32>
      tpu.vector_store %arg11[%swap3A_303, %swap3A_304], %swap3A_307 {strides = array<i32>} : memref<640x32xf32, #tpu.memory_space<vmem>>, vector<1x16xf32>,
      %get3A_308 = arith.constant 0 : i32
      %get3A_309 = arith.index_cast %get3A_308 : i32 to index
      %get3A_310 = arith.index_cast %add3A_286 : i32 to index
      %get3A_311 = arith.constant 16 : index
      %get3A_312 = tpu.vector_load %arg9[%get3A_309, %get3A_310, %get3A_311] {strides = array<i32>} : memref<2x640x32xf32, #tpu.memory_space<vmem>>, vector<1x1x16xf32>,
      %get3A_313 = vector.shape_cast %get3A_312 : vector<1x1x16xf32> to vector<16xf32>
      %mul3A_314 = arith.mulf %broadcast_in_dim3A, %get3A_313 : vector<16xf32>
      %swap3A_315 = arith.index_cast %add3A_286 : i32 to index
      %swap3A_316 = arith.constant 16 : index
      %swap3A_317 = tpu.vector_load %arg10[%swap3A_315, %swap3A_316] {strides = array<i32>} : memref<640x32xf32, #tpu.memory_space<vmem>>, vector<1x16xf32>,
      %swap3A_318 = vector.shape_cast %swap3A_317 : vector<1x16xf32> to vector<16xf32>
      %swap3A_319 = vector.shape_cast %mul3A_314 : vector<16xf32> to vector<1x16xf32>
      tpu.vector_store %arg10[%swap3A_315, %swap3A_316], %swap3A_319 {strides = array<i32>} : memref<640x32xf32, #tpu.memory_space<vmem>>, vector<1x16xf32>,
      %mul3A_320 = arith.mulf %broadcast_in_dim3A_289, %get3A_313 : vector<16xf32>
      %swap3A_321 = arith.index_cast %add3A_286 : i32 to index
      %swap3A_322 = arith.constant 16 : index
      %swap3A_323 = tpu.vector_load %arg11[%swap3A_321, %swap3A_322] {strides = array<i32>} : memref<640x32xf32, #tpu.memory_space<vmem>>, vector<1x16xf32>,
      %swap3A_324 = vector.shape_cast %swap3A_323 : vector<1x16xf32> to vector<16xf32>
      %swap3A_325 = vector.shape_cast %mul3A_320 : vector<16xf32> to vector<1x16xf32>
      tpu.vector_store %arg11[%swap3A_321, %swap3A_322], %swap3A_325 {strides = array<i32>} : memref<640x32xf32, #tpu.memory_space<vmem>>, vector<1x16xf32>,
      %mul3A_326 = arith.constant 16 : i32
      %mul3A_327 = arith.muli %scan3A_63, %mul3A_326 : i32
      %add3A_328 = arith.constant 6 : i32
      %add3A_329 = arith.addi %mul3A_327, %add3A_328 : i32
      %slice3A_330 = vector.extract_strided_slice %get3A_68 {offsets = [6], sizes = [1], strides = [1]} : vector<16xf32> to vector<1xf32>
      %squeeze3A_331 = vector.extract %slice3A_330[0] : f32 from vector<1xf32>
      %broadcast_in_dim3A_332 = vector.broadcast %squeeze3A_331 : f32 to vector<16xf32>
      %get3A_333 = arith.constant 0 : i32
      %get3A_334 = arith.index_cast %get3A_333 : i32 to index
      %get3A_335 = arith.index_cast %add3A_329 : i32 to index
      %get3A_336 = arith.constant 0 : index
      %get3A_337 = tpu.vector_load %arg9[%get3A_334, %get3A_335, %get3A_336] {strides = array<i32>} : memref<2x640x32xf32, #tpu.memory_space<vmem>>, vector<1x1x16xf32>,
      %get3A_338 = vector.shape_cast %get3A_337 : vector<1x1x16xf32> to vector<16xf32>
      %mul3A_339 = arith.mulf %broadcast_in_dim3A, %get3A_338 : vector<16xf32>
      %swap3A_340 = arith.index_cast %add3A_329 : i32 to index
      %swap3A_341 = arith.constant 0 : index
      %swap3A_342 = tpu.vector_load %arg10[%swap3A_340, %swap3A_341] {strides = array<i32>} : memref<640x32xf32, #tpu.memory_space<vmem>>, vector<1x16xf32>,
      %swap3A_343 = vector.shape_cast %swap3A_342 : vector<1x16xf32> to vector<16xf32>
      %swap3A_344 = vector.shape_cast %mul3A_339 : vector<16xf32> to vector<1x16xf32>
      tpu.vector_store %arg10[%swap3A_340, %swap3A_341], %swap3A_344 {strides = array<i32>} : memref<640x32xf32, #tpu.memory_space<vmem>>, vector<1x16xf32>,
      %mul3A_345 = arith.mulf %broadcast_in_dim3A_332, %get3A_338 : vector<16xf32>
      %swap3A_346 = arith.index_cast %add3A_329 : i32 to index
      %swap3A_347 = arith.constant 0 : index
      %swap3A_348 = tpu.vector_load %arg11[%swap3A_346, %swap3A_347] {strides = array<i32>} : memref<640x32xf32, #tpu.memory_space<vmem>>, vector<1x16xf32>,
      %swap3A_349 = vector.shape_cast %swap3A_348 : vector<1x16xf32> to vector<16xf32>
      %swap3A_350 = vector.shape_cast %mul3A_345 : vector<16xf32> to vector<1x16xf32>
      tpu.vector_store %arg11[%swap3A_346, %swap3A_347], %swap3A_350 {strides = array<i32>} : memref<640x32xf32, #tpu.memory_space<vmem>>, vector<1x16xf32>,
      %get3A_351 = arith.constant 0 : i32
      %get3A_352 = arith.index_cast %get3A_351 : i32 to index
      %get3A_353 = arith.index_cast %add3A_329 : i32 to index
      %get3A_354 = arith.constant 16 : index
      %get3A_355 = tpu.vector_load %arg9[%get3A_352, %get3A_353, %get3A_354] {strides = array<i32>} : memref<2x640x32xf32, #tpu.memory_space<vmem>>, vector<1x1x16xf32>,
      %get3A_356 = vector.shape_cast %get3A_355 : vector<1x1x16xf32> to vector<16xf32>
      %mul3A_357 = arith.mulf %broadcast_in_dim3A, %get3A_356 : vector<16xf32>
      %swap3A_358 = arith.index_cast %add3A_329 : i32 to index
      %swap3A_359 = arith.constant 16 : index
      %swap3A_360 = tpu.vector_load %arg10[%swap3A_358, %swap3A_359] {strides = array<i32>} : memref<640x32xf32, #tpu.memory_space<vmem>>, vector<1x16xf32>,
      %swap3A_361 = vector.shape_cast %swap3A_360 : vector<1x16xf32> to vector<16xf32>
      %swap3A_362 = vector.shape_cast %mul3A_357 : vector<16xf32> to vector<1x16xf32>
      tpu.vector_store %arg10[%swap3A_358, %swap3A_359], %swap3A_362 {strides = array<i32>} : memref<640x32xf32, #tpu.memory_space<vmem>>, vector<1x16xf32>,
      %mul3A_363 = arith.mulf %broadcast_in_dim3A_332, %get3A_356 : vector<16xf32>
      %swap3A_364 = arith.index_cast %add3A_329 : i32 to index
      %swap3A_365 = arith.constant 16 : index
      %swap3A_366 = tpu.vector_load %arg11[%swap3A_364, %swap3A_365] {strides = array<i32>} : memref<640x32xf32, #tpu.memory_space<vmem>>, vector<1x16xf32>,
      %swap3A_367 = vector.shape_cast %swap3A_366 : vector<1x16xf32> to vector<16xf32>
      %swap3A_368 = vector.shape_cast %mul3A_363 : vector<16xf32> to vector<1x16xf32>
      tpu.vector_store %arg11[%swap3A_364, %swap3A_365], %swap3A_368 {strides = array<i32>} : memref<640x32xf32, #tpu.memory_space<vmem>>, vector<1x16xf32>,
      %mul3A_369 = arith.constant 16 : i32
      %mul3A_370 = arith.muli %scan3A_63, %mul3A_369 : i32
      %add3A_371 = arith.constant 7 : i32
      %add3A_372 = arith.addi %mul3A_370, %add3A_371 : i32
      %slice3A_373 = vector.extract_strided_slice %get3A_68 {offsets = [7], sizes = [1], strides = [1]} : vector<16xf32> to vector<1xf32>
      %squeeze3A_374 = vector.extract %slice3A_373[0] : f32 from vector<1xf32>
      %broadcast_in_dim3A_375 = vector.broadcast %squeeze3A_374 : f32 to vector<16xf32>
      %get3A_376 = arith.constant 0 : i32
      %get3A_377 = arith.index_cast %get3A_376 : i32 to index
      %get3A_378 = arith.index_cast %add3A_372 : i32 to index
      %get3A_379 = arith.constant 0 : index
      %get3A_380 = tpu.vector_load %arg9[%get3A_377, %get3A_378, %get3A_379] {strides = array<i32>} : memref<2x640x32xf32, #tpu.memory_space<vmem>>, vector<1x1x16xf32>,
      %get3A_381 = vector.shape_cast %get3A_380 : vector<1x1x16xf32> to vector<16xf32>
      %mul3A_382 = arith.mulf %broadcast_in_dim3A, %get3A_381 : vector<16xf32>
      %swap3A_383 = arith.index_cast %add3A_372 : i32 to index
      %swap3A_384 = arith.constant 0 : index
      %swap3A_385 = tpu.vector_load %arg10[%swap3A_383, %swap3A_384] {strides = array<i32>} : memref<640x32xf32, #tpu.memory_space<vmem>>, vector<1x16xf32>,
      %swap3A_386 = vector.shape_cast %swap3A_385 : vector<1x16xf32> to vector<16xf32>
      %swap3A_387 = vector.shape_cast %mul3A_382 : vector<16xf32> to vector<1x16xf32>
      tpu.vector_store %arg10[%swap3A_383, %swap3A_384], %swap3A_387 {strides = array<i32>} : memref<640x32xf32, #tpu.memory_space<vmem>>, vector<1x16xf32>,
      %mul3A_388 = arith.mulf %broadcast_in_dim3A_375, %get3A_381 : vector<16xf32>
      %swap3A_389 = arith.index_cast %add3A_372 : i32 to index
      %swap3A_390 = arith.constant 0 : index
      %swap3A_391 = tpu.vector_load %arg11[%swap3A_389, %swap3A_390] {strides = array<i32>} : memref<640x32xf32, #tpu.memory_space<vmem>>, vector<1x16xf32>,
      %swap3A_392 = vector.shape_cast %swap3A_391 : vector<1x16xf32> to vector<16xf32>
      %swap3A_393 = vector.shape_cast %mul3A_388 : vector<16xf32> to vector<1x16xf32>
      tpu.vector_store %arg11[%swap3A_389, %swap3A_390], %swap3A_393 {strides = array<i32>} : memref<640x32xf32, #tpu.memory_space<vmem>>, vector<1x16xf32>,
      %get3A_394 = arith.constant 0 : i32
      %get3A_395 = arith.index_cast %get3A_394 : i32 to index
      %get3A_396 = arith.index_cast %add3A_372 : i32 to index
      %get3A_397 = arith.constant 16 : index
      %get3A_398 = tpu.vector_load %arg9[%get3A_395, %get3A_396, %get3A_397] {strides = array<i32>} : memref<2x640x32xf32, #tpu.memory_space<vmem>>, vector<1x1x16xf32>,
      %get3A_399 = vector.shape_cast %get3A_398 : vector<1x1x16xf32> to vector<16xf32>
      %mul3A_400 = arith.mulf %broadcast_in_dim3A, %get3A_399 : vector<16xf32>
      %swap3A_401 = arith.index_cast %add3A_372 : i32 to index
      %swap3A_402 = arith.constant 16 : index
      %swap3A_403 = tpu.vector_load %arg10[%swap3A_401, %swap3A_402] {strides = array<i32>} : memref<640x32xf32, #tpu.memory_space<vmem>>, vector<1x16xf32>,
      %swap3A_404 = vector.shape_cast %swap3A_403 : vector<1x16xf32> to vector<16xf32>
      %swap3A_405 = vector.shape_cast %mul3A_400 : vector<16xf32> to vector<1x16xf32>
      tpu.vector_store %arg10[%swap3A_401, %swap3A_402], %swap3A_405 {strides = array<i32>} : memref<640x32xf32, #tpu.memory_space<vmem>>, vector<1x16xf32>,
      %mul3A_406 = arith.mulf %broadcast_in_dim3A_375, %get3A_399 : vector<16xf32>
      %swap3A_407 = arith.index_cast %add3A_372 : i32 to index
      %swap3A_408 = arith.constant 16 : index
      %swap3A_409 = tpu.vector_load %arg11[%swap3A_407, %swap3A_408] {strides = array<i32>} : memref<640x32xf32, #tpu.memory_space<vmem>>, vector<1x16xf32>,
      %swap3A_410 = vector.shape_cast %swap3A_409 : vector<1x16xf32> to vector<16xf32>
      %swap3A_411 = vector.shape_cast %mul3A_406 : vector<16xf32> to vector<1x16xf32>
      tpu.vector_store %arg11[%swap3A_407, %swap3A_408], %swap3A_411 {strides = array<i32>} : memref<640x32xf32, #tpu.memory_space<vmem>>, vector<1x16xf32>,
      %mul3A_412 = arith.constant 16 : i32
      %mul3A_413 = arith.muli %scan3A_63, %mul3A_412 : i32
      %add3A_414 = arith.constant 8 : i32
      %add3A_415 = arith.addi %mul3A_413, %add3A_414 : i32
      %slice3A_416 = vector.extract_strided_slice %get3A_68 {offsets = [8], sizes = [1], strides = [1]} : vector<16xf32> to vector<1xf32>
      %squeeze3A_417 = vector.extract %slice3A_416[0] : f32 from vector<1xf32>
      %broadcast_in_dim3A_418 = vector.broadcast %squeeze3A_417 : f32 to vector<16xf32>
      %get3A_419 = arith.constant 0 : i32
      %get3A_420 = arith.index_cast %get3A_419 : i32 to index
      %get3A_421 = arith.index_cast %add3A_415 : i32 to index
      %get3A_422 = arith.constant 0 : index
      %get3A_423 = tpu.vector_load %arg9[%get3A_420, %get3A_421, %get3A_422] {strides = array<i32>} : memref<2x640x32xf32, #tpu.memory_space<vmem>>, vector<1x1x16xf32>,
      %get3A_424 = vector.shape_cast %get3A_423 : vector<1x1x16xf32> to vector<16xf32>
      %mul3A_425 = arith.mulf %broadcast_in_dim3A, %get3A_424 : vector<16xf32>
      %swap3A_426 = arith.index_cast %add3A_415 : i32 to index
      %swap3A_427 = arith.constant 0 : index
      %swap3A_428 = tpu.vector_load %arg10[%swap3A_426, %swap3A_427] {strides = array<i32>} : memref<640x32xf32, #tpu.memory_space<vmem>>, vector<1x16xf32>,
      %swap3A_429 = vector.shape_cast %swap3A_428 : vector<1x16xf32> to vector<16xf32>
      %swap3A_430 = vector.shape_cast %mul3A_425 : vector<16xf32> to vector<1x16xf32>
      tpu.vector_store %arg10[%swap3A_426, %swap3A_427], %swap3A_430 {strides = array<i32>} : memref<640x32xf32, #tpu.memory_space<vmem>>, vector<1x16xf32>,
      %mul3A_431 = arith.mulf %broadcast_in_dim3A_418, %get3A_424 : vector<16xf32>
      %swap3A_432 = arith.index_cast %add3A_415 : i32 to index
      %swap3A_433 = arith.constant 0 : index
      %swap3A_434 = tpu.vector_load %arg11[%swap3A_432, %swap3A_433] {strides = array<i32>} : memref<640x32xf32, #tpu.memory_space<vmem>>, vector<1x16xf32>,
      %swap3A_435 = vector.shape_cast %swap3A_434 : vector<1x16xf32> to vector<16xf32>
      %swap3A_436 = vector.shape_cast %mul3A_431 : vector<16xf32> to vector<1x16xf32>
      tpu.vector_store %arg11[%swap3A_432, %swap3A_433], %swap3A_436 {strides = array<i32>} : memref<640x32xf32, #tpu.memory_space<vmem>>, vector<1x16xf32>,
      %get3A_437 = arith.constant 0 : i32
      %get3A_438 = arith.index_cast %get3A_437 : i32 to index
      %get3A_439 = arith.index_cast %add3A_415 : i32 to index
      %get3A_440 = arith.constant 16 : index
      %get3A_441 = tpu.vector_load %arg9[%get3A_438, %get3A_439, %get3A_440] {strides = array<i32>} : memref<2x640x32xf32, #tpu.memory_space<vmem>>, vector<1x1x16xf32>,
      %get3A_442 = vector.shape_cast %get3A_441 : vector<1x1x16xf32> to vector<16xf32>
      %mul3A_443 = arith.mulf %broadcast_in_dim3A, %get3A_442 : vector<16xf32>
      %swap3A_444 = arith.index_cast %add3A_415 : i32 to index
      %swap3A_445 = arith.constant 16 : index
      %swap3A_446 = tpu.vector_load %arg10[%swap3A_444, %swap3A_445] {strides = array<i32>} : memref<640x32xf32, #tpu.memory_space<vmem>>, vector<1x16xf32>,
      %swap3A_447 = vector.shape_cast %swap3A_446 : vector<1x16xf32> to vector<16xf32>
      %swap3A_448 = vector.shape_cast %mul3A_443 : vector<16xf32> to vector<1x16xf32>
      tpu.vector_store %arg10[%swap3A_444, %swap3A_445], %swap3A_448 {strides = array<i32>} : memref<640x32xf32, #tpu.memory_space<vmem>>, vector<1x16xf32>,
      %mul3A_449 = arith.mulf %broadcast_in_dim3A_418, %get3A_442 : vector<16xf32>
      %swap3A_450 = arith.index_cast %add3A_415 : i32 to index
      %swap3A_451 = arith.constant 16 : index
      %swap3A_452 = tpu.vector_load %arg11[%swap3A_450, %swap3A_451] {strides = array<i32>} : memref<640x32xf32, #tpu.memory_space<vmem>>, vector<1x16xf32>,
      %swap3A_453 = vector.shape_cast %swap3A_452 : vector<1x16xf32> to vector<16xf32>
      %swap3A_454 = vector.shape_cast %mul3A_449 : vector<16xf32> to vector<1x16xf32>
      tpu.vector_store %arg11[%swap3A_450, %swap3A_451], %swap3A_454 {strides = array<i32>} : memref<640x32xf32, #tpu.memory_space<vmem>>, vector<1x16xf32>,
      %mul3A_455 = arith.constant 16 : i32
      %mul3A_456 = arith.muli %scan3A_63, %mul3A_455 : i32
      %add3A_457 = arith.constant 9 : i32
      %add3A_458 = arith.addi %mul3A_456, %add3A_457 : i32
      %slice3A_459 = vector.extract_strided_slice %get3A_68 {offsets = [9], sizes = [1], strides = [1]} : vector<16xf32> to vector<1xf32>
      %squeeze3A_460 = vector.extract %slice3A_459[0] : f32 from vector<1xf32>
      %broadcast_in_dim3A_461 = vector.broadcast %squeeze3A_460 : f32 to vector<16xf32>
      %get3A_462 = arith.constant 0 : i32
      %get3A_463 = arith.index_cast %get3A_462 : i32 to index
      %get3A_464 = arith.index_cast %add3A_458 : i32 to index
      %get3A_465 = arith.constant 0 : index
      %get3A_466 = tpu.vector_load %arg9[%get3A_463, %get3A_464, %get3A_465] {strides = array<i32>} : memref<2x640x32xf32, #tpu.memory_space<vmem>>, vector<1x1x16xf32>,
      %get3A_467 = vector.shape_cast %get3A_466 : vector<1x1x16xf32> to vector<16xf32>
      %mul3A_468 = arith.mulf %broadcast_in_dim3A, %get3A_467 : vector<16xf32>
      %swap3A_469 = arith.index_cast %add3A_458 : i32 to index
      %swap3A_470 = arith.constant 0 : index
      %swap3A_471 = tpu.vector_load %arg10[%swap3A_469, %swap3A_470] {strides = array<i32>} : memref<640x32xf32, #tpu.memory_space<vmem>>, vector<1x16xf32>,
      %swap3A_472 = vector.shape_cast %swap3A_471 : vector<1x16xf32> to vector<16xf32>
      %swap3A_473 = vector.shape_cast %mul3A_468 : vector<16xf32> to vector<1x16xf32>
      tpu.vector_store %arg10[%swap3A_469, %swap3A_470], %swap3A_473 {strides = array<i32>} : memref<640x32xf32, #tpu.memory_space<vmem>>, vector<1x16xf32>,
      %mul3A_474 = arith.mulf %broadcast_in_dim3A_461, %get3A_467 : vector<16xf32>
      %swap3A_475 = arith.index_cast %add3A_458 : i32 to index
      %swap3A_476 = arith.constant 0 : index
      %swap3A_477 = tpu.vector_load %arg11[%swap3A_475, %swap3A_476] {strides = array<i32>} : memref<640x32xf32, #tpu.memory_space<vmem>>, vector<1x16xf32>,
      %swap3A_478 = vector.shape_cast %swap3A_477 : vector<1x16xf32> to vector<16xf32>
      %swap3A_479 = vector.shape_cast %mul3A_474 : vector<16xf32> to vector<1x16xf32>
      tpu.vector_store %arg11[%swap3A_475, %swap3A_476], %swap3A_479 {strides = array<i32>} : memref<640x32xf32, #tpu.memory_space<vmem>>, vector<1x16xf32>,
      %get3A_480 = arith.constant 0 : i32
      %get3A_481 = arith.index_cast %get3A_480 : i32 to index
      %get3A_482 = arith.index_cast %add3A_458 : i32 to index
      %get3A_483 = arith.constant 16 : index
      %get3A_484 = tpu.vector_load %arg9[%get3A_481, %get3A_482, %get3A_483] {strides = array<i32>} : memref<2x640x32xf32, #tpu.memory_space<vmem>>, vector<1x1x16xf32>,
      %get3A_485 = vector.shape_cast %get3A_484 : vector<1x1x16xf32> to vector<16xf32>
      %mul3A_486 = arith.mulf %broadcast_in_dim3A, %get3A_485 : vector<16xf32>
      %swap3A_487 = arith.index_cast %add3A_458 : i32 to index
      %swap3A_488 = arith.constant 16 : index
      %swap3A_489 = tpu.vector_load %arg10[%swap3A_487, %swap3A_488] {strides = array<i32>} : memref<640x32xf32, #tpu.memory_space<vmem>>, vector<1x16xf32>,
      %swap3A_490 = vector.shape_cast %swap3A_489 : vector<1x16xf32> to vector<16xf32>
      %swap3A_491 = vector.shape_cast %mul3A_486 : vector<16xf32> to vector<1x16xf32>
      tpu.vector_store %arg10[%swap3A_487, %swap3A_488], %swap3A_491 {strides = array<i32>} : memref<640x32xf32, #tpu.memory_space<vmem>>, vector<1x16xf32>,
      %mul3A_492 = arith.mulf %broadcast_in_dim3A_461, %get3A_485 : vector<16xf32>
      %swap3A_493 = arith.index_cast %add3A_458 : i32 to index
      %swap3A_494 = arith.constant 16 : index
      %swap3A_495 = tpu.vector_load %arg11[%swap3A_493, %swap3A_494] {strides = array<i32>} : memref<640x32xf32, #tpu.memory_space<vmem>>, vector<1x16xf32>,
      %swap3A_496 = vector.shape_cast %swap3A_495 : vector<1x16xf32> to vector<16xf32>
      %swap3A_497 = vector.shape_cast %mul3A_492 : vector<16xf32> to vector<1x16xf32>
      tpu.vector_store %arg11[%swap3A_493, %swap3A_494], %swap3A_497 {strides = array<i32>} : memref<640x32xf32, #tpu.memory_space<vmem>>, vector<1x16xf32>,
      %mul3A_498 = arith.constant 16 : i32
      %mul3A_499 = arith.muli %scan3A_63, %mul3A_498 : i32
      %add3A_500 = arith.constant 10 : i32
      %add3A_501 = arith.addi %mul3A_499, %add3A_500 : i32
      %slice3A_502 = vector.extract_strided_slice %get3A_68 {offsets = [10], sizes = [1], strides = [1]} : vector<16xf32> to vector<1xf32>
      %squeeze3A_503 = vector.extract %slice3A_502[0] : f32 from vector<1xf32>
      %broadcast_in_dim3A_504 = vector.broadcast %squeeze3A_503 : f32 to vector<16xf32>
      %get3A_505 = arith.constant 0 : i32
      %get3A_506 = arith.index_cast %get3A_505 : i32 to index
      %get3A_507 = arith.index_cast %add3A_501 : i32 to index
      %get3A_508 = arith.constant 0 : index
      %get3A_509 = tpu.vector_load %arg9[%get3A_506, %get3A_507, %get3A_508] {strides = array<i32>} : memref<2x640x32xf32, #tpu.memory_space<vmem>>, vector<1x1x16xf32>,
      %get3A_510 = vector.shape_cast %get3A_509 : vector<1x1x16xf32> to vector<16xf32>
      %mul3A_511 = arith.mulf %broadcast_in_dim3A, %get3A_510 : vector<16xf32>
      %swap3A_512 = arith.index_cast %add3A_501 : i32 to index
      %swap3A_513 = arith.constant 0 : index
      %swap3A_514 = tpu.vector_load %arg10[%swap3A_512, %swap3A_513] {strides = array<i32>} : memref<640x32xf32, #tpu.memory_space<vmem>>, vector<1x16xf32>,
      %swap3A_515 = vector.shape_cast %swap3A_514 : vector<1x16xf32> to vector<16xf32>
      %swap3A_516 = vector.shape_cast %mul3A_511 : vector<16xf32> to vector<1x16xf32>
      tpu.vector_store %arg10[%swap3A_512, %swap3A_513], %swap3A_516 {strides = array<i32>} : memref<640x32xf32, #tpu.memory_space<vmem>>, vector<1x16xf32>,
      %mul3A_517 = arith.mulf %broadcast_in_dim3A_504, %get3A_510 : vector<16xf32>
      %swap3A_518 = arith.index_cast %add3A_501 : i32 to index
      %swap3A_519 = arith.constant 0 : index
      %swap3A_520 = tpu.vector_load %arg11[%swap3A_518, %swap3A_519] {strides = array<i32>} : memref<640x32xf32, #tpu.memory_space<vmem>>, vector<1x16xf32>,
      %swap3A_521 = vector.shape_cast %swap3A_520 : vector<1x16xf32> to vector<16xf32>
      %swap3A_522 = vector.shape_cast %mul3A_517 : vector<16xf32> to vector<1x16xf32>
      tpu.vector_store %arg11[%swap3A_518, %swap3A_519], %swap3A_522 {strides = array<i32>} : memref<640x32xf32, #tpu.memory_space<vmem>>, vector<1x16xf32>,
      %get3A_523 = arith.constant 0 : i32
      %get3A_524 = arith.index_cast %get3A_523 : i32 to index
      %get3A_525 = arith.index_cast %add3A_501 : i32 to index
      %get3A_526 = arith.constant 16 : index
      %get3A_527 = tpu.vector_load %arg9[%get3A_524, %get3A_525, %get3A_526] {strides = array<i32>} : memref<2x640x32xf32, #tpu.memory_space<vmem>>, vector<1x1x16xf32>,
      %get3A_528 = vector.shape_cast %get3A_527 : vector<1x1x16xf32> to vector<16xf32>
      %mul3A_529 = arith.mulf %broadcast_in_dim3A, %get3A_528 : vector<16xf32>
      %swap3A_530 = arith.index_cast %add3A_501 : i32 to index
      %swap3A_531 = arith.constant 16 : index
      %swap3A_532 = tpu.vector_load %arg10[%swap3A_530, %swap3A_531] {strides = array<i32>} : memref<640x32xf32, #tpu.memory_space<vmem>>, vector<1x16xf32>,
      %swap3A_533 = vector.shape_cast %swap3A_532 : vector<1x16xf32> to vector<16xf32>
      %swap3A_534 = vector.shape_cast %mul3A_529 : vector<16xf32> to vector<1x16xf32>
      tpu.vector_store %arg10[%swap3A_530, %swap3A_531], %swap3A_534 {strides = array<i32>} : memref<640x32xf32, #tpu.memory_space<vmem>>, vector<1x16xf32>,
      %mul3A_535 = arith.mulf %broadcast_in_dim3A_504, %get3A_528 : vector<16xf32>
      %swap3A_536 = arith.index_cast %add3A_501 : i32 to index
      %swap3A_537 = arith.constant 16 : index
      %swap3A_538 = tpu.vector_load %arg11[%swap3A_536, %swap3A_537] {strides = array<i32>} : memref<640x32xf32, #tpu.memory_space<vmem>>, vector<1x16xf32>,
      %swap3A_539 = vector.shape_cast %swap3A_538 : vector<1x16xf32> to vector<16xf32>
      %swap3A_540 = vector.shape_cast %mul3A_535 : vector<16xf32> to vector<1x16xf32>
      tpu.vector_store %arg11[%swap3A_536, %swap3A_537], %swap3A_540 {strides = array<i32>} : memref<640x32xf32, #tpu.memory_space<vmem>>, vector<1x16xf32>,
      %mul3A_541 = arith.constant 16 : i32
      %mul3A_542 = arith.muli %scan3A_63, %mul3A_541 : i32
      %add3A_543 = arith.constant 11 : i32
      %add3A_544 = arith.addi %mul3A_542, %add3A_543 : i32
      %slice3A_545 = vector.extract_strided_slice %get3A_68 {offsets = [11], sizes = [1], strides = [1]} : vector<16xf32> to vector<1xf32>
      %squeeze3A_546 = vector.extract %slice3A_545[0] : f32 from vector<1xf32>
      %broadcast_in_dim3A_547 = vector.broadcast %squeeze3A_546 : f32 to vector<16xf32>
      %get3A_548 = arith.constant 0 : i32
      %get3A_549 = arith.index_cast %get3A_548 : i32 to index
      %get3A_550 = arith.index_cast %add3A_544 : i32 to index
      %get3A_551 = arith.constant 0 : index
      %get3A_552 = tpu.vector_load %arg9[%get3A_549, %get3A_550, %get3A_551] {strides = array<i32>} : memref<2x640x32xf32, #tpu.memory_space<vmem>>, vector<1x1x16xf32>,
      %get3A_553 = vector.shape_cast %get3A_552 : vector<1x1x16xf32> to vector<16xf32>
      %mul3A_554 = arith.mulf %broadcast_in_dim3A, %get3A_553 : vector<16xf32>
      %swap3A_555 = arith.index_cast %add3A_544 : i32 to index
      %swap3A_556 = arith.constant 0 : index
      %swap3A_557 = tpu.vector_load %arg10[%swap3A_555, %swap3A_556] {strides = array<i32>} : memref<640x32xf32, #tpu.memory_space<vmem>>, vector<1x16xf32>,
      %swap3A_558 = vector.shape_cast %swap3A_557 : vector<1x16xf32> to vector<16xf32>
      %swap3A_559 = vector.shape_cast %mul3A_554 : vector<16xf32> to vector<1x16xf32>
      tpu.vector_store %arg10[%swap3A_555, %swap3A_556], %swap3A_559 {strides = array<i32>} : memref<640x32xf32, #tpu.memory_space<vmem>>, vector<1x16xf32>,
      %mul3A_560 = arith.mulf %broadcast_in_dim3A_547, %get3A_553 : vector<16xf32>
      %swap3A_561 = arith.index_cast %add3A_544 : i32 to index
      %swap3A_562 = arith.constant 0 : index
      %swap3A_563 = tpu.vector_load %arg11[%swap3A_561, %swap3A_562] {strides = array<i32>} : memref<640x32xf32, #tpu.memory_space<vmem>>, vector<1x16xf32>,
      %swap3A_564 = vector.shape_cast %swap3A_563 : vector<1x16xf32> to vector<16xf32>
      %swap3A_565 = vector.shape_cast %mul3A_560 : vector<16xf32> to vector<1x16xf32>
      tpu.vector_store %arg11[%swap3A_561, %swap3A_562], %swap3A_565 {strides = array<i32>} : memref<640x32xf32, #tpu.memory_space<vmem>>, vector<1x16xf32>,
      %get3A_566 = arith.constant 0 : i32
      %get3A_567 = arith.index_cast %get3A_566 : i32 to index
      %get3A_568 = arith.index_cast %add3A_544 : i32 to index
      %get3A_569 = arith.constant 16 : index
      %get3A_570 = tpu.vector_load %arg9[%get3A_567, %get3A_568, %get3A_569] {strides = array<i32>} : memref<2x640x32xf32, #tpu.memory_space<vmem>>, vector<1x1x16xf32>,
      %get3A_571 = vector.shape_cast %get3A_570 : vector<1x1x16xf32> to vector<16xf32>
      %mul3A_572 = arith.mulf %broadcast_in_dim3A, %get3A_571 : vector<16xf32>
      %swap3A_573 = arith.index_cast %add3A_544 : i32 to index
      %swap3A_574 = arith.constant 16 : index
      %swap3A_575 = tpu.vector_load %arg10[%swap3A_573, %swap3A_574] {strides = array<i32>} : memref<640x32xf32, #tpu.memory_space<vmem>>, vector<1x16xf32>,
      %swap3A_576 = vector.shape_cast %swap3A_575 : vector<1x16xf32> to vector<16xf32>
      %swap3A_577 = vector.shape_cast %mul3A_572 : vector<16xf32> to vector<1x16xf32>
      tpu.vector_store %arg10[%swap3A_573, %swap3A_574], %swap3A_577 {strides = array<i32>} : memref<640x32xf32, #tpu.memory_space<vmem>>, vector<1x16xf32>,
      %mul3A_578 = arith.mulf %broadcast_in_dim3A_547, %get3A_571 : vector<16xf32>
      %swap3A_579 = arith.index_cast %add3A_544 : i32 to index
      %swap3A_580 = arith.constant 16 : index
      %swap3A_581 = tpu.vector_load %arg11[%swap3A_579, %swap3A_580] {strides = array<i32>} : memref<640x32xf32, #tpu.memory_space<vmem>>, vector<1x16xf32>,
      %swap3A_582 = vector.shape_cast %swap3A_581 : vector<1x16xf32> to vector<16xf32>
      %swap3A_583 = vector.shape_cast %mul3A_578 : vector<16xf32> to vector<1x16xf32>
      tpu.vector_store %arg11[%swap3A_579, %swap3A_580], %swap3A_583 {strides = array<i32>} : memref<640x32xf32, #tpu.memory_space<vmem>>, vector<1x16xf32>,
      %mul3A_584 = arith.constant 16 : i32
      %mul3A_585 = arith.muli %scan3A_63, %mul3A_584 : i32
      %add3A_586 = arith.constant 12 : i32
      %add3A_587 = arith.addi %mul3A_585, %add3A_586 : i32
      %slice3A_588 = vector.extract_strided_slice %get3A_68 {offsets = [12], sizes = [1], strides = [1]} : vector<16xf32> to vector<1xf32>
      %squeeze3A_589 = vector.extract %slice3A_588[0] : f32 from vector<1xf32>
      %broadcast_in_dim3A_590 = vector.broadcast %squeeze3A_589 : f32 to vector<16xf32>
      %get3A_591 = arith.constant 0 : i32
      %get3A_592 = arith.index_cast %get3A_591 : i32 to index
      %get3A_593 = arith.index_cast %add3A_587 : i32 to index
      %get3A_594 = arith.constant 0 : index
      %get3A_595 = tpu.vector_load %arg9[%get3A_592, %get3A_593, %get3A_594] {strides = array<i32>} : memref<2x640x32xf32, #tpu.memory_space<vmem>>, vector<1x1x16xf32>,
      %get3A_596 = vector.shape_cast %get3A_595 : vector<1x1x16xf32> to vector<16xf32>
      %mul3A_597 = arith.mulf %broadcast_in_dim3A, %get3A_596 : vector<16xf32>
      %swap3A_598 = arith.index_cast %add3A_587 : i32 to index
      %swap3A_599 = arith.constant 0 : index
      %swap3A_600 = tpu.vector_load %arg10[%swap3A_598, %swap3A_599] {strides = array<i32>} : memref<640x32xf32, #tpu.memory_space<vmem>>, vector<1x16xf32>,
      %swap3A_601 = vector.shape_cast %swap3A_600 : vector<1x16xf32> to vector<16xf32>
      %swap3A_602 = vector.shape_cast %mul3A_597 : vector<16xf32> to vector<1x16xf32>
      tpu.vector_store %arg10[%swap3A_598, %swap3A_599], %swap3A_602 {strides = array<i32>} : memref<640x32xf32, #tpu.memory_space<vmem>>, vector<1x16xf32>,
      %mul3A_603 = arith.mulf %broadcast_in_dim3A_590, %get3A_596 : vector<16xf32>
      %swap3A_604 = arith.index_cast %add3A_587 : i32 to index
      %swap3A_605 = arith.constant 0 : index
      %swap3A_606 = tpu.vector_load %arg11[%swap3A_604, %swap3A_605] {strides = array<i32>} : memref<640x32xf32, #tpu.memory_space<vmem>>, vector<1x16xf32>,
      %swap3A_607 = vector.shape_cast %swap3A_606 : vector<1x16xf32> to vector<16xf32>
      %swap3A_608 = vector.shape_cast %mul3A_603 : vector<16xf32> to vector<1x16xf32>
      tpu.vector_store %arg11[%swap3A_604, %swap3A_605], %swap3A_608 {strides = array<i32>} : memref<640x32xf32, #tpu.memory_space<vmem>>, vector<1x16xf32>,
      %get3A_609 = arith.constant 0 : i32
      %get3A_610 = arith.index_cast %get3A_609 : i32 to index
      %get3A_611 = arith.index_cast %add3A_587 : i32 to index
      %get3A_612 = arith.constant 16 : index
      %get3A_613 = tpu.vector_load %arg9[%get3A_610, %get3A_611, %get3A_612] {strides = array<i32>} : memref<2x640x32xf32, #tpu.memory_space<vmem>>, vector<1x1x16xf32>,
      %get3A_614 = vector.shape_cast %get3A_613 : vector<1x1x16xf32> to vector<16xf32>
      %mul3A_615 = arith.mulf %broadcast_in_dim3A, %get3A_614 : vector<16xf32>
      %swap3A_616 = arith.index_cast %add3A_587 : i32 to index
      %swap3A_617 = arith.constant 16 : index
      %swap3A_618 = tpu.vector_load %arg10[%swap3A_616, %swap3A_617] {strides = array<i32>} : memref<640x32xf32, #tpu.memory_space<vmem>>, vector<1x16xf32>,
      %swap3A_619 = vector.shape_cast %swap3A_618 : vector<1x16xf32> to vector<16xf32>
      %swap3A_620 = vector.shape_cast %mul3A_615 : vector<16xf32> to vector<1x16xf32>
      tpu.vector_store %arg10[%swap3A_616, %swap3A_617], %swap3A_620 {strides = array<i32>} : memref<640x32xf32, #tpu.memory_space<vmem>>, vector<1x16xf32>,
      %mul3A_621 = arith.mulf %broadcast_in_dim3A_590, %get3A_614 : vector<16xf32>
      %swap3A_622 = arith.index_cast %add3A_587 : i32 to index
      %swap3A_623 = arith.constant 16 : index
      %swap3A_624 = tpu.vector_load %arg11[%swap3A_622, %swap3A_623] {strides = array<i32>} : memref<640x32xf32, #tpu.memory_space<vmem>>, vector<1x16xf32>,
      %swap3A_625 = vector.shape_cast %swap3A_624 : vector<1x16xf32> to vector<16xf32>
      %swap3A_626 = vector.shape_cast %mul3A_621 : vector<16xf32> to vector<1x16xf32>
      tpu.vector_store %arg11[%swap3A_622, %swap3A_623], %swap3A_626 {strides = array<i32>} : memref<640x32xf32, #tpu.memory_space<vmem>>, vector<1x16xf32>,
      %mul3A_627 = arith.constant 16 : i32
      %mul3A_628 = arith.muli %scan3A_63, %mul3A_627 : i32
      %add3A_629 = arith.constant 13 : i32
      %add3A_630 = arith.addi %mul3A_628, %add3A_629 : i32
      %slice3A_631 = vector.extract_strided_slice %get3A_68 {offsets = [13], sizes = [1], strides = [1]} : vector<16xf32> to vector<1xf32>
      %squeeze3A_632 = vector.extract %slice3A_631[0] : f32 from vector<1xf32>
      %broadcast_in_dim3A_633 = vector.broadcast %squeeze3A_632 : f32 to vector<16xf32>
      %get3A_634 = arith.constant 0 : i32
      %get3A_635 = arith.index_cast %get3A_634 : i32 to index
      %get3A_636 = arith.index_cast %add3A_630 : i32 to index
      %get3A_637 = arith.constant 0 : index
      %get3A_638 = tpu.vector_load %arg9[%get3A_635, %get3A_636, %get3A_637] {strides = array<i32>} : memref<2x640x32xf32, #tpu.memory_space<vmem>>, vector<1x1x16xf32>,
      %get3A_639 = vector.shape_cast %get3A_638 : vector<1x1x16xf32> to vector<16xf32>
      %mul3A_640 = arith.mulf %broadcast_in_dim3A, %get3A_639 : vector<16xf32>
      %swap3A_641 = arith.index_cast %add3A_630 : i32 to index
      %swap3A_642 = arith.constant 0 : index
      %swap3A_643 = tpu.vector_load %arg10[%swap3A_641, %swap3A_642] {strides = array<i32>} : memref<640x32xf32, #tpu.memory_space<vmem>>, vector<1x16xf32>,
      %swap3A_644 = vector.shape_cast %swap3A_643 : vector<1x16xf32> to vector<16xf32>
      %swap3A_645 = vector.shape_cast %mul3A_640 : vector<16xf32> to vector<1x16xf32>
      tpu.vector_store %arg10[%swap3A_641, %swap3A_642], %swap3A_645 {strides = array<i32>} : memref<640x32xf32, #tpu.memory_space<vmem>>, vector<1x16xf32>,
      %mul3A_646 = arith.mulf %broadcast_in_dim3A_633, %get3A_639 : vector<16xf32>
      %swap3A_647 = arith.index_cast %add3A_630 : i32 to index
      %swap3A_648 = arith.constant 0 : index
      %swap3A_649 = tpu.vector_load %arg11[%swap3A_647, %swap3A_648] {strides = array<i32>} : memref<640x32xf32, #tpu.memory_space<vmem>>, vector<1x16xf32>,
      %swap3A_650 = vector.shape_cast %swap3A_649 : vector<1x16xf32> to vector<16xf32>
      %swap3A_651 = vector.shape_cast %mul3A_646 : vector<16xf32> to vector<1x16xf32>
      tpu.vector_store %arg11[%swap3A_647, %swap3A_648], %swap3A_651 {strides = array<i32>} : memref<640x32xf32, #tpu.memory_space<vmem>>, vector<1x16xf32>,
      %get3A_652 = arith.constant 0 : i32
      %get3A_653 = arith.index_cast %get3A_652 : i32 to index
      %get3A_654 = arith.index_cast %add3A_630 : i32 to index
      %get3A_655 = arith.constant 16 : index
      %get3A_656 = tpu.vector_load %arg9[%get3A_653, %get3A_654, %get3A_655] {strides = array<i32>} : memref<2x640x32xf32, #tpu.memory_space<vmem>>, vector<1x1x16xf32>,
      %get3A_657 = vector.shape_cast %get3A_656 : vector<1x1x16xf32> to vector<16xf32>
      %mul3A_658 = arith.mulf %broadcast_in_dim3A, %get3A_657 : vector<16xf32>
      %swap3A_659 = arith.index_cast %add3A_630 : i32 to index
      %swap3A_660 = arith.constant 16 : index
      %swap3A_661 = tpu.vector_load %arg10[%swap3A_659, %swap3A_660] {strides = array<i32>} : memref<640x32xf32, #tpu.memory_space<vmem>>, vector<1x16xf32>,
      %swap3A_662 = vector.shape_cast %swap3A_661 : vector<1x16xf32> to vector<16xf32>
      %swap3A_663 = vector.shape_cast %mul3A_658 : vector<16xf32> to vector<1x16xf32>
      tpu.vector_store %arg10[%swap3A_659, %swap3A_660], %swap3A_663 {strides = array<i32>} : memref<640x32xf32, #tpu.memory_space<vmem>>, vector<1x16xf32>,
      %mul3A_664 = arith.mulf %broadcast_in_dim3A_633, %get3A_657 : vector<16xf32>
      %swap3A_665 = arith.index_cast %add3A_630 : i32 to index
      %swap3A_666 = arith.constant 16 : index
      %swap3A_667 = tpu.vector_load %arg11[%swap3A_665, %swap3A_666] {strides = array<i32>} : memref<640x32xf32, #tpu.memory_space<vmem>>, vector<1x16xf32>,
      %swap3A_668 = vector.shape_cast %swap3A_667 : vector<1x16xf32> to vector<16xf32>
      %swap3A_669 = vector.shape_cast %mul3A_664 : vector<16xf32> to vector<1x16xf32>
      tpu.vector_store %arg11[%swap3A_665, %swap3A_666], %swap3A_669 {strides = array<i32>} : memref<640x32xf32, #tpu.memory_space<vmem>>, vector<1x16xf32>,
      %mul3A_670 = arith.constant 16 : i32
      %mul3A_671 = arith.muli %scan3A_63, %mul3A_670 : i32
      %add3A_672 = arith.constant 14 : i32
      %add3A_673 = arith.addi %mul3A_671, %add3A_672 : i32
      %slice3A_674 = vector.extract_strided_slice %get3A_68 {offsets = [14], sizes = [1], strides = [1]} : vector<16xf32> to vector<1xf32>
      %squeeze3A_675 = vector.extract %slice3A_674[0] : f32 from vector<1xf32>
      %broadcast_in_dim3A_676 = vector.broadcast %squeeze3A_675 : f32 to vector<16xf32>
      %get3A_677 = arith.constant 0 : i32
      %get3A_678 = arith.index_cast %get3A_677 : i32 to index
      %get3A_679 = arith.index_cast %add3A_673 : i32 to index
      %get3A_680 = arith.constant 0 : index
      %get3A_681 = tpu.vector_load %arg9[%get3A_678, %get3A_679, %get3A_680] {strides = array<i32>} : memref<2x640x32xf32, #tpu.memory_space<vmem>>, vector<1x1x16xf32>,
      %get3A_682 = vector.shape_cast %get3A_681 : vector<1x1x16xf32> to vector<16xf32>
      %mul3A_683 = arith.mulf %broadcast_in_dim3A, %get3A_682 : vector<16xf32>
      %swap3A_684 = arith.index_cast %add3A_673 : i32 to index
      %swap3A_685 = arith.constant 0 : index
      %swap3A_686 = tpu.vector_load %arg10[%swap3A_684, %swap3A_685] {strides = array<i32>} : memref<640x32xf32, #tpu.memory_space<vmem>>, vector<1x16xf32>,
      %swap3A_687 = vector.shape_cast %swap3A_686 : vector<1x16xf32> to vector<16xf32>
      %swap3A_688 = vector.shape_cast %mul3A_683 : vector<16xf32> to vector<1x16xf32>
      tpu.vector_store %arg10[%swap3A_684, %swap3A_685], %swap3A_688 {strides = array<i32>} : memref<640x32xf32, #tpu.memory_space<vmem>>, vector<1x16xf32>,
      %mul3A_689 = arith.mulf %broadcast_in_dim3A_676, %get3A_682 : vector<16xf32>
      %swap3A_690 = arith.index_cast %add3A_673 : i32 to index
      %swap3A_691 = arith.constant 0 : index
      %swap3A_692 = tpu.vector_load %arg11[%swap3A_690, %swap3A_691] {strides = array<i32>} : memref<640x32xf32, #tpu.memory_space<vmem>>, vector<1x16xf32>,
      %swap3A_693 = vector.shape_cast %swap3A_692 : vector<1x16xf32> to vector<16xf32>
      %swap3A_694 = vector.shape_cast %mul3A_689 : vector<16xf32> to vector<1x16xf32>
      tpu.vector_store %arg11[%swap3A_690, %swap3A_691], %swap3A_694 {strides = array<i32>} : memref<640x32xf32, #tpu.memory_space<vmem>>, vector<1x16xf32>,
      %get3A_695 = arith.constant 0 : i32
      %get3A_696 = arith.index_cast %get3A_695 : i32 to index
      %get3A_697 = arith.index_cast %add3A_673 : i32 to index
      %get3A_698 = arith.constant 16 : index
      %get3A_699 = tpu.vector_load %arg9[%get3A_696, %get3A_697, %get3A_698] {strides = array<i32>} : memref<2x640x32xf32, #tpu.memory_space<vmem>>, vector<1x1x16xf32>,
      %get3A_700 = vector.shape_cast %get3A_699 : vector<1x1x16xf32> to vector<16xf32>
      %mul3A_701 = arith.mulf %broadcast_in_dim3A, %get3A_700 : vector<16xf32>
      %swap3A_702 = arith.index_cast %add3A_673 : i32 to index
      %swap3A_703 = arith.constant 16 : index
      %swap3A_704 = tpu.vector_load %arg10[%swap3A_702, %swap3A_703] {strides = array<i32>} : memref<640x32xf32, #tpu.memory_space<vmem>>, vector<1x16xf32>,
      %swap3A_705 = vector.shape_cast %swap3A_704 : vector<1x16xf32> to vector<16xf32>
      %swap3A_706 = vector.shape_cast %mul3A_701 : vector<16xf32> to vector<1x16xf32>
      tpu.vector_store %arg10[%swap3A_702, %swap3A_703], %swap3A_706 {strides = array<i32>} : memref<640x32xf32, #tpu.memory_space<vmem>>, vector<1x16xf32>,
      %mul3A_707 = arith.mulf %broadcast_in_dim3A_676, %get3A_700 : vector<16xf32>
      %swap3A_708 = arith.index_cast %add3A_673 : i32 to index
      %swap3A_709 = arith.constant 16 : index
      %swap3A_710 = tpu.vector_load %arg11[%swap3A_708, %swap3A_709] {strides = array<i32>} : memref<640x32xf32, #tpu.memory_space<vmem>>, vector<1x16xf32>,
      %swap3A_711 = vector.shape_cast %swap3A_710 : vector<1x16xf32> to vector<16xf32>
      %swap3A_712 = vector.shape_cast %mul3A_707 : vector<16xf32> to vector<1x16xf32>
      tpu.vector_store %arg11[%swap3A_708, %swap3A_709], %swap3A_712 {strides = array<i32>} : memref<640x32xf32, #tpu.memory_space<vmem>>, vector<1x16xf32>,
      %mul3A_713 = arith.constant 16 : i32
      %mul3A_714 = arith.muli %scan3A_63, %mul3A_713 : i32
      %add3A_715 = arith.constant 15 : i32
      %add3A_716 = arith.addi %mul3A_714, %add3A_715 : i32
      %slice3A_717 = vector.extract_strided_slice %get3A_68 {offsets = [15], sizes = [1], strides = [1]} : vector<16xf32> to vector<1xf32>
      %squeeze3A_718 = vector.extract %slice3A_717[0] : f32 from vector<1xf32>
      %broadcast_in_dim3A_719 = vector.broadcast %squeeze3A_718 : f32 to vector<16xf32>
      %get3A_720 = arith.constant 0 : i32
      %get3A_721 = arith.index_cast %get3A_720 : i32 to index
      %get3A_722 = arith.index_cast %add3A_716 : i32 to index
      %get3A_723 = arith.constant 0 : index
      %get3A_724 = tpu.vector_load %arg9[%get3A_721, %get3A_722, %get3A_723] {strides = array<i32>} : memref<2x640x32xf32, #tpu.memory_space<vmem>>, vector<1x1x16xf32>,
      %get3A_725 = vector.shape_cast %get3A_724 : vector<1x1x16xf32> to vector<16xf32>
      %mul3A_726 = arith.mulf %broadcast_in_dim3A, %get3A_725 : vector<16xf32>
      %swap3A_727 = arith.index_cast %add3A_716 : i32 to index
      %swap3A_728 = arith.constant 0 : index
      %swap3A_729 = tpu.vector_load %arg10[%swap3A_727, %swap3A_728] {strides = array<i32>} : memref<640x32xf32, #tpu.memory_space<vmem>>, vector<1x16xf32>,
      %swap3A_730 = vector.shape_cast %swap3A_729 : vector<1x16xf32> to vector<16xf32>
      %swap3A_731 = vector.shape_cast %mul3A_726 : vector<16xf32> to vector<1x16xf32>
      tpu.vector_store %arg10[%swap3A_727, %swap3A_728], %swap3A_731 {strides = array<i32>} : memref<640x32xf32, #tpu.memory_space<vmem>>, vector<1x16xf32>,
      %mul3A_732 = arith.mulf %broadcast_in_dim3A_719, %get3A_725 : vector<16xf32>
      %swap3A_733 = arith.index_cast %add3A_716 : i32 to index
      %swap3A_734 = arith.constant 0 : index
      %swap3A_735 = tpu.vector_load %arg11[%swap3A_733, %swap3A_734] {strides = array<i32>} : memref<640x32xf32, #tpu.memory_space<vmem>>, vector<1x16xf32>,
      %swap3A_736 = vector.shape_cast %swap3A_735 : vector<1x16xf32> to vector<16xf32>
      %swap3A_737 = vector.shape_cast %mul3A_732 : vector<16xf32> to vector<1x16xf32>
      tpu.vector_store %arg11[%swap3A_733, %swap3A_734], %swap3A_737 {strides = array<i32>} : memref<640x32xf32, #tpu.memory_space<vmem>>, vector<1x16xf32>,
      %get3A_738 = arith.constant 0 : i32
      %get3A_739 = arith.index_cast %get3A_738 : i32 to index
      %get3A_740 = arith.index_cast %add3A_716 : i32 to index
      %get3A_741 = arith.constant 16 : index
      %get3A_742 = tpu.vector_load %arg9[%get3A_739, %get3A_740, %get3A_741] {strides = array<i32>} : memref<2x640x32xf32, #tpu.memory_space<vmem>>, vector<1x1x16xf32>,
      %get3A_743 = vector.shape_cast %get3A_742 : vector<1x1x16xf32> to vector<16xf32>
      %mul3A_744 = arith.mulf %broadcast_in_dim3A, %get3A_743 : vector<16xf32>
      %swap3A_745 = arith.index_cast %add3A_716 : i32 to index
      %swap3A_746 = arith.constant 16 : index
      %swap3A_747 = tpu.vector_load %arg10[%swap3A_745, %swap3A_746] {strides = array<i32>} : memref<640x32xf32, #tpu.memory_space<vmem>>, vector<1x16xf32>,
      %swap3A_748 = vector.shape_cast %swap3A_747 : vector<1x16xf32> to vector<16xf32>
      %swap3A_749 = vector.shape_cast %mul3A_744 : vector<16xf32> to vector<1x16xf32>
      tpu.vector_store %arg10[%swap3A_745, %swap3A_746], %swap3A_749 {strides = array<i32>} : memref<640x32xf32, #tpu.memory_space<vmem>>, vector<1x16xf32>,
      %mul3A_750 = arith.mulf %broadcast_in_dim3A_719, %get3A_743 : vector<16xf32>
      %swap3A_751 = arith.index_cast %add3A_716 : i32 to index
      %swap3A_752 = arith.constant 16 : index
      %swap3A_753 = tpu.vector_load %arg11[%swap3A_751, %swap3A_752] {strides = array<i32>} : memref<640x32xf32, #tpu.memory_space<vmem>>, vector<1x16xf32>,
      %swap3A_754 = vector.shape_cast %swap3A_753 : vector<1x16xf32> to vector<16xf32>
      %swap3A_755 = vector.shape_cast %mul3A_750 : vector<16xf32> to vector<1x16xf32>
      tpu.vector_store %arg11[%swap3A_751, %swap3A_752], %swap3A_755 {strides = array<i32>} : memref<640x32xf32, #tpu.memory_space<vmem>>, vector<1x16xf32>,
    }
    %scan3A_15 = arith.constant 40 : i32
    "tpu.region"() ({
      %run_scoped3A_63 = tpu.sem_alloc : memref<!tpu.dma_semaphore, #tpu.memory_space<semaphore_mem>>
      %dma_start3A = arith.constant 0 : i32
      %dma_start3A_64 = tpu.memref_slice %arg8[%mul3A_2, %dma_start3A] : memref<20480x32xf32, #tpu.memory_space<vmem_shared>> -> memref<640x32xf32, #tpu.memory_space<vmem_shared>>
      %dma_start3A_65 = arith.constant 0 : i32
      %dma_start3A_66 = tpu.memref_slice %arg8[%mul3A_2, %dma_start3A_65] : memref<20480x32xf32, #tpu.memory_space<vmem_shared>> -> memref<640x32xf32, #tpu.memory_space<vmem_shared>>
      tpu.enqueue_dma source(%arg11 : memref<640x32xf32, #tpu.memory_space<vmem>>) target(%dma_start3A_66 : memref<640x32xf32, #tpu.memory_space<vmem_shared>>) target_semaphore(%run_scoped3A_63 : memref<!tpu.dma_semaphore, #tpu.memory_space<semaphore_mem>>)
      %dma_wait3A = arith.constant 0 : i32
      %dma_wait3A_67 = tpu.memref_slice %arg8[%mul3A_2, %dma_wait3A] : memref<20480x32xf32, #tpu.memory_space<vmem_shared>> -> memref<640x32xf32, #tpu.memory_space<vmem_shared>>
      %dma_wait3A_68 = arith.constant 0 : i32
      %dma_wait3A_69 = tpu.memref_slice %arg8[%mul3A_2, %dma_wait3A_68] : memref<20480x32xf32, #tpu.memory_space<vmem_shared>> -> memref<640x32xf32, #tpu.memory_space<vmem_shared>>
      tpu.wait_dma2 semaphore(%run_scoped3A_63 : memref<!tpu.dma_semaphore, #tpu.memory_space<semaphore_mem>>) src(%arg11 : memref<640x32xf32, #tpu.memory_space<vmem>>) dst(%dma_wait3A_69 : memref<640x32xf32, #tpu.memory_space<vmem_shared>>)
      tpu.yield
    }) : () -> ()
    %scan3A_16 = arith.constant 0 : i32
    %scan3A_17 = arith.constant 640 : i32
    %scan3A_18 = arith.addi %scan3A_16, %scan3A_17 : i32
    %scan3A_19 = arith.constant 1 : i32
    scf.for %scan3A_63 = %scan3A_16 to %scan3A_18 step %scan3A_19  : i32 {
      %broadcast_in_dim3A_64 = arith.constant 0.000000e+00 : f32
      %broadcast_in_dim3A_65 = vector.broadcast %broadcast_in_dim3A_64 : f32 to vector<16xf32>
      %swap3A = arith.index_cast %scan3A_63 : i32 to index
      %swap3A_66 = arith.constant 0 : index
      %swap3A_67 = tpu.vector_load %arg11[%swap3A, %swap3A_66] {strides = array<i32>} : memref<640x32xf32, #tpu.memory_space<vmem>>, vector<1x16xf32>,
      %swap3A_68 = vector.shape_cast %swap3A_67 : vector<1x16xf32> to vector<16xf32>
      %swap3A_69 = vector.shape_cast %broadcast_in_dim3A_65 : vector<16xf32> to vector<1x16xf32>
      tpu.vector_store %arg11[%swap3A, %swap3A_66], %swap3A_69 {strides = array<i32>} : memref<640x32xf32, #tpu.memory_space<vmem>>, vector<1x16xf32>,
      %broadcast_in_dim3A_70 = arith.constant 0.000000e+00 : f32
      %broadcast_in_dim3A_71 = vector.broadcast %broadcast_in_dim3A_70 : f32 to vector<16xf32>
      %swap3A_72 = arith.index_cast %scan3A_63 : i32 to index
      %swap3A_73 = arith.constant 16 : index
      %swap3A_74 = tpu.vector_load %arg11[%swap3A_72, %swap3A_73] {strides = array<i32>} : memref<640x32xf32, #tpu.memory_space<vmem>>, vector<1x16xf32>,
      %swap3A_75 = vector.shape_cast %swap3A_74 : vector<1x16xf32> to vector<16xf32>
      %swap3A_76 = vector.shape_cast %broadcast_in_dim3A_71 : vector<16xf32> to vector<1x16xf32>
      tpu.vector_store %arg11[%swap3A_72, %swap3A_73], %swap3A_76 {strides = array<i32>} : memref<640x32xf32, #tpu.memory_space<vmem>>, vector<1x16xf32>,
    }
    %scan3A_20 = arith.constant 640 : i32
    %add3A_21 = arith.constant 10240 : i32
    %add3A_22 = arith.addi %add3A_21, %mul3A_2 : i32
    "tpu.region"() ({
      %run_scoped3A_63 = tpu.sem_alloc : memref<!tpu.dma_semaphore, #tpu.memory_space<semaphore_mem>>
      %dma_start3A = arith.constant 0 : i32
      %dma_start3A_64 = tpu.memref_slice %arg8[%add3A_22, %dma_start3A] : memref<20480x32xf32, #tpu.memory_space<vmem_shared>> -> memref<640x32xf32, #tpu.memory_space<vmem_shared>>
      %dma_start3A_65 = arith.constant 0 : i32
      %dma_start3A_66 = tpu.memref_slice %arg8[%add3A_22, %dma_start3A_65] : memref<20480x32xf32, #tpu.memory_space<vmem_shared>> -> memref<640x32xf32, #tpu.memory_space<vmem_shared>>
      tpu.enqueue_dma source(%arg11 : memref<640x32xf32, #tpu.memory_space<vmem>>) target(%dma_start3A_66 : memref<640x32xf32, #tpu.memory_space<vmem_shared>>) target_semaphore(%run_scoped3A_63 : memref<!tpu.dma_semaphore, #tpu.memory_space<semaphore_mem>>)
      %dma_wait3A = arith.constant 0 : i32
      %dma_wait3A_67 = tpu.memref_slice %arg8[%add3A_22, %dma_wait3A] : memref<20480x32xf32, #tpu.memory_space<vmem_shared>> -> memref<640x32xf32, #tpu.memory_space<vmem_shared>>
      %dma_wait3A_68 = arith.constant 0 : i32
      %dma_wait3A_69 = tpu.memref_slice %arg8[%add3A_22, %dma_wait3A_68] : memref<20480x32xf32, #tpu.memory_space<vmem_shared>> -> memref<640x32xf32, #tpu.memory_space<vmem_shared>>
      tpu.wait_dma2 semaphore(%run_scoped3A_63 : memref<!tpu.dma_semaphore, #tpu.memory_space<semaphore_mem>>) src(%arg11 : memref<640x32xf32, #tpu.memory_space<vmem>>) dst(%dma_wait3A_69 : memref<640x32xf32, #tpu.memory_space<vmem_shared>>)
      tpu.yield
    }) : () -> ()
    %barrier3A = arith.constant 0 : index
    tpu.barrier barrier_id(%barrier3A)
    %mul3A_23 = arith.constant 20000 : i32
    %mul3A_24 = arith.muli %arg1, %mul3A_23 : i32
    %scan3A_25 = arith.constant 0 : i32
    %scan3A_26 = arith.constant 250 : i32
    %scan3A_27 = arith.addi %scan3A_25, %scan3A_26 : i32
    %scan3A_28 = arith.constant 1 : i32
    scf.for %scan3A_63 = %scan3A_25 to %scan3A_27 step %scan3A_28  : i32 {
      %mul3A_64 = arith.constant 80 : i32
      %mul3A_65 = arith.muli %scan3A_63, %mul3A_64 : i32
      %add3A_66 = arith.addi %mul3A_24, %mul3A_65 : i32
      "tpu.region"() ({
        %run_scoped3A_71 = tpu.sem_alloc : memref<!tpu.dma_semaphore, #tpu.memory_space<semaphore_mem>>
        %dma_start3A_72 = tpu.memref_slice %arg4[%add3A_66] : memref<320000xi32, #tpu.memory_space<hbm>> -> memref<80xi32, #tpu.memory_space<hbm>>
        %dma_start3A_73 = tpu.memref_slice %arg4[%add3A_66] : memref<320000xi32, #tpu.memory_space<hbm>> -> memref<80xi32, #tpu.memory_space<hbm>>
        tpu.enqueue_dma source(%dma_start3A_73 : memref<80xi32, #tpu.memory_space<hbm>>) target(%arg13 : memref<80xi32, #tpu.memory_space<vmem>>) target_semaphore(%run_scoped3A_71 : memref<!tpu.dma_semaphore, #tpu.memory_space<semaphore_mem>>)
        %dma_wait3A_74 = tpu.memref_slice %arg4[%add3A_66] : memref<320000xi32, #tpu.memory_space<hbm>> -> memref<80xi32, #tpu.memory_space<hbm>>
        %dma_wait3A_75 = tpu.memref_slice %arg4[%add3A_66] : memref<320000xi32, #tpu.memory_space<hbm>> -> memref<80xi32, #tpu.memory_space<hbm>>
        tpu.wait_dma2 semaphore(%run_scoped3A_71 : memref<!tpu.dma_semaphore, #tpu.memory_space<semaphore_mem>>) src(%dma_wait3A_75 : memref<80xi32, #tpu.memory_space<hbm>>) dst(%arg13 : memref<80xi32, #tpu.memory_space<vmem>>)
        tpu.yield
      }) : () -> ()
      "tpu.region"() ({
        %run_scoped3A_71 = tpu.sem_alloc : memref<!tpu.dma_semaphore, #tpu.memory_space<semaphore_mem>>
        %dma_start3A_72 = tpu.memref_slice %arg5[%add3A_66] : memref<320000xi32, #tpu.memory_space<hbm>> -> memref<80xi32, #tpu.memory_space<hbm>>
        %dma_start3A_73 = tpu.memref_slice %arg5[%add3A_66] : memref<320000xi32, #tpu.memory_space<hbm>> -> memref<80xi32, #tpu.memory_space<hbm>>
        tpu.enqueue_dma source(%dma_start3A_73 : memref<80xi32, #tpu.memory_space<hbm>>) target(%arg14 : memref<80xi32, #tpu.memory_space<vmem>>) target_semaphore(%run_scoped3A_71 : memref<!tpu.dma_semaphore, #tpu.memory_space<semaphore_mem>>)
        %dma_wait3A_74 = tpu.memref_slice %arg5[%add3A_66] : memref<320000xi32, #tpu.memory_space<hbm>> -> memref<80xi32, #tpu.memory_space<hbm>>
        %dma_wait3A_75 = tpu.memref_slice %arg5[%add3A_66] : memref<320000xi32, #tpu.memory_space<hbm>> -> memref<80xi32, #tpu.memory_space<hbm>>
        tpu.wait_dma2 semaphore(%run_scoped3A_71 : memref<!tpu.dma_semaphore, #tpu.memory_space<semaphore_mem>>) src(%dma_wait3A_75 : memref<80xi32, #tpu.memory_space<hbm>>) dst(%arg14 : memref<80xi32, #tpu.memory_space<vmem>>)
        tpu.yield
      }) : () -> ()
      %dma_start3A = arith.constant 0 : i32
      %dma_start3A_67 = arith.constant 0 : i32
      %dma_start3A_68 = tpu.memref_slice %arg8[%dma_start3A, %dma_start3A_67] : memref<20480x32xf32, #tpu.memory_space<vmem_shared>> -> memref<20480x32xf32, #tpu.memory_space<vmem_shared>>
      tpu.enqueue_indirect_dma source(%dma_start3A_68 : memref<20480x32xf32, #tpu.memory_space<vmem_shared>>) target(%arg12 : memref<80x32xf32, #tpu.memory_space<vmem>>) offsets(%arg13 : memref<80xi32, #tpu.memory_space<vmem>>) semaphore(%arg18 : memref<!tpu.dma_semaphore, #tpu.memory_space<semaphore_mem>>)
      %dma_wait3A = arith.constant 0 : i32
      %dma_wait3A_69 = arith.constant 0 : i32
      %dma_wait3A_70 = tpu.memref_slice %arg8[%dma_wait3A, %dma_wait3A_69] : memref<20480x32xf32, #tpu.memory_space<vmem_shared>> -> memref<20480x32xf32, #tpu.memory_space<vmem_shared>>
      tpu.wait_indirect_dma semaphore(%arg18 : memref<!tpu.dma_semaphore, #tpu.memory_space<semaphore_mem>>) src(%dma_wait3A_70 : memref<20480x32xf32, #tpu.memory_space<vmem_shared>>) dst(%arg12 : memref<80x32xf32, #tpu.memory_space<vmem>>)
      "tpu.region"() ({
        %run_scoped3A_71 = tpu.sem_alloc : memref<!tpu.dma_semaphore, #tpu.memory_space<semaphore_mem>>
        %dma_start3A_72 = arith.constant 0 : i32
        %dma_start3A_73 = arith.constant 0 : i32
        %dma_start3A_74 = tpu.memref_slice %arg8[%dma_start3A_72, %dma_start3A_73] : memref<20480x32xf32, #tpu.memory_space<vmem_shared>> -> memref<20480x32xf32, #tpu.memory_space<vmem_shared>>
        tpu.enqueue_indirect_dma source(%arg12 : memref<80x32xf32, #tpu.memory_space<vmem>>) target(%dma_start3A_74 : memref<20480x32xf32, #tpu.memory_space<vmem_shared>>) offsets(%arg14 : memref<80xi32, #tpu.memory_space<vmem>>) semaphore(%run_scoped3A_71 : memref<!tpu.dma_semaphore, #tpu.memory_space<semaphore_mem>>) {add = true}
        %dma_wait3A_75 = arith.constant 0 : i32
        %dma_wait3A_76 = arith.constant 0 : i32
        %dma_wait3A_77 = tpu.memref_slice %arg8[%dma_wait3A_75, %dma_wait3A_76] : memref<20480x32xf32, #tpu.memory_space<vmem_shared>> -> memref<20480x32xf32, #tpu.memory_space<vmem_shared>>
        tpu.wait_indirect_dma semaphore(%run_scoped3A_71 : memref<!tpu.dma_semaphore, #tpu.memory_space<semaphore_mem>>) src(%arg12 : memref<80x32xf32, #tpu.memory_space<vmem>>) dst(%dma_wait3A_77 : memref<20480x32xf32, #tpu.memory_space<vmem_shared>>)
        tpu.yield
      }) : () -> ()
    }
    %scan3A_29 = arith.constant 250 : i32
    %barrier3A_30 = arith.constant 0 : index
    tpu.barrier barrier_id(%barrier3A_30)
    %add3A_31 = arith.constant 10240 : i32
    %add3A_32 = arith.addi %add3A_31, %mul3A_2 : i32
    "tpu.region"() ({
      %run_scoped3A_63 = tpu.sem_alloc : memref<!tpu.dma_semaphore, #tpu.memory_space<semaphore_mem>>
      %dma_start3A = arith.constant 0 : i32
      %dma_start3A_64 = tpu.memref_slice %arg8[%add3A_32, %dma_start3A] : memref<20480x32xf32, #tpu.memory_space<vmem_shared>> -> memref<640x32xf32, #tpu.memory_space<vmem_shared>>
      %dma_start3A_65 = arith.constant 0 : i32
      %dma_start3A_66 = tpu.memref_slice %arg8[%add3A_32, %dma_start3A_65] : memref<20480x32xf32, #tpu.memory_space<vmem_shared>> -> memref<640x32xf32, #tpu.memory_space<vmem_shared>>
      tpu.enqueue_dma source(%dma_start3A_66 : memref<640x32xf32, #tpu.memory_space<vmem_shared>>) target(%arg11 : memref<640x32xf32, #tpu.memory_space<vmem>>) target_semaphore(%run_scoped3A_63 : memref<!tpu.dma_semaphore, #tpu.memory_space<semaphore_mem>>)
      %dma_wait3A = arith.constant 0 : i32
      %dma_wait3A_67 = tpu.memref_slice %arg8[%add3A_32, %dma_wait3A] : memref<20480x32xf32, #tpu.memory_space<vmem_shared>> -> memref<640x32xf32, #tpu.memory_space<vmem_shared>>
      %dma_wait3A_68 = arith.constant 0 : i32
      %dma_wait3A_69 = tpu.memref_slice %arg8[%add3A_32, %dma_wait3A_68] : memref<20480x32xf32, #tpu.memory_space<vmem_shared>> -> memref<640x32xf32, #tpu.memory_space<vmem_shared>>
      tpu.wait_dma2 semaphore(%run_scoped3A_63 : memref<!tpu.dma_semaphore, #tpu.memory_space<semaphore_mem>>) src(%dma_wait3A_69 : memref<640x32xf32, #tpu.memory_space<vmem_shared>>) dst(%arg11 : memref<640x32xf32, #tpu.memory_space<vmem>>)
      tpu.yield
    }) : () -> ()
    %broadcast_in_dim3A_33 = arith.constant 1 : i32
    %broadcast_in_dim3A_34 = vector.broadcast %broadcast_in_dim3A_33 : i32 to vector<16xi32>
    %lt3A = arith.constant 0 : i32
    %lt3A_35 = vector.broadcast %lt3A : i32 to vector<16xi32>
    %lt3A_36 = arith.cmpi slt, %broadcast_in_dim3A_34, %lt3A_35 : vector<16xi32>
    %add3A_37 = arith.constant 16 : i32
    %add3A_38 = vector.broadcast %add3A_37 : i32 to vector<16xi32>
    %add3A_39 = arith.addi %broadcast_in_dim3A_34, %add3A_38 : vector<16xi32>
    %select_n3A = arith.select %lt3A_36, %add3A_39, %broadcast_in_dim3A_34 : vector<16xi1>, vector<16xi32>
    %broadcast_in_dim3A_40 = vector.shape_cast %select_n3A : vector<16xi32> to vector<16x1xi32>
    %gather3A = vector.shape_cast %broadcast_in_dim3A_40 : vector<16x1xi32> to vector<16xi32>
    %gather3A_41 = tpu.dynamic_gather %get3A_10[%gather3A] in [0] : vector<16xf32>, vector<16xi32> -> vector<16xf32>
    %rem3A = arith.constant 1 : i32
    %rem3A_42 = arith.constant 2 : i32
    %rem3A_43 = arith.remsi %rem3A, %rem3A_42 : i32
    %scan3A_44 = arith.constant 0 : i32
    %scan3A_45 = arith.constant 40 : i32
    %scan3A_46 = arith.addi %scan3A_44, %scan3A_45 : i32
    %scan3A_47 = arith.constant 1 : i32
    scf.for %scan3A_63 = %scan3A_44 to %scan3A_46 step %scan3A_47  : i32 {
      %mul3A_64 = arith.constant 16 : i32
      %mul3A_65 = arith.muli %scan3A_63, %mul3A_64 : i32
      %get3A_66 = arith.index_cast %mul3A_65 : i32 to index
      %get3A_67 = tpu.vector_load %arg15[%get3A_66] {strides = array<i32>} : memref<640xf32, #tpu.memory_space<vmem>>, vector<16xf32>,
      %get3A_68 = vector.shape_cast %get3A_67 : vector<16xf32> to vector<16xf32>
      %mul3A_69 = arith.constant 16 : i32
      %mul3A_70 = arith.muli %scan3A_63, %mul3A_69 : i32
      %add3A_71 = arith.constant 0 : i32
      %add3A_72 = arith.addi %mul3A_70, %add3A_71 : i32
      %slice3A_73 = vector.extract_strided_slice %get3A_68 {offsets = [0], sizes = [1], strides = [1]} : vector<16xf32> to vector<1xf32>
      %squeeze3A_74 = vector.extract %slice3A_73[0] : f32 from vector<1xf32>
      %broadcast_in_dim3A_75 = vector.broadcast %squeeze3A_74 : f32 to vector<16xf32>
      %get3A_76 = arith.index_cast %add3A_72 : i32 to index
      %get3A_77 = arith.constant 0 : index
      %get3A_78 = tpu.vector_load %arg11[%get3A_76, %get3A_77] {strides = array<i32>} : memref<640x32xf32, #tpu.memory_space<vmem>>, vector<1x16xf32>,
      %get3A_79 = vector.shape_cast %get3A_78 : vector<1x16xf32> to vector<16xf32>
      %mul3A_80 = arith.mulf %broadcast_in_dim3A_75, %get3A_79 : vector<16xf32>
      %neg3A = arith.constant 0.000000e+00 : f32
      %neg3A_81 = vector.broadcast %neg3A : f32 to vector<16xf32>
      %neg3A_82 = arith.subf %neg3A_81, %mul3A_80 : vector<16xf32>
      %swap3A = arith.index_cast %rem3A_43 : i32 to index
      %swap3A_83 = arith.index_cast %add3A_72 : i32 to index
      %swap3A_84 = arith.constant 0 : index
      %swap3A_85 = tpu.vector_load %arg9[%swap3A, %swap3A_83, %swap3A_84] {strides = array<i32>} : memref<2x640x32xf32, #tpu.memory_space<vmem>>, vector<1x1x16xf32>,
      %swap3A_86 = vector.shape_cast %swap3A_85 : vector<1x1x16xf32> to vector<16xf32>
      %swap3A_87 = vector.shape_cast %neg3A_82 : vector<16xf32> to vector<1x1x16xf32>
      tpu.vector_store %arg9[%swap3A, %swap3A_83, %swap3A_84], %swap3A_87 {strides = array<i32>} : memref<2x640x32xf32, #tpu.memory_space<vmem>>, vector<1x1x16xf32>,
      %mul3A_88 = arith.mulf %broadcast_in_dim3A_75, %neg3A_82 : vector<16xf32>
      %swap3A_89 = arith.index_cast %add3A_72 : i32 to index
      %swap3A_90 = arith.constant 0 : index
      %swap3A_91 = tpu.vector_load %arg11[%swap3A_89, %swap3A_90] {strides = array<i32>} : memref<640x32xf32, #tpu.memory_space<vmem>>, vector<1x16xf32>,
      %swap3A_92 = vector.shape_cast %swap3A_91 : vector<1x16xf32> to vector<16xf32>
      %swap3A_93 = vector.shape_cast %mul3A_88 : vector<16xf32> to vector<1x16xf32>
      tpu.vector_store %arg11[%swap3A_89, %swap3A_90], %swap3A_93 {strides = array<i32>} : memref<640x32xf32, #tpu.memory_space<vmem>>, vector<1x16xf32>,
      %get3A_94 = arith.index_cast %add3A_72 : i32 to index
      %get3A_95 = arith.constant 0 : index
      %get3A_96 = tpu.vector_load %arg10[%get3A_94, %get3A_95] {strides = array<i32>} : memref<640x32xf32, #tpu.memory_space<vmem>>, vector<1x16xf32>,
      %get3A_97 = vector.shape_cast %get3A_96 : vector<1x16xf32> to vector<16xf32>
      %mul3A_98 = arith.mulf %gather3A_41, %neg3A_82 : vector<16xf32>
      %add3A_99 = arith.addf %get3A_97, %mul3A_98 : vector<16xf32>
      %swap3A_100 = arith.index_cast %add3A_72 : i32 to index
      %swap3A_101 = arith.constant 0 : index
      %swap3A_102 = tpu.vector_load %arg10[%swap3A_100, %swap3A_101] {strides = array<i32>} : memref<640x32xf32, #tpu.memory_space<vmem>>, vector<1x16xf32>,
      %swap3A_103 = vector.shape_cast %swap3A_102 : vector<1x16xf32> to vector<16xf32>
      %swap3A_104 = vector.shape_cast %add3A_99 : vector<16xf32> to vector<1x16xf32>
      tpu.vector_store %arg10[%swap3A_100, %swap3A_101], %swap3A_104 {strides = array<i32>} : memref<640x32xf32, #tpu.memory_space<vmem>>, vector<1x16xf32>,
      %get3A_105 = arith.index_cast %add3A_72 : i32 to index
      %get3A_106 = arith.constant 16 : index
      %get3A_107 = tpu.vector_load %arg11[%get3A_105, %get3A_106] {strides = array<i32>} : memref<640x32xf32, #tpu.memory_space<vmem>>, vector<1x16xf32>,
      %get3A_108 = vector.shape_cast %get3A_107 : vector<1x16xf32> to vector<16xf32>
      %mul3A_109 = arith.mulf %broadcast_in_dim3A_75, %get3A_108 : vector<16xf32>
      %neg3A_110 = arith.constant 0.000000e+00 : f32
      %neg3A_111 = vector.broadcast %neg3A_110 : f32 to vector<16xf32>
      %neg3A_112 = arith.subf %neg3A_111, %mul3A_109 : vector<16xf32>
      %swap3A_113 = arith.index_cast %rem3A_43 : i32 to index
      %swap3A_114 = arith.index_cast %add3A_72 : i32 to index
      %swap3A_115 = arith.constant 16 : index
      %swap3A_116 = tpu.vector_load %arg9[%swap3A_113, %swap3A_114, %swap3A_115] {strides = array<i32>} : memref<2x640x32xf32, #tpu.memory_space<vmem>>, vector<1x1x16xf32>,
      %swap3A_117 = vector.shape_cast %swap3A_116 : vector<1x1x16xf32> to vector<16xf32>
      %swap3A_118 = vector.shape_cast %neg3A_112 : vector<16xf32> to vector<1x1x16xf32>
      tpu.vector_store %arg9[%swap3A_113, %swap3A_114, %swap3A_115], %swap3A_118 {strides = array<i32>} : memref<2x640x32xf32, #tpu.memory_space<vmem>>, vector<1x1x16xf32>,
      %mul3A_119 = arith.mulf %broadcast_in_dim3A_75, %neg3A_112 : vector<16xf32>
      %swap3A_120 = arith.index_cast %add3A_72 : i32 to index
      %swap3A_121 = arith.constant 16 : index
      %swap3A_122 = tpu.vector_load %arg11[%swap3A_120, %swap3A_121] {strides = array<i32>} : memref<640x32xf32, #tpu.memory_space<vmem>>, vector<1x16xf32>,
      %swap3A_123 = vector.shape_cast %swap3A_122 : vector<1x16xf32> to vector<16xf32>
      %swap3A_124 = vector.shape_cast %mul3A_119 : vector<16xf32> to vector<1x16xf32>
      tpu.vector_store %arg11[%swap3A_120, %swap3A_121], %swap3A_124 {strides = array<i32>} : memref<640x32xf32, #tpu.memory_space<vmem>>, vector<1x16xf32>,
      %get3A_125 = arith.index_cast %add3A_72 : i32 to index
      %get3A_126 = arith.constant 16 : index
      %get3A_127 = tpu.vector_load %arg10[%get3A_125, %get3A_126] {strides = array<i32>} : memref<640x32xf32, #tpu.memory_space<vmem>>, vector<1x16xf32>,
      %get3A_128 = vector.shape_cast %get3A_127 : vector<1x16xf32> to vector<16xf32>
      %mul3A_129 = arith.mulf %gather3A_41, %neg3A_112 : vector<16xf32>
      %add3A_130 = arith.addf %get3A_128, %mul3A_129 : vector<16xf32>
      %swap3A_131 = arith.index_cast %add3A_72 : i32 to index
      %swap3A_132 = arith.constant 16 : index
      %swap3A_133 = tpu.vector_load %arg10[%swap3A_131, %swap3A_132] {strides = array<i32>} : memref<640x32xf32, #tpu.memory_space<vmem>>, vector<1x16xf32>,
      %swap3A_134 = vector.shape_cast %swap3A_133 : vector<1x16xf32> to vector<16xf32>
      %swap3A_135 = vector.shape_cast %add3A_130 : vector<16xf32> to vector<1x16xf32>
      tpu.vector_store %arg10[%swap3A_131, %swap3A_132], %swap3A_135 {strides = array<i32>} : memref<640x32xf32, #tpu.memory_space<vmem>>, vector<1x16xf32>,
      %mul3A_136 = arith.constant 16 : i32
      %mul3A_137 = arith.muli %scan3A_63, %mul3A_136 : i32
      %add3A_138 = arith.constant 1 : i32
      %add3A_139 = arith.addi %mul3A_137, %add3A_138 : i32
      %slice3A_140 = vector.extract_strided_slice %get3A_68 {offsets = [1], sizes = [1], strides = [1]} : vector<16xf32> to vector<1xf32>
      %squeeze3A_141 = vector.extract %slice3A_140[0] : f32 from vector<1xf32>
      %broadcast_in_dim3A_142 = vector.broadcast %squeeze3A_141 : f32 to vector<16xf32>
      %get3A_143 = arith.index_cast %add3A_139 : i32 to index
      %get3A_144 = arith.constant 0 : index
      %get3A_145 = tpu.vector_load %arg11[%get3A_143, %get3A_144] {strides = array<i32>} : memref<640x32xf32, #tpu.memory_space<vmem>>, vector<1x16xf32>,
      %get3A_146 = vector.shape_cast %get3A_145 : vector<1x16xf32> to vector<16xf32>
      %mul3A_147 = arith.mulf %broadcast_in_dim3A_142, %get3A_146 : vector<16xf32>
      %neg3A_148 = arith.constant 0.000000e+00 : f32
      %neg3A_149 = vector.broadcast %neg3A_148 : f32 to vector<16xf32>
      %neg3A_150 = arith.subf %neg3A_149, %mul3A_147 : vector<16xf32>
      %swap3A_151 = arith.index_cast %rem3A_43 : i32 to index
      %swap3A_152 = arith.index_cast %add3A_139 : i32 to index
      %swap3A_153 = arith.constant 0 : index
      %swap3A_154 = tpu.vector_load %arg9[%swap3A_151, %swap3A_152, %swap3A_153] {strides = array<i32>} : memref<2x640x32xf32, #tpu.memory_space<vmem>>, vector<1x1x16xf32>,
      %swap3A_155 = vector.shape_cast %swap3A_154 : vector<1x1x16xf32> to vector<16xf32>
      %swap3A_156 = vector.shape_cast %neg3A_150 : vector<16xf32> to vector<1x1x16xf32>
      tpu.vector_store %arg9[%swap3A_151, %swap3A_152, %swap3A_153], %swap3A_156 {strides = array<i32>} : memref<2x640x32xf32, #tpu.memory_space<vmem>>, vector<1x1x16xf32>,
      %mul3A_157 = arith.mulf %broadcast_in_dim3A_142, %neg3A_150 : vector<16xf32>
      %swap3A_158 = arith.index_cast %add3A_139 : i32 to index
      %swap3A_159 = arith.constant 0 : index
      %swap3A_160 = tpu.vector_load %arg11[%swap3A_158, %swap3A_159] {strides = array<i32>} : memref<640x32xf32, #tpu.memory_space<vmem>>, vector<1x16xf32>,
      %swap3A_161 = vector.shape_cast %swap3A_160 : vector<1x16xf32> to vector<16xf32>
      %swap3A_162 = vector.shape_cast %mul3A_157 : vector<16xf32> to vector<1x16xf32>
      tpu.vector_store %arg11[%swap3A_158, %swap3A_159], %swap3A_162 {strides = array<i32>} : memref<640x32xf32, #tpu.memory_space<vmem>>, vector<1x16xf32>,
      %get3A_163 = arith.index_cast %add3A_139 : i32 to index
      %get3A_164 = arith.constant 0 : index
      %get3A_165 = tpu.vector_load %arg10[%get3A_163, %get3A_164] {strides = array<i32>} : memref<640x32xf32, #tpu.memory_space<vmem>>, vector<1x16xf32>,
      %get3A_166 = vector.shape_cast %get3A_165 : vector<1x16xf32> to vector<16xf32>
      %mul3A_167 = arith.mulf %gather3A_41, %neg3A_150 : vector<16xf32>
      %add3A_168 = arith.addf %get3A_166, %mul3A_167 : vector<16xf32>
      %swap3A_169 = arith.index_cast %add3A_139 : i32 to index
      %swap3A_170 = arith.constant 0 : index
      %swap3A_171 = tpu.vector_load %arg10[%swap3A_169, %swap3A_170] {strides = array<i32>} : memref<640x32xf32, #tpu.memory_space<vmem>>, vector<1x16xf32>,
      %swap3A_172 = vector.shape_cast %swap3A_171 : vector<1x16xf32> to vector<16xf32>
      %swap3A_173 = vector.shape_cast %add3A_168 : vector<16xf32> to vector<1x16xf32>
      tpu.vector_store %arg10[%swap3A_169, %swap3A_170], %swap3A_173 {strides = array<i32>} : memref<640x32xf32, #tpu.memory_space<vmem>>, vector<1x16xf32>,
      %get3A_174 = arith.index_cast %add3A_139 : i32 to index
      %get3A_175 = arith.constant 16 : index
      %get3A_176 = tpu.vector_load %arg11[%get3A_174, %get3A_175] {strides = array<i32>} : memref<640x32xf32, #tpu.memory_space<vmem>>, vector<1x16xf32>,
      %get3A_177 = vector.shape_cast %get3A_176 : vector<1x16xf32> to vector<16xf32>
      %mul3A_178 = arith.mulf %broadcast_in_dim3A_142, %get3A_177 : vector<16xf32>
      %neg3A_179 = arith.constant 0.000000e+00 : f32
      %neg3A_180 = vector.broadcast %neg3A_179 : f32 to vector<16xf32>
      %neg3A_181 = arith.subf %neg3A_180, %mul3A_178 : vector<16xf32>
      %swap3A_182 = arith.index_cast %rem3A_43 : i32 to index
      %swap3A_183 = arith.index_cast %add3A_139 : i32 to index
      %swap3A_184 = arith.constant 16 : index
      %swap3A_185 = tpu.vector_load %arg9[%swap3A_182, %swap3A_183, %swap3A_184] {strides = array<i32>} : memref<2x640x32xf32, #tpu.memory_space<vmem>>, vector<1x1x16xf32>,
      %swap3A_186 = vector.shape_cast %swap3A_185 : vector<1x1x16xf32> to vector<16xf32>
      %swap3A_187 = vector.shape_cast %neg3A_181 : vector<16xf32> to vector<1x1x16xf32>
      tpu.vector_store %arg9[%swap3A_182, %swap3A_183, %swap3A_184], %swap3A_187 {strides = array<i32>} : memref<2x640x32xf32, #tpu.memory_space<vmem>>, vector<1x1x16xf32>,
      %mul3A_188 = arith.mulf %broadcast_in_dim3A_142, %neg3A_181 : vector<16xf32>
      %swap3A_189 = arith.index_cast %add3A_139 : i32 to index
      %swap3A_190 = arith.constant 16 : index
      %swap3A_191 = tpu.vector_load %arg11[%swap3A_189, %swap3A_190] {strides = array<i32>} : memref<640x32xf32, #tpu.memory_space<vmem>>, vector<1x16xf32>,
      %swap3A_192 = vector.shape_cast %swap3A_191 : vector<1x16xf32> to vector<16xf32>
      %swap3A_193 = vector.shape_cast %mul3A_188 : vector<16xf32> to vector<1x16xf32>
      tpu.vector_store %arg11[%swap3A_189, %swap3A_190], %swap3A_193 {strides = array<i32>} : memref<640x32xf32, #tpu.memory_space<vmem>>, vector<1x16xf32>,
      %get3A_194 = arith.index_cast %add3A_139 : i32 to index
      %get3A_195 = arith.constant 16 : index
      %get3A_196 = tpu.vector_load %arg10[%get3A_194, %get3A_195] {strides = array<i32>} : memref<640x32xf32, #tpu.memory_space<vmem>>, vector<1x16xf32>,
      %get3A_197 = vector.shape_cast %get3A_196 : vector<1x16xf32> to vector<16xf32>
      %mul3A_198 = arith.mulf %gather3A_41, %neg3A_181 : vector<16xf32>
      %add3A_199 = arith.addf %get3A_197, %mul3A_198 : vector<16xf32>
      %swap3A_200 = arith.index_cast %add3A_139 : i32 to index
      %swap3A_201 = arith.constant 16 : index
      %swap3A_202 = tpu.vector_load %arg10[%swap3A_200, %swap3A_201] {strides = array<i32>} : memref<640x32xf32, #tpu.memory_space<vmem>>, vector<1x16xf32>,
      %swap3A_203 = vector.shape_cast %swap3A_202 : vector<1x16xf32> to vector<16xf32>
      %swap3A_204 = vector.shape_cast %add3A_199 : vector<16xf32> to vector<1x16xf32>
      tpu.vector_store %arg10[%swap3A_200, %swap3A_201], %swap3A_204 {strides = array<i32>} : memref<640x32xf32, #tpu.memory_space<vmem>>, vector<1x16xf32>,
      %mul3A_205 = arith.constant 16 : i32
      %mul3A_206 = arith.muli %scan3A_63, %mul3A_205 : i32
      %add3A_207 = arith.constant 2 : i32
      %add3A_208 = arith.addi %mul3A_206, %add3A_207 : i32
      %slice3A_209 = vector.extract_strided_slice %get3A_68 {offsets = [2], sizes = [1], strides = [1]} : vector<16xf32> to vector<1xf32>
      %squeeze3A_210 = vector.extract %slice3A_209[0] : f32 from vector<1xf32>
      %broadcast_in_dim3A_211 = vector.broadcast %squeeze3A_210 : f32 to vector<16xf32>
      %get3A_212 = arith.index_cast %add3A_208 : i32 to index
      %get3A_213 = arith.constant 0 : index
      %get3A_214 = tpu.vector_load %arg11[%get3A_212, %get3A_213] {strides = array<i32>} : memref<640x32xf32, #tpu.memory_space<vmem>>, vector<1x16xf32>,
      %get3A_215 = vector.shape_cast %get3A_214 : vector<1x16xf32> to vector<16xf32>
      %mul3A_216 = arith.mulf %broadcast_in_dim3A_211, %get3A_215 : vector<16xf32>
      %neg3A_217 = arith.constant 0.000000e+00 : f32
      %neg3A_218 = vector.broadcast %neg3A_217 : f32 to vector<16xf32>
      %neg3A_219 = arith.subf %neg3A_218, %mul3A_216 : vector<16xf32>
      %swap3A_220 = arith.index_cast %rem3A_43 : i32 to index
      %swap3A_221 = arith.index_cast %add3A_208 : i32 to index
      %swap3A_222 = arith.constant 0 : index
      %swap3A_223 = tpu.vector_load %arg9[%swap3A_220, %swap3A_221, %swap3A_222] {strides = array<i32>} : memref<2x640x32xf32, #tpu.memory_space<vmem>>, vector<1x1x16xf32>,
      %swap3A_224 = vector.shape_cast %swap3A_223 : vector<1x1x16xf32> to vector<16xf32>
      %swap3A_225 = vector.shape_cast %neg3A_219 : vector<16xf32> to vector<1x1x16xf32>
      tpu.vector_store %arg9[%swap3A_220, %swap3A_221, %swap3A_222], %swap3A_225 {strides = array<i32>} : memref<2x640x32xf32, #tpu.memory_space<vmem>>, vector<1x1x16xf32>,
      %mul3A_226 = arith.mulf %broadcast_in_dim3A_211, %neg3A_219 : vector<16xf32>
      %swap3A_227 = arith.index_cast %add3A_208 : i32 to index
      %swap3A_228 = arith.constant 0 : index
      %swap3A_229 = tpu.vector_load %arg11[%swap3A_227, %swap3A_228] {strides = array<i32>} : memref<640x32xf32, #tpu.memory_space<vmem>>, vector<1x16xf32>,
      %swap3A_230 = vector.shape_cast %swap3A_229 : vector<1x16xf32> to vector<16xf32>
      %swap3A_231 = vector.shape_cast %mul3A_226 : vector<16xf32> to vector<1x16xf32>
      tpu.vector_store %arg11[%swap3A_227, %swap3A_228], %swap3A_231 {strides = array<i32>} : memref<640x32xf32, #tpu.memory_space<vmem>>, vector<1x16xf32>,
      %get3A_232 = arith.index_cast %add3A_208 : i32 to index
      %get3A_233 = arith.constant 0 : index
      %get3A_234 = tpu.vector_load %arg10[%get3A_232, %get3A_233] {strides = array<i32>} : memref<640x32xf32, #tpu.memory_space<vmem>>, vector<1x16xf32>,
      %get3A_235 = vector.shape_cast %get3A_234 : vector<1x16xf32> to vector<16xf32>
      %mul3A_236 = arith.mulf %gather3A_41, %neg3A_219 : vector<16xf32>
      %add3A_237 = arith.addf %get3A_235, %mul3A_236 : vector<16xf32>
      %swap3A_238 = arith.index_cast %add3A_208 : i32 to index
      %swap3A_239 = arith.constant 0 : index
      %swap3A_240 = tpu.vector_load %arg10[%swap3A_238, %swap3A_239] {strides = array<i32>} : memref<640x32xf32, #tpu.memory_space<vmem>>, vector<1x16xf32>,
      %swap3A_241 = vector.shape_cast %swap3A_240 : vector<1x16xf32> to vector<16xf32>
      %swap3A_242 = vector.shape_cast %add3A_237 : vector<16xf32> to vector<1x16xf32>
      tpu.vector_store %arg10[%swap3A_238, %swap3A_239], %swap3A_242 {strides = array<i32>} : memref<640x32xf32, #tpu.memory_space<vmem>>, vector<1x16xf32>,
      %get3A_243 = arith.index_cast %add3A_208 : i32 to index
      %get3A_244 = arith.constant 16 : index
      %get3A_245 = tpu.vector_load %arg11[%get3A_243, %get3A_244] {strides = array<i32>} : memref<640x32xf32, #tpu.memory_space<vmem>>, vector<1x16xf32>,
      %get3A_246 = vector.shape_cast %get3A_245 : vector<1x16xf32> to vector<16xf32>
      %mul3A_247 = arith.mulf %broadcast_in_dim3A_211, %get3A_246 : vector<16xf32>
      %neg3A_248 = arith.constant 0.000000e+00 : f32
      %neg3A_249 = vector.broadcast %neg3A_248 : f32 to vector<16xf32>
      %neg3A_250 = arith.subf %neg3A_249, %mul3A_247 : vector<16xf32>
      %swap3A_251 = arith.index_cast %rem3A_43 : i32 to index
      %swap3A_252 = arith.index_cast %add3A_208 : i32 to index
      %swap3A_253 = arith.constant 16 : index
      %swap3A_254 = tpu.vector_load %arg9[%swap3A_251, %swap3A_252, %swap3A_253] {strides = array<i32>} : memref<2x640x32xf32, #tpu.memory_space<vmem>>, vector<1x1x16xf32>,
      %swap3A_255 = vector.shape_cast %swap3A_254 : vector<1x1x16xf32> to vector<16xf32>
      %swap3A_256 = vector.shape_cast %neg3A_250 : vector<16xf32> to vector<1x1x16xf32>
      tpu.vector_store %arg9[%swap3A_251, %swap3A_252, %swap3A_253], %swap3A_256 {strides = array<i32>} : memref<2x640x32xf32, #tpu.memory_space<vmem>>, vector<1x1x16xf32>,
      %mul3A_257 = arith.mulf %broadcast_in_dim3A_211, %neg3A_250 : vector<16xf32>
      %swap3A_258 = arith.index_cast %add3A_208 : i32 to index
      %swap3A_259 = arith.constant 16 : index
      %swap3A_260 = tpu.vector_load %arg11[%swap3A_258, %swap3A_259] {strides = array<i32>} : memref<640x32xf32, #tpu.memory_space<vmem>>, vector<1x16xf32>,
      %swap3A_261 = vector.shape_cast %swap3A_260 : vector<1x16xf32> to vector<16xf32>
      %swap3A_262 = vector.shape_cast %mul3A_257 : vector<16xf32> to vector<1x16xf32>
      tpu.vector_store %arg11[%swap3A_258, %swap3A_259], %swap3A_262 {strides = array<i32>} : memref<640x32xf32, #tpu.memory_space<vmem>>, vector<1x16xf32>,
      %get3A_263 = arith.index_cast %add3A_208 : i32 to index
      %get3A_264 = arith.constant 16 : index
      %get3A_265 = tpu.vector_load %arg10[%get3A_263, %get3A_264] {strides = array<i32>} : memref<640x32xf32, #tpu.memory_space<vmem>>, vector<1x16xf32>,
      %get3A_266 = vector.shape_cast %get3A_265 : vector<1x16xf32> to vector<16xf32>
      %mul3A_267 = arith.mulf %gather3A_41, %neg3A_250 : vector<16xf32>
      %add3A_268 = arith.addf %get3A_266, %mul3A_267 : vector<16xf32>
      %swap3A_269 = arith.index_cast %add3A_208 : i32 to index
      %swap3A_270 = arith.constant 16 : index
      %swap3A_271 = tpu.vector_load %arg10[%swap3A_269, %swap3A_270] {strides = array<i32>} : memref<640x32xf32, #tpu.memory_space<vmem>>, vector<1x16xf32>,
      %swap3A_272 = vector.shape_cast %swap3A_271 : vector<1x16xf32> to vector<16xf32>
      %swap3A_273 = vector.shape_cast %add3A_268 : vector<16xf32> to vector<1x16xf32>
      tpu.vector_store %arg10[%swap3A_269, %swap3A_270], %swap3A_273 {strides = array<i32>} : memref<640x32xf32, #tpu.memory_space<vmem>>, vector<1x16xf32>,
      %mul3A_274 = arith.constant 16 : i32
      %mul3A_275 = arith.muli %scan3A_63, %mul3A_274 : i32
      %add3A_276 = arith.constant 3 : i32
      %add3A_277 = arith.addi %mul3A_275, %add3A_276 : i32
      %slice3A_278 = vector.extract_strided_slice %get3A_68 {offsets = [3], sizes = [1], strides = [1]} : vector<16xf32> to vector<1xf32>
      %squeeze3A_279 = vector.extract %slice3A_278[0] : f32 from vector<1xf32>
      %broadcast_in_dim3A_280 = vector.broadcast %squeeze3A_279 : f32 to vector<16xf32>
      %get3A_281 = arith.index_cast %add3A_277 : i32 to index
      %get3A_282 = arith.constant 0 : index
      %get3A_283 = tpu.vector_load %arg11[%get3A_281, %get3A_282] {strides = array<i32>} : memref<640x32xf32, #tpu.memory_space<vmem>>, vector<1x16xf32>,
      %get3A_284 = vector.shape_cast %get3A_283 : vector<1x16xf32> to vector<16xf32>
      %mul3A_285 = arith.mulf %broadcast_in_dim3A_280, %get3A_284 : vector<16xf32>
      %neg3A_286 = arith.constant 0.000000e+00 : f32
      %neg3A_287 = vector.broadcast %neg3A_286 : f32 to vector<16xf32>
      %neg3A_288 = arith.subf %neg3A_287, %mul3A_285 : vector<16xf32>
      %swap3A_289 = arith.index_cast %rem3A_43 : i32 to index
      %swap3A_290 = arith.index_cast %add3A_277 : i32 to index
      %swap3A_291 = arith.constant 0 : index
      %swap3A_292 = tpu.vector_load %arg9[%swap3A_289, %swap3A_290, %swap3A_291] {strides = array<i32>} : memref<2x640x32xf32, #tpu.memory_space<vmem>>, vector<1x1x16xf32>,
      %swap3A_293 = vector.shape_cast %swap3A_292 : vector<1x1x16xf32> to vector<16xf32>
      %swap3A_294 = vector.shape_cast %neg3A_288 : vector<16xf32> to vector<1x1x16xf32>
      tpu.vector_store %arg9[%swap3A_289, %swap3A_290, %swap3A_291], %swap3A_294 {strides = array<i32>} : memref<2x640x32xf32, #tpu.memory_space<vmem>>, vector<1x1x16xf32>,
      %mul3A_295 = arith.mulf %broadcast_in_dim3A_280, %neg3A_288 : vector<16xf32>
      %swap3A_296 = arith.index_cast %add3A_277 : i32 to index
      %swap3A_297 = arith.constant 0 : index
      %swap3A_298 = tpu.vector_load %arg11[%swap3A_296, %swap3A_297] {strides = array<i32>} : memref<640x32xf32, #tpu.memory_space<vmem>>, vector<1x16xf32>,
      %swap3A_299 = vector.shape_cast %swap3A_298 : vector<1x16xf32> to vector<16xf32>
      %swap3A_300 = vector.shape_cast %mul3A_295 : vector<16xf32> to vector<1x16xf32>
      tpu.vector_store %arg11[%swap3A_296, %swap3A_297], %swap3A_300 {strides = array<i32>} : memref<640x32xf32, #tpu.memory_space<vmem>>, vector<1x16xf32>,
      %get3A_301 = arith.index_cast %add3A_277 : i32 to index
      %get3A_302 = arith.constant 0 : index
      %get3A_303 = tpu.vector_load %arg10[%get3A_301, %get3A_302] {strides = array<i32>} : memref<640x32xf32, #tpu.memory_space<vmem>>, vector<1x16xf32>,
      %get3A_304 = vector.shape_cast %get3A_303 : vector<1x16xf32> to vector<16xf32>
      %mul3A_305 = arith.mulf %gather3A_41, %neg3A_288 : vector<16xf32>
      %add3A_306 = arith.addf %get3A_304, %mul3A_305 : vector<16xf32>
      %swap3A_307 = arith.index_cast %add3A_277 : i32 to index
      %swap3A_308 = arith.constant 0 : index
      %swap3A_309 = tpu.vector_load %arg10[%swap3A_307, %swap3A_308] {strides = array<i32>} : memref<640x32xf32, #tpu.memory_space<vmem>>, vector<1x16xf32>,
      %swap3A_310 = vector.shape_cast %swap3A_309 : vector<1x16xf32> to vector<16xf32>
      %swap3A_311 = vector.shape_cast %add3A_306 : vector<16xf32> to vector<1x16xf32>
      tpu.vector_store %arg10[%swap3A_307, %swap3A_308], %swap3A_311 {strides = array<i32>} : memref<640x32xf32, #tpu.memory_space<vmem>>, vector<1x16xf32>,
      %get3A_312 = arith.index_cast %add3A_277 : i32 to index
      %get3A_313 = arith.constant 16 : index
      %get3A_314 = tpu.vector_load %arg11[%get3A_312, %get3A_313] {strides = array<i32>} : memref<640x32xf32, #tpu.memory_space<vmem>>, vector<1x16xf32>,
      %get3A_315 = vector.shape_cast %get3A_314 : vector<1x16xf32> to vector<16xf32>
      %mul3A_316 = arith.mulf %broadcast_in_dim3A_280, %get3A_315 : vector<16xf32>
      %neg3A_317 = arith.constant 0.000000e+00 : f32
      %neg3A_318 = vector.broadcast %neg3A_317 : f32 to vector<16xf32>
      %neg3A_319 = arith.subf %neg3A_318, %mul3A_316 : vector<16xf32>
      %swap3A_320 = arith.index_cast %rem3A_43 : i32 to index
      %swap3A_321 = arith.index_cast %add3A_277 : i32 to index
      %swap3A_322 = arith.constant 16 : index
      %swap3A_323 = tpu.vector_load %arg9[%swap3A_320, %swap3A_321, %swap3A_322] {strides = array<i32>} : memref<2x640x32xf32, #tpu.memory_space<vmem>>, vector<1x1x16xf32>,
      %swap3A_324 = vector.shape_cast %swap3A_323 : vector<1x1x16xf32> to vector<16xf32>
      %swap3A_325 = vector.shape_cast %neg3A_319 : vector<16xf32> to vector<1x1x16xf32>
      tpu.vector_store %arg9[%swap3A_320, %swap3A_321, %swap3A_322], %swap3A_325 {strides = array<i32>} : memref<2x640x32xf32, #tpu.memory_space<vmem>>, vector<1x1x16xf32>,
      %mul3A_326 = arith.mulf %broadcast_in_dim3A_280, %neg3A_319 : vector<16xf32>
      %swap3A_327 = arith.index_cast %add3A_277 : i32 to index
      %swap3A_328 = arith.constant 16 : index
      %swap3A_329 = tpu.vector_load %arg11[%swap3A_327, %swap3A_328] {strides = array<i32>} : memref<640x32xf32, #tpu.memory_space<vmem>>, vector<1x16xf32>,
      %swap3A_330 = vector.shape_cast %swap3A_329 : vector<1x16xf32> to vector<16xf32>
      %swap3A_331 = vector.shape_cast %mul3A_326 : vector<16xf32> to vector<1x16xf32>
      tpu.vector_store %arg11[%swap3A_327, %swap3A_328], %swap3A_331 {strides = array<i32>} : memref<640x32xf32, #tpu.memory_space<vmem>>, vector<1x16xf32>,
      %get3A_332 = arith.index_cast %add3A_277 : i32 to index
      %get3A_333 = arith.constant 16 : index
      %get3A_334 = tpu.vector_load %arg10[%get3A_332, %get3A_333] {strides = array<i32>} : memref<640x32xf32, #tpu.memory_space<vmem>>, vector<1x16xf32>,
      %get3A_335 = vector.shape_cast %get3A_334 : vector<1x16xf32> to vector<16xf32>
      %mul3A_336 = arith.mulf %gather3A_41, %neg3A_319 : vector<16xf32>
      %add3A_337 = arith.addf %get3A_335, %mul3A_336 : vector<16xf32>
      %swap3A_338 = arith.index_cast %add3A_277 : i32 to index
      %swap3A_339 = arith.constant 16 : index
      %swap3A_340 = tpu.vector_load %arg10[%swap3A_338, %swap3A_339] {strides = array<i32>} : memref<640x32xf32, #tpu.memory_space<vmem>>, vector<1x16xf32>,
      %swap3A_341 = vector.shape_cast %swap3A_340 : vector<1x16xf32> to vector<16xf32>
      %swap3A_342 = vector.shape_cast %add3A_337 : vector<16xf32> to vector<1x16xf32>
      tpu.vector_store %arg10[%swap3A_338, %swap3A_339], %swap3A_342 {strides = array<i32>} : memref<640x32xf32, #tpu.memory_space<vmem>>, vector<1x16xf32>,
      %mul3A_343 = arith.constant 16 : i32
      %mul3A_344 = arith.muli %scan3A_63, %mul3A_343 : i32
      %add3A_345 = arith.constant 4 : i32
      %add3A_346 = arith.addi %mul3A_344, %add3A_345 : i32
      %slice3A_347 = vector.extract_strided_slice %get3A_68 {offsets = [4], sizes = [1], strides = [1]} : vector<16xf32> to vector<1xf32>
      %squeeze3A_348 = vector.extract %slice3A_347[0] : f32 from vector<1xf32>
      %broadcast_in_dim3A_349 = vector.broadcast %squeeze3A_348 : f32 to vector<16xf32>
      %get3A_350 = arith.index_cast %add3A_346 : i32 to index
      %get3A_351 = arith.constant 0 : index
      %get3A_352 = tpu.vector_load %arg11[%get3A_350, %get3A_351] {strides = array<i32>} : memref<640x32xf32, #tpu.memory_space<vmem>>, vector<1x16xf32>,
      %get3A_353 = vector.shape_cast %get3A_352 : vector<1x16xf32> to vector<16xf32>
      %mul3A_354 = arith.mulf %broadcast_in_dim3A_349, %get3A_353 : vector<16xf32>
      %neg3A_355 = arith.constant 0.000000e+00 : f32
      %neg3A_356 = vector.broadcast %neg3A_355 : f32 to vector<16xf32>
      %neg3A_357 = arith.subf %neg3A_356, %mul3A_354 : vector<16xf32>
      %swap3A_358 = arith.index_cast %rem3A_43 : i32 to index
      %swap3A_359 = arith.index_cast %add3A_346 : i32 to index
      %swap3A_360 = arith.constant 0 : index
      %swap3A_361 = tpu.vector_load %arg9[%swap3A_358, %swap3A_359, %swap3A_360] {strides = array<i32>} : memref<2x640x32xf32, #tpu.memory_space<vmem>>, vector<1x1x16xf32>,
      %swap3A_362 = vector.shape_cast %swap3A_361 : vector<1x1x16xf32> to vector<16xf32>
      %swap3A_363 = vector.shape_cast %neg3A_357 : vector<16xf32> to vector<1x1x16xf32>
      tpu.vector_store %arg9[%swap3A_358, %swap3A_359, %swap3A_360], %swap3A_363 {strides = array<i32>} : memref<2x640x32xf32, #tpu.memory_space<vmem>>, vector<1x1x16xf32>,
      %mul3A_364 = arith.mulf %broadcast_in_dim3A_349, %neg3A_357 : vector<16xf32>
      %swap3A_365 = arith.index_cast %add3A_346 : i32 to index
      %swap3A_366 = arith.constant 0 : index
      %swap3A_367 = tpu.vector_load %arg11[%swap3A_365, %swap3A_366] {strides = array<i32>} : memref<640x32xf32, #tpu.memory_space<vmem>>, vector<1x16xf32>,
      %swap3A_368 = vector.shape_cast %swap3A_367 : vector<1x16xf32> to vector<16xf32>
      %swap3A_369 = vector.shape_cast %mul3A_364 : vector<16xf32> to vector<1x16xf32>
      tpu.vector_store %arg11[%swap3A_365, %swap3A_366], %swap3A_369 {strides = array<i32>} : memref<640x32xf32, #tpu.memory_space<vmem>>, vector<1x16xf32>,
      %get3A_370 = arith.index_cast %add3A_346 : i32 to index
      %get3A_371 = arith.constant 0 : index
      %get3A_372 = tpu.vector_load %arg10[%get3A_370, %get3A_371] {strides = array<i32>} : memref<640x32xf32, #tpu.memory_space<vmem>>, vector<1x16xf32>,
      %get3A_373 = vector.shape_cast %get3A_372 : vector<1x16xf32> to vector<16xf32>
      %mul3A_374 = arith.mulf %gather3A_41, %neg3A_357 : vector<16xf32>
      %add3A_375 = arith.addf %get3A_373, %mul3A_374 : vector<16xf32>
      %swap3A_376 = arith.index_cast %add3A_346 : i32 to index
      %swap3A_377 = arith.constant 0 : index
      %swap3A_378 = tpu.vector_load %arg10[%swap3A_376, %swap3A_377] {strides = array<i32>} : memref<640x32xf32, #tpu.memory_space<vmem>>, vector<1x16xf32>,
      %swap3A_379 = vector.shape_cast %swap3A_378 : vector<1x16xf32> to vector<16xf32>
      %swap3A_380 = vector.shape_cast %add3A_375 : vector<16xf32> to vector<1x16xf32>
      tpu.vector_store %arg10[%swap3A_376, %swap3A_377], %swap3A_380 {strides = array<i32>} : memref<640x32xf32, #tpu.memory_space<vmem>>, vector<1x16xf32>,
      %get3A_381 = arith.index_cast %add3A_346 : i32 to index
      %get3A_382 = arith.constant 16 : index
      %get3A_383 = tpu.vector_load %arg11[%get3A_381, %get3A_382] {strides = array<i32>} : memref<640x32xf32, #tpu.memory_space<vmem>>, vector<1x16xf32>,
      %get3A_384 = vector.shape_cast %get3A_383 : vector<1x16xf32> to vector<16xf32>
      %mul3A_385 = arith.mulf %broadcast_in_dim3A_349, %get3A_384 : vector<16xf32>
      %neg3A_386 = arith.constant 0.000000e+00 : f32
      %neg3A_387 = vector.broadcast %neg3A_386 : f32 to vector<16xf32>
      %neg3A_388 = arith.subf %neg3A_387, %mul3A_385 : vector<16xf32>
      %swap3A_389 = arith.index_cast %rem3A_43 : i32 to index
      %swap3A_390 = arith.index_cast %add3A_346 : i32 to index
      %swap3A_391 = arith.constant 16 : index
      %swap3A_392 = tpu.vector_load %arg9[%swap3A_389, %swap3A_390, %swap3A_391] {strides = array<i32>} : memref<2x640x32xf32, #tpu.memory_space<vmem>>, vector<1x1x16xf32>,
      %swap3A_393 = vector.shape_cast %swap3A_392 : vector<1x1x16xf32> to vector<16xf32>
      %swap3A_394 = vector.shape_cast %neg3A_388 : vector<16xf32> to vector<1x1x16xf32>
      tpu.vector_store %arg9[%swap3A_389, %swap3A_390, %swap3A_391], %swap3A_394 {strides = array<i32>} : memref<2x640x32xf32, #tpu.memory_space<vmem>>, vector<1x1x16xf32>,
      %mul3A_395 = arith.mulf %broadcast_in_dim3A_349, %neg3A_388 : vector<16xf32>
      %swap3A_396 = arith.index_cast %add3A_346 : i32 to index
      %swap3A_397 = arith.constant 16 : index
      %swap3A_398 = tpu.vector_load %arg11[%swap3A_396, %swap3A_397] {strides = array<i32>} : memref<640x32xf32, #tpu.memory_space<vmem>>, vector<1x16xf32>,
      %swap3A_399 = vector.shape_cast %swap3A_398 : vector<1x16xf32> to vector<16xf32>
      %swap3A_400 = vector.shape_cast %mul3A_395 : vector<16xf32> to vector<1x16xf32>
      tpu.vector_store %arg11[%swap3A_396, %swap3A_397], %swap3A_400 {strides = array<i32>} : memref<640x32xf32, #tpu.memory_space<vmem>>, vector<1x16xf32>,
      %get3A_401 = arith.index_cast %add3A_346 : i32 to index
      %get3A_402 = arith.constant 16 : index
      %get3A_403 = tpu.vector_load %arg10[%get3A_401, %get3A_402] {strides = array<i32>} : memref<640x32xf32, #tpu.memory_space<vmem>>, vector<1x16xf32>,
      %get3A_404 = vector.shape_cast %get3A_403 : vector<1x16xf32> to vector<16xf32>
      %mul3A_405 = arith.mulf %gather3A_41, %neg3A_388 : vector<16xf32>
      %add3A_406 = arith.addf %get3A_404, %mul3A_405 : vector<16xf32>
      %swap3A_407 = arith.index_cast %add3A_346 : i32 to index
      %swap3A_408 = arith.constant 16 : index
      %swap3A_409 = tpu.vector_load %arg10[%swap3A_407, %swap3A_408] {strides = array<i32>} : memref<640x32xf32, #tpu.memory_space<vmem>>, vector<1x16xf32>,
      %swap3A_410 = vector.shape_cast %swap3A_409 : vector<1x16xf32> to vector<16xf32>
      %swap3A_411 = vector.shape_cast %add3A_406 : vector<16xf32> to vector<1x16xf32>
      tpu.vector_store %arg10[%swap3A_407, %swap3A_408], %swap3A_411 {strides = array<i32>} : memref<640x32xf32, #tpu.memory_space<vmem>>, vector<1x16xf32>,
      %mul3A_412 = arith.constant 16 : i32
      %mul3A_413 = arith.muli %scan3A_63, %mul3A_412 : i32
      %add3A_414 = arith.constant 5 : i32
      %add3A_415 = arith.addi %mul3A_413, %add3A_414 : i32
      %slice3A_416 = vector.extract_strided_slice %get3A_68 {offsets = [5], sizes = [1], strides = [1]} : vector<16xf32> to vector<1xf32>
      %squeeze3A_417 = vector.extract %slice3A_416[0] : f32 from vector<1xf32>
      %broadcast_in_dim3A_418 = vector.broadcast %squeeze3A_417 : f32 to vector<16xf32>
      %get3A_419 = arith.index_cast %add3A_415 : i32 to index
      %get3A_420 = arith.constant 0 : index
      %get3A_421 = tpu.vector_load %arg11[%get3A_419, %get3A_420] {strides = array<i32>} : memref<640x32xf32, #tpu.memory_space<vmem>>, vector<1x16xf32>,
      %get3A_422 = vector.shape_cast %get3A_421 : vector<1x16xf32> to vector<16xf32>
      %mul3A_423 = arith.mulf %broadcast_in_dim3A_418, %get3A_422 : vector<16xf32>
      %neg3A_424 = arith.constant 0.000000e+00 : f32
      %neg3A_425 = vector.broadcast %neg3A_424 : f32 to vector<16xf32>
      %neg3A_426 = arith.subf %neg3A_425, %mul3A_423 : vector<16xf32>
      %swap3A_427 = arith.index_cast %rem3A_43 : i32 to index
      %swap3A_428 = arith.index_cast %add3A_415 : i32 to index
      %swap3A_429 = arith.constant 0 : index
      %swap3A_430 = tpu.vector_load %arg9[%swap3A_427, %swap3A_428, %swap3A_429] {strides = array<i32>} : memref<2x640x32xf32, #tpu.memory_space<vmem>>, vector<1x1x16xf32>,
      %swap3A_431 = vector.shape_cast %swap3A_430 : vector<1x1x16xf32> to vector<16xf32>
      %swap3A_432 = vector.shape_cast %neg3A_426 : vector<16xf32> to vector<1x1x16xf32>
      tpu.vector_store %arg9[%swap3A_427, %swap3A_428, %swap3A_429], %swap3A_432 {strides = array<i32>} : memref<2x640x32xf32, #tpu.memory_space<vmem>>, vector<1x1x16xf32>,
      %mul3A_433 = arith.mulf %broadcast_in_dim3A_418, %neg3A_426 : vector<16xf32>
      %swap3A_434 = arith.index_cast %add3A_415 : i32 to index
      %swap3A_435 = arith.constant 0 : index
      %swap3A_436 = tpu.vector_load %arg11[%swap3A_434, %swap3A_435] {strides = array<i32>} : memref<640x32xf32, #tpu.memory_space<vmem>>, vector<1x16xf32>,
      %swap3A_437 = vector.shape_cast %swap3A_436 : vector<1x16xf32> to vector<16xf32>
      %swap3A_438 = vector.shape_cast %mul3A_433 : vector<16xf32> to vector<1x16xf32>
      tpu.vector_store %arg11[%swap3A_434, %swap3A_435], %swap3A_438 {strides = array<i32>} : memref<640x32xf32, #tpu.memory_space<vmem>>, vector<1x16xf32>,
      %get3A_439 = arith.index_cast %add3A_415 : i32 to index
      %get3A_440 = arith.constant 0 : index
      %get3A_441 = tpu.vector_load %arg10[%get3A_439, %get3A_440] {strides = array<i32>} : memref<640x32xf32, #tpu.memory_space<vmem>>, vector<1x16xf32>,
      %get3A_442 = vector.shape_cast %get3A_441 : vector<1x16xf32> to vector<16xf32>
      %mul3A_443 = arith.mulf %gather3A_41, %neg3A_426 : vector<16xf32>
      %add3A_444 = arith.addf %get3A_442, %mul3A_443 : vector<16xf32>
      %swap3A_445 = arith.index_cast %add3A_415 : i32 to index
      %swap3A_446 = arith.constant 0 : index
      %swap3A_447 = tpu.vector_load %arg10[%swap3A_445, %swap3A_446] {strides = array<i32>} : memref<640x32xf32, #tpu.memory_space<vmem>>, vector<1x16xf32>,
      %swap3A_448 = vector.shape_cast %swap3A_447 : vector<1x16xf32> to vector<16xf32>
      %swap3A_449 = vector.shape_cast %add3A_444 : vector<16xf32> to vector<1x16xf32>
      tpu.vector_store %arg10[%swap3A_445, %swap3A_446], %swap3A_449 {strides = array<i32>} : memref<640x32xf32, #tpu.memory_space<vmem>>, vector<1x16xf32>,
      %get3A_450 = arith.index_cast %add3A_415 : i32 to index
      %get3A_451 = arith.constant 16 : index
      %get3A_452 = tpu.vector_load %arg11[%get3A_450, %get3A_451] {strides = array<i32>} : memref<640x32xf32, #tpu.memory_space<vmem>>, vector<1x16xf32>,
      %get3A_453 = vector.shape_cast %get3A_452 : vector<1x16xf32> to vector<16xf32>
      %mul3A_454 = arith.mulf %broadcast_in_dim3A_418, %get3A_453 : vector<16xf32>
      %neg3A_455 = arith.constant 0.000000e+00 : f32
      %neg3A_456 = vector.broadcast %neg3A_455 : f32 to vector<16xf32>
      %neg3A_457 = arith.subf %neg3A_456, %mul3A_454 : vector<16xf32>
      %swap3A_458 = arith.index_cast %rem3A_43 : i32 to index
      %swap3A_459 = arith.index_cast %add3A_415 : i32 to index
      %swap3A_460 = arith.constant 16 : index
      %swap3A_461 = tpu.vector_load %arg9[%swap3A_458, %swap3A_459, %swap3A_460] {strides = array<i32>} : memref<2x640x32xf32, #tpu.memory_space<vmem>>, vector<1x1x16xf32>,
      %swap3A_462 = vector.shape_cast %swap3A_461 : vector<1x1x16xf32> to vector<16xf32>
      %swap3A_463 = vector.shape_cast %neg3A_457 : vector<16xf32> to vector<1x1x16xf32>
      tpu.vector_store %arg9[%swap3A_458, %swap3A_459, %swap3A_460], %swap3A_463 {strides = array<i32>} : memref<2x640x32xf32, #tpu.memory_space<vmem>>, vector<1x1x16xf32>,
      %mul3A_464 = arith.mulf %broadcast_in_dim3A_418, %neg3A_457 : vector<16xf32>
      %swap3A_465 = arith.index_cast %add3A_415 : i32 to index
      %swap3A_466 = arith.constant 16 : index
      %swap3A_467 = tpu.vector_load %arg11[%swap3A_465, %swap3A_466] {strides = array<i32>} : memref<640x32xf32, #tpu.memory_space<vmem>>, vector<1x16xf32>,
      %swap3A_468 = vector.shape_cast %swap3A_467 : vector<1x16xf32> to vector<16xf32>
      %swap3A_469 = vector.shape_cast %mul3A_464 : vector<16xf32> to vector<1x16xf32>
      tpu.vector_store %arg11[%swap3A_465, %swap3A_466], %swap3A_469 {strides = array<i32>} : memref<640x32xf32, #tpu.memory_space<vmem>>, vector<1x16xf32>,
      %get3A_470 = arith.index_cast %add3A_415 : i32 to index
      %get3A_471 = arith.constant 16 : index
      %get3A_472 = tpu.vector_load %arg10[%get3A_470, %get3A_471] {strides = array<i32>} : memref<640x32xf32, #tpu.memory_space<vmem>>, vector<1x16xf32>,
      %get3A_473 = vector.shape_cast %get3A_472 : vector<1x16xf32> to vector<16xf32>
      %mul3A_474 = arith.mulf %gather3A_41, %neg3A_457 : vector<16xf32>
      %add3A_475 = arith.addf %get3A_473, %mul3A_474 : vector<16xf32>
      %swap3A_476 = arith.index_cast %add3A_415 : i32 to index
      %swap3A_477 = arith.constant 16 : index
      %swap3A_478 = tpu.vector_load %arg10[%swap3A_476, %swap3A_477] {strides = array<i32>} : memref<640x32xf32, #tpu.memory_space<vmem>>, vector<1x16xf32>,
      %swap3A_479 = vector.shape_cast %swap3A_478 : vector<1x16xf32> to vector<16xf32>
      %swap3A_480 = vector.shape_cast %add3A_475 : vector<16xf32> to vector<1x16xf32>
      tpu.vector_store %arg10[%swap3A_476, %swap3A_477], %swap3A_480 {strides = array<i32>} : memref<640x32xf32, #tpu.memory_space<vmem>>, vector<1x16xf32>,
      %mul3A_481 = arith.constant 16 : i32
      %mul3A_482 = arith.muli %scan3A_63, %mul3A_481 : i32
      %add3A_483 = arith.constant 6 : i32
      %add3A_484 = arith.addi %mul3A_482, %add3A_483 : i32
      %slice3A_485 = vector.extract_strided_slice %get3A_68 {offsets = [6], sizes = [1], strides = [1]} : vector<16xf32> to vector<1xf32>
      %squeeze3A_486 = vector.extract %slice3A_485[0] : f32 from vector<1xf32>
      %broadcast_in_dim3A_487 = vector.broadcast %squeeze3A_486 : f32 to vector<16xf32>
      %get3A_488 = arith.index_cast %add3A_484 : i32 to index
      %get3A_489 = arith.constant 0 : index
      %get3A_490 = tpu.vector_load %arg11[%get3A_488, %get3A_489] {strides = array<i32>} : memref<640x32xf32, #tpu.memory_space<vmem>>, vector<1x16xf32>,
      %get3A_491 = vector.shape_cast %get3A_490 : vector<1x16xf32> to vector<16xf32>
      %mul3A_492 = arith.mulf %broadcast_in_dim3A_487, %get3A_491 : vector<16xf32>
      %neg3A_493 = arith.constant 0.000000e+00 : f32
      %neg3A_494 = vector.broadcast %neg3A_493 : f32 to vector<16xf32>
      %neg3A_495 = arith.subf %neg3A_494, %mul3A_492 : vector<16xf32>
      %swap3A_496 = arith.index_cast %rem3A_43 : i32 to index
      %swap3A_497 = arith.index_cast %add3A_484 : i32 to index
      %swap3A_498 = arith.constant 0 : index
      %swap3A_499 = tpu.vector_load %arg9[%swap3A_496, %swap3A_497, %swap3A_498] {strides = array<i32>} : memref<2x640x32xf32, #tpu.memory_space<vmem>>, vector<1x1x16xf32>,
      %swap3A_500 = vector.shape_cast %swap3A_499 : vector<1x1x16xf32> to vector<16xf32>
      %swap3A_501 = vector.shape_cast %neg3A_495 : vector<16xf32> to vector<1x1x16xf32>
      tpu.vector_store %arg9[%swap3A_496, %swap3A_497, %swap3A_498], %swap3A_501 {strides = array<i32>} : memref<2x640x32xf32, #tpu.memory_space<vmem>>, vector<1x1x16xf32>,
      %mul3A_502 = arith.mulf %broadcast_in_dim3A_487, %neg3A_495 : vector<16xf32>
      %swap3A_503 = arith.index_cast %add3A_484 : i32 to index
      %swap3A_504 = arith.constant 0 : index
      %swap3A_505 = tpu.vector_load %arg11[%swap3A_503, %swap3A_504] {strides = array<i32>} : memref<640x32xf32, #tpu.memory_space<vmem>>, vector<1x16xf32>,
      %swap3A_506 = vector.shape_cast %swap3A_505 : vector<1x16xf32> to vector<16xf32>
      %swap3A_507 = vector.shape_cast %mul3A_502 : vector<16xf32> to vector<1x16xf32>
      tpu.vector_store %arg11[%swap3A_503, %swap3A_504], %swap3A_507 {strides = array<i32>} : memref<640x32xf32, #tpu.memory_space<vmem>>, vector<1x16xf32>,
      %get3A_508 = arith.index_cast %add3A_484 : i32 to index
      %get3A_509 = arith.constant 0 : index
      %get3A_510 = tpu.vector_load %arg10[%get3A_508, %get3A_509] {strides = array<i32>} : memref<640x32xf32, #tpu.memory_space<vmem>>, vector<1x16xf32>,
      %get3A_511 = vector.shape_cast %get3A_510 : vector<1x16xf32> to vector<16xf32>
      %mul3A_512 = arith.mulf %gather3A_41, %neg3A_495 : vector<16xf32>
      %add3A_513 = arith.addf %get3A_511, %mul3A_512 : vector<16xf32>
      %swap3A_514 = arith.index_cast %add3A_484 : i32 to index
      %swap3A_515 = arith.constant 0 : index
      %swap3A_516 = tpu.vector_load %arg10[%swap3A_514, %swap3A_515] {strides = array<i32>} : memref<640x32xf32, #tpu.memory_space<vmem>>, vector<1x16xf32>,
      %swap3A_517 = vector.shape_cast %swap3A_516 : vector<1x16xf32> to vector<16xf32>
      %swap3A_518 = vector.shape_cast %add3A_513 : vector<16xf32> to vector<1x16xf32>
      tpu.vector_store %arg10[%swap3A_514, %swap3A_515], %swap3A_518 {strides = array<i32>} : memref<640x32xf32, #tpu.memory_space<vmem>>, vector<1x16xf32>,
      %get3A_519 = arith.index_cast %add3A_484 : i32 to index
      %get3A_520 = arith.constant 16 : index
      %get3A_521 = tpu.vector_load %arg11[%get3A_519, %get3A_520] {strides = array<i32>} : memref<640x32xf32, #tpu.memory_space<vmem>>, vector<1x16xf32>,
      %get3A_522 = vector.shape_cast %get3A_521 : vector<1x16xf32> to vector<16xf32>
      %mul3A_523 = arith.mulf %broadcast_in_dim3A_487, %get3A_522 : vector<16xf32>
      %neg3A_524 = arith.constant 0.000000e+00 : f32
      %neg3A_525 = vector.broadcast %neg3A_524 : f32 to vector<16xf32>
      %neg3A_526 = arith.subf %neg3A_525, %mul3A_523 : vector<16xf32>
      %swap3A_527 = arith.index_cast %rem3A_43 : i32 to index
      %swap3A_528 = arith.index_cast %add3A_484 : i32 to index
      %swap3A_529 = arith.constant 16 : index
      %swap3A_530 = tpu.vector_load %arg9[%swap3A_527, %swap3A_528, %swap3A_529] {strides = array<i32>} : memref<2x640x32xf32, #tpu.memory_space<vmem>>, vector<1x1x16xf32>,
      %swap3A_531 = vector.shape_cast %swap3A_530 : vector<1x1x16xf32> to vector<16xf32>
      %swap3A_532 = vector.shape_cast %neg3A_526 : vector<16xf32> to vector<1x1x16xf32>
      tpu.vector_store %arg9[%swap3A_527, %swap3A_528, %swap3A_529], %swap3A_532 {strides = array<i32>} : memref<2x640x32xf32, #tpu.memory_space<vmem>>, vector<1x1x16xf32>,
      %mul3A_533 = arith.mulf %broadcast_in_dim3A_487, %neg3A_526 : vector<16xf32>
      %swap3A_534 = arith.index_cast %add3A_484 : i32 to index
      %swap3A_535 = arith.constant 16 : index
      %swap3A_536 = tpu.vector_load %arg11[%swap3A_534, %swap3A_535] {strides = array<i32>} : memref<640x32xf32, #tpu.memory_space<vmem>>, vector<1x16xf32>,
      %swap3A_537 = vector.shape_cast %swap3A_536 : vector<1x16xf32> to vector<16xf32>
      %swap3A_538 = vector.shape_cast %mul3A_533 : vector<16xf32> to vector<1x16xf32>
      tpu.vector_store %arg11[%swap3A_534, %swap3A_535], %swap3A_538 {strides = array<i32>} : memref<640x32xf32, #tpu.memory_space<vmem>>, vector<1x16xf32>,
      %get3A_539 = arith.index_cast %add3A_484 : i32 to index
      %get3A_540 = arith.constant 16 : index
      %get3A_541 = tpu.vector_load %arg10[%get3A_539, %get3A_540] {strides = array<i32>} : memref<640x32xf32, #tpu.memory_space<vmem>>, vector<1x16xf32>,
      %get3A_542 = vector.shape_cast %get3A_541 : vector<1x16xf32> to vector<16xf32>
      %mul3A_543 = arith.mulf %gather3A_41, %neg3A_526 : vector<16xf32>
      %add3A_544 = arith.addf %get3A_542, %mul3A_543 : vector<16xf32>
      %swap3A_545 = arith.index_cast %add3A_484 : i32 to index
      %swap3A_546 = arith.constant 16 : index
      %swap3A_547 = tpu.vector_load %arg10[%swap3A_545, %swap3A_546] {strides = array<i32>} : memref<640x32xf32, #tpu.memory_space<vmem>>, vector<1x16xf32>,
      %swap3A_548 = vector.shape_cast %swap3A_547 : vector<1x16xf32> to vector<16xf32>
      %swap3A_549 = vector.shape_cast %add3A_544 : vector<16xf32> to vector<1x16xf32>
      tpu.vector_store %arg10[%swap3A_545, %swap3A_546], %swap3A_549 {strides = array<i32>} : memref<640x32xf32, #tpu.memory_space<vmem>>, vector<1x16xf32>,
      %mul3A_550 = arith.constant 16 : i32
      %mul3A_551 = arith.muli %scan3A_63, %mul3A_550 : i32
      %add3A_552 = arith.constant 7 : i32
      %add3A_553 = arith.addi %mul3A_551, %add3A_552 : i32
      %slice3A_554 = vector.extract_strided_slice %get3A_68 {offsets = [7], sizes = [1], strides = [1]} : vector<16xf32> to vector<1xf32>
      %squeeze3A_555 = vector.extract %slice3A_554[0] : f32 from vector<1xf32>
      %broadcast_in_dim3A_556 = vector.broadcast %squeeze3A_555 : f32 to vector<16xf32>
      %get3A_557 = arith.index_cast %add3A_553 : i32 to index
      %get3A_558 = arith.constant 0 : index
      %get3A_559 = tpu.vector_load %arg11[%get3A_557, %get3A_558] {strides = array<i32>} : memref<640x32xf32, #tpu.memory_space<vmem>>, vector<1x16xf32>,
      %get3A_560 = vector.shape_cast %get3A_559 : vector<1x16xf32> to vector<16xf32>
      %mul3A_561 = arith.mulf %broadcast_in_dim3A_556, %get3A_560 : vector<16xf32>
      %neg3A_562 = arith.constant 0.000000e+00 : f32
      %neg3A_563 = vector.broadcast %neg3A_562 : f32 to vector<16xf32>
      %neg3A_564 = arith.subf %neg3A_563, %mul3A_561 : vector<16xf32>
      %swap3A_565 = arith.index_cast %rem3A_43 : i32 to index
      %swap3A_566 = arith.index_cast %add3A_553 : i32 to index
      %swap3A_567 = arith.constant 0 : index
      %swap3A_568 = tpu.vector_load %arg9[%swap3A_565, %swap3A_566, %swap3A_567] {strides = array<i32>} : memref<2x640x32xf32, #tpu.memory_space<vmem>>, vector<1x1x16xf32>,
      %swap3A_569 = vector.shape_cast %swap3A_568 : vector<1x1x16xf32> to vector<16xf32>
      %swap3A_570 = vector.shape_cast %neg3A_564 : vector<16xf32> to vector<1x1x16xf32>
      tpu.vector_store %arg9[%swap3A_565, %swap3A_566, %swap3A_567], %swap3A_570 {strides = array<i32>} : memref<2x640x32xf32, #tpu.memory_space<vmem>>, vector<1x1x16xf32>,
      %mul3A_571 = arith.mulf %broadcast_in_dim3A_556, %neg3A_564 : vector<16xf32>
      %swap3A_572 = arith.index_cast %add3A_553 : i32 to index
      %swap3A_573 = arith.constant 0 : index
      %swap3A_574 = tpu.vector_load %arg11[%swap3A_572, %swap3A_573] {strides = array<i32>} : memref<640x32xf32, #tpu.memory_space<vmem>>, vector<1x16xf32>,
      %swap3A_575 = vector.shape_cast %swap3A_574 : vector<1x16xf32> to vector<16xf32>
      %swap3A_576 = vector.shape_cast %mul3A_571 : vector<16xf32> to vector<1x16xf32>
      tpu.vector_store %arg11[%swap3A_572, %swap3A_573], %swap3A_576 {strides = array<i32>} : memref<640x32xf32, #tpu.memory_space<vmem>>, vector<1x16xf32>,
      %get3A_577 = arith.index_cast %add3A_553 : i32 to index
      %get3A_578 = arith.constant 0 : index
      %get3A_579 = tpu.vector_load %arg10[%get3A_577, %get3A_578] {strides = array<i32>} : memref<640x32xf32, #tpu.memory_space<vmem>>, vector<1x16xf32>,
      %get3A_580 = vector.shape_cast %get3A_579 : vector<1x16xf32> to vector<16xf32>
      %mul3A_581 = arith.mulf %gather3A_41, %neg3A_564 : vector<16xf32>
      %add3A_582 = arith.addf %get3A_580, %mul3A_581 : vector<16xf32>
      %swap3A_583 = arith.index_cast %add3A_553 : i32 to index
      %swap3A_584 = arith.constant 0 : index
      %swap3A_585 = tpu.vector_load %arg10[%swap3A_583, %swap3A_584] {strides = array<i32>} : memref<640x32xf32, #tpu.memory_space<vmem>>, vector<1x16xf32>,
      %swap3A_586 = vector.shape_cast %swap3A_585 : vector<1x16xf32> to vector<16xf32>
      %swap3A_587 = vector.shape_cast %add3A_582 : vector<16xf32> to vector<1x16xf32>
      tpu.vector_store %arg10[%swap3A_583, %swap3A_584], %swap3A_587 {strides = array<i32>} : memref<640x32xf32, #tpu.memory_space<vmem>>, vector<1x16xf32>,
      %get3A_588 = arith.index_cast %add3A_553 : i32 to index
      %get3A_589 = arith.constant 16 : index
      %get3A_590 = tpu.vector_load %arg11[%get3A_588, %get3A_589] {strides = array<i32>} : memref<640x32xf32, #tpu.memory_space<vmem>>, vector<1x16xf32>,
      %get3A_591 = vector.shape_cast %get3A_590 : vector<1x16xf32> to vector<16xf32>
      %mul3A_592 = arith.mulf %broadcast_in_dim3A_556, %get3A_591 : vector<16xf32>
      %neg3A_593 = arith.constant 0.000000e+00 : f32
      %neg3A_594 = vector.broadcast %neg3A_593 : f32 to vector<16xf32>
      %neg3A_595 = arith.subf %neg3A_594, %mul3A_592 : vector<16xf32>
      %swap3A_596 = arith.index_cast %rem3A_43 : i32 to index
      %swap3A_597 = arith.index_cast %add3A_553 : i32 to index
      %swap3A_598 = arith.constant 16 : index
      %swap3A_599 = tpu.vector_load %arg9[%swap3A_596, %swap3A_597, %swap3A_598] {strides = array<i32>} : memref<2x640x32xf32, #tpu.memory_space<vmem>>, vector<1x1x16xf32>,
      %swap3A_600 = vector.shape_cast %swap3A_599 : vector<1x1x16xf32> to vector<16xf32>
      %swap3A_601 = vector.shape_cast %neg3A_595 : vector<16xf32> to vector<1x1x16xf32>
      tpu.vector_store %arg9[%swap3A_596, %swap3A_597, %swap3A_598], %swap3A_601 {strides = array<i32>} : memref<2x640x32xf32, #tpu.memory_space<vmem>>, vector<1x1x16xf32>,
      %mul3A_602 = arith.mulf %broadcast_in_dim3A_556, %neg3A_595 : vector<16xf32>
      %swap3A_603 = arith.index_cast %add3A_553 : i32 to index
      %swap3A_604 = arith.constant 16 : index
      %swap3A_605 = tpu.vector_load %arg11[%swap3A_603, %swap3A_604] {strides = array<i32>} : memref<640x32xf32, #tpu.memory_space<vmem>>, vector<1x16xf32>,
      %swap3A_606 = vector.shape_cast %swap3A_605 : vector<1x16xf32> to vector<16xf32>
      %swap3A_607 = vector.shape_cast %mul3A_602 : vector<16xf32> to vector<1x16xf32>
      tpu.vector_store %arg11[%swap3A_603, %swap3A_604], %swap3A_607 {strides = array<i32>} : memref<640x32xf32, #tpu.memory_space<vmem>>, vector<1x16xf32>,
      %get3A_608 = arith.index_cast %add3A_553 : i32 to index
      %get3A_609 = arith.constant 16 : index
      %get3A_610 = tpu.vector_load %arg10[%get3A_608, %get3A_609] {strides = array<i32>} : memref<640x32xf32, #tpu.memory_space<vmem>>, vector<1x16xf32>,
      %get3A_611 = vector.shape_cast %get3A_610 : vector<1x16xf32> to vector<16xf32>
      %mul3A_612 = arith.mulf %gather3A_41, %neg3A_595 : vector<16xf32>
      %add3A_613 = arith.addf %get3A_611, %mul3A_612 : vector<16xf32>
      %swap3A_614 = arith.index_cast %add3A_553 : i32 to index
      %swap3A_615 = arith.constant 16 : index
      %swap3A_616 = tpu.vector_load %arg10[%swap3A_614, %swap3A_615] {strides = array<i32>} : memref<640x32xf32, #tpu.memory_space<vmem>>, vector<1x16xf32>,
      %swap3A_617 = vector.shape_cast %swap3A_616 : vector<1x16xf32> to vector<16xf32>
      %swap3A_618 = vector.shape_cast %add3A_613 : vector<16xf32> to vector<1x16xf32>
      tpu.vector_store %arg10[%swap3A_614, %swap3A_615], %swap3A_618 {strides = array<i32>} : memref<640x32xf32, #tpu.memory_space<vmem>>, vector<1x16xf32>,
      %mul3A_619 = arith.constant 16 : i32
      %mul3A_620 = arith.muli %scan3A_63, %mul3A_619 : i32
      %add3A_621 = arith.constant 8 : i32
      %add3A_622 = arith.addi %mul3A_620, %add3A_621 : i32
      %slice3A_623 = vector.extract_strided_slice %get3A_68 {offsets = [8], sizes = [1], strides = [1]} : vector<16xf32> to vector<1xf32>
      %squeeze3A_624 = vector.extract %slice3A_623[0] : f32 from vector<1xf32>
      %broadcast_in_dim3A_625 = vector.broadcast %squeeze3A_624 : f32 to vector<16xf32>
      %get3A_626 = arith.index_cast %add3A_622 : i32 to index
      %get3A_627 = arith.constant 0 : index
      %get3A_628 = tpu.vector_load %arg11[%get3A_626, %get3A_627] {strides = array<i32>} : memref<640x32xf32, #tpu.memory_space<vmem>>, vector<1x16xf32>,
      %get3A_629 = vector.shape_cast %get3A_628 : vector<1x16xf32> to vector<16xf32>
      %mul3A_630 = arith.mulf %broadcast_in_dim3A_625, %get3A_629 : vector<16xf32>
      %neg3A_631 = arith.constant 0.000000e+00 : f32
      %neg3A_632 = vector.broadcast %neg3A_631 : f32 to vector<16xf32>
      %neg3A_633 = arith.subf %neg3A_632, %mul3A_630 : vector<16xf32>
      %swap3A_634 = arith.index_cast %rem3A_43 : i32 to index
      %swap3A_635 = arith.index_cast %add3A_622 : i32 to index
      %swap3A_636 = arith.constant 0 : index
      %swap3A_637 = tpu.vector_load %arg9[%swap3A_634, %swap3A_635, %swap3A_636] {strides = array<i32>} : memref<2x640x32xf32, #tpu.memory_space<vmem>>, vector<1x1x16xf32>,
      %swap3A_638 = vector.shape_cast %swap3A_637 : vector<1x1x16xf32> to vector<16xf32>
      %swap3A_639 = vector.shape_cast %neg3A_633 : vector<16xf32> to vector<1x1x16xf32>
      tpu.vector_store %arg9[%swap3A_634, %swap3A_635, %swap3A_636], %swap3A_639 {strides = array<i32>} : memref<2x640x32xf32, #tpu.memory_space<vmem>>, vector<1x1x16xf32>,
      %mul3A_640 = arith.mulf %broadcast_in_dim3A_625, %neg3A_633 : vector<16xf32>
      %swap3A_641 = arith.index_cast %add3A_622 : i32 to index
      %swap3A_642 = arith.constant 0 : index
      %swap3A_643 = tpu.vector_load %arg11[%swap3A_641, %swap3A_642] {strides = array<i32>} : memref<640x32xf32, #tpu.memory_space<vmem>>, vector<1x16xf32>,
      %swap3A_644 = vector.shape_cast %swap3A_643 : vector<1x16xf32> to vector<16xf32>
      %swap3A_645 = vector.shape_cast %mul3A_640 : vector<16xf32> to vector<1x16xf32>
      tpu.vector_store %arg11[%swap3A_641, %swap3A_642], %swap3A_645 {strides = array<i32>} : memref<640x32xf32, #tpu.memory_space<vmem>>, vector<1x16xf32>,
      %get3A_646 = arith.index_cast %add3A_622 : i32 to index
      %get3A_647 = arith.constant 0 : index
      %get3A_648 = tpu.vector_load %arg10[%get3A_646, %get3A_647] {strides = array<i32>} : memref<640x32xf32, #tpu.memory_space<vmem>>, vector<1x16xf32>,
      %get3A_649 = vector.shape_cast %get3A_648 : vector<1x16xf32> to vector<16xf32>
      %mul3A_650 = arith.mulf %gather3A_41, %neg3A_633 : vector<16xf32>
      %add3A_651 = arith.addf %get3A_649, %mul3A_650 : vector<16xf32>
      %swap3A_652 = arith.index_cast %add3A_622 : i32 to index
      %swap3A_653 = arith.constant 0 : index
      %swap3A_654 = tpu.vector_load %arg10[%swap3A_652, %swap3A_653] {strides = array<i32>} : memref<640x32xf32, #tpu.memory_space<vmem>>, vector<1x16xf32>,
      %swap3A_655 = vector.shape_cast %swap3A_654 : vector<1x16xf32> to vector<16xf32>
      %swap3A_656 = vector.shape_cast %add3A_651 : vector<16xf32> to vector<1x16xf32>
      tpu.vector_store %arg10[%swap3A_652, %swap3A_653], %swap3A_656 {strides = array<i32>} : memref<640x32xf32, #tpu.memory_space<vmem>>, vector<1x16xf32>,
      %get3A_657 = arith.index_cast %add3A_622 : i32 to index
      %get3A_658 = arith.constant 16 : index
      %get3A_659 = tpu.vector_load %arg11[%get3A_657, %get3A_658] {strides = array<i32>} : memref<640x32xf32, #tpu.memory_space<vmem>>, vector<1x16xf32>,
      %get3A_660 = vector.shape_cast %get3A_659 : vector<1x16xf32> to vector<16xf32>
      %mul3A_661 = arith.mulf %broadcast_in_dim3A_625, %get3A_660 : vector<16xf32>
      %neg3A_662 = arith.constant 0.000000e+00 : f32
      %neg3A_663 = vector.broadcast %neg3A_662 : f32 to vector<16xf32>
      %neg3A_664 = arith.subf %neg3A_663, %mul3A_661 : vector<16xf32>
      %swap3A_665 = arith.index_cast %rem3A_43 : i32 to index
      %swap3A_666 = arith.index_cast %add3A_622 : i32 to index
      %swap3A_667 = arith.constant 16 : index
      %swap3A_668 = tpu.vector_load %arg9[%swap3A_665, %swap3A_666, %swap3A_667] {strides = array<i32>} : memref<2x640x32xf32, #tpu.memory_space<vmem>>, vector<1x1x16xf32>,
      %swap3A_669 = vector.shape_cast %swap3A_668 : vector<1x1x16xf32> to vector<16xf32>
      %swap3A_670 = vector.shape_cast %neg3A_664 : vector<16xf32> to vector<1x1x16xf32>
      tpu.vector_store %arg9[%swap3A_665, %swap3A_666, %swap3A_667], %swap3A_670 {strides = array<i32>} : memref<2x640x32xf32, #tpu.memory_space<vmem>>, vector<1x1x16xf32>,
      %mul3A_671 = arith.mulf %broadcast_in_dim3A_625, %neg3A_664 : vector<16xf32>
      %swap3A_672 = arith.index_cast %add3A_622 : i32 to index
      %swap3A_673 = arith.constant 16 : index
      %swap3A_674 = tpu.vector_load %arg11[%swap3A_672, %swap3A_673] {strides = array<i32>} : memref<640x32xf32, #tpu.memory_space<vmem>>, vector<1x16xf32>,
      %swap3A_675 = vector.shape_cast %swap3A_674 : vector<1x16xf32> to vector<16xf32>
      %swap3A_676 = vector.shape_cast %mul3A_671 : vector<16xf32> to vector<1x16xf32>
      tpu.vector_store %arg11[%swap3A_672, %swap3A_673], %swap3A_676 {strides = array<i32>} : memref<640x32xf32, #tpu.memory_space<vmem>>, vector<1x16xf32>,
      %get3A_677 = arith.index_cast %add3A_622 : i32 to index
      %get3A_678 = arith.constant 16 : index
      %get3A_679 = tpu.vector_load %arg10[%get3A_677, %get3A_678] {strides = array<i32>} : memref<640x32xf32, #tpu.memory_space<vmem>>, vector<1x16xf32>,
      %get3A_680 = vector.shape_cast %get3A_679 : vector<1x16xf32> to vector<16xf32>
      %mul3A_681 = arith.mulf %gather3A_41, %neg3A_664 : vector<16xf32>
      %add3A_682 = arith.addf %get3A_680, %mul3A_681 : vector<16xf32>
      %swap3A_683 = arith.index_cast %add3A_622 : i32 to index
      %swap3A_684 = arith.constant 16 : index
      %swap3A_685 = tpu.vector_load %arg10[%swap3A_683, %swap3A_684] {strides = array<i32>} : memref<640x32xf32, #tpu.memory_space<vmem>>, vector<1x16xf32>,
      %swap3A_686 = vector.shape_cast %swap3A_685 : vector<1x16xf32> to vector<16xf32>
      %swap3A_687 = vector.shape_cast %add3A_682 : vector<16xf32> to vector<1x16xf32>
      tpu.vector_store %arg10[%swap3A_683, %swap3A_684], %swap3A_687 {strides = array<i32>} : memref<640x32xf32, #tpu.memory_space<vmem>>, vector<1x16xf32>,
      %mul3A_688 = arith.constant 16 : i32
      %mul3A_689 = arith.muli %scan3A_63, %mul3A_688 : i32
      %add3A_690 = arith.constant 9 : i32
      %add3A_691 = arith.addi %mul3A_689, %add3A_690 : i32
      %slice3A_692 = vector.extract_strided_slice %get3A_68 {offsets = [9], sizes = [1], strides = [1]} : vector<16xf32> to vector<1xf32>
      %squeeze3A_693 = vector.extract %slice3A_692[0] : f32 from vector<1xf32>
      %broadcast_in_dim3A_694 = vector.broadcast %squeeze3A_693 : f32 to vector<16xf32>
      %get3A_695 = arith.index_cast %add3A_691 : i32 to index
      %get3A_696 = arith.constant 0 : index
      %get3A_697 = tpu.vector_load %arg11[%get3A_695, %get3A_696] {strides = array<i32>} : memref<640x32xf32, #tpu.memory_space<vmem>>, vector<1x16xf32>,
      %get3A_698 = vector.shape_cast %get3A_697 : vector<1x16xf32> to vector<16xf32>
      %mul3A_699 = arith.mulf %broadcast_in_dim3A_694, %get3A_698 : vector<16xf32>
      %neg3A_700 = arith.constant 0.000000e+00 : f32
      %neg3A_701 = vector.broadcast %neg3A_700 : f32 to vector<16xf32>
      %neg3A_702 = arith.subf %neg3A_701, %mul3A_699 : vector<16xf32>
      %swap3A_703 = arith.index_cast %rem3A_43 : i32 to index
      %swap3A_704 = arith.index_cast %add3A_691 : i32 to index
      %swap3A_705 = arith.constant 0 : index
      %swap3A_706 = tpu.vector_load %arg9[%swap3A_703, %swap3A_704, %swap3A_705] {strides = array<i32>} : memref<2x640x32xf32, #tpu.memory_space<vmem>>, vector<1x1x16xf32>,
      %swap3A_707 = vector.shape_cast %swap3A_706 : vector<1x1x16xf32> to vector<16xf32>
      %swap3A_708 = vector.shape_cast %neg3A_702 : vector<16xf32> to vector<1x1x16xf32>
      tpu.vector_store %arg9[%swap3A_703, %swap3A_704, %swap3A_705], %swap3A_708 {strides = array<i32>} : memref<2x640x32xf32, #tpu.memory_space<vmem>>, vector<1x1x16xf32>,
      %mul3A_709 = arith.mulf %broadcast_in_dim3A_694, %neg3A_702 : vector<16xf32>
      %swap3A_710 = arith.index_cast %add3A_691 : i32 to index
      %swap3A_711 = arith.constant 0 : index
      %swap3A_712 = tpu.vector_load %arg11[%swap3A_710, %swap3A_711] {strides = array<i32>} : memref<640x32xf32, #tpu.memory_space<vmem>>, vector<1x16xf32>,
      %swap3A_713 = vector.shape_cast %swap3A_712 : vector<1x16xf32> to vector<16xf32>
      %swap3A_714 = vector.shape_cast %mul3A_709 : vector<16xf32> to vector<1x16xf32>
      tpu.vector_store %arg11[%swap3A_710, %swap3A_711], %swap3A_714 {strides = array<i32>} : memref<640x32xf32, #tpu.memory_space<vmem>>, vector<1x16xf32>,
      %get3A_715 = arith.index_cast %add3A_691 : i32 to index
      %get3A_716 = arith.constant 0 : index
      %get3A_717 = tpu.vector_load %arg10[%get3A_715, %get3A_716] {strides = array<i32>} : memref<640x32xf32, #tpu.memory_space<vmem>>, vector<1x16xf32>,
      %get3A_718 = vector.shape_cast %get3A_717 : vector<1x16xf32> to vector<16xf32>
      %mul3A_719 = arith.mulf %gather3A_41, %neg3A_702 : vector<16xf32>
      %add3A_720 = arith.addf %get3A_718, %mul3A_719 : vector<16xf32>
      %swap3A_721 = arith.index_cast %add3A_691 : i32 to index
      %swap3A_722 = arith.constant 0 : index
      %swap3A_723 = tpu.vector_load %arg10[%swap3A_721, %swap3A_722] {strides = array<i32>} : memref<640x32xf32, #tpu.memory_space<vmem>>, vector<1x16xf32>,
      %swap3A_724 = vector.shape_cast %swap3A_723 : vector<1x16xf32> to vector<16xf32>
      %swap3A_725 = vector.shape_cast %add3A_720 : vector<16xf32> to vector<1x16xf32>
      tpu.vector_store %arg10[%swap3A_721, %swap3A_722], %swap3A_725 {strides = array<i32>} : memref<640x32xf32, #tpu.memory_space<vmem>>, vector<1x16xf32>,
      %get3A_726 = arith.index_cast %add3A_691 : i32 to index
      %get3A_727 = arith.constant 16 : index
      %get3A_728 = tpu.vector_load %arg11[%get3A_726, %get3A_727] {strides = array<i32>} : memref<640x32xf32, #tpu.memory_space<vmem>>, vector<1x16xf32>,
      %get3A_729 = vector.shape_cast %get3A_728 : vector<1x16xf32> to vector<16xf32>
      %mul3A_730 = arith.mulf %broadcast_in_dim3A_694, %get3A_729 : vector<16xf32>
      %neg3A_731 = arith.constant 0.000000e+00 : f32
      %neg3A_732 = vector.broadcast %neg3A_731 : f32 to vector<16xf32>
      %neg3A_733 = arith.subf %neg3A_732, %mul3A_730 : vector<16xf32>
      %swap3A_734 = arith.index_cast %rem3A_43 : i32 to index
      %swap3A_735 = arith.index_cast %add3A_691 : i32 to index
      %swap3A_736 = arith.constant 16 : index
      %swap3A_737 = tpu.vector_load %arg9[%swap3A_734, %swap3A_735, %swap3A_736] {strides = array<i32>} : memref<2x640x32xf32, #tpu.memory_space<vmem>>, vector<1x1x16xf32>,
      %swap3A_738 = vector.shape_cast %swap3A_737 : vector<1x1x16xf32> to vector<16xf32>
      %swap3A_739 = vector.shape_cast %neg3A_733 : vector<16xf32> to vector<1x1x16xf32>
      tpu.vector_store %arg9[%swap3A_734, %swap3A_735, %swap3A_736], %swap3A_739 {strides = array<i32>} : memref<2x640x32xf32, #tpu.memory_space<vmem>>, vector<1x1x16xf32>,
      %mul3A_740 = arith.mulf %broadcast_in_dim3A_694, %neg3A_733 : vector<16xf32>
      %swap3A_741 = arith.index_cast %add3A_691 : i32 to index
      %swap3A_742 = arith.constant 16 : index
      %swap3A_743 = tpu.vector_load %arg11[%swap3A_741, %swap3A_742] {strides = array<i32>} : memref<640x32xf32, #tpu.memory_space<vmem>>, vector<1x16xf32>,
      %swap3A_744 = vector.shape_cast %swap3A_743 : vector<1x16xf32> to vector<16xf32>
      %swap3A_745 = vector.shape_cast %mul3A_740 : vector<16xf32> to vector<1x16xf32>
      tpu.vector_store %arg11[%swap3A_741, %swap3A_742], %swap3A_745 {strides = array<i32>} : memref<640x32xf32, #tpu.memory_space<vmem>>, vector<1x16xf32>,
      %get3A_746 = arith.index_cast %add3A_691 : i32 to index
      %get3A_747 = arith.constant 16 : index
      %get3A_748 = tpu.vector_load %arg10[%get3A_746, %get3A_747] {strides = array<i32>} : memref<640x32xf32, #tpu.memory_space<vmem>>, vector<1x16xf32>,
      %get3A_749 = vector.shape_cast %get3A_748 : vector<1x16xf32> to vector<16xf32>
      %mul3A_750 = arith.mulf %gather3A_41, %neg3A_733 : vector<16xf32>
      %add3A_751 = arith.addf %get3A_749, %mul3A_750 : vector<16xf32>
      %swap3A_752 = arith.index_cast %add3A_691 : i32 to index
      %swap3A_753 = arith.constant 16 : index
      %swap3A_754 = tpu.vector_load %arg10[%swap3A_752, %swap3A_753] {strides = array<i32>} : memref<640x32xf32, #tpu.memory_space<vmem>>, vector<1x16xf32>,
      %swap3A_755 = vector.shape_cast %swap3A_754 : vector<1x16xf32> to vector<16xf32>
      %swap3A_756 = vector.shape_cast %add3A_751 : vector<16xf32> to vector<1x16xf32>
      tpu.vector_store %arg10[%swap3A_752, %swap3A_753], %swap3A_756 {strides = array<i32>} : memref<640x32xf32, #tpu.memory_space<vmem>>, vector<1x16xf32>,
      %mul3A_757 = arith.constant 16 : i32
      %mul3A_758 = arith.muli %scan3A_63, %mul3A_757 : i32
      %add3A_759 = arith.constant 10 : i32
      %add3A_760 = arith.addi %mul3A_758, %add3A_759 : i32
      %slice3A_761 = vector.extract_strided_slice %get3A_68 {offsets = [10], sizes = [1], strides = [1]} : vector<16xf32> to vector<1xf32>
      %squeeze3A_762 = vector.extract %slice3A_761[0] : f32 from vector<1xf32>
      %broadcast_in_dim3A_763 = vector.broadcast %squeeze3A_762 : f32 to vector<16xf32>
      %get3A_764 = arith.index_cast %add3A_760 : i32 to index
      %get3A_765 = arith.constant 0 : index
      %get3A_766 = tpu.vector_load %arg11[%get3A_764, %get3A_765] {strides = array<i32>} : memref<640x32xf32, #tpu.memory_space<vmem>>, vector<1x16xf32>,
      %get3A_767 = vector.shape_cast %get3A_766 : vector<1x16xf32> to vector<16xf32>
      %mul3A_768 = arith.mulf %broadcast_in_dim3A_763, %get3A_767 : vector<16xf32>
      %neg3A_769 = arith.constant 0.000000e+00 : f32
      %neg3A_770 = vector.broadcast %neg3A_769 : f32 to vector<16xf32>
      %neg3A_771 = arith.subf %neg3A_770, %mul3A_768 : vector<16xf32>
      %swap3A_772 = arith.index_cast %rem3A_43 : i32 to index
      %swap3A_773 = arith.index_cast %add3A_760 : i32 to index
      %swap3A_774 = arith.constant 0 : index
      %swap3A_775 = tpu.vector_load %arg9[%swap3A_772, %swap3A_773, %swap3A_774] {strides = array<i32>} : memref<2x640x32xf32, #tpu.memory_space<vmem>>, vector<1x1x16xf32>,
      %swap3A_776 = vector.shape_cast %swap3A_775 : vector<1x1x16xf32> to vector<16xf32>
      %swap3A_777 = vector.shape_cast %neg3A_771 : vector<16xf32> to vector<1x1x16xf32>
      tpu.vector_store %arg9[%swap3A_772, %swap3A_773, %swap3A_774], %swap3A_777 {strides = array<i32>} : memref<2x640x32xf32, #tpu.memory_space<vmem>>, vector<1x1x16xf32>,
      %mul3A_778 = arith.mulf %broadcast_in_dim3A_763, %neg3A_771 : vector<16xf32>
      %swap3A_779 = arith.index_cast %add3A_760 : i32 to index
      %swap3A_780 = arith.constant 0 : index
      %swap3A_781 = tpu.vector_load %arg11[%swap3A_779, %swap3A_780] {strides = array<i32>} : memref<640x32xf32, #tpu.memory_space<vmem>>, vector<1x16xf32>,
      %swap3A_782 = vector.shape_cast %swap3A_781 : vector<1x16xf32> to vector<16xf32>
      %swap3A_783 = vector.shape_cast %mul3A_778 : vector<16xf32> to vector<1x16xf32>
      tpu.vector_store %arg11[%swap3A_779, %swap3A_780], %swap3A_783 {strides = array<i32>} : memref<640x32xf32, #tpu.memory_space<vmem>>, vector<1x16xf32>,
      %get3A_784 = arith.index_cast %add3A_760 : i32 to index
      %get3A_785 = arith.constant 0 : index
      %get3A_786 = tpu.vector_load %arg10[%get3A_784, %get3A_785] {strides = array<i32>} : memref<640x32xf32, #tpu.memory_space<vmem>>, vector<1x16xf32>,
      %get3A_787 = vector.shape_cast %get3A_786 : vector<1x16xf32> to vector<16xf32>
      %mul3A_788 = arith.mulf %gather3A_41, %neg3A_771 : vector<16xf32>
      %add3A_789 = arith.addf %get3A_787, %mul3A_788 : vector<16xf32>
      %swap3A_790 = arith.index_cast %add3A_760 : i32 to index
      %swap3A_791 = arith.constant 0 : index
      %swap3A_792 = tpu.vector_load %arg10[%swap3A_790, %swap3A_791] {strides = array<i32>} : memref<640x32xf32, #tpu.memory_space<vmem>>, vector<1x16xf32>,
      %swap3A_793 = vector.shape_cast %swap3A_792 : vector<1x16xf32> to vector<16xf32>
      %swap3A_794 = vector.shape_cast %add3A_789 : vector<16xf32> to vector<1x16xf32>
      tpu.vector_store %arg10[%swap3A_790, %swap3A_791], %swap3A_794 {strides = array<i32>} : memref<640x32xf32, #tpu.memory_space<vmem>>, vector<1x16xf32>,
      %get3A_795 = arith.index_cast %add3A_760 : i32 to index
      %get3A_796 = arith.constant 16 : index
      %get3A_797 = tpu.vector_load %arg11[%get3A_795, %get3A_796] {strides = array<i32>} : memref<640x32xf32, #tpu.memory_space<vmem>>, vector<1x16xf32>,
      %get3A_798 = vector.shape_cast %get3A_797 : vector<1x16xf32> to vector<16xf32>
      %mul3A_799 = arith.mulf %broadcast_in_dim3A_763, %get3A_798 : vector<16xf32>
      %neg3A_800 = arith.constant 0.000000e+00 : f32
      %neg3A_801 = vector.broadcast %neg3A_800 : f32 to vector<16xf32>
      %neg3A_802 = arith.subf %neg3A_801, %mul3A_799 : vector<16xf32>
      %swap3A_803 = arith.index_cast %rem3A_43 : i32 to index
      %swap3A_804 = arith.index_cast %add3A_760 : i32 to index
      %swap3A_805 = arith.constant 16 : index
      %swap3A_806 = tpu.vector_load %arg9[%swap3A_803, %swap3A_804, %swap3A_805] {strides = array<i32>} : memref<2x640x32xf32, #tpu.memory_space<vmem>>, vector<1x1x16xf32>,
      %swap3A_807 = vector.shape_cast %swap3A_806 : vector<1x1x16xf32> to vector<16xf32>
      %swap3A_808 = vector.shape_cast %neg3A_802 : vector<16xf32> to vector<1x1x16xf32>
      tpu.vector_store %arg9[%swap3A_803, %swap3A_804, %swap3A_805], %swap3A_808 {strides = array<i32>} : memref<2x640x32xf32, #tpu.memory_space<vmem>>, vector<1x1x16xf32>,
      %mul3A_809 = arith.mulf %broadcast_in_dim3A_763, %neg3A_802 : vector<16xf32>
      %swap3A_810 = arith.index_cast %add3A_760 : i32 to index
      %swap3A_811 = arith.constant 16 : index
      %swap3A_812 = tpu.vector_load %arg11[%swap3A_810, %swap3A_811] {strides = array<i32>} : memref<640x32xf32, #tpu.memory_space<vmem>>, vector<1x16xf32>,
      %swap3A_813 = vector.shape_cast %swap3A_812 : vector<1x16xf32> to vector<16xf32>
      %swap3A_814 = vector.shape_cast %mul3A_809 : vector<16xf32> to vector<1x16xf32>
      tpu.vector_store %arg11[%swap3A_810, %swap3A_811], %swap3A_814 {strides = array<i32>} : memref<640x32xf32, #tpu.memory_space<vmem>>, vector<1x16xf32>,
      %get3A_815 = arith.index_cast %add3A_760 : i32 to index
      %get3A_816 = arith.constant 16 : index
      %get3A_817 = tpu.vector_load %arg10[%get3A_815, %get3A_816] {strides = array<i32>} : memref<640x32xf32, #tpu.memory_space<vmem>>, vector<1x16xf32>,
      %get3A_818 = vector.shape_cast %get3A_817 : vector<1x16xf32> to vector<16xf32>
      %mul3A_819 = arith.mulf %gather3A_41, %neg3A_802 : vector<16xf32>
      %add3A_820 = arith.addf %get3A_818, %mul3A_819 : vector<16xf32>
      %swap3A_821 = arith.index_cast %add3A_760 : i32 to index
      %swap3A_822 = arith.constant 16 : index
      %swap3A_823 = tpu.vector_load %arg10[%swap3A_821, %swap3A_822] {strides = array<i32>} : memref<640x32xf32, #tpu.memory_space<vmem>>, vector<1x16xf32>,
      %swap3A_824 = vector.shape_cast %swap3A_823 : vector<1x16xf32> to vector<16xf32>
      %swap3A_825 = vector.shape_cast %add3A_820 : vector<16xf32> to vector<1x16xf32>
      tpu.vector_store %arg10[%swap3A_821, %swap3A_822], %swap3A_825 {strides = array<i32>} : memref<640x32xf32, #tpu.memory_space<vmem>>, vector<1x16xf32>,
      %mul3A_826 = arith.constant 16 : i32
      %mul3A_827 = arith.muli %scan3A_63, %mul3A_826 : i32
      %add3A_828 = arith.constant 11 : i32
      %add3A_829 = arith.addi %mul3A_827, %add3A_828 : i32
      %slice3A_830 = vector.extract_strided_slice %get3A_68 {offsets = [11], sizes = [1], strides = [1]} : vector<16xf32> to vector<1xf32>
      %squeeze3A_831 = vector.extract %slice3A_830[0] : f32 from vector<1xf32>
      %broadcast_in_dim3A_832 = vector.broadcast %squeeze3A_831 : f32 to vector<16xf32>
      %get3A_833 = arith.index_cast %add3A_829 : i32 to index
      %get3A_834 = arith.constant 0 : index
      %get3A_835 = tpu.vector_load %arg11[%get3A_833, %get3A_834] {strides = array<i32>} : memref<640x32xf32, #tpu.memory_space<vmem>>, vector<1x16xf32>,
      %get3A_836 = vector.shape_cast %get3A_835 : vector<1x16xf32> to vector<16xf32>
      %mul3A_837 = arith.mulf %broadcast_in_dim3A_832, %get3A_836 : vector<16xf32>
      %neg3A_838 = arith.constant 0.000000e+00 : f32
      %neg3A_839 = vector.broadcast %neg3A_838 : f32 to vector<16xf32>
      %neg3A_840 = arith.subf %neg3A_839, %mul3A_837 : vector<16xf32>
      %swap3A_841 = arith.index_cast %rem3A_43 : i32 to index
      %swap3A_842 = arith.index_cast %add3A_829 : i32 to index
      %swap3A_843 = arith.constant 0 : index
      %swap3A_844 = tpu.vector_load %arg9[%swap3A_841, %swap3A_842, %swap3A_843] {strides = array<i32>} : memref<2x640x32xf32, #tpu.memory_space<vmem>>, vector<1x1x16xf32>,
      %swap3A_845 = vector.shape_cast %swap3A_844 : vector<1x1x16xf32> to vector<16xf32>
      %swap3A_846 = vector.shape_cast %neg3A_840 : vector<16xf32> to vector<1x1x16xf32>
      tpu.vector_store %arg9[%swap3A_841, %swap3A_842, %swap3A_843], %swap3A_846 {strides = array<i32>} : memref<2x640x32xf32, #tpu.memory_space<vmem>>, vector<1x1x16xf32>,
      %mul3A_847 = arith.mulf %broadcast_in_dim3A_832, %neg3A_840 : vector<16xf32>
      %swap3A_848 = arith.index_cast %add3A_829 : i32 to index
      %swap3A_849 = arith.constant 0 : index
      %swap3A_850 = tpu.vector_load %arg11[%swap3A_848, %swap3A_849] {strides = array<i32>} : memref<640x32xf32, #tpu.memory_space<vmem>>, vector<1x16xf32>,
      %swap3A_851 = vector.shape_cast %swap3A_850 : vector<1x16xf32> to vector<16xf32>
      %swap3A_852 = vector.shape_cast %mul3A_847 : vector<16xf32> to vector<1x16xf32>
      tpu.vector_store %arg11[%swap3A_848, %swap3A_849], %swap3A_852 {strides = array<i32>} : memref<640x32xf32, #tpu.memory_space<vmem>>, vector<1x16xf32>,
      %get3A_853 = arith.index_cast %add3A_829 : i32 to index
      %get3A_854 = arith.constant 0 : index
      %get3A_855 = tpu.vector_load %arg10[%get3A_853, %get3A_854] {strides = array<i32>} : memref<640x32xf32, #tpu.memory_space<vmem>>, vector<1x16xf32>,
      %get3A_856 = vector.shape_cast %get3A_855 : vector<1x16xf32> to vector<16xf32>
      %mul3A_857 = arith.mulf %gather3A_41, %neg3A_840 : vector<16xf32>
      %add3A_858 = arith.addf %get3A_856, %mul3A_857 : vector<16xf32>
      %swap3A_859 = arith.index_cast %add3A_829 : i32 to index
      %swap3A_860 = arith.constant 0 : index
      %swap3A_861 = tpu.vector_load %arg10[%swap3A_859, %swap3A_860] {strides = array<i32>} : memref<640x32xf32, #tpu.memory_space<vmem>>, vector<1x16xf32>,
      %swap3A_862 = vector.shape_cast %swap3A_861 : vector<1x16xf32> to vector<16xf32>
      %swap3A_863 = vector.shape_cast %add3A_858 : vector<16xf32> to vector<1x16xf32>
      tpu.vector_store %arg10[%swap3A_859, %swap3A_860], %swap3A_863 {strides = array<i32>} : memref<640x32xf32, #tpu.memory_space<vmem>>, vector<1x16xf32>,
      %get3A_864 = arith.index_cast %add3A_829 : i32 to index
      %get3A_865 = arith.constant 16 : index
      %get3A_866 = tpu.vector_load %arg11[%get3A_864, %get3A_865] {strides = array<i32>} : memref<640x32xf32, #tpu.memory_space<vmem>>, vector<1x16xf32>,
      %get3A_867 = vector.shape_cast %get3A_866 : vector<1x16xf32> to vector<16xf32>
      %mul3A_868 = arith.mulf %broadcast_in_dim3A_832, %get3A_867 : vector<16xf32>
      %neg3A_869 = arith.constant 0.000000e+00 : f32
      %neg3A_870 = vector.broadcast %neg3A_869 : f32 to vector<16xf32>
      %neg3A_871 = arith.subf %neg3A_870, %mul3A_868 : vector<16xf32>
      %swap3A_872 = arith.index_cast %rem3A_43 : i32 to index
      %swap3A_873 = arith.index_cast %add3A_829 : i32 to index
      %swap3A_874 = arith.constant 16 : index
      %swap3A_875 = tpu.vector_load %arg9[%swap3A_872, %swap3A_873, %swap3A_874] {strides = array<i32>} : memref<2x640x32xf32, #tpu.memory_space<vmem>>, vector<1x1x16xf32>,
      %swap3A_876 = vector.shape_cast %swap3A_875 : vector<1x1x16xf32> to vector<16xf32>
      %swap3A_877 = vector.shape_cast %neg3A_871 : vector<16xf32> to vector<1x1x16xf32>
      tpu.vector_store %arg9[%swap3A_872, %swap3A_873, %swap3A_874], %swap3A_877 {strides = array<i32>} : memref<2x640x32xf32, #tpu.memory_space<vmem>>, vector<1x1x16xf32>,
      %mul3A_878 = arith.mulf %broadcast_in_dim3A_832, %neg3A_871 : vector<16xf32>
      %swap3A_879 = arith.index_cast %add3A_829 : i32 to index
      %swap3A_880 = arith.constant 16 : index
      %swap3A_881 = tpu.vector_load %arg11[%swap3A_879, %swap3A_880] {strides = array<i32>} : memref<640x32xf32, #tpu.memory_space<vmem>>, vector<1x16xf32>,
      %swap3A_882 = vector.shape_cast %swap3A_881 : vector<1x16xf32> to vector<16xf32>
      %swap3A_883 = vector.shape_cast %mul3A_878 : vector<16xf32> to vector<1x16xf32>
      tpu.vector_store %arg11[%swap3A_879, %swap3A_880], %swap3A_883 {strides = array<i32>} : memref<640x32xf32, #tpu.memory_space<vmem>>, vector<1x16xf32>,
      %get3A_884 = arith.index_cast %add3A_829 : i32 to index
      %get3A_885 = arith.constant 16 : index
      %get3A_886 = tpu.vector_load %arg10[%get3A_884, %get3A_885] {strides = array<i32>} : memref<640x32xf32, #tpu.memory_space<vmem>>, vector<1x16xf32>,
      %get3A_887 = vector.shape_cast %get3A_886 : vector<1x16xf32> to vector<16xf32>
      %mul3A_888 = arith.mulf %gather3A_41, %neg3A_871 : vector<16xf32>
      %add3A_889 = arith.addf %get3A_887, %mul3A_888 : vector<16xf32>
      %swap3A_890 = arith.index_cast %add3A_829 : i32 to index
      %swap3A_891 = arith.constant 16 : index
      %swap3A_892 = tpu.vector_load %arg10[%swap3A_890, %swap3A_891] {strides = array<i32>} : memref<640x32xf32, #tpu.memory_space<vmem>>, vector<1x16xf32>,
      %swap3A_893 = vector.shape_cast %swap3A_892 : vector<1x16xf32> to vector<16xf32>
      %swap3A_894 = vector.shape_cast %add3A_889 : vector<16xf32> to vector<1x16xf32>
      tpu.vector_store %arg10[%swap3A_890, %swap3A_891], %swap3A_894 {strides = array<i32>} : memref<640x32xf32, #tpu.memory_space<vmem>>, vector<1x16xf32>,
      %mul3A_895 = arith.constant 16 : i32
      %mul3A_896 = arith.muli %scan3A_63, %mul3A_895 : i32
      %add3A_897 = arith.constant 12 : i32
      %add3A_898 = arith.addi %mul3A_896, %add3A_897 : i32
      %slice3A_899 = vector.extract_strided_slice %get3A_68 {offsets = [12], sizes = [1], strides = [1]} : vector<16xf32> to vector<1xf32>
      %squeeze3A_900 = vector.extract %slice3A_899[0] : f32 from vector<1xf32>
      %broadcast_in_dim3A_901 = vector.broadcast %squeeze3A_900 : f32 to vector<16xf32>
      %get3A_902 = arith.index_cast %add3A_898 : i32 to index
      %get3A_903 = arith.constant 0 : index
      %get3A_904 = tpu.vector_load %arg11[%get3A_902, %get3A_903] {strides = array<i32>} : memref<640x32xf32, #tpu.memory_space<vmem>>, vector<1x16xf32>,
      %get3A_905 = vector.shape_cast %get3A_904 : vector<1x16xf32> to vector<16xf32>
      %mul3A_906 = arith.mulf %broadcast_in_dim3A_901, %get3A_905 : vector<16xf32>
      %neg3A_907 = arith.constant 0.000000e+00 : f32
      %neg3A_908 = vector.broadcast %neg3A_907 : f32 to vector<16xf32>
      %neg3A_909 = arith.subf %neg3A_908, %mul3A_906 : vector<16xf32>
      %swap3A_910 = arith.index_cast %rem3A_43 : i32 to index
      %swap3A_911 = arith.index_cast %add3A_898 : i32 to index
      %swap3A_912 = arith.constant 0 : index
      %swap3A_913 = tpu.vector_load %arg9[%swap3A_910, %swap3A_911, %swap3A_912] {strides = array<i32>} : memref<2x640x32xf32, #tpu.memory_space<vmem>>, vector<1x1x16xf32>,
      %swap3A_914 = vector.shape_cast %swap3A_913 : vector<1x1x16xf32> to vector<16xf32>
      %swap3A_915 = vector.shape_cast %neg3A_909 : vector<16xf32> to vector<1x1x16xf32>
      tpu.vector_store %arg9[%swap3A_910, %swap3A_911, %swap3A_912], %swap3A_915 {strides = array<i32>} : memref<2x640x32xf32, #tpu.memory_space<vmem>>, vector<1x1x16xf32>,
      %mul3A_916 = arith.mulf %broadcast_in_dim3A_901, %neg3A_909 : vector<16xf32>
      %swap3A_917 = arith.index_cast %add3A_898 : i32 to index
      %swap3A_918 = arith.constant 0 : index
      %swap3A_919 = tpu.vector_load %arg11[%swap3A_917, %swap3A_918] {strides = array<i32>} : memref<640x32xf32, #tpu.memory_space<vmem>>, vector<1x16xf32>,
      %swap3A_920 = vector.shape_cast %swap3A_919 : vector<1x16xf32> to vector<16xf32>
      %swap3A_921 = vector.shape_cast %mul3A_916 : vector<16xf32> to vector<1x16xf32>
      tpu.vector_store %arg11[%swap3A_917, %swap3A_918], %swap3A_921 {strides = array<i32>} : memref<640x32xf32, #tpu.memory_space<vmem>>, vector<1x16xf32>,
      %get3A_922 = arith.index_cast %add3A_898 : i32 to index
      %get3A_923 = arith.constant 0 : index
      %get3A_924 = tpu.vector_load %arg10[%get3A_922, %get3A_923] {strides = array<i32>} : memref<640x32xf32, #tpu.memory_space<vmem>>, vector<1x16xf32>,
      %get3A_925 = vector.shape_cast %get3A_924 : vector<1x16xf32> to vector<16xf32>
      %mul3A_926 = arith.mulf %gather3A_41, %neg3A_909 : vector<16xf32>
      %add3A_927 = arith.addf %get3A_925, %mul3A_926 : vector<16xf32>
      %swap3A_928 = arith.index_cast %add3A_898 : i32 to index
      %swap3A_929 = arith.constant 0 : index
      %swap3A_930 = tpu.vector_load %arg10[%swap3A_928, %swap3A_929] {strides = array<i32>} : memref<640x32xf32, #tpu.memory_space<vmem>>, vector<1x16xf32>,
      %swap3A_931 = vector.shape_cast %swap3A_930 : vector<1x16xf32> to vector<16xf32>
      %swap3A_932 = vector.shape_cast %add3A_927 : vector<16xf32> to vector<1x16xf32>
      tpu.vector_store %arg10[%swap3A_928, %swap3A_929], %swap3A_932 {strides = array<i32>} : memref<640x32xf32, #tpu.memory_space<vmem>>, vector<1x16xf32>,
      %get3A_933 = arith.index_cast %add3A_898 : i32 to index
      %get3A_934 = arith.constant 16 : index
      %get3A_935 = tpu.vector_load %arg11[%get3A_933, %get3A_934] {strides = array<i32>} : memref<640x32xf32, #tpu.memory_space<vmem>>, vector<1x16xf32>,
      %get3A_936 = vector.shape_cast %get3A_935 : vector<1x16xf32> to vector<16xf32>
      %mul3A_937 = arith.mulf %broadcast_in_dim3A_901, %get3A_936 : vector<16xf32>
      %neg3A_938 = arith.constant 0.000000e+00 : f32
      %neg3A_939 = vector.broadcast %neg3A_938 : f32 to vector<16xf32>
      %neg3A_940 = arith.subf %neg3A_939, %mul3A_937 : vector<16xf32>
      %swap3A_941 = arith.index_cast %rem3A_43 : i32 to index
      %swap3A_942 = arith.index_cast %add3A_898 : i32 to index
      %swap3A_943 = arith.constant 16 : index
      %swap3A_944 = tpu.vector_load %arg9[%swap3A_941, %swap3A_942, %swap3A_943] {strides = array<i32>} : memref<2x640x32xf32, #tpu.memory_space<vmem>>, vector<1x1x16xf32>,
      %swap3A_945 = vector.shape_cast %swap3A_944 : vector<1x1x16xf32> to vector<16xf32>
      %swap3A_946 = vector.shape_cast %neg3A_940 : vector<16xf32> to vector<1x1x16xf32>
      tpu.vector_store %arg9[%swap3A_941, %swap3A_942, %swap3A_943], %swap3A_946 {strides = array<i32>} : memref<2x640x32xf32, #tpu.memory_space<vmem>>, vector<1x1x16xf32>,
      %mul3A_947 = arith.mulf %broadcast_in_dim3A_901, %neg3A_940 : vector<16xf32>
      %swap3A_948 = arith.index_cast %add3A_898 : i32 to index
      %swap3A_949 = arith.constant 16 : index
      %swap3A_950 = tpu.vector_load %arg11[%swap3A_948, %swap3A_949] {strides = array<i32>} : memref<640x32xf32, #tpu.memory_space<vmem>>, vector<1x16xf32>,
      %swap3A_951 = vector.shape_cast %swap3A_950 : vector<1x16xf32> to vector<16xf32>
      %swap3A_952 = vector.shape_cast %mul3A_947 : vector<16xf32> to vector<1x16xf32>
      tpu.vector_store %arg11[%swap3A_948, %swap3A_949], %swap3A_952 {strides = array<i32>} : memref<640x32xf32, #tpu.memory_space<vmem>>, vector<1x16xf32>,
      %get3A_953 = arith.index_cast %add3A_898 : i32 to index
      %get3A_954 = arith.constant 16 : index
      %get3A_955 = tpu.vector_load %arg10[%get3A_953, %get3A_954] {strides = array<i32>} : memref<640x32xf32, #tpu.memory_space<vmem>>, vector<1x16xf32>,
      %get3A_956 = vector.shape_cast %get3A_955 : vector<1x16xf32> to vector<16xf32>
      %mul3A_957 = arith.mulf %gather3A_41, %neg3A_940 : vector<16xf32>
      %add3A_958 = arith.addf %get3A_956, %mul3A_957 : vector<16xf32>
      %swap3A_959 = arith.index_cast %add3A_898 : i32 to index
      %swap3A_960 = arith.constant 16 : index
      %swap3A_961 = tpu.vector_load %arg10[%swap3A_959, %swap3A_960] {strides = array<i32>} : memref<640x32xf32, #tpu.memory_space<vmem>>, vector<1x16xf32>,
      %swap3A_962 = vector.shape_cast %swap3A_961 : vector<1x16xf32> to vector<16xf32>
      %swap3A_963 = vector.shape_cast %add3A_958 : vector<16xf32> to vector<1x16xf32>
      tpu.vector_store %arg10[%swap3A_959, %swap3A_960], %swap3A_963 {strides = array<i32>} : memref<640x32xf32, #tpu.memory_space<vmem>>, vector<1x16xf32>,
      %mul3A_964 = arith.constant 16 : i32
      %mul3A_965 = arith.muli %scan3A_63, %mul3A_964 : i32
      %add3A_966 = arith.constant 13 : i32
      %add3A_967 = arith.addi %mul3A_965, %add3A_966 : i32
      %slice3A_968 = vector.extract_strided_slice %get3A_68 {offsets = [13], sizes = [1], strides = [1]} : vector<16xf32> to vector<1xf32>
      %squeeze3A_969 = vector.extract %slice3A_968[0] : f32 from vector<1xf32>
      %broadcast_in_dim3A_970 = vector.broadcast %squeeze3A_969 : f32 to vector<16xf32>
      %get3A_971 = arith.index_cast %add3A_967 : i32 to index
      %get3A_972 = arith.constant 0 : index
      %get3A_973 = tpu.vector_load %arg11[%get3A_971, %get3A_972] {strides = array<i32>} : memref<640x32xf32, #tpu.memory_space<vmem>>, vector<1x16xf32>,
      %get3A_974 = vector.shape_cast %get3A_973 : vector<1x16xf32> to vector<16xf32>
      %mul3A_975 = arith.mulf %broadcast_in_dim3A_970, %get3A_974 : vector<16xf32>
      %neg3A_976 = arith.constant 0.000000e+00 : f32
      %neg3A_977 = vector.broadcast %neg3A_976 : f32 to vector<16xf32>
      %neg3A_978 = arith.subf %neg3A_977, %mul3A_975 : vector<16xf32>
      %swap3A_979 = arith.index_cast %rem3A_43 : i32 to index
      %swap3A_980 = arith.index_cast %add3A_967 : i32 to index
      %swap3A_981 = arith.constant 0 : index
      %swap3A_982 = tpu.vector_load %arg9[%swap3A_979, %swap3A_980, %swap3A_981] {strides = array<i32>} : memref<2x640x32xf32, #tpu.memory_space<vmem>>, vector<1x1x16xf32>,
      %swap3A_983 = vector.shape_cast %swap3A_982 : vector<1x1x16xf32> to vector<16xf32>
      %swap3A_984 = vector.shape_cast %neg3A_978 : vector<16xf32> to vector<1x1x16xf32>
      tpu.vector_store %arg9[%swap3A_979, %swap3A_980, %swap3A_981], %swap3A_984 {strides = array<i32>} : memref<2x640x32xf32, #tpu.memory_space<vmem>>, vector<1x1x16xf32>,
      %mul3A_985 = arith.mulf %broadcast_in_dim3A_970, %neg3A_978 : vector<16xf32>
      %swap3A_986 = arith.index_cast %add3A_967 : i32 to index
      %swap3A_987 = arith.constant 0 : index
      %swap3A_988 = tpu.vector_load %arg11[%swap3A_986, %swap3A_987] {strides = array<i32>} : memref<640x32xf32, #tpu.memory_space<vmem>>, vector<1x16xf32>,
      %swap3A_989 = vector.shape_cast %swap3A_988 : vector<1x16xf32> to vector<16xf32>
      %swap3A_990 = vector.shape_cast %mul3A_985 : vector<16xf32> to vector<1x16xf32>
      tpu.vector_store %arg11[%swap3A_986, %swap3A_987], %swap3A_990 {strides = array<i32>} : memref<640x32xf32, #tpu.memory_space<vmem>>, vector<1x16xf32>,
      %get3A_991 = arith.index_cast %add3A_967 : i32 to index
      %get3A_992 = arith.constant 0 : index
      %get3A_993 = tpu.vector_load %arg10[%get3A_991, %get3A_992] {strides = array<i32>} : memref<640x32xf32, #tpu.memory_space<vmem>>, vector<1x16xf32>,
      %get3A_994 = vector.shape_cast %get3A_993 : vector<1x16xf32> to vector<16xf32>
      %mul3A_995 = arith.mulf %gather3A_41, %neg3A_978 : vector<16xf32>
      %add3A_996 = arith.addf %get3A_994, %mul3A_995 : vector<16xf32>
      %swap3A_997 = arith.index_cast %add3A_967 : i32 to index
      %swap3A_998 = arith.constant 0 : index
      %swap3A_999 = tpu.vector_load %arg10[%swap3A_997, %swap3A_998] {strides = array<i32>} : memref<640x32xf32, #tpu.memory_space<vmem>>, vector<1x16xf32>,
      %swap3A_1000 = vector.shape_cast %swap3A_999 : vector<1x16xf32> to vector<16xf32>
      %swap3A_1001 = vector.shape_cast %add3A_996 : vector<16xf32> to vector<1x16xf32>
      tpu.vector_store %arg10[%swap3A_997, %swap3A_998], %swap3A_1001 {strides = array<i32>} : memref<640x32xf32, #tpu.memory_space<vmem>>, vector<1x16xf32>,
      %get3A_1002 = arith.index_cast %add3A_967 : i32 to index
      %get3A_1003 = arith.constant 16 : index
      %get3A_1004 = tpu.vector_load %arg11[%get3A_1002, %get3A_1003] {strides = array<i32>} : memref<640x32xf32, #tpu.memory_space<vmem>>, vector<1x16xf32>,
      %get3A_1005 = vector.shape_cast %get3A_1004 : vector<1x16xf32> to vector<16xf32>
      %mul3A_1006 = arith.mulf %broadcast_in_dim3A_970, %get3A_1005 : vector<16xf32>
      %neg3A_1007 = arith.constant 0.000000e+00 : f32
      %neg3A_1008 = vector.broadcast %neg3A_1007 : f32 to vector<16xf32>
      %neg3A_1009 = arith.subf %neg3A_1008, %mul3A_1006 : vector<16xf32>
      %swap3A_1010 = arith.index_cast %rem3A_43 : i32 to index
      %swap3A_1011 = arith.index_cast %add3A_967 : i32 to index
      %swap3A_1012 = arith.constant 16 : index
      %swap3A_1013 = tpu.vector_load %arg9[%swap3A_1010, %swap3A_1011, %swap3A_1012] {strides = array<i32>} : memref<2x640x32xf32, #tpu.memory_space<vmem>>, vector<1x1x16xf32>,
      %swap3A_1014 = vector.shape_cast %swap3A_1013 : vector<1x1x16xf32> to vector<16xf32>
      %swap3A_1015 = vector.shape_cast %neg3A_1009 : vector<16xf32> to vector<1x1x16xf32>
      tpu.vector_store %arg9[%swap3A_1010, %swap3A_1011, %swap3A_1012], %swap3A_1015 {strides = array<i32>} : memref<2x640x32xf32, #tpu.memory_space<vmem>>, vector<1x1x16xf32>,
      %mul3A_1016 = arith.mulf %broadcast_in_dim3A_970, %neg3A_1009 : vector<16xf32>
      %swap3A_1017 = arith.index_cast %add3A_967 : i32 to index
      %swap3A_1018 = arith.constant 16 : index
      %swap3A_1019 = tpu.vector_load %arg11[%swap3A_1017, %swap3A_1018] {strides = array<i32>} : memref<640x32xf32, #tpu.memory_space<vmem>>, vector<1x16xf32>,
      %swap3A_1020 = vector.shape_cast %swap3A_1019 : vector<1x16xf32> to vector<16xf32>
      %swap3A_1021 = vector.shape_cast %mul3A_1016 : vector<16xf32> to vector<1x16xf32>
      tpu.vector_store %arg11[%swap3A_1017, %swap3A_1018], %swap3A_1021 {strides = array<i32>} : memref<640x32xf32, #tpu.memory_space<vmem>>, vector<1x16xf32>,
      %get3A_1022 = arith.index_cast %add3A_967 : i32 to index
      %get3A_1023 = arith.constant 16 : index
      %get3A_1024 = tpu.vector_load %arg10[%get3A_1022, %get3A_1023] {strides = array<i32>} : memref<640x32xf32, #tpu.memory_space<vmem>>, vector<1x16xf32>,
      %get3A_1025 = vector.shape_cast %get3A_1024 : vector<1x16xf32> to vector<16xf32>
      %mul3A_1026 = arith.mulf %gather3A_41, %neg3A_1009 : vector<16xf32>
      %add3A_1027 = arith.addf %get3A_1025, %mul3A_1026 : vector<16xf32>
      %swap3A_1028 = arith.index_cast %add3A_967 : i32 to index
      %swap3A_1029 = arith.constant 16 : index
      %swap3A_1030 = tpu.vector_load %arg10[%swap3A_1028, %swap3A_1029] {strides = array<i32>} : memref<640x32xf32, #tpu.memory_space<vmem>>, vector<1x16xf32>,
      %swap3A_1031 = vector.shape_cast %swap3A_1030 : vector<1x16xf32> to vector<16xf32>
      %swap3A_1032 = vector.shape_cast %add3A_1027 : vector<16xf32> to vector<1x16xf32>
      tpu.vector_store %arg10[%swap3A_1028, %swap3A_1029], %swap3A_1032 {strides = array<i32>} : memref<640x32xf32, #tpu.memory_space<vmem>>, vector<1x16xf32>,
      %mul3A_1033 = arith.constant 16 : i32
      %mul3A_1034 = arith.muli %scan3A_63, %mul3A_1033 : i32
      %add3A_1035 = arith.constant 14 : i32
      %add3A_1036 = arith.addi %mul3A_1034, %add3A_1035 : i32
      %slice3A_1037 = vector.extract_strided_slice %get3A_68 {offsets = [14], sizes = [1], strides = [1]} : vector<16xf32> to vector<1xf32>
      %squeeze3A_1038 = vector.extract %slice3A_1037[0] : f32 from vector<1xf32>
      %broadcast_in_dim3A_1039 = vector.broadcast %squeeze3A_1038 : f32 to vector<16xf32>
      %get3A_1040 = arith.index_cast %add3A_1036 : i32 to index
      %get3A_1041 = arith.constant 0 : index
      %get3A_1042 = tpu.vector_load %arg11[%get3A_1040, %get3A_1041] {strides = array<i32>} : memref<640x32xf32, #tpu.memory_space<vmem>>, vector<1x16xf32>,
      %get3A_1043 = vector.shape_cast %get3A_1042 : vector<1x16xf32> to vector<16xf32>
      %mul3A_1044 = arith.mulf %broadcast_in_dim3A_1039, %get3A_1043 : vector<16xf32>
      %neg3A_1045 = arith.constant 0.000000e+00 : f32
      %neg3A_1046 = vector.broadcast %neg3A_1045 : f32 to vector<16xf32>
      %neg3A_1047 = arith.subf %neg3A_1046, %mul3A_1044 : vector<16xf32>
      %swap3A_1048 = arith.index_cast %rem3A_43 : i32 to index
      %swap3A_1049 = arith.index_cast %add3A_1036 : i32 to index
      %swap3A_1050 = arith.constant 0 : index
      %swap3A_1051 = tpu.vector_load %arg9[%swap3A_1048, %swap3A_1049, %swap3A_1050] {strides = array<i32>} : memref<2x640x32xf32, #tpu.memory_space<vmem>>, vector<1x1x16xf32>,
      %swap3A_1052 = vector.shape_cast %swap3A_1051 : vector<1x1x16xf32> to vector<16xf32>
      %swap3A_1053 = vector.shape_cast %neg3A_1047 : vector<16xf32> to vector<1x1x16xf32>
      tpu.vector_store %arg9[%swap3A_1048, %swap3A_1049, %swap3A_1050], %swap3A_1053 {strides = array<i32>} : memref<2x640x32xf32, #tpu.memory_space<vmem>>, vector<1x1x16xf32>,
      %mul3A_1054 = arith.mulf %broadcast_in_dim3A_1039, %neg3A_1047 : vector<16xf32>
      %swap3A_1055 = arith.index_cast %add3A_1036 : i32 to index
      %swap3A_1056 = arith.constant 0 : index
      %swap3A_1057 = tpu.vector_load %arg11[%swap3A_1055, %swap3A_1056] {strides = array<i32>} : memref<640x32xf32, #tpu.memory_space<vmem>>, vector<1x16xf32>,
      %swap3A_1058 = vector.shape_cast %swap3A_1057 : vector<1x16xf32> to vector<16xf32>
      %swap3A_1059 = vector.shape_cast %mul3A_1054 : vector<16xf32> to vector<1x16xf32>
      tpu.vector_store %arg11[%swap3A_1055, %swap3A_1056], %swap3A_1059 {strides = array<i32>} : memref<640x32xf32, #tpu.memory_space<vmem>>, vector<1x16xf32>,
      %get3A_1060 = arith.index_cast %add3A_1036 : i32 to index
      %get3A_1061 = arith.constant 0 : index
      %get3A_1062 = tpu.vector_load %arg10[%get3A_1060, %get3A_1061] {strides = array<i32>} : memref<640x32xf32, #tpu.memory_space<vmem>>, vector<1x16xf32>,
      %get3A_1063 = vector.shape_cast %get3A_1062 : vector<1x16xf32> to vector<16xf32>
      %mul3A_1064 = arith.mulf %gather3A_41, %neg3A_1047 : vector<16xf32>
      %add3A_1065 = arith.addf %get3A_1063, %mul3A_1064 : vector<16xf32>
      %swap3A_1066 = arith.index_cast %add3A_1036 : i32 to index
      %swap3A_1067 = arith.constant 0 : index
      %swap3A_1068 = tpu.vector_load %arg10[%swap3A_1066, %swap3A_1067] {strides = array<i32>} : memref<640x32xf32, #tpu.memory_space<vmem>>, vector<1x16xf32>,
      %swap3A_1069 = vector.shape_cast %swap3A_1068 : vector<1x16xf32> to vector<16xf32>
      %swap3A_1070 = vector.shape_cast %add3A_1065 : vector<16xf32> to vector<1x16xf32>
      tpu.vector_store %arg10[%swap3A_1066, %swap3A_1067], %swap3A_1070 {strides = array<i32>} : memref<640x32xf32, #tpu.memory_space<vmem>>, vector<1x16xf32>,
      %get3A_1071 = arith.index_cast %add3A_1036 : i32 to index
      %get3A_1072 = arith.constant 16 : index
      %get3A_1073 = tpu.vector_load %arg11[%get3A_1071, %get3A_1072] {strides = array<i32>} : memref<640x32xf32, #tpu.memory_space<vmem>>, vector<1x16xf32>,
      %get3A_1074 = vector.shape_cast %get3A_1073 : vector<1x16xf32> to vector<16xf32>
      %mul3A_1075 = arith.mulf %broadcast_in_dim3A_1039, %get3A_1074 : vector<16xf32>
      %neg3A_1076 = arith.constant 0.000000e+00 : f32
      %neg3A_1077 = vector.broadcast %neg3A_1076 : f32 to vector<16xf32>
      %neg3A_1078 = arith.subf %neg3A_1077, %mul3A_1075 : vector<16xf32>
      %swap3A_1079 = arith.index_cast %rem3A_43 : i32 to index
      %swap3A_1080 = arith.index_cast %add3A_1036 : i32 to index
      %swap3A_1081 = arith.constant 16 : index
      %swap3A_1082 = tpu.vector_load %arg9[%swap3A_1079, %swap3A_1080, %swap3A_1081] {strides = array<i32>} : memref<2x640x32xf32, #tpu.memory_space<vmem>>, vector<1x1x16xf32>,
      %swap3A_1083 = vector.shape_cast %swap3A_1082 : vector<1x1x16xf32> to vector<16xf32>
      %swap3A_1084 = vector.shape_cast %neg3A_1078 : vector<16xf32> to vector<1x1x16xf32>
      tpu.vector_store %arg9[%swap3A_1079, %swap3A_1080, %swap3A_1081], %swap3A_1084 {strides = array<i32>} : memref<2x640x32xf32, #tpu.memory_space<vmem>>, vector<1x1x16xf32>,
      %mul3A_1085 = arith.mulf %broadcast_in_dim3A_1039, %neg3A_1078 : vector<16xf32>
      %swap3A_1086 = arith.index_cast %add3A_1036 : i32 to index
      %swap3A_1087 = arith.constant 16 : index
      %swap3A_1088 = tpu.vector_load %arg11[%swap3A_1086, %swap3A_1087] {strides = array<i32>} : memref<640x32xf32, #tpu.memory_space<vmem>>, vector<1x16xf32>,
      %swap3A_1089 = vector.shape_cast %swap3A_1088 : vector<1x16xf32> to vector<16xf32>
      %swap3A_1090 = vector.shape_cast %mul3A_1085 : vector<16xf32> to vector<1x16xf32>
      tpu.vector_store %arg11[%swap3A_1086, %swap3A_1087], %swap3A_1090 {strides = array<i32>} : memref<640x32xf32, #tpu.memory_space<vmem>>, vector<1x16xf32>,
      %get3A_1091 = arith.index_cast %add3A_1036 : i32 to index
      %get3A_1092 = arith.constant 16 : index
      %get3A_1093 = tpu.vector_load %arg10[%get3A_1091, %get3A_1092] {strides = array<i32>} : memref<640x32xf32, #tpu.memory_space<vmem>>, vector<1x16xf32>,
      %get3A_1094 = vector.shape_cast %get3A_1093 : vector<1x16xf32> to vector<16xf32>
      %mul3A_1095 = arith.mulf %gather3A_41, %neg3A_1078 : vector<16xf32>
      %add3A_1096 = arith.addf %get3A_1094, %mul3A_1095 : vector<16xf32>
      %swap3A_1097 = arith.index_cast %add3A_1036 : i32 to index
      %swap3A_1098 = arith.constant 16 : index
      %swap3A_1099 = tpu.vector_load %arg10[%swap3A_1097, %swap3A_1098] {strides = array<i32>} : memref<640x32xf32, #tpu.memory_space<vmem>>, vector<1x16xf32>,
      %swap3A_1100 = vector.shape_cast %swap3A_1099 : vector<1x16xf32> to vector<16xf32>
      %swap3A_1101 = vector.shape_cast %add3A_1096 : vector<16xf32> to vector<1x16xf32>
      tpu.vector_store %arg10[%swap3A_1097, %swap3A_1098], %swap3A_1101 {strides = array<i32>} : memref<640x32xf32, #tpu.memory_space<vmem>>, vector<1x16xf32>,
      %mul3A_1102 = arith.constant 16 : i32
      %mul3A_1103 = arith.muli %scan3A_63, %mul3A_1102 : i32
      %add3A_1104 = arith.constant 15 : i32
      %add3A_1105 = arith.addi %mul3A_1103, %add3A_1104 : i32
      %slice3A_1106 = vector.extract_strided_slice %get3A_68 {offsets = [15], sizes = [1], strides = [1]} : vector<16xf32> to vector<1xf32>
      %squeeze3A_1107 = vector.extract %slice3A_1106[0] : f32 from vector<1xf32>
      %broadcast_in_dim3A_1108 = vector.broadcast %squeeze3A_1107 : f32 to vector<16xf32>
      %get3A_1109 = arith.index_cast %add3A_1105 : i32 to index
      %get3A_1110 = arith.constant 0 : index
      %get3A_1111 = tpu.vector_load %arg11[%get3A_1109, %get3A_1110] {strides = array<i32>} : memref<640x32xf32, #tpu.memory_space<vmem>>, vector<1x16xf32>,
      %get3A_1112 = vector.shape_cast %get3A_1111 : vector<1x16xf32> to vector<16xf32>
      %mul3A_1113 = arith.mulf %broadcast_in_dim3A_1108, %get3A_1112 : vector<16xf32>
      %neg3A_1114 = arith.constant 0.000000e+00 : f32
      %neg3A_1115 = vector.broadcast %neg3A_1114 : f32 to vector<16xf32>
      %neg3A_1116 = arith.subf %neg3A_1115, %mul3A_1113 : vector<16xf32>
      %swap3A_1117 = arith.index_cast %rem3A_43 : i32 to index
      %swap3A_1118 = arith.index_cast %add3A_1105 : i32 to index
      %swap3A_1119 = arith.constant 0 : index
      %swap3A_1120 = tpu.vector_load %arg9[%swap3A_1117, %swap3A_1118, %swap3A_1119] {strides = array<i32>} : memref<2x640x32xf32, #tpu.memory_space<vmem>>, vector<1x1x16xf32>,
      %swap3A_1121 = vector.shape_cast %swap3A_1120 : vector<1x1x16xf32> to vector<16xf32>
      %swap3A_1122 = vector.shape_cast %neg3A_1116 : vector<16xf32> to vector<1x1x16xf32>
      tpu.vector_store %arg9[%swap3A_1117, %swap3A_1118, %swap3A_1119], %swap3A_1122 {strides = array<i32>} : memref<2x640x32xf32, #tpu.memory_space<vmem>>, vector<1x1x16xf32>,
      %mul3A_1123 = arith.mulf %broadcast_in_dim3A_1108, %neg3A_1116 : vector<16xf32>
      %swap3A_1124 = arith.index_cast %add3A_1105 : i32 to index
      %swap3A_1125 = arith.constant 0 : index
      %swap3A_1126 = tpu.vector_load %arg11[%swap3A_1124, %swap3A_1125] {strides = array<i32>} : memref<640x32xf32, #tpu.memory_space<vmem>>, vector<1x16xf32>,
      %swap3A_1127 = vector.shape_cast %swap3A_1126 : vector<1x16xf32> to vector<16xf32>
      %swap3A_1128 = vector.shape_cast %mul3A_1123 : vector<16xf32> to vector<1x16xf32>
      tpu.vector_store %arg11[%swap3A_1124, %swap3A_1125], %swap3A_1128 {strides = array<i32>} : memref<640x32xf32, #tpu.memory_space<vmem>>, vector<1x16xf32>,
      %get3A_1129 = arith.index_cast %add3A_1105 : i32 to index
      %get3A_1130 = arith.constant 0 : index
      %get3A_1131 = tpu.vector_load %arg10[%get3A_1129, %get3A_1130] {strides = array<i32>} : memref<640x32xf32, #tpu.memory_space<vmem>>, vector<1x16xf32>,
      %get3A_1132 = vector.shape_cast %get3A_1131 : vector<1x16xf32> to vector<16xf32>
      %mul3A_1133 = arith.mulf %gather3A_41, %neg3A_1116 : vector<16xf32>
      %add3A_1134 = arith.addf %get3A_1132, %mul3A_1133 : vector<16xf32>
      %swap3A_1135 = arith.index_cast %add3A_1105 : i32 to index
      %swap3A_1136 = arith.constant 0 : index
      %swap3A_1137 = tpu.vector_load %arg10[%swap3A_1135, %swap3A_1136] {strides = array<i32>} : memref<640x32xf32, #tpu.memory_space<vmem>>, vector<1x16xf32>,
      %swap3A_1138 = vector.shape_cast %swap3A_1137 : vector<1x16xf32> to vector<16xf32>
      %swap3A_1139 = vector.shape_cast %add3A_1134 : vector<16xf32> to vector<1x16xf32>
      tpu.vector_store %arg10[%swap3A_1135, %swap3A_1136], %swap3A_1139 {strides = array<i32>} : memref<640x32xf32, #tpu.memory_space<vmem>>, vector<1x16xf32>,
      %get3A_1140 = arith.index_cast %add3A_1105 : i32 to index
      %get3A_1141 = arith.constant 16 : index
      %get3A_1142 = tpu.vector_load %arg11[%get3A_1140, %get3A_1141] {strides = array<i32>} : memref<640x32xf32, #tpu.memory_space<vmem>>, vector<1x16xf32>,
      %get3A_1143 = vector.shape_cast %get3A_1142 : vector<1x16xf32> to vector<16xf32>
      %mul3A_1144 = arith.mulf %broadcast_in_dim3A_1108, %get3A_1143 : vector<16xf32>
      %neg3A_1145 = arith.constant 0.000000e+00 : f32
      %neg3A_1146 = vector.broadcast %neg3A_1145 : f32 to vector<16xf32>
      %neg3A_1147 = arith.subf %neg3A_1146, %mul3A_1144 : vector<16xf32>
      %swap3A_1148 = arith.index_cast %rem3A_43 : i32 to index
      %swap3A_1149 = arith.index_cast %add3A_1105 : i32 to index
      %swap3A_1150 = arith.constant 16 : index
      %swap3A_1151 = tpu.vector_load %arg9[%swap3A_1148, %swap3A_1149, %swap3A_1150] {strides = array<i32>} : memref<2x640x32xf32, #tpu.memory_space<vmem>>, vector<1x1x16xf32>,
      %swap3A_1152 = vector.shape_cast %swap3A_1151 : vector<1x1x16xf32> to vector<16xf32>
      %swap3A_1153 = vector.shape_cast %neg3A_1147 : vector<16xf32> to vector<1x1x16xf32>
      tpu.vector_store %arg9[%swap3A_1148, %swap3A_1149, %swap3A_1150], %swap3A_1153 {strides = array<i32>} : memref<2x640x32xf32, #tpu.memory_space<vmem>>, vector<1x1x16xf32>,
      %mul3A_1154 = arith.mulf %broadcast_in_dim3A_1108, %neg3A_1147 : vector<16xf32>
      %swap3A_1155 = arith.index_cast %add3A_1105 : i32 to index
      %swap3A_1156 = arith.constant 16 : index
      %swap3A_1157 = tpu.vector_load %arg11[%swap3A_1155, %swap3A_1156] {strides = array<i32>} : memref<640x32xf32, #tpu.memory_space<vmem>>, vector<1x16xf32>,
      %swap3A_1158 = vector.shape_cast %swap3A_1157 : vector<1x16xf32> to vector<16xf32>
      %swap3A_1159 = vector.shape_cast %mul3A_1154 : vector<16xf32> to vector<1x16xf32>
      tpu.vector_store %arg11[%swap3A_1155, %swap3A_1156], %swap3A_1159 {strides = array<i32>} : memref<640x32xf32, #tpu.memory_space<vmem>>, vector<1x16xf32>,
      %get3A_1160 = arith.index_cast %add3A_1105 : i32 to index
      %get3A_1161 = arith.constant 16 : index
      %get3A_1162 = tpu.vector_load %arg10[%get3A_1160, %get3A_1161] {strides = array<i32>} : memref<640x32xf32, #tpu.memory_space<vmem>>, vector<1x16xf32>,
      %get3A_1163 = vector.shape_cast %get3A_1162 : vector<1x16xf32> to vector<16xf32>
      %mul3A_1164 = arith.mulf %gather3A_41, %neg3A_1147 : vector<16xf32>
      %add3A_1165 = arith.addf %get3A_1163, %mul3A_1164 : vector<16xf32>
      %swap3A_1166 = arith.index_cast %add3A_1105 : i32 to index
      %swap3A_1167 = arith.constant 16 : index
      %swap3A_1168 = tpu.vector_load %arg10[%swap3A_1166, %swap3A_1167] {strides = array<i32>} : memref<640x32xf32, #tpu.memory_space<vmem>>, vector<1x16xf32>,
      %swap3A_1169 = vector.shape_cast %swap3A_1168 : vector<1x16xf32> to vector<16xf32>
      %swap3A_1170 = vector.shape_cast %add3A_1165 : vector<16xf32> to vector<1x16xf32>
      tpu.vector_store %arg10[%swap3A_1166, %swap3A_1167], %swap3A_1170 {strides = array<i32>} : memref<640x32xf32, #tpu.memory_space<vmem>>, vector<1x16xf32>,
    }
    %scan3A_48 = arith.constant 40 : i32
    "tpu.region"() ({
      %run_scoped3A_63 = tpu.sem_alloc : memref<!tpu.dma_semaphore, #tpu.memory_space<semaphore_mem>>
      %dma_start3A = arith.constant 0 : i32
      %dma_start3A_64 = tpu.memref_slice %arg8[%mul3A_2, %dma_start3A] : memref<20480x32xf32, #tpu.memory_space<vmem_shared>> -> memref<640x32xf32, #tpu.memory_space<vmem_shared>>
      %dma_start3A_65 = arith.constant 0 : i32
      %dma_start3A_66 = tpu.memref_slice %arg8[%mul3A_2, %dma_start3A_65] : memref<20480x32xf32, #tpu.memory_space<vmem_shared>> -> memref<640x32xf32, #tpu.memory_space<vmem_shared>>
      tpu.enqueue_dma source(%arg11 : memref<640x32xf32, #tpu.memory_space<vmem>>) target(%dma_start3A_66 : memref<640x32xf32, #tpu.memory_space<vmem_shared>>) target_semaphore(%run_scoped3A_63 : memref<!tpu.dma_semaphore, #tpu.memory_space<semaphore_mem>>)
      %dma_wait3A = arith.constant 0 : i32
      %dma_wait3A_67 = tpu.memref_slice %arg8[%mul3A_2, %dma_wait3A] : memref<20480x32xf32, #tpu.memory_space<vmem_shared>> -> memref<640x32xf32, #tpu.memory_space<vmem_shared>>
      %dma_wait3A_68 = arith.constant 0 : i32
      %dma_wait3A_69 = tpu.memref_slice %arg8[%mul3A_2, %dma_wait3A_68] : memref<20480x32xf32, #tpu.memory_space<vmem_shared>> -> memref<640x32xf32, #tpu.memory_space<vmem_shared>>
      tpu.wait_dma2 semaphore(%run_scoped3A_63 : memref<!tpu.dma_semaphore, #tpu.memory_space<semaphore_mem>>) src(%arg11 : memref<640x32xf32, #tpu.memory_space<vmem>>) dst(%dma_wait3A_69 : memref<640x32xf32, #tpu.memory_space<vmem_shared>>)
      tpu.yield
    }) : () -> ()
    %scan3A_49 = arith.constant 0 : i32
    %scan3A_50 = arith.constant 640 : i32
    %scan3A_51 = arith.addi %scan3A_49, %scan3A_50 : i32
    %scan3A_52 = arith.constant 1 : i32
    scf.for %scan3A_63 = %scan3A_49 to %scan3A_51 step %scan3A_52  : i32 {
      %broadcast_in_dim3A_64 = arith.constant 0.000000e+00 : f32
      %broadcast_in_dim3A_65 = vector.broadcast %broadcast_in_dim3A_64 : f32 to vector<16xf32>
      %swap3A = arith.index_cast %scan3A_63 : i32 to index
      %swap3A_66 = arith.constant 0 : index
      %swap3A_67 = tpu.vector_load %arg11[%swap3A, %swap3A_66] {strides = array<i32>} : memref<640x32xf32, #tpu.memory_space<vmem>>, vector<1x16xf32>,
      %swap3A_68 = vector.shape_cast %swap3A_67 : vector<1x16xf32> to vector<16xf32>
      %swap3A_69 = vector.shape_cast %broadcast_in_dim3A_65 : vector<16xf32> to vector<1x16xf32>
      tpu.vector_store %arg11[%swap3A, %swap3A_66], %swap3A_69 {strides = array<i32>} : memref<640x32xf32, #tpu.memory_space<vmem>>, vector<1x16xf32>,
      %broadcast_in_dim3A_70 = arith.constant 0.000000e+00 : f32
      %broadcast_in_dim3A_71 = vector.broadcast %broadcast_in_dim3A_70 : f32 to vector<16xf32>
      %swap3A_72 = arith.index_cast %scan3A_63 : i32 to index
      %swap3A_73 = arith.constant 16 : index
      %swap3A_74 = tpu.vector_load %arg11[%swap3A_72, %swap3A_73] {strides = array<i32>} : memref<640x32xf32, #tpu.memory_space<vmem>>, vector<1x16xf32>,
      %swap3A_75 = vector.shape_cast %swap3A_74 : vector<1x16xf32> to vector<16xf32>
      %swap3A_76 = vector.shape_cast %broadcast_in_dim3A_71 : vector<16xf32> to vector<1x16xf32>
      tpu.vector_store %arg11[%swap3A_72, %swap3A_73], %swap3A_76 {strides = array<i32>} : memref<640x32xf32, #tpu.memory_space<vmem>>, vector<1x16xf32>,
    }
    %scan3A_53 = arith.constant 640 : i32
    %add3A_54 = arith.constant 10240 : i32
    %add3A_55 = arith.addi %add3A_54, %mul3A_2 : i32
    "tpu.region"() ({
      %run_scoped3A_63 = tpu.sem_alloc : memref<!tpu.dma_semaphore, #tpu.memory_space<semaphore_mem>>
      %dma_start3A = arith.constant 0 : i32
      %dma_start3A_64 = tpu.memref_slice %arg8[%add3A_55, %dma_start3A] : memref<20480x32xf32, #tpu.memory_space<vmem_shared>> -> memref<640x32xf32, #tpu.memory_space<vmem_shared>>
      %dma_start3A_65 = arith.constant 0 : i32
      %dma_start3A_66 = tpu.memref_slice %arg8[%add3A_55, %dma_start3A_65] : memref<20480x32xf32, #tpu.memory_space<vmem_shared>> -> memref<640x32xf32, #tpu.memory_space<vmem_shared>>
      tpu.enqueue_dma source(%arg11 : memref<640x32xf32, #tpu.memory_space<vmem>>) target(%dma_start3A_66 : memref<640x32xf32, #tpu.memory_space<vmem_shared>>) target_semaphore(%run_scoped3A_63 : memref<!tpu.dma_semaphore, #tpu.memory_space<semaphore_mem>>)
      %dma_wait3A = arith.constant 0 : i32
      %dma_wait3A_67 = tpu.memref_slice %arg8[%add3A_55, %dma_wait3A] : memref<20480x32xf32, #tpu.memory_space<vmem_shared>> -> memref<640x32xf32, #tpu.memory_space<vmem_shared>>
      %dma_wait3A_68 = arith.constant 0 : i32
      %dma_wait3A_69 = tpu.memref_slice %arg8[%add3A_55, %dma_wait3A_68] : memref<20480x32xf32, #tpu.memory_space<vmem_shared>> -> memref<640x32xf32, #tpu.memory_space<vmem_shared>>
      tpu.wait_dma2 semaphore(%run_scoped3A_63 : memref<!tpu.dma_semaphore, #tpu.memory_space<semaphore_mem>>) src(%arg11 : memref<640x32xf32, #tpu.memory_space<vmem>>) dst(%dma_wait3A_69 : memref<640x32xf32, #tpu.memory_space<vmem_shared>>)
      tpu.yield
    }) : () -> ()
    %barrier3A_56 = arith.constant 0 : index
    tpu.barrier barrier_id(%barrier3A_56)
    %scan3A_57 = arith.constant 2 : i32
    %scan3A_58 = arith.constant 9 : i32
    %scan3A_59 = arith.addi %scan3A_57, %scan3A_58 : i32
    %scan3A_60 = arith.constant 1 : i32
    scf.for %scan3A_63 = %scan3A_57 to %scan3A_59 step %scan3A_60  : i32 {
      %scan3A_64 = arith.constant 0 : i32
      %scan3A_65 = arith.constant 250 : i32
      %scan3A_66 = arith.addi %scan3A_64, %scan3A_65 : i32
      %scan3A_67 = arith.constant 1 : i32
      scf.for %scan3A_98 = %scan3A_64 to %scan3A_66 step %scan3A_67  : i32 {
        %mul3A_99 = arith.constant 80 : i32
        %mul3A_100 = arith.muli %scan3A_98, %mul3A_99 : i32
        %add3A_101 = arith.addi %mul3A_24, %mul3A_100 : i32
        "tpu.region"() ({
          %run_scoped3A_106 = tpu.sem_alloc : memref<!tpu.dma_semaphore, #tpu.memory_space<semaphore_mem>>
          %dma_start3A_107 = tpu.memref_slice %arg4[%add3A_101] : memref<320000xi32, #tpu.memory_space<hbm>> -> memref<80xi32, #tpu.memory_space<hbm>>
          %dma_start3A_108 = tpu.memref_slice %arg4[%add3A_101] : memref<320000xi32, #tpu.memory_space<hbm>> -> memref<80xi32, #tpu.memory_space<hbm>>
          tpu.enqueue_dma source(%dma_start3A_108 : memref<80xi32, #tpu.memory_space<hbm>>) target(%arg13 : memref<80xi32, #tpu.memory_space<vmem>>) target_semaphore(%run_scoped3A_106 : memref<!tpu.dma_semaphore, #tpu.memory_space<semaphore_mem>>)
          %dma_wait3A_109 = tpu.memref_slice %arg4[%add3A_101] : memref<320000xi32, #tpu.memory_space<hbm>> -> memref<80xi32, #tpu.memory_space<hbm>>
          %dma_wait3A_110 = tpu.memref_slice %arg4[%add3A_101] : memref<320000xi32, #tpu.memory_space<hbm>> -> memref<80xi32, #tpu.memory_space<hbm>>
          tpu.wait_dma2 semaphore(%run_scoped3A_106 : memref<!tpu.dma_semaphore, #tpu.memory_space<semaphore_mem>>) src(%dma_wait3A_110 : memref<80xi32, #tpu.memory_space<hbm>>) dst(%arg13 : memref<80xi32, #tpu.memory_space<vmem>>)
          tpu.yield
        }) : () -> ()
        "tpu.region"() ({
          %run_scoped3A_106 = tpu.sem_alloc : memref<!tpu.dma_semaphore, #tpu.memory_space<semaphore_mem>>
          %dma_start3A_107 = tpu.memref_slice %arg5[%add3A_101] : memref<320000xi32, #tpu.memory_space<hbm>> -> memref<80xi32, #tpu.memory_space<hbm>>
          %dma_start3A_108 = tpu.memref_slice %arg5[%add3A_101] : memref<320000xi32, #tpu.memory_space<hbm>> -> memref<80xi32, #tpu.memory_space<hbm>>
          tpu.enqueue_dma source(%dma_start3A_108 : memref<80xi32, #tpu.memory_space<hbm>>) target(%arg14 : memref<80xi32, #tpu.memory_space<vmem>>) target_semaphore(%run_scoped3A_106 : memref<!tpu.dma_semaphore, #tpu.memory_space<semaphore_mem>>)
          %dma_wait3A_109 = tpu.memref_slice %arg5[%add3A_101] : memref<320000xi32, #tpu.memory_space<hbm>> -> memref<80xi32, #tpu.memory_space<hbm>>
          %dma_wait3A_110 = tpu.memref_slice %arg5[%add3A_101] : memref<320000xi32, #tpu.memory_space<hbm>> -> memref<80xi32, #tpu.memory_space<hbm>>
          tpu.wait_dma2 semaphore(%run_scoped3A_106 : memref<!tpu.dma_semaphore, #tpu.memory_space<semaphore_mem>>) src(%dma_wait3A_110 : memref<80xi32, #tpu.memory_space<hbm>>) dst(%arg14 : memref<80xi32, #tpu.memory_space<vmem>>)
          tpu.yield
        }) : () -> ()
        %dma_start3A = arith.constant 0 : i32
        %dma_start3A_102 = arith.constant 0 : i32
        %dma_start3A_103 = tpu.memref_slice %arg8[%dma_start3A, %dma_start3A_102] : memref<20480x32xf32, #tpu.memory_space<vmem_shared>> -> memref<20480x32xf32, #tpu.memory_space<vmem_shared>>
        tpu.enqueue_indirect_dma source(%dma_start3A_103 : memref<20480x32xf32, #tpu.memory_space<vmem_shared>>) target(%arg12 : memref<80x32xf32, #tpu.memory_space<vmem>>) offsets(%arg13 : memref<80xi32, #tpu.memory_space<vmem>>) semaphore(%arg18 : memref<!tpu.dma_semaphore, #tpu.memory_space<semaphore_mem>>)
        %dma_wait3A = arith.constant 0 : i32
        %dma_wait3A_104 = arith.constant 0 : i32
        %dma_wait3A_105 = tpu.memref_slice %arg8[%dma_wait3A, %dma_wait3A_104] : memref<20480x32xf32, #tpu.memory_space<vmem_shared>> -> memref<20480x32xf32, #tpu.memory_space<vmem_shared>>
        tpu.wait_indirect_dma semaphore(%arg18 : memref<!tpu.dma_semaphore, #tpu.memory_space<semaphore_mem>>) src(%dma_wait3A_105 : memref<20480x32xf32, #tpu.memory_space<vmem_shared>>) dst(%arg12 : memref<80x32xf32, #tpu.memory_space<vmem>>)
        "tpu.region"() ({
          %run_scoped3A_106 = tpu.sem_alloc : memref<!tpu.dma_semaphore, #tpu.memory_space<semaphore_mem>>
          %dma_start3A_107 = arith.constant 0 : i32
          %dma_start3A_108 = arith.constant 0 : i32
          %dma_start3A_109 = tpu.memref_slice %arg8[%dma_start3A_107, %dma_start3A_108] : memref<20480x32xf32, #tpu.memory_space<vmem_shared>> -> memref<20480x32xf32, #tpu.memory_space<vmem_shared>>
          tpu.enqueue_indirect_dma source(%arg12 : memref<80x32xf32, #tpu.memory_space<vmem>>) target(%dma_start3A_109 : memref<20480x32xf32, #tpu.memory_space<vmem_shared>>) offsets(%arg14 : memref<80xi32, #tpu.memory_space<vmem>>) semaphore(%run_scoped3A_106 : memref<!tpu.dma_semaphore, #tpu.memory_space<semaphore_mem>>) {add = true}
          %dma_wait3A_110 = arith.constant 0 : i32
          %dma_wait3A_111 = arith.constant 0 : i32
          %dma_wait3A_112 = tpu.memref_slice %arg8[%dma_wait3A_110, %dma_wait3A_111] : memref<20480x32xf32, #tpu.memory_space<vmem_shared>> -> memref<20480x32xf32, #tpu.memory_space<vmem_shared>>
          tpu.wait_indirect_dma semaphore(%run_scoped3A_106 : memref<!tpu.dma_semaphore, #tpu.memory_space<semaphore_mem>>) src(%arg12 : memref<80x32xf32, #tpu.memory_space<vmem>>) dst(%dma_wait3A_112 : memref<20480x32xf32, #tpu.memory_space<vmem_shared>>)
          tpu.yield
        }) : () -> ()
      }
      %scan3A_68 = arith.constant 250 : i32
      %barrier3A_69 = arith.constant 0 : index
      tpu.barrier barrier_id(%barrier3A_69)
      %add3A_70 = arith.constant 10240 : i32
      %add3A_71 = arith.addi %add3A_70, %mul3A_2 : i32
      "tpu.region"() ({
        %run_scoped3A_98 = tpu.sem_alloc : memref<!tpu.dma_semaphore, #tpu.memory_space<semaphore_mem>>
        %dma_start3A = arith.constant 0 : i32
        %dma_start3A_99 = tpu.memref_slice %arg8[%add3A_71, %dma_start3A] : memref<20480x32xf32, #tpu.memory_space<vmem_shared>> -> memref<640x32xf32, #tpu.memory_space<vmem_shared>>
        %dma_start3A_100 = arith.constant 0 : i32
        %dma_start3A_101 = tpu.memref_slice %arg8[%add3A_71, %dma_start3A_100] : memref<20480x32xf32, #tpu.memory_space<vmem_shared>> -> memref<640x32xf32, #tpu.memory_space<vmem_shared>>
        tpu.enqueue_dma source(%dma_start3A_101 : memref<640x32xf32, #tpu.memory_space<vmem_shared>>) target(%arg11 : memref<640x32xf32, #tpu.memory_space<vmem>>) target_semaphore(%run_scoped3A_98 : memref<!tpu.dma_semaphore, #tpu.memory_space<semaphore_mem>>)
        %dma_wait3A = arith.constant 0 : i32
        %dma_wait3A_102 = tpu.memref_slice %arg8[%add3A_71, %dma_wait3A] : memref<20480x32xf32, #tpu.memory_space<vmem_shared>> -> memref<640x32xf32, #tpu.memory_space<vmem_shared>>
        %dma_wait3A_103 = arith.constant 0 : i32
        %dma_wait3A_104 = tpu.memref_slice %arg8[%add3A_71, %dma_wait3A_103] : memref<20480x32xf32, #tpu.memory_space<vmem_shared>> -> memref<640x32xf32, #tpu.memory_space<vmem_shared>>
        tpu.wait_dma2 semaphore(%run_scoped3A_98 : memref<!tpu.dma_semaphore, #tpu.memory_space<semaphore_mem>>) src(%dma_wait3A_104 : memref<640x32xf32, #tpu.memory_space<vmem_shared>>) dst(%arg11 : memref<640x32xf32, #tpu.memory_space<vmem>>)
        tpu.yield
      }) : () -> ()
      %broadcast_in_dim3A_72 = vector.broadcast %scan3A_63 : i32 to vector<16xi32>
      %lt3A_73 = arith.constant 0 : i32
      %lt3A_74 = vector.broadcast %lt3A_73 : i32 to vector<16xi32>
      %lt3A_75 = arith.cmpi slt, %broadcast_in_dim3A_72, %lt3A_74 : vector<16xi32>
      %add3A_76 = arith.constant 16 : i32
      %add3A_77 = vector.broadcast %add3A_76 : i32 to vector<16xi32>
      %add3A_78 = arith.addi %broadcast_in_dim3A_72, %add3A_77 : vector<16xi32>
      %select_n3A_79 = arith.select %lt3A_75, %add3A_78, %broadcast_in_dim3A_72 : vector<16xi1>, vector<16xi32>
      %broadcast_in_dim3A_80 = vector.shape_cast %select_n3A_79 : vector<16xi32> to vector<16x1xi32>
      %gather3A_81 = vector.shape_cast %broadcast_in_dim3A_80 : vector<16x1xi32> to vector<16xi32>
      %gather3A_82 = tpu.dynamic_gather %get3A_10[%gather3A_81] in [0] : vector<16xf32>, vector<16xi32> -> vector<16xf32>
      %rem3A_83 = arith.constant 2 : i32
      %rem3A_84 = arith.remsi %scan3A_63, %rem3A_83 : i32
      %scan3A_85 = arith.constant 0 : i32
      %scan3A_86 = arith.constant 40 : i32
      %scan3A_87 = arith.addi %scan3A_85, %scan3A_86 : i32
      %scan3A_88 = arith.constant 1 : i32
      scf.for %scan3A_98 = %scan3A_85 to %scan3A_87 step %scan3A_88  : i32 {
        %mul3A_99 = arith.constant 16 : i32
        %mul3A_100 = arith.muli %scan3A_98, %mul3A_99 : i32
        %get3A_101 = arith.index_cast %mul3A_100 : i32 to index
        %get3A_102 = tpu.vector_load %arg15[%get3A_101] {strides = array<i32>} : memref<640xf32, #tpu.memory_space<vmem>>, vector<16xf32>,
        %get3A_103 = vector.shape_cast %get3A_102 : vector<16xf32> to vector<16xf32>
        %mul3A_104 = arith.constant 16 : i32
        %mul3A_105 = arith.muli %scan3A_98, %mul3A_104 : i32
        %add3A_106 = arith.constant 0 : i32
        %add3A_107 = arith.addi %mul3A_105, %add3A_106 : i32
        %slice3A_108 = vector.extract_strided_slice %get3A_103 {offsets = [0], sizes = [1], strides = [1]} : vector<16xf32> to vector<1xf32>
        %squeeze3A_109 = vector.extract %slice3A_108[0] : f32 from vector<1xf32>
        %broadcast_in_dim3A_110 = vector.broadcast %squeeze3A_109 : f32 to vector<16xf32>
        %get3A_111 = arith.index_cast %add3A_107 : i32 to index
        %get3A_112 = arith.constant 0 : index
        %get3A_113 = tpu.vector_load %arg11[%get3A_111, %get3A_112] {strides = array<i32>} : memref<640x32xf32, #tpu.memory_space<vmem>>, vector<1x16xf32>,
        %get3A_114 = vector.shape_cast %get3A_113 : vector<1x16xf32> to vector<16xf32>
        %mul3A_115 = arith.mulf %broadcast_in_dim3A_110, %get3A_114 : vector<16xf32>
        %mul3A_116 = arith.constant -2.000000e+00 : f32
        %mul3A_117 = vector.broadcast %mul3A_116 : f32 to vector<16xf32>
        %mul3A_118 = arith.mulf %mul3A_117, %mul3A_115 : vector<16xf32>
        %get3A_119 = arith.index_cast %rem3A_84 : i32 to index
        %get3A_120 = arith.index_cast %add3A_107 : i32 to index
        %get3A_121 = arith.constant 0 : index
        %get3A_122 = tpu.vector_load %arg9[%get3A_119, %get3A_120, %get3A_121] {strides = array<i32>} : memref<2x640x32xf32, #tpu.memory_space<vmem>>, vector<1x1x16xf32>,
        %get3A_123 = vector.shape_cast %get3A_122 : vector<1x1x16xf32> to vector<16xf32>
        %sub3A = arith.subf %mul3A_118, %get3A_123 : vector<16xf32>
        %swap3A = arith.index_cast %rem3A_84 : i32 to index
        %swap3A_124 = arith.index_cast %add3A_107 : i32 to index
        %swap3A_125 = arith.constant 0 : index
        %swap3A_126 = tpu.vector_load %arg9[%swap3A, %swap3A_124, %swap3A_125] {strides = array<i32>} : memref<2x640x32xf32, #tpu.memory_space<vmem>>, vector<1x1x16xf32>,
        %swap3A_127 = vector.shape_cast %swap3A_126 : vector<1x1x16xf32> to vector<16xf32>
        %swap3A_128 = vector.shape_cast %sub3A : vector<16xf32> to vector<1x1x16xf32>
        tpu.vector_store %arg9[%swap3A, %swap3A_124, %swap3A_125], %swap3A_128 {strides = array<i32>} : memref<2x640x32xf32, #tpu.memory_space<vmem>>, vector<1x1x16xf32>,
        %mul3A_129 = arith.mulf %broadcast_in_dim3A_110, %sub3A : vector<16xf32>
        %swap3A_130 = arith.index_cast %add3A_107 : i32 to index
        %swap3A_131 = arith.constant 0 : index
        %swap3A_132 = tpu.vector_load %arg11[%swap3A_130, %swap3A_131] {strides = array<i32>} : memref<640x32xf32, #tpu.memory_space<vmem>>, vector<1x16xf32>,
        %swap3A_133 = vector.shape_cast %swap3A_132 : vector<1x16xf32> to vector<16xf32>
        %swap3A_134 = vector.shape_cast %mul3A_129 : vector<16xf32> to vector<1x16xf32>
        tpu.vector_store %arg11[%swap3A_130, %swap3A_131], %swap3A_134 {strides = array<i32>} : memref<640x32xf32, #tpu.memory_space<vmem>>, vector<1x16xf32>,
        %get3A_135 = arith.index_cast %add3A_107 : i32 to index
        %get3A_136 = arith.constant 0 : index
        %get3A_137 = tpu.vector_load %arg10[%get3A_135, %get3A_136] {strides = array<i32>} : memref<640x32xf32, #tpu.memory_space<vmem>>, vector<1x16xf32>,
        %get3A_138 = vector.shape_cast %get3A_137 : vector<1x16xf32> to vector<16xf32>
        %mul3A_139 = arith.mulf %gather3A_82, %sub3A : vector<16xf32>
        %add3A_140 = arith.addf %get3A_138, %mul3A_139 : vector<16xf32>
        %swap3A_141 = arith.index_cast %add3A_107 : i32 to index
        %swap3A_142 = arith.constant 0 : index
        %swap3A_143 = tpu.vector_load %arg10[%swap3A_141, %swap3A_142] {strides = array<i32>} : memref<640x32xf32, #tpu.memory_space<vmem>>, vector<1x16xf32>,
        %swap3A_144 = vector.shape_cast %swap3A_143 : vector<1x16xf32> to vector<16xf32>
        %swap3A_145 = vector.shape_cast %add3A_140 : vector<16xf32> to vector<1x16xf32>
        tpu.vector_store %arg10[%swap3A_141, %swap3A_142], %swap3A_145 {strides = array<i32>} : memref<640x32xf32, #tpu.memory_space<vmem>>, vector<1x16xf32>,
        %get3A_146 = arith.index_cast %add3A_107 : i32 to index
        %get3A_147 = arith.constant 16 : index
        %get3A_148 = tpu.vector_load %arg11[%get3A_146, %get3A_147] {strides = array<i32>} : memref<640x32xf32, #tpu.memory_space<vmem>>, vector<1x16xf32>,
        %get3A_149 = vector.shape_cast %get3A_148 : vector<1x16xf32> to vector<16xf32>
        %mul3A_150 = arith.mulf %broadcast_in_dim3A_110, %get3A_149 : vector<16xf32>
        %mul3A_151 = arith.constant -2.000000e+00 : f32
        %mul3A_152 = vector.broadcast %mul3A_151 : f32 to vector<16xf32>
        %mul3A_153 = arith.mulf %mul3A_152, %mul3A_150 : vector<16xf32>
        %get3A_154 = arith.index_cast %rem3A_84 : i32 to index
        %get3A_155 = arith.index_cast %add3A_107 : i32 to index
        %get3A_156 = arith.constant 16 : index
        %get3A_157 = tpu.vector_load %arg9[%get3A_154, %get3A_155, %get3A_156] {strides = array<i32>} : memref<2x640x32xf32, #tpu.memory_space<vmem>>, vector<1x1x16xf32>,
        %get3A_158 = vector.shape_cast %get3A_157 : vector<1x1x16xf32> to vector<16xf32>
        %sub3A_159 = arith.subf %mul3A_153, %get3A_158 : vector<16xf32>
        %swap3A_160 = arith.index_cast %rem3A_84 : i32 to index
        %swap3A_161 = arith.index_cast %add3A_107 : i32 to index
        %swap3A_162 = arith.constant 16 : index
        %swap3A_163 = tpu.vector_load %arg9[%swap3A_160, %swap3A_161, %swap3A_162] {strides = array<i32>} : memref<2x640x32xf32, #tpu.memory_space<vmem>>, vector<1x1x16xf32>,
        %swap3A_164 = vector.shape_cast %swap3A_163 : vector<1x1x16xf32> to vector<16xf32>
        %swap3A_165 = vector.shape_cast %sub3A_159 : vector<16xf32> to vector<1x1x16xf32>
        tpu.vector_store %arg9[%swap3A_160, %swap3A_161, %swap3A_162], %swap3A_165 {strides = array<i32>} : memref<2x640x32xf32, #tpu.memory_space<vmem>>, vector<1x1x16xf32>,
        %mul3A_166 = arith.mulf %broadcast_in_dim3A_110, %sub3A_159 : vector<16xf32>
        %swap3A_167 = arith.index_cast %add3A_107 : i32 to index
        %swap3A_168 = arith.constant 16 : index
        %swap3A_169 = tpu.vector_load %arg11[%swap3A_167, %swap3A_168] {strides = array<i32>} : memref<640x32xf32, #tpu.memory_space<vmem>>, vector<1x16xf32>,
        %swap3A_170 = vector.shape_cast %swap3A_169 : vector<1x16xf32> to vector<16xf32>
        %swap3A_171 = vector.shape_cast %mul3A_166 : vector<16xf32> to vector<1x16xf32>
        tpu.vector_store %arg11[%swap3A_167, %swap3A_168], %swap3A_171 {strides = array<i32>} : memref<640x32xf32, #tpu.memory_space<vmem>>, vector<1x16xf32>,
        %get3A_172 = arith.index_cast %add3A_107 : i32 to index
        %get3A_173 = arith.constant 16 : index
        %get3A_174 = tpu.vector_load %arg10[%get3A_172, %get3A_173] {strides = array<i32>} : memref<640x32xf32, #tpu.memory_space<vmem>>, vector<1x16xf32>,
        %get3A_175 = vector.shape_cast %get3A_174 : vector<1x16xf32> to vector<16xf32>
        %mul3A_176 = arith.mulf %gather3A_82, %sub3A_159 : vector<16xf32>
        %add3A_177 = arith.addf %get3A_175, %mul3A_176 : vector<16xf32>
        %swap3A_178 = arith.index_cast %add3A_107 : i32 to index
        %swap3A_179 = arith.constant 16 : index
        %swap3A_180 = tpu.vector_load %arg10[%swap3A_178, %swap3A_179] {strides = array<i32>} : memref<640x32xf32, #tpu.memory_space<vmem>>, vector<1x16xf32>,
        %swap3A_181 = vector.shape_cast %swap3A_180 : vector<1x16xf32> to vector<16xf32>
        %swap3A_182 = vector.shape_cast %add3A_177 : vector<16xf32> to vector<1x16xf32>
        tpu.vector_store %arg10[%swap3A_178, %swap3A_179], %swap3A_182 {strides = array<i32>} : memref<640x32xf32, #tpu.memory_space<vmem>>, vector<1x16xf32>,
        %mul3A_183 = arith.constant 16 : i32
        %mul3A_184 = arith.muli %scan3A_98, %mul3A_183 : i32
        %add3A_185 = arith.constant 1 : i32
        %add3A_186 = arith.addi %mul3A_184, %add3A_185 : i32
        %slice3A_187 = vector.extract_strided_slice %get3A_103 {offsets = [1], sizes = [1], strides = [1]} : vector<16xf32> to vector<1xf32>
        %squeeze3A_188 = vector.extract %slice3A_187[0] : f32 from vector<1xf32>
        %broadcast_in_dim3A_189 = vector.broadcast %squeeze3A_188 : f32 to vector<16xf32>
        %get3A_190 = arith.index_cast %add3A_186 : i32 to index
        %get3A_191 = arith.constant 0 : index
        %get3A_192 = tpu.vector_load %arg11[%get3A_190, %get3A_191] {strides = array<i32>} : memref<640x32xf32, #tpu.memory_space<vmem>>, vector<1x16xf32>,
        %get3A_193 = vector.shape_cast %get3A_192 : vector<1x16xf32> to vector<16xf32>
        %mul3A_194 = arith.mulf %broadcast_in_dim3A_189, %get3A_193 : vector<16xf32>
        %mul3A_195 = arith.constant -2.000000e+00 : f32
        %mul3A_196 = vector.broadcast %mul3A_195 : f32 to vector<16xf32>
        %mul3A_197 = arith.mulf %mul3A_196, %mul3A_194 : vector<16xf32>
        %get3A_198 = arith.index_cast %rem3A_84 : i32 to index
        %get3A_199 = arith.index_cast %add3A_186 : i32 to index
        %get3A_200 = arith.constant 0 : index
        %get3A_201 = tpu.vector_load %arg9[%get3A_198, %get3A_199, %get3A_200] {strides = array<i32>} : memref<2x640x32xf32, #tpu.memory_space<vmem>>, vector<1x1x16xf32>,
        %get3A_202 = vector.shape_cast %get3A_201 : vector<1x1x16xf32> to vector<16xf32>
        %sub3A_203 = arith.subf %mul3A_197, %get3A_202 : vector<16xf32>
        %swap3A_204 = arith.index_cast %rem3A_84 : i32 to index
        %swap3A_205 = arith.index_cast %add3A_186 : i32 to index
        %swap3A_206 = arith.constant 0 : index
        %swap3A_207 = tpu.vector_load %arg9[%swap3A_204, %swap3A_205, %swap3A_206] {strides = array<i32>} : memref<2x640x32xf32, #tpu.memory_space<vmem>>, vector<1x1x16xf32>,
        %swap3A_208 = vector.shape_cast %swap3A_207 : vector<1x1x16xf32> to vector<16xf32>
        %swap3A_209 = vector.shape_cast %sub3A_203 : vector<16xf32> to vector<1x1x16xf32>
        tpu.vector_store %arg9[%swap3A_204, %swap3A_205, %swap3A_206], %swap3A_209 {strides = array<i32>} : memref<2x640x32xf32, #tpu.memory_space<vmem>>, vector<1x1x16xf32>,
        %mul3A_210 = arith.mulf %broadcast_in_dim3A_189, %sub3A_203 : vector<16xf32>
        %swap3A_211 = arith.index_cast %add3A_186 : i32 to index
        %swap3A_212 = arith.constant 0 : index
        %swap3A_213 = tpu.vector_load %arg11[%swap3A_211, %swap3A_212] {strides = array<i32>} : memref<640x32xf32, #tpu.memory_space<vmem>>, vector<1x16xf32>,
        %swap3A_214 = vector.shape_cast %swap3A_213 : vector<1x16xf32> to vector<16xf32>
        %swap3A_215 = vector.shape_cast %mul3A_210 : vector<16xf32> to vector<1x16xf32>
        tpu.vector_store %arg11[%swap3A_211, %swap3A_212], %swap3A_215 {strides = array<i32>} : memref<640x32xf32, #tpu.memory_space<vmem>>, vector<1x16xf32>,
        %get3A_216 = arith.index_cast %add3A_186 : i32 to index
        %get3A_217 = arith.constant 0 : index
        %get3A_218 = tpu.vector_load %arg10[%get3A_216, %get3A_217] {strides = array<i32>} : memref<640x32xf32, #tpu.memory_space<vmem>>, vector<1x16xf32>,
        %get3A_219 = vector.shape_cast %get3A_218 : vector<1x16xf32> to vector<16xf32>
        %mul3A_220 = arith.mulf %gather3A_82, %sub3A_203 : vector<16xf32>
        %add3A_221 = arith.addf %get3A_219, %mul3A_220 : vector<16xf32>
        %swap3A_222 = arith.index_cast %add3A_186 : i32 to index
        %swap3A_223 = arith.constant 0 : index
        %swap3A_224 = tpu.vector_load %arg10[%swap3A_222, %swap3A_223] {strides = array<i32>} : memref<640x32xf32, #tpu.memory_space<vmem>>, vector<1x16xf32>,
        %swap3A_225 = vector.shape_cast %swap3A_224 : vector<1x16xf32> to vector<16xf32>
        %swap3A_226 = vector.shape_cast %add3A_221 : vector<16xf32> to vector<1x16xf32>
        tpu.vector_store %arg10[%swap3A_222, %swap3A_223], %swap3A_226 {strides = array<i32>} : memref<640x32xf32, #tpu.memory_space<vmem>>, vector<1x16xf32>,
        %get3A_227 = arith.index_cast %add3A_186 : i32 to index
        %get3A_228 = arith.constant 16 : index
        %get3A_229 = tpu.vector_load %arg11[%get3A_227, %get3A_228] {strides = array<i32>} : memref<640x32xf32, #tpu.memory_space<vmem>>, vector<1x16xf32>,
        %get3A_230 = vector.shape_cast %get3A_229 : vector<1x16xf32> to vector<16xf32>
        %mul3A_231 = arith.mulf %broadcast_in_dim3A_189, %get3A_230 : vector<16xf32>
        %mul3A_232 = arith.constant -2.000000e+00 : f32
        %mul3A_233 = vector.broadcast %mul3A_232 : f32 to vector<16xf32>
        %mul3A_234 = arith.mulf %mul3A_233, %mul3A_231 : vector<16xf32>
        %get3A_235 = arith.index_cast %rem3A_84 : i32 to index
        %get3A_236 = arith.index_cast %add3A_186 : i32 to index
        %get3A_237 = arith.constant 16 : index
        %get3A_238 = tpu.vector_load %arg9[%get3A_235, %get3A_236, %get3A_237] {strides = array<i32>} : memref<2x640x32xf32, #tpu.memory_space<vmem>>, vector<1x1x16xf32>,
        %get3A_239 = vector.shape_cast %get3A_238 : vector<1x1x16xf32> to vector<16xf32>
        %sub3A_240 = arith.subf %mul3A_234, %get3A_239 : vector<16xf32>
        %swap3A_241 = arith.index_cast %rem3A_84 : i32 to index
        %swap3A_242 = arith.index_cast %add3A_186 : i32 to index
        %swap3A_243 = arith.constant 16 : index
        %swap3A_244 = tpu.vector_load %arg9[%swap3A_241, %swap3A_242, %swap3A_243] {strides = array<i32>} : memref<2x640x32xf32, #tpu.memory_space<vmem>>, vector<1x1x16xf32>,
        %swap3A_245 = vector.shape_cast %swap3A_244 : vector<1x1x16xf32> to vector<16xf32>
        %swap3A_246 = vector.shape_cast %sub3A_240 : vector<16xf32> to vector<1x1x16xf32>
        tpu.vector_store %arg9[%swap3A_241, %swap3A_242, %swap3A_243], %swap3A_246 {strides = array<i32>} : memref<2x640x32xf32, #tpu.memory_space<vmem>>, vector<1x1x16xf32>,
        %mul3A_247 = arith.mulf %broadcast_in_dim3A_189, %sub3A_240 : vector<16xf32>
        %swap3A_248 = arith.index_cast %add3A_186 : i32 to index
        %swap3A_249 = arith.constant 16 : index
        %swap3A_250 = tpu.vector_load %arg11[%swap3A_248, %swap3A_249] {strides = array<i32>} : memref<640x32xf32, #tpu.memory_space<vmem>>, vector<1x16xf32>,
        %swap3A_251 = vector.shape_cast %swap3A_250 : vector<1x16xf32> to vector<16xf32>
        %swap3A_252 = vector.shape_cast %mul3A_247 : vector<16xf32> to vector<1x16xf32>
        tpu.vector_store %arg11[%swap3A_248, %swap3A_249], %swap3A_252 {strides = array<i32>} : memref<640x32xf32, #tpu.memory_space<vmem>>, vector<1x16xf32>,
        %get3A_253 = arith.index_cast %add3A_186 : i32 to index
        %get3A_254 = arith.constant 16 : index
        %get3A_255 = tpu.vector_load %arg10[%get3A_253, %get3A_254] {strides = array<i32>} : memref<640x32xf32, #tpu.memory_space<vmem>>, vector<1x16xf32>,
        %get3A_256 = vector.shape_cast %get3A_255 : vector<1x16xf32> to vector<16xf32>
        %mul3A_257 = arith.mulf %gather3A_82, %sub3A_240 : vector<16xf32>
        %add3A_258 = arith.addf %get3A_256, %mul3A_257 : vector<16xf32>
        %swap3A_259 = arith.index_cast %add3A_186 : i32 to index
        %swap3A_260 = arith.constant 16 : index
        %swap3A_261 = tpu.vector_load %arg10[%swap3A_259, %swap3A_260] {strides = array<i32>} : memref<640x32xf32, #tpu.memory_space<vmem>>, vector<1x16xf32>,
        %swap3A_262 = vector.shape_cast %swap3A_261 : vector<1x16xf32> to vector<16xf32>
        %swap3A_263 = vector.shape_cast %add3A_258 : vector<16xf32> to vector<1x16xf32>
        tpu.vector_store %arg10[%swap3A_259, %swap3A_260], %swap3A_263 {strides = array<i32>} : memref<640x32xf32, #tpu.memory_space<vmem>>, vector<1x16xf32>,
        %mul3A_264 = arith.constant 16 : i32
        %mul3A_265 = arith.muli %scan3A_98, %mul3A_264 : i32
        %add3A_266 = arith.constant 2 : i32
        %add3A_267 = arith.addi %mul3A_265, %add3A_266 : i32
        %slice3A_268 = vector.extract_strided_slice %get3A_103 {offsets = [2], sizes = [1], strides = [1]} : vector<16xf32> to vector<1xf32>
        %squeeze3A_269 = vector.extract %slice3A_268[0] : f32 from vector<1xf32>
        %broadcast_in_dim3A_270 = vector.broadcast %squeeze3A_269 : f32 to vector<16xf32>
        %get3A_271 = arith.index_cast %add3A_267 : i32 to index
        %get3A_272 = arith.constant 0 : index
        %get3A_273 = tpu.vector_load %arg11[%get3A_271, %get3A_272] {strides = array<i32>} : memref<640x32xf32, #tpu.memory_space<vmem>>, vector<1x16xf32>,
        %get3A_274 = vector.shape_cast %get3A_273 : vector<1x16xf32> to vector<16xf32>
        %mul3A_275 = arith.mulf %broadcast_in_dim3A_270, %get3A_274 : vector<16xf32>
        %mul3A_276 = arith.constant -2.000000e+00 : f32
        %mul3A_277 = vector.broadcast %mul3A_276 : f32 to vector<16xf32>
        %mul3A_278 = arith.mulf %mul3A_277, %mul3A_275 : vector<16xf32>
        %get3A_279 = arith.index_cast %rem3A_84 : i32 to index
        %get3A_280 = arith.index_cast %add3A_267 : i32 to index
        %get3A_281 = arith.constant 0 : index
        %get3A_282 = tpu.vector_load %arg9[%get3A_279, %get3A_280, %get3A_281] {strides = array<i32>} : memref<2x640x32xf32, #tpu.memory_space<vmem>>, vector<1x1x16xf32>,
        %get3A_283 = vector.shape_cast %get3A_282 : vector<1x1x16xf32> to vector<16xf32>
        %sub3A_284 = arith.subf %mul3A_278, %get3A_283 : vector<16xf32>
        %swap3A_285 = arith.index_cast %rem3A_84 : i32 to index
        %swap3A_286 = arith.index_cast %add3A_267 : i32 to index
        %swap3A_287 = arith.constant 0 : index
        %swap3A_288 = tpu.vector_load %arg9[%swap3A_285, %swap3A_286, %swap3A_287] {strides = array<i32>} : memref<2x640x32xf32, #tpu.memory_space<vmem>>, vector<1x1x16xf32>,
        %swap3A_289 = vector.shape_cast %swap3A_288 : vector<1x1x16xf32> to vector<16xf32>
        %swap3A_290 = vector.shape_cast %sub3A_284 : vector<16xf32> to vector<1x1x16xf32>
        tpu.vector_store %arg9[%swap3A_285, %swap3A_286, %swap3A_287], %swap3A_290 {strides = array<i32>} : memref<2x640x32xf32, #tpu.memory_space<vmem>>, vector<1x1x16xf32>,
        %mul3A_291 = arith.mulf %broadcast_in_dim3A_270, %sub3A_284 : vector<16xf32>
        %swap3A_292 = arith.index_cast %add3A_267 : i32 to index
        %swap3A_293 = arith.constant 0 : index
        %swap3A_294 = tpu.vector_load %arg11[%swap3A_292, %swap3A_293] {strides = array<i32>} : memref<640x32xf32, #tpu.memory_space<vmem>>, vector<1x16xf32>,
        %swap3A_295 = vector.shape_cast %swap3A_294 : vector<1x16xf32> to vector<16xf32>
        %swap3A_296 = vector.shape_cast %mul3A_291 : vector<16xf32> to vector<1x16xf32>
        tpu.vector_store %arg11[%swap3A_292, %swap3A_293], %swap3A_296 {strides = array<i32>} : memref<640x32xf32, #tpu.memory_space<vmem>>, vector<1x16xf32>,
        %get3A_297 = arith.index_cast %add3A_267 : i32 to index
        %get3A_298 = arith.constant 0 : index
        %get3A_299 = tpu.vector_load %arg10[%get3A_297, %get3A_298] {strides = array<i32>} : memref<640x32xf32, #tpu.memory_space<vmem>>, vector<1x16xf32>,
        %get3A_300 = vector.shape_cast %get3A_299 : vector<1x16xf32> to vector<16xf32>
        %mul3A_301 = arith.mulf %gather3A_82, %sub3A_284 : vector<16xf32>
        %add3A_302 = arith.addf %get3A_300, %mul3A_301 : vector<16xf32>
        %swap3A_303 = arith.index_cast %add3A_267 : i32 to index
        %swap3A_304 = arith.constant 0 : index
        %swap3A_305 = tpu.vector_load %arg10[%swap3A_303, %swap3A_304] {strides = array<i32>} : memref<640x32xf32, #tpu.memory_space<vmem>>, vector<1x16xf32>,
        %swap3A_306 = vector.shape_cast %swap3A_305 : vector<1x16xf32> to vector<16xf32>
        %swap3A_307 = vector.shape_cast %add3A_302 : vector<16xf32> to vector<1x16xf32>
        tpu.vector_store %arg10[%swap3A_303, %swap3A_304], %swap3A_307 {strides = array<i32>} : memref<640x32xf32, #tpu.memory_space<vmem>>, vector<1x16xf32>,
        %get3A_308 = arith.index_cast %add3A_267 : i32 to index
        %get3A_309 = arith.constant 16 : index
        %get3A_310 = tpu.vector_load %arg11[%get3A_308, %get3A_309] {strides = array<i32>} : memref<640x32xf32, #tpu.memory_space<vmem>>, vector<1x16xf32>,
        %get3A_311 = vector.shape_cast %get3A_310 : vector<1x16xf32> to vector<16xf32>
        %mul3A_312 = arith.mulf %broadcast_in_dim3A_270, %get3A_311 : vector<16xf32>
        %mul3A_313 = arith.constant -2.000000e+00 : f32
        %mul3A_314 = vector.broadcast %mul3A_313 : f32 to vector<16xf32>
        %mul3A_315 = arith.mulf %mul3A_314, %mul3A_312 : vector<16xf32>
        %get3A_316 = arith.index_cast %rem3A_84 : i32 to index
        %get3A_317 = arith.index_cast %add3A_267 : i32 to index
        %get3A_318 = arith.constant 16 : index
        %get3A_319 = tpu.vector_load %arg9[%get3A_316, %get3A_317, %get3A_318] {strides = array<i32>} : memref<2x640x32xf32, #tpu.memory_space<vmem>>, vector<1x1x16xf32>,
        %get3A_320 = vector.shape_cast %get3A_319 : vector<1x1x16xf32> to vector<16xf32>
        %sub3A_321 = arith.subf %mul3A_315, %get3A_320 : vector<16xf32>
        %swap3A_322 = arith.index_cast %rem3A_84 : i32 to index
        %swap3A_323 = arith.index_cast %add3A_267 : i32 to index
        %swap3A_324 = arith.constant 16 : index
        %swap3A_325 = tpu.vector_load %arg9[%swap3A_322, %swap3A_323, %swap3A_324] {strides = array<i32>} : memref<2x640x32xf32, #tpu.memory_space<vmem>>, vector<1x1x16xf32>,
        %swap3A_326 = vector.shape_cast %swap3A_325 : vector<1x1x16xf32> to vector<16xf32>
        %swap3A_327 = vector.shape_cast %sub3A_321 : vector<16xf32> to vector<1x1x16xf32>
        tpu.vector_store %arg9[%swap3A_322, %swap3A_323, %swap3A_324], %swap3A_327 {strides = array<i32>} : memref<2x640x32xf32, #tpu.memory_space<vmem>>, vector<1x1x16xf32>,
        %mul3A_328 = arith.mulf %broadcast_in_dim3A_270, %sub3A_321 : vector<16xf32>
        %swap3A_329 = arith.index_cast %add3A_267 : i32 to index
        %swap3A_330 = arith.constant 16 : index
        %swap3A_331 = tpu.vector_load %arg11[%swap3A_329, %swap3A_330] {strides = array<i32>} : memref<640x32xf32, #tpu.memory_space<vmem>>, vector<1x16xf32>,
        %swap3A_332 = vector.shape_cast %swap3A_331 : vector<1x16xf32> to vector<16xf32>
        %swap3A_333 = vector.shape_cast %mul3A_328 : vector<16xf32> to vector<1x16xf32>
        tpu.vector_store %arg11[%swap3A_329, %swap3A_330], %swap3A_333 {strides = array<i32>} : memref<640x32xf32, #tpu.memory_space<vmem>>, vector<1x16xf32>,
        %get3A_334 = arith.index_cast %add3A_267 : i32 to index
        %get3A_335 = arith.constant 16 : index
        %get3A_336 = tpu.vector_load %arg10[%get3A_334, %get3A_335] {strides = array<i32>} : memref<640x32xf32, #tpu.memory_space<vmem>>, vector<1x16xf32>,
        %get3A_337 = vector.shape_cast %get3A_336 : vector<1x16xf32> to vector<16xf32>
        %mul3A_338 = arith.mulf %gather3A_82, %sub3A_321 : vector<16xf32>
        %add3A_339 = arith.addf %get3A_337, %mul3A_338 : vector<16xf32>
        %swap3A_340 = arith.index_cast %add3A_267 : i32 to index
        %swap3A_341 = arith.constant 16 : index
        %swap3A_342 = tpu.vector_load %arg10[%swap3A_340, %swap3A_341] {strides = array<i32>} : memref<640x32xf32, #tpu.memory_space<vmem>>, vector<1x16xf32>,
        %swap3A_343 = vector.shape_cast %swap3A_342 : vector<1x16xf32> to vector<16xf32>
        %swap3A_344 = vector.shape_cast %add3A_339 : vector<16xf32> to vector<1x16xf32>
        tpu.vector_store %arg10[%swap3A_340, %swap3A_341], %swap3A_344 {strides = array<i32>} : memref<640x32xf32, #tpu.memory_space<vmem>>, vector<1x16xf32>,
        %mul3A_345 = arith.constant 16 : i32
        %mul3A_346 = arith.muli %scan3A_98, %mul3A_345 : i32
        %add3A_347 = arith.constant 3 : i32
        %add3A_348 = arith.addi %mul3A_346, %add3A_347 : i32
        %slice3A_349 = vector.extract_strided_slice %get3A_103 {offsets = [3], sizes = [1], strides = [1]} : vector<16xf32> to vector<1xf32>
        %squeeze3A_350 = vector.extract %slice3A_349[0] : f32 from vector<1xf32>
        %broadcast_in_dim3A_351 = vector.broadcast %squeeze3A_350 : f32 to vector<16xf32>
        %get3A_352 = arith.index_cast %add3A_348 : i32 to index
        %get3A_353 = arith.constant 0 : index
        %get3A_354 = tpu.vector_load %arg11[%get3A_352, %get3A_353] {strides = array<i32>} : memref<640x32xf32, #tpu.memory_space<vmem>>, vector<1x16xf32>,
        %get3A_355 = vector.shape_cast %get3A_354 : vector<1x16xf32> to vector<16xf32>
        %mul3A_356 = arith.mulf %broadcast_in_dim3A_351, %get3A_355 : vector<16xf32>
        %mul3A_357 = arith.constant -2.000000e+00 : f32
        %mul3A_358 = vector.broadcast %mul3A_357 : f32 to vector<16xf32>
        %mul3A_359 = arith.mulf %mul3A_358, %mul3A_356 : vector<16xf32>
        %get3A_360 = arith.index_cast %rem3A_84 : i32 to index
        %get3A_361 = arith.index_cast %add3A_348 : i32 to index
        %get3A_362 = arith.constant 0 : index
        %get3A_363 = tpu.vector_load %arg9[%get3A_360, %get3A_361, %get3A_362] {strides = array<i32>} : memref<2x640x32xf32, #tpu.memory_space<vmem>>, vector<1x1x16xf32>,
        %get3A_364 = vector.shape_cast %get3A_363 : vector<1x1x16xf32> to vector<16xf32>
        %sub3A_365 = arith.subf %mul3A_359, %get3A_364 : vector<16xf32>
        %swap3A_366 = arith.index_cast %rem3A_84 : i32 to index
        %swap3A_367 = arith.index_cast %add3A_348 : i32 to index
        %swap3A_368 = arith.constant 0 : index
        %swap3A_369 = tpu.vector_load %arg9[%swap3A_366, %swap3A_367, %swap3A_368] {strides = array<i32>} : memref<2x640x32xf32, #tpu.memory_space<vmem>>, vector<1x1x16xf32>,
        %swap3A_370 = vector.shape_cast %swap3A_369 : vector<1x1x16xf32> to vector<16xf32>
        %swap3A_371 = vector.shape_cast %sub3A_365 : vector<16xf32> to vector<1x1x16xf32>
        tpu.vector_store %arg9[%swap3A_366, %swap3A_367, %swap3A_368], %swap3A_371 {strides = array<i32>} : memref<2x640x32xf32, #tpu.memory_space<vmem>>, vector<1x1x16xf32>,
        %mul3A_372 = arith.mulf %broadcast_in_dim3A_351, %sub3A_365 : vector<16xf32>
        %swap3A_373 = arith.index_cast %add3A_348 : i32 to index
        %swap3A_374 = arith.constant 0 : index
        %swap3A_375 = tpu.vector_load %arg11[%swap3A_373, %swap3A_374] {strides = array<i32>} : memref<640x32xf32, #tpu.memory_space<vmem>>, vector<1x16xf32>,
        %swap3A_376 = vector.shape_cast %swap3A_375 : vector<1x16xf32> to vector<16xf32>
        %swap3A_377 = vector.shape_cast %mul3A_372 : vector<16xf32> to vector<1x16xf32>
        tpu.vector_store %arg11[%swap3A_373, %swap3A_374], %swap3A_377 {strides = array<i32>} : memref<640x32xf32, #tpu.memory_space<vmem>>, vector<1x16xf32>,
        %get3A_378 = arith.index_cast %add3A_348 : i32 to index
        %get3A_379 = arith.constant 0 : index
        %get3A_380 = tpu.vector_load %arg10[%get3A_378, %get3A_379] {strides = array<i32>} : memref<640x32xf32, #tpu.memory_space<vmem>>, vector<1x16xf32>,
        %get3A_381 = vector.shape_cast %get3A_380 : vector<1x16xf32> to vector<16xf32>
        %mul3A_382 = arith.mulf %gather3A_82, %sub3A_365 : vector<16xf32>
        %add3A_383 = arith.addf %get3A_381, %mul3A_382 : vector<16xf32>
        %swap3A_384 = arith.index_cast %add3A_348 : i32 to index
        %swap3A_385 = arith.constant 0 : index
        %swap3A_386 = tpu.vector_load %arg10[%swap3A_384, %swap3A_385] {strides = array<i32>} : memref<640x32xf32, #tpu.memory_space<vmem>>, vector<1x16xf32>,
        %swap3A_387 = vector.shape_cast %swap3A_386 : vector<1x16xf32> to vector<16xf32>
        %swap3A_388 = vector.shape_cast %add3A_383 : vector<16xf32> to vector<1x16xf32>
        tpu.vector_store %arg10[%swap3A_384, %swap3A_385], %swap3A_388 {strides = array<i32>} : memref<640x32xf32, #tpu.memory_space<vmem>>, vector<1x16xf32>,
        %get3A_389 = arith.index_cast %add3A_348 : i32 to index
        %get3A_390 = arith.constant 16 : index
        %get3A_391 = tpu.vector_load %arg11[%get3A_389, %get3A_390] {strides = array<i32>} : memref<640x32xf32, #tpu.memory_space<vmem>>, vector<1x16xf32>,
        %get3A_392 = vector.shape_cast %get3A_391 : vector<1x16xf32> to vector<16xf32>
        %mul3A_393 = arith.mulf %broadcast_in_dim3A_351, %get3A_392 : vector<16xf32>
        %mul3A_394 = arith.constant -2.000000e+00 : f32
        %mul3A_395 = vector.broadcast %mul3A_394 : f32 to vector<16xf32>
        %mul3A_396 = arith.mulf %mul3A_395, %mul3A_393 : vector<16xf32>
        %get3A_397 = arith.index_cast %rem3A_84 : i32 to index
        %get3A_398 = arith.index_cast %add3A_348 : i32 to index
        %get3A_399 = arith.constant 16 : index
        %get3A_400 = tpu.vector_load %arg9[%get3A_397, %get3A_398, %get3A_399] {strides = array<i32>} : memref<2x640x32xf32, #tpu.memory_space<vmem>>, vector<1x1x16xf32>,
        %get3A_401 = vector.shape_cast %get3A_400 : vector<1x1x16xf32> to vector<16xf32>
        %sub3A_402 = arith.subf %mul3A_396, %get3A_401 : vector<16xf32>
        %swap3A_403 = arith.index_cast %rem3A_84 : i32 to index
        %swap3A_404 = arith.index_cast %add3A_348 : i32 to index
        %swap3A_405 = arith.constant 16 : index
        %swap3A_406 = tpu.vector_load %arg9[%swap3A_403, %swap3A_404, %swap3A_405] {strides = array<i32>} : memref<2x640x32xf32, #tpu.memory_space<vmem>>, vector<1x1x16xf32>,
        %swap3A_407 = vector.shape_cast %swap3A_406 : vector<1x1x16xf32> to vector<16xf32>
        %swap3A_408 = vector.shape_cast %sub3A_402 : vector<16xf32> to vector<1x1x16xf32>
        tpu.vector_store %arg9[%swap3A_403, %swap3A_404, %swap3A_405], %swap3A_408 {strides = array<i32>} : memref<2x640x32xf32, #tpu.memory_space<vmem>>, vector<1x1x16xf32>,
        %mul3A_409 = arith.mulf %broadcast_in_dim3A_351, %sub3A_402 : vector<16xf32>
        %swap3A_410 = arith.index_cast %add3A_348 : i32 to index
        %swap3A_411 = arith.constant 16 : index
        %swap3A_412 = tpu.vector_load %arg11[%swap3A_410, %swap3A_411] {strides = array<i32>} : memref<640x32xf32, #tpu.memory_space<vmem>>, vector<1x16xf32>,
        %swap3A_413 = vector.shape_cast %swap3A_412 : vector<1x16xf32> to vector<16xf32>
        %swap3A_414 = vector.shape_cast %mul3A_409 : vector<16xf32> to vector<1x16xf32>
        tpu.vector_store %arg11[%swap3A_410, %swap3A_411], %swap3A_414 {strides = array<i32>} : memref<640x32xf32, #tpu.memory_space<vmem>>, vector<1x16xf32>,
        %get3A_415 = arith.index_cast %add3A_348 : i32 to index
        %get3A_416 = arith.constant 16 : index
        %get3A_417 = tpu.vector_load %arg10[%get3A_415, %get3A_416] {strides = array<i32>} : memref<640x32xf32, #tpu.memory_space<vmem>>, vector<1x16xf32>,
        %get3A_418 = vector.shape_cast %get3A_417 : vector<1x16xf32> to vector<16xf32>
        %mul3A_419 = arith.mulf %gather3A_82, %sub3A_402 : vector<16xf32>
        %add3A_420 = arith.addf %get3A_418, %mul3A_419 : vector<16xf32>
        %swap3A_421 = arith.index_cast %add3A_348 : i32 to index
        %swap3A_422 = arith.constant 16 : index
        %swap3A_423 = tpu.vector_load %arg10[%swap3A_421, %swap3A_422] {strides = array<i32>} : memref<640x32xf32, #tpu.memory_space<vmem>>, vector<1x16xf32>,
        %swap3A_424 = vector.shape_cast %swap3A_423 : vector<1x16xf32> to vector<16xf32>
        %swap3A_425 = vector.shape_cast %add3A_420 : vector<16xf32> to vector<1x16xf32>
        tpu.vector_store %arg10[%swap3A_421, %swap3A_422], %swap3A_425 {strides = array<i32>} : memref<640x32xf32, #tpu.memory_space<vmem>>, vector<1x16xf32>,
        %mul3A_426 = arith.constant 16 : i32
        %mul3A_427 = arith.muli %scan3A_98, %mul3A_426 : i32
        %add3A_428 = arith.constant 4 : i32
        %add3A_429 = arith.addi %mul3A_427, %add3A_428 : i32
        %slice3A_430 = vector.extract_strided_slice %get3A_103 {offsets = [4], sizes = [1], strides = [1]} : vector<16xf32> to vector<1xf32>
        %squeeze3A_431 = vector.extract %slice3A_430[0] : f32 from vector<1xf32>
        %broadcast_in_dim3A_432 = vector.broadcast %squeeze3A_431 : f32 to vector<16xf32>
        %get3A_433 = arith.index_cast %add3A_429 : i32 to index
        %get3A_434 = arith.constant 0 : index
        %get3A_435 = tpu.vector_load %arg11[%get3A_433, %get3A_434] {strides = array<i32>} : memref<640x32xf32, #tpu.memory_space<vmem>>, vector<1x16xf32>,
        %get3A_436 = vector.shape_cast %get3A_435 : vector<1x16xf32> to vector<16xf32>
        %mul3A_437 = arith.mulf %broadcast_in_dim3A_432, %get3A_436 : vector<16xf32>
        %mul3A_438 = arith.constant -2.000000e+00 : f32
        %mul3A_439 = vector.broadcast %mul3A_438 : f32 to vector<16xf32>
        %mul3A_440 = arith.mulf %mul3A_439, %mul3A_437 : vector<16xf32>
        %get3A_441 = arith.index_cast %rem3A_84 : i32 to index
        %get3A_442 = arith.index_cast %add3A_429 : i32 to index
        %get3A_443 = arith.constant 0 : index
        %get3A_444 = tpu.vector_load %arg9[%get3A_441, %get3A_442, %get3A_443] {strides = array<i32>} : memref<2x640x32xf32, #tpu.memory_space<vmem>>, vector<1x1x16xf32>,
        %get3A_445 = vector.shape_cast %get3A_444 : vector<1x1x16xf32> to vector<16xf32>
        %sub3A_446 = arith.subf %mul3A_440, %get3A_445 : vector<16xf32>
        %swap3A_447 = arith.index_cast %rem3A_84 : i32 to index
        %swap3A_448 = arith.index_cast %add3A_429 : i32 to index
        %swap3A_449 = arith.constant 0 : index
        %swap3A_450 = tpu.vector_load %arg9[%swap3A_447, %swap3A_448, %swap3A_449] {strides = array<i32>} : memref<2x640x32xf32, #tpu.memory_space<vmem>>, vector<1x1x16xf32>,
        %swap3A_451 = vector.shape_cast %swap3A_450 : vector<1x1x16xf32> to vector<16xf32>
        %swap3A_452 = vector.shape_cast %sub3A_446 : vector<16xf32> to vector<1x1x16xf32>
        tpu.vector_store %arg9[%swap3A_447, %swap3A_448, %swap3A_449], %swap3A_452 {strides = array<i32>} : memref<2x640x32xf32, #tpu.memory_space<vmem>>, vector<1x1x16xf32>,
        %mul3A_453 = arith.mulf %broadcast_in_dim3A_432, %sub3A_446 : vector<16xf32>
        %swap3A_454 = arith.index_cast %add3A_429 : i32 to index
        %swap3A_455 = arith.constant 0 : index
        %swap3A_456 = tpu.vector_load %arg11[%swap3A_454, %swap3A_455] {strides = array<i32>} : memref<640x32xf32, #tpu.memory_space<vmem>>, vector<1x16xf32>,
        %swap3A_457 = vector.shape_cast %swap3A_456 : vector<1x16xf32> to vector<16xf32>
        %swap3A_458 = vector.shape_cast %mul3A_453 : vector<16xf32> to vector<1x16xf32>
        tpu.vector_store %arg11[%swap3A_454, %swap3A_455], %swap3A_458 {strides = array<i32>} : memref<640x32xf32, #tpu.memory_space<vmem>>, vector<1x16xf32>,
        %get3A_459 = arith.index_cast %add3A_429 : i32 to index
        %get3A_460 = arith.constant 0 : index
        %get3A_461 = tpu.vector_load %arg10[%get3A_459, %get3A_460] {strides = array<i32>} : memref<640x32xf32, #tpu.memory_space<vmem>>, vector<1x16xf32>,
        %get3A_462 = vector.shape_cast %get3A_461 : vector<1x16xf32> to vector<16xf32>
        %mul3A_463 = arith.mulf %gather3A_82, %sub3A_446 : vector<16xf32>
        %add3A_464 = arith.addf %get3A_462, %mul3A_463 : vector<16xf32>
        %swap3A_465 = arith.index_cast %add3A_429 : i32 to index
        %swap3A_466 = arith.constant 0 : index
        %swap3A_467 = tpu.vector_load %arg10[%swap3A_465, %swap3A_466] {strides = array<i32>} : memref<640x32xf32, #tpu.memory_space<vmem>>, vector<1x16xf32>,
        %swap3A_468 = vector.shape_cast %swap3A_467 : vector<1x16xf32> to vector<16xf32>
        %swap3A_469 = vector.shape_cast %add3A_464 : vector<16xf32> to vector<1x16xf32>
        tpu.vector_store %arg10[%swap3A_465, %swap3A_466], %swap3A_469 {strides = array<i32>} : memref<640x32xf32, #tpu.memory_space<vmem>>, vector<1x16xf32>,
        %get3A_470 = arith.index_cast %add3A_429 : i32 to index
        %get3A_471 = arith.constant 16 : index
        %get3A_472 = tpu.vector_load %arg11[%get3A_470, %get3A_471] {strides = array<i32>} : memref<640x32xf32, #tpu.memory_space<vmem>>, vector<1x16xf32>,
        %get3A_473 = vector.shape_cast %get3A_472 : vector<1x16xf32> to vector<16xf32>
        %mul3A_474 = arith.mulf %broadcast_in_dim3A_432, %get3A_473 : vector<16xf32>
        %mul3A_475 = arith.constant -2.000000e+00 : f32
        %mul3A_476 = vector.broadcast %mul3A_475 : f32 to vector<16xf32>
        %mul3A_477 = arith.mulf %mul3A_476, %mul3A_474 : vector<16xf32>
        %get3A_478 = arith.index_cast %rem3A_84 : i32 to index
        %get3A_479 = arith.index_cast %add3A_429 : i32 to index
        %get3A_480 = arith.constant 16 : index
        %get3A_481 = tpu.vector_load %arg9[%get3A_478, %get3A_479, %get3A_480] {strides = array<i32>} : memref<2x640x32xf32, #tpu.memory_space<vmem>>, vector<1x1x16xf32>,
        %get3A_482 = vector.shape_cast %get3A_481 : vector<1x1x16xf32> to vector<16xf32>
        %sub3A_483 = arith.subf %mul3A_477, %get3A_482 : vector<16xf32>
        %swap3A_484 = arith.index_cast %rem3A_84 : i32 to index
        %swap3A_485 = arith.index_cast %add3A_429 : i32 to index
        %swap3A_486 = arith.constant 16 : index
        %swap3A_487 = tpu.vector_load %arg9[%swap3A_484, %swap3A_485, %swap3A_486] {strides = array<i32>} : memref<2x640x32xf32, #tpu.memory_space<vmem>>, vector<1x1x16xf32>,
        %swap3A_488 = vector.shape_cast %swap3A_487 : vector<1x1x16xf32> to vector<16xf32>
        %swap3A_489 = vector.shape_cast %sub3A_483 : vector<16xf32> to vector<1x1x16xf32>
        tpu.vector_store %arg9[%swap3A_484, %swap3A_485, %swap3A_486], %swap3A_489 {strides = array<i32>} : memref<2x640x32xf32, #tpu.memory_space<vmem>>, vector<1x1x16xf32>,
        %mul3A_490 = arith.mulf %broadcast_in_dim3A_432, %sub3A_483 : vector<16xf32>
        %swap3A_491 = arith.index_cast %add3A_429 : i32 to index
        %swap3A_492 = arith.constant 16 : index
        %swap3A_493 = tpu.vector_load %arg11[%swap3A_491, %swap3A_492] {strides = array<i32>} : memref<640x32xf32, #tpu.memory_space<vmem>>, vector<1x16xf32>,
        %swap3A_494 = vector.shape_cast %swap3A_493 : vector<1x16xf32> to vector<16xf32>
        %swap3A_495 = vector.shape_cast %mul3A_490 : vector<16xf32> to vector<1x16xf32>
        tpu.vector_store %arg11[%swap3A_491, %swap3A_492], %swap3A_495 {strides = array<i32>} : memref<640x32xf32, #tpu.memory_space<vmem>>, vector<1x16xf32>,
        %get3A_496 = arith.index_cast %add3A_429 : i32 to index
        %get3A_497 = arith.constant 16 : index
        %get3A_498 = tpu.vector_load %arg10[%get3A_496, %get3A_497] {strides = array<i32>} : memref<640x32xf32, #tpu.memory_space<vmem>>, vector<1x16xf32>,
        %get3A_499 = vector.shape_cast %get3A_498 : vector<1x16xf32> to vector<16xf32>
        %mul3A_500 = arith.mulf %gather3A_82, %sub3A_483 : vector<16xf32>
        %add3A_501 = arith.addf %get3A_499, %mul3A_500 : vector<16xf32>
        %swap3A_502 = arith.index_cast %add3A_429 : i32 to index
        %swap3A_503 = arith.constant 16 : index
        %swap3A_504 = tpu.vector_load %arg10[%swap3A_502, %swap3A_503] {strides = array<i32>} : memref<640x32xf32, #tpu.memory_space<vmem>>, vector<1x16xf32>,
        %swap3A_505 = vector.shape_cast %swap3A_504 : vector<1x16xf32> to vector<16xf32>
        %swap3A_506 = vector.shape_cast %add3A_501 : vector<16xf32> to vector<1x16xf32>
        tpu.vector_store %arg10[%swap3A_502, %swap3A_503], %swap3A_506 {strides = array<i32>} : memref<640x32xf32, #tpu.memory_space<vmem>>, vector<1x16xf32>,
        %mul3A_507 = arith.constant 16 : i32
        %mul3A_508 = arith.muli %scan3A_98, %mul3A_507 : i32
        %add3A_509 = arith.constant 5 : i32
        %add3A_510 = arith.addi %mul3A_508, %add3A_509 : i32
        %slice3A_511 = vector.extract_strided_slice %get3A_103 {offsets = [5], sizes = [1], strides = [1]} : vector<16xf32> to vector<1xf32>
        %squeeze3A_512 = vector.extract %slice3A_511[0] : f32 from vector<1xf32>
        %broadcast_in_dim3A_513 = vector.broadcast %squeeze3A_512 : f32 to vector<16xf32>
        %get3A_514 = arith.index_cast %add3A_510 : i32 to index
        %get3A_515 = arith.constant 0 : index
        %get3A_516 = tpu.vector_load %arg11[%get3A_514, %get3A_515] {strides = array<i32>} : memref<640x32xf32, #tpu.memory_space<vmem>>, vector<1x16xf32>,
        %get3A_517 = vector.shape_cast %get3A_516 : vector<1x16xf32> to vector<16xf32>
        %mul3A_518 = arith.mulf %broadcast_in_dim3A_513, %get3A_517 : vector<16xf32>
        %mul3A_519 = arith.constant -2.000000e+00 : f32
        %mul3A_520 = vector.broadcast %mul3A_519 : f32 to vector<16xf32>
        %mul3A_521 = arith.mulf %mul3A_520, %mul3A_518 : vector<16xf32>
        %get3A_522 = arith.index_cast %rem3A_84 : i32 to index
        %get3A_523 = arith.index_cast %add3A_510 : i32 to index
        %get3A_524 = arith.constant 0 : index
        %get3A_525 = tpu.vector_load %arg9[%get3A_522, %get3A_523, %get3A_524] {strides = array<i32>} : memref<2x640x32xf32, #tpu.memory_space<vmem>>, vector<1x1x16xf32>,
        %get3A_526 = vector.shape_cast %get3A_525 : vector<1x1x16xf32> to vector<16xf32>
        %sub3A_527 = arith.subf %mul3A_521, %get3A_526 : vector<16xf32>
        %swap3A_528 = arith.index_cast %rem3A_84 : i32 to index
        %swap3A_529 = arith.index_cast %add3A_510 : i32 to index
        %swap3A_530 = arith.constant 0 : index
        %swap3A_531 = tpu.vector_load %arg9[%swap3A_528, %swap3A_529, %swap3A_530] {strides = array<i32>} : memref<2x640x32xf32, #tpu.memory_space<vmem>>, vector<1x1x16xf32>,
        %swap3A_532 = vector.shape_cast %swap3A_531 : vector<1x1x16xf32> to vector<16xf32>
        %swap3A_533 = vector.shape_cast %sub3A_527 : vector<16xf32> to vector<1x1x16xf32>
        tpu.vector_store %arg9[%swap3A_528, %swap3A_529, %swap3A_530], %swap3A_533 {strides = array<i32>} : memref<2x640x32xf32, #tpu.memory_space<vmem>>, vector<1x1x16xf32>,
        %mul3A_534 = arith.mulf %broadcast_in_dim3A_513, %sub3A_527 : vector<16xf32>
        %swap3A_535 = arith.index_cast %add3A_510 : i32 to index
        %swap3A_536 = arith.constant 0 : index
        %swap3A_537 = tpu.vector_load %arg11[%swap3A_535, %swap3A_536] {strides = array<i32>} : memref<640x32xf32, #tpu.memory_space<vmem>>, vector<1x16xf32>,
        %swap3A_538 = vector.shape_cast %swap3A_537 : vector<1x16xf32> to vector<16xf32>
        %swap3A_539 = vector.shape_cast %mul3A_534 : vector<16xf32> to vector<1x16xf32>
        tpu.vector_store %arg11[%swap3A_535, %swap3A_536], %swap3A_539 {strides = array<i32>} : memref<640x32xf32, #tpu.memory_space<vmem>>, vector<1x16xf32>,
        %get3A_540 = arith.index_cast %add3A_510 : i32 to index
        %get3A_541 = arith.constant 0 : index
        %get3A_542 = tpu.vector_load %arg10[%get3A_540, %get3A_541] {strides = array<i32>} : memref<640x32xf32, #tpu.memory_space<vmem>>, vector<1x16xf32>,
        %get3A_543 = vector.shape_cast %get3A_542 : vector<1x16xf32> to vector<16xf32>
        %mul3A_544 = arith.mulf %gather3A_82, %sub3A_527 : vector<16xf32>
        %add3A_545 = arith.addf %get3A_543, %mul3A_544 : vector<16xf32>
        %swap3A_546 = arith.index_cast %add3A_510 : i32 to index
        %swap3A_547 = arith.constant 0 : index
        %swap3A_548 = tpu.vector_load %arg10[%swap3A_546, %swap3A_547] {strides = array<i32>} : memref<640x32xf32, #tpu.memory_space<vmem>>, vector<1x16xf32>,
        %swap3A_549 = vector.shape_cast %swap3A_548 : vector<1x16xf32> to vector<16xf32>
        %swap3A_550 = vector.shape_cast %add3A_545 : vector<16xf32> to vector<1x16xf32>
        tpu.vector_store %arg10[%swap3A_546, %swap3A_547], %swap3A_550 {strides = array<i32>} : memref<640x32xf32, #tpu.memory_space<vmem>>, vector<1x16xf32>,
        %get3A_551 = arith.index_cast %add3A_510 : i32 to index
        %get3A_552 = arith.constant 16 : index
        %get3A_553 = tpu.vector_load %arg11[%get3A_551, %get3A_552] {strides = array<i32>} : memref<640x32xf32, #tpu.memory_space<vmem>>, vector<1x16xf32>,
        %get3A_554 = vector.shape_cast %get3A_553 : vector<1x16xf32> to vector<16xf32>
        %mul3A_555 = arith.mulf %broadcast_in_dim3A_513, %get3A_554 : vector<16xf32>
        %mul3A_556 = arith.constant -2.000000e+00 : f32
        %mul3A_557 = vector.broadcast %mul3A_556 : f32 to vector<16xf32>
        %mul3A_558 = arith.mulf %mul3A_557, %mul3A_555 : vector<16xf32>
        %get3A_559 = arith.index_cast %rem3A_84 : i32 to index
        %get3A_560 = arith.index_cast %add3A_510 : i32 to index
        %get3A_561 = arith.constant 16 : index
        %get3A_562 = tpu.vector_load %arg9[%get3A_559, %get3A_560, %get3A_561] {strides = array<i32>} : memref<2x640x32xf32, #tpu.memory_space<vmem>>, vector<1x1x16xf32>,
        %get3A_563 = vector.shape_cast %get3A_562 : vector<1x1x16xf32> to vector<16xf32>
        %sub3A_564 = arith.subf %mul3A_558, %get3A_563 : vector<16xf32>
        %swap3A_565 = arith.index_cast %rem3A_84 : i32 to index
        %swap3A_566 = arith.index_cast %add3A_510 : i32 to index
        %swap3A_567 = arith.constant 16 : index
        %swap3A_568 = tpu.vector_load %arg9[%swap3A_565, %swap3A_566, %swap3A_567] {strides = array<i32>} : memref<2x640x32xf32, #tpu.memory_space<vmem>>, vector<1x1x16xf32>,
        %swap3A_569 = vector.shape_cast %swap3A_568 : vector<1x1x16xf32> to vector<16xf32>
        %swap3A_570 = vector.shape_cast %sub3A_564 : vector<16xf32> to vector<1x1x16xf32>
        tpu.vector_store %arg9[%swap3A_565, %swap3A_566, %swap3A_567], %swap3A_570 {strides = array<i32>} : memref<2x640x32xf32, #tpu.memory_space<vmem>>, vector<1x1x16xf32>,
        %mul3A_571 = arith.mulf %broadcast_in_dim3A_513, %sub3A_564 : vector<16xf32>
        %swap3A_572 = arith.index_cast %add3A_510 : i32 to index
        %swap3A_573 = arith.constant 16 : index
        %swap3A_574 = tpu.vector_load %arg11[%swap3A_572, %swap3A_573] {strides = array<i32>} : memref<640x32xf32, #tpu.memory_space<vmem>>, vector<1x16xf32>,
        %swap3A_575 = vector.shape_cast %swap3A_574 : vector<1x16xf32> to vector<16xf32>
        %swap3A_576 = vector.shape_cast %mul3A_571 : vector<16xf32> to vector<1x16xf32>
        tpu.vector_store %arg11[%swap3A_572, %swap3A_573], %swap3A_576 {strides = array<i32>} : memref<640x32xf32, #tpu.memory_space<vmem>>, vector<1x16xf32>,
        %get3A_577 = arith.index_cast %add3A_510 : i32 to index
        %get3A_578 = arith.constant 16 : index
        %get3A_579 = tpu.vector_load %arg10[%get3A_577, %get3A_578] {strides = array<i32>} : memref<640x32xf32, #tpu.memory_space<vmem>>, vector<1x16xf32>,
        %get3A_580 = vector.shape_cast %get3A_579 : vector<1x16xf32> to vector<16xf32>
        %mul3A_581 = arith.mulf %gather3A_82, %sub3A_564 : vector<16xf32>
        %add3A_582 = arith.addf %get3A_580, %mul3A_581 : vector<16xf32>
        %swap3A_583 = arith.index_cast %add3A_510 : i32 to index
        %swap3A_584 = arith.constant 16 : index
        %swap3A_585 = tpu.vector_load %arg10[%swap3A_583, %swap3A_584] {strides = array<i32>} : memref<640x32xf32, #tpu.memory_space<vmem>>, vector<1x16xf32>,
        %swap3A_586 = vector.shape_cast %swap3A_585 : vector<1x16xf32> to vector<16xf32>
        %swap3A_587 = vector.shape_cast %add3A_582 : vector<16xf32> to vector<1x16xf32>
        tpu.vector_store %arg10[%swap3A_583, %swap3A_584], %swap3A_587 {strides = array<i32>} : memref<640x32xf32, #tpu.memory_space<vmem>>, vector<1x16xf32>,
        %mul3A_588 = arith.constant 16 : i32
        %mul3A_589 = arith.muli %scan3A_98, %mul3A_588 : i32
        %add3A_590 = arith.constant 6 : i32
        %add3A_591 = arith.addi %mul3A_589, %add3A_590 : i32
        %slice3A_592 = vector.extract_strided_slice %get3A_103 {offsets = [6], sizes = [1], strides = [1]} : vector<16xf32> to vector<1xf32>
        %squeeze3A_593 = vector.extract %slice3A_592[0] : f32 from vector<1xf32>
        %broadcast_in_dim3A_594 = vector.broadcast %squeeze3A_593 : f32 to vector<16xf32>
        %get3A_595 = arith.index_cast %add3A_591 : i32 to index
        %get3A_596 = arith.constant 0 : index
        %get3A_597 = tpu.vector_load %arg11[%get3A_595, %get3A_596] {strides = array<i32>} : memref<640x32xf32, #tpu.memory_space<vmem>>, vector<1x16xf32>,
        %get3A_598 = vector.shape_cast %get3A_597 : vector<1x16xf32> to vector<16xf32>
        %mul3A_599 = arith.mulf %broadcast_in_dim3A_594, %get3A_598 : vector<16xf32>
        %mul3A_600 = arith.constant -2.000000e+00 : f32
        %mul3A_601 = vector.broadcast %mul3A_600 : f32 to vector<16xf32>
        %mul3A_602 = arith.mulf %mul3A_601, %mul3A_599 : vector<16xf32>
        %get3A_603 = arith.index_cast %rem3A_84 : i32 to index
        %get3A_604 = arith.index_cast %add3A_591 : i32 to index
        %get3A_605 = arith.constant 0 : index
        %get3A_606 = tpu.vector_load %arg9[%get3A_603, %get3A_604, %get3A_605] {strides = array<i32>} : memref<2x640x32xf32, #tpu.memory_space<vmem>>, vector<1x1x16xf32>,
        %get3A_607 = vector.shape_cast %get3A_606 : vector<1x1x16xf32> to vector<16xf32>
        %sub3A_608 = arith.subf %mul3A_602, %get3A_607 : vector<16xf32>
        %swap3A_609 = arith.index_cast %rem3A_84 : i32 to index
        %swap3A_610 = arith.index_cast %add3A_591 : i32 to index
        %swap3A_611 = arith.constant 0 : index
        %swap3A_612 = tpu.vector_load %arg9[%swap3A_609, %swap3A_610, %swap3A_611] {strides = array<i32>} : memref<2x640x32xf32, #tpu.memory_space<vmem>>, vector<1x1x16xf32>,
        %swap3A_613 = vector.shape_cast %swap3A_612 : vector<1x1x16xf32> to vector<16xf32>
        %swap3A_614 = vector.shape_cast %sub3A_608 : vector<16xf32> to vector<1x1x16xf32>
        tpu.vector_store %arg9[%swap3A_609, %swap3A_610, %swap3A_611], %swap3A_614 {strides = array<i32>} : memref<2x640x32xf32, #tpu.memory_space<vmem>>, vector<1x1x16xf32>,
        %mul3A_615 = arith.mulf %broadcast_in_dim3A_594, %sub3A_608 : vector<16xf32>
        %swap3A_616 = arith.index_cast %add3A_591 : i32 to index
        %swap3A_617 = arith.constant 0 : index
        %swap3A_618 = tpu.vector_load %arg11[%swap3A_616, %swap3A_617] {strides = array<i32>} : memref<640x32xf32, #tpu.memory_space<vmem>>, vector<1x16xf32>,
        %swap3A_619 = vector.shape_cast %swap3A_618 : vector<1x16xf32> to vector<16xf32>
        %swap3A_620 = vector.shape_cast %mul3A_615 : vector<16xf32> to vector<1x16xf32>
        tpu.vector_store %arg11[%swap3A_616, %swap3A_617], %swap3A_620 {strides = array<i32>} : memref<640x32xf32, #tpu.memory_space<vmem>>, vector<1x16xf32>,
        %get3A_621 = arith.index_cast %add3A_591 : i32 to index
        %get3A_622 = arith.constant 0 : index
        %get3A_623 = tpu.vector_load %arg10[%get3A_621, %get3A_622] {strides = array<i32>} : memref<640x32xf32, #tpu.memory_space<vmem>>, vector<1x16xf32>,
        %get3A_624 = vector.shape_cast %get3A_623 : vector<1x16xf32> to vector<16xf32>
        %mul3A_625 = arith.mulf %gather3A_82, %sub3A_608 : vector<16xf32>
        %add3A_626 = arith.addf %get3A_624, %mul3A_625 : vector<16xf32>
        %swap3A_627 = arith.index_cast %add3A_591 : i32 to index
        %swap3A_628 = arith.constant 0 : index
        %swap3A_629 = tpu.vector_load %arg10[%swap3A_627, %swap3A_628] {strides = array<i32>} : memref<640x32xf32, #tpu.memory_space<vmem>>, vector<1x16xf32>,
        %swap3A_630 = vector.shape_cast %swap3A_629 : vector<1x16xf32> to vector<16xf32>
        %swap3A_631 = vector.shape_cast %add3A_626 : vector<16xf32> to vector<1x16xf32>
        tpu.vector_store %arg10[%swap3A_627, %swap3A_628], %swap3A_631 {strides = array<i32>} : memref<640x32xf32, #tpu.memory_space<vmem>>, vector<1x16xf32>,
        %get3A_632 = arith.index_cast %add3A_591 : i32 to index
        %get3A_633 = arith.constant 16 : index
        %get3A_634 = tpu.vector_load %arg11[%get3A_632, %get3A_633] {strides = array<i32>} : memref<640x32xf32, #tpu.memory_space<vmem>>, vector<1x16xf32>,
        %get3A_635 = vector.shape_cast %get3A_634 : vector<1x16xf32> to vector<16xf32>
        %mul3A_636 = arith.mulf %broadcast_in_dim3A_594, %get3A_635 : vector<16xf32>
        %mul3A_637 = arith.constant -2.000000e+00 : f32
        %mul3A_638 = vector.broadcast %mul3A_637 : f32 to vector<16xf32>
        %mul3A_639 = arith.mulf %mul3A_638, %mul3A_636 : vector<16xf32>
        %get3A_640 = arith.index_cast %rem3A_84 : i32 to index
        %get3A_641 = arith.index_cast %add3A_591 : i32 to index
        %get3A_642 = arith.constant 16 : index
        %get3A_643 = tpu.vector_load %arg9[%get3A_640, %get3A_641, %get3A_642] {strides = array<i32>} : memref<2x640x32xf32, #tpu.memory_space<vmem>>, vector<1x1x16xf32>,
        %get3A_644 = vector.shape_cast %get3A_643 : vector<1x1x16xf32> to vector<16xf32>
        %sub3A_645 = arith.subf %mul3A_639, %get3A_644 : vector<16xf32>
        %swap3A_646 = arith.index_cast %rem3A_84 : i32 to index
        %swap3A_647 = arith.index_cast %add3A_591 : i32 to index
        %swap3A_648 = arith.constant 16 : index
        %swap3A_649 = tpu.vector_load %arg9[%swap3A_646, %swap3A_647, %swap3A_648] {strides = array<i32>} : memref<2x640x32xf32, #tpu.memory_space<vmem>>, vector<1x1x16xf32>,
        %swap3A_650 = vector.shape_cast %swap3A_649 : vector<1x1x16xf32> to vector<16xf32>
        %swap3A_651 = vector.shape_cast %sub3A_645 : vector<16xf32> to vector<1x1x16xf32>
        tpu.vector_store %arg9[%swap3A_646, %swap3A_647, %swap3A_648], %swap3A_651 {strides = array<i32>} : memref<2x640x32xf32, #tpu.memory_space<vmem>>, vector<1x1x16xf32>,
        %mul3A_652 = arith.mulf %broadcast_in_dim3A_594, %sub3A_645 : vector<16xf32>
        %swap3A_653 = arith.index_cast %add3A_591 : i32 to index
        %swap3A_654 = arith.constant 16 : index
        %swap3A_655 = tpu.vector_load %arg11[%swap3A_653, %swap3A_654] {strides = array<i32>} : memref<640x32xf32, #tpu.memory_space<vmem>>, vector<1x16xf32>,
        %swap3A_656 = vector.shape_cast %swap3A_655 : vector<1x16xf32> to vector<16xf32>
        %swap3A_657 = vector.shape_cast %mul3A_652 : vector<16xf32> to vector<1x16xf32>
        tpu.vector_store %arg11[%swap3A_653, %swap3A_654], %swap3A_657 {strides = array<i32>} : memref<640x32xf32, #tpu.memory_space<vmem>>, vector<1x16xf32>,
        %get3A_658 = arith.index_cast %add3A_591 : i32 to index
        %get3A_659 = arith.constant 16 : index
        %get3A_660 = tpu.vector_load %arg10[%get3A_658, %get3A_659] {strides = array<i32>} : memref<640x32xf32, #tpu.memory_space<vmem>>, vector<1x16xf32>,
        %get3A_661 = vector.shape_cast %get3A_660 : vector<1x16xf32> to vector<16xf32>
        %mul3A_662 = arith.mulf %gather3A_82, %sub3A_645 : vector<16xf32>
        %add3A_663 = arith.addf %get3A_661, %mul3A_662 : vector<16xf32>
        %swap3A_664 = arith.index_cast %add3A_591 : i32 to index
        %swap3A_665 = arith.constant 16 : index
        %swap3A_666 = tpu.vector_load %arg10[%swap3A_664, %swap3A_665] {strides = array<i32>} : memref<640x32xf32, #tpu.memory_space<vmem>>, vector<1x16xf32>,
        %swap3A_667 = vector.shape_cast %swap3A_666 : vector<1x16xf32> to vector<16xf32>
        %swap3A_668 = vector.shape_cast %add3A_663 : vector<16xf32> to vector<1x16xf32>
        tpu.vector_store %arg10[%swap3A_664, %swap3A_665], %swap3A_668 {strides = array<i32>} : memref<640x32xf32, #tpu.memory_space<vmem>>, vector<1x16xf32>,
        %mul3A_669 = arith.constant 16 : i32
        %mul3A_670 = arith.muli %scan3A_98, %mul3A_669 : i32
        %add3A_671 = arith.constant 7 : i32
        %add3A_672 = arith.addi %mul3A_670, %add3A_671 : i32
        %slice3A_673 = vector.extract_strided_slice %get3A_103 {offsets = [7], sizes = [1], strides = [1]} : vector<16xf32> to vector<1xf32>
        %squeeze3A_674 = vector.extract %slice3A_673[0] : f32 from vector<1xf32>
        %broadcast_in_dim3A_675 = vector.broadcast %squeeze3A_674 : f32 to vector<16xf32>
        %get3A_676 = arith.index_cast %add3A_672 : i32 to index
        %get3A_677 = arith.constant 0 : index
        %get3A_678 = tpu.vector_load %arg11[%get3A_676, %get3A_677] {strides = array<i32>} : memref<640x32xf32, #tpu.memory_space<vmem>>, vector<1x16xf32>,
        %get3A_679 = vector.shape_cast %get3A_678 : vector<1x16xf32> to vector<16xf32>
        %mul3A_680 = arith.mulf %broadcast_in_dim3A_675, %get3A_679 : vector<16xf32>
        %mul3A_681 = arith.constant -2.000000e+00 : f32
        %mul3A_682 = vector.broadcast %mul3A_681 : f32 to vector<16xf32>
        %mul3A_683 = arith.mulf %mul3A_682, %mul3A_680 : vector<16xf32>
        %get3A_684 = arith.index_cast %rem3A_84 : i32 to index
        %get3A_685 = arith.index_cast %add3A_672 : i32 to index
        %get3A_686 = arith.constant 0 : index
        %get3A_687 = tpu.vector_load %arg9[%get3A_684, %get3A_685, %get3A_686] {strides = array<i32>} : memref<2x640x32xf32, #tpu.memory_space<vmem>>, vector<1x1x16xf32>,
        %get3A_688 = vector.shape_cast %get3A_687 : vector<1x1x16xf32> to vector<16xf32>
        %sub3A_689 = arith.subf %mul3A_683, %get3A_688 : vector<16xf32>
        %swap3A_690 = arith.index_cast %rem3A_84 : i32 to index
        %swap3A_691 = arith.index_cast %add3A_672 : i32 to index
        %swap3A_692 = arith.constant 0 : index
        %swap3A_693 = tpu.vector_load %arg9[%swap3A_690, %swap3A_691, %swap3A_692] {strides = array<i32>} : memref<2x640x32xf32, #tpu.memory_space<vmem>>, vector<1x1x16xf32>,
        %swap3A_694 = vector.shape_cast %swap3A_693 : vector<1x1x16xf32> to vector<16xf32>
        %swap3A_695 = vector.shape_cast %sub3A_689 : vector<16xf32> to vector<1x1x16xf32>
        tpu.vector_store %arg9[%swap3A_690, %swap3A_691, %swap3A_692], %swap3A_695 {strides = array<i32>} : memref<2x640x32xf32, #tpu.memory_space<vmem>>, vector<1x1x16xf32>,
        %mul3A_696 = arith.mulf %broadcast_in_dim3A_675, %sub3A_689 : vector<16xf32>
        %swap3A_697 = arith.index_cast %add3A_672 : i32 to index
        %swap3A_698 = arith.constant 0 : index
        %swap3A_699 = tpu.vector_load %arg11[%swap3A_697, %swap3A_698] {strides = array<i32>} : memref<640x32xf32, #tpu.memory_space<vmem>>, vector<1x16xf32>,
        %swap3A_700 = vector.shape_cast %swap3A_699 : vector<1x16xf32> to vector<16xf32>
        %swap3A_701 = vector.shape_cast %mul3A_696 : vector<16xf32> to vector<1x16xf32>
        tpu.vector_store %arg11[%swap3A_697, %swap3A_698], %swap3A_701 {strides = array<i32>} : memref<640x32xf32, #tpu.memory_space<vmem>>, vector<1x16xf32>,
        %get3A_702 = arith.index_cast %add3A_672 : i32 to index
        %get3A_703 = arith.constant 0 : index
        %get3A_704 = tpu.vector_load %arg10[%get3A_702, %get3A_703] {strides = array<i32>} : memref<640x32xf32, #tpu.memory_space<vmem>>, vector<1x16xf32>,
        %get3A_705 = vector.shape_cast %get3A_704 : vector<1x16xf32> to vector<16xf32>
        %mul3A_706 = arith.mulf %gather3A_82, %sub3A_689 : vector<16xf32>
        %add3A_707 = arith.addf %get3A_705, %mul3A_706 : vector<16xf32>
        %swap3A_708 = arith.index_cast %add3A_672 : i32 to index
        %swap3A_709 = arith.constant 0 : index
        %swap3A_710 = tpu.vector_load %arg10[%swap3A_708, %swap3A_709] {strides = array<i32>} : memref<640x32xf32, #tpu.memory_space<vmem>>, vector<1x16xf32>,
        %swap3A_711 = vector.shape_cast %swap3A_710 : vector<1x16xf32> to vector<16xf32>
        %swap3A_712 = vector.shape_cast %add3A_707 : vector<16xf32> to vector<1x16xf32>
        tpu.vector_store %arg10[%swap3A_708, %swap3A_709], %swap3A_712 {strides = array<i32>} : memref<640x32xf32, #tpu.memory_space<vmem>>, vector<1x16xf32>,
        %get3A_713 = arith.index_cast %add3A_672 : i32 to index
        %get3A_714 = arith.constant 16 : index
        %get3A_715 = tpu.vector_load %arg11[%get3A_713, %get3A_714] {strides = array<i32>} : memref<640x32xf32, #tpu.memory_space<vmem>>, vector<1x16xf32>,
        %get3A_716 = vector.shape_cast %get3A_715 : vector<1x16xf32> to vector<16xf32>
        %mul3A_717 = arith.mulf %broadcast_in_dim3A_675, %get3A_716 : vector<16xf32>
        %mul3A_718 = arith.constant -2.000000e+00 : f32
        %mul3A_719 = vector.broadcast %mul3A_718 : f32 to vector<16xf32>
        %mul3A_720 = arith.mulf %mul3A_719, %mul3A_717 : vector<16xf32>
        %get3A_721 = arith.index_cast %rem3A_84 : i32 to index
        %get3A_722 = arith.index_cast %add3A_672 : i32 to index
        %get3A_723 = arith.constant 16 : index
        %get3A_724 = tpu.vector_load %arg9[%get3A_721, %get3A_722, %get3A_723] {strides = array<i32>} : memref<2x640x32xf32, #tpu.memory_space<vmem>>, vector<1x1x16xf32>,
        %get3A_725 = vector.shape_cast %get3A_724 : vector<1x1x16xf32> to vector<16xf32>
        %sub3A_726 = arith.subf %mul3A_720, %get3A_725 : vector<16xf32>
        %swap3A_727 = arith.index_cast %rem3A_84 : i32 to index
        %swap3A_728 = arith.index_cast %add3A_672 : i32 to index
        %swap3A_729 = arith.constant 16 : index
        %swap3A_730 = tpu.vector_load %arg9[%swap3A_727, %swap3A_728, %swap3A_729] {strides = array<i32>} : memref<2x640x32xf32, #tpu.memory_space<vmem>>, vector<1x1x16xf32>,
        %swap3A_731 = vector.shape_cast %swap3A_730 : vector<1x1x16xf32> to vector<16xf32>
        %swap3A_732 = vector.shape_cast %sub3A_726 : vector<16xf32> to vector<1x1x16xf32>
        tpu.vector_store %arg9[%swap3A_727, %swap3A_728, %swap3A_729], %swap3A_732 {strides = array<i32>} : memref<2x640x32xf32, #tpu.memory_space<vmem>>, vector<1x1x16xf32>,
        %mul3A_733 = arith.mulf %broadcast_in_dim3A_675, %sub3A_726 : vector<16xf32>
        %swap3A_734 = arith.index_cast %add3A_672 : i32 to index
        %swap3A_735 = arith.constant 16 : index
        %swap3A_736 = tpu.vector_load %arg11[%swap3A_734, %swap3A_735] {strides = array<i32>} : memref<640x32xf32, #tpu.memory_space<vmem>>, vector<1x16xf32>,
        %swap3A_737 = vector.shape_cast %swap3A_736 : vector<1x16xf32> to vector<16xf32>
        %swap3A_738 = vector.shape_cast %mul3A_733 : vector<16xf32> to vector<1x16xf32>
        tpu.vector_store %arg11[%swap3A_734, %swap3A_735], %swap3A_738 {strides = array<i32>} : memref<640x32xf32, #tpu.memory_space<vmem>>, vector<1x16xf32>,
        %get3A_739 = arith.index_cast %add3A_672 : i32 to index
        %get3A_740 = arith.constant 16 : index
        %get3A_741 = tpu.vector_load %arg10[%get3A_739, %get3A_740] {strides = array<i32>} : memref<640x32xf32, #tpu.memory_space<vmem>>, vector<1x16xf32>,
        %get3A_742 = vector.shape_cast %get3A_741 : vector<1x16xf32> to vector<16xf32>
        %mul3A_743 = arith.mulf %gather3A_82, %sub3A_726 : vector<16xf32>
        %add3A_744 = arith.addf %get3A_742, %mul3A_743 : vector<16xf32>
        %swap3A_745 = arith.index_cast %add3A_672 : i32 to index
        %swap3A_746 = arith.constant 16 : index
        %swap3A_747 = tpu.vector_load %arg10[%swap3A_745, %swap3A_746] {strides = array<i32>} : memref<640x32xf32, #tpu.memory_space<vmem>>, vector<1x16xf32>,
        %swap3A_748 = vector.shape_cast %swap3A_747 : vector<1x16xf32> to vector<16xf32>
        %swap3A_749 = vector.shape_cast %add3A_744 : vector<16xf32> to vector<1x16xf32>
        tpu.vector_store %arg10[%swap3A_745, %swap3A_746], %swap3A_749 {strides = array<i32>} : memref<640x32xf32, #tpu.memory_space<vmem>>, vector<1x16xf32>,
        %mul3A_750 = arith.constant 16 : i32
        %mul3A_751 = arith.muli %scan3A_98, %mul3A_750 : i32
        %add3A_752 = arith.constant 8 : i32
        %add3A_753 = arith.addi %mul3A_751, %add3A_752 : i32
        %slice3A_754 = vector.extract_strided_slice %get3A_103 {offsets = [8], sizes = [1], strides = [1]} : vector<16xf32> to vector<1xf32>
        %squeeze3A_755 = vector.extract %slice3A_754[0] : f32 from vector<1xf32>
        %broadcast_in_dim3A_756 = vector.broadcast %squeeze3A_755 : f32 to vector<16xf32>
        %get3A_757 = arith.index_cast %add3A_753 : i32 to index
        %get3A_758 = arith.constant 0 : index
        %get3A_759 = tpu.vector_load %arg11[%get3A_757, %get3A_758] {strides = array<i32>} : memref<640x32xf32, #tpu.memory_space<vmem>>, vector<1x16xf32>,
        %get3A_760 = vector.shape_cast %get3A_759 : vector<1x16xf32> to vector<16xf32>
        %mul3A_761 = arith.mulf %broadcast_in_dim3A_756, %get3A_760 : vector<16xf32>
        %mul3A_762 = arith.constant -2.000000e+00 : f32
        %mul3A_763 = vector.broadcast %mul3A_762 : f32 to vector<16xf32>
        %mul3A_764 = arith.mulf %mul3A_763, %mul3A_761 : vector<16xf32>
        %get3A_765 = arith.index_cast %rem3A_84 : i32 to index
        %get3A_766 = arith.index_cast %add3A_753 : i32 to index
        %get3A_767 = arith.constant 0 : index
        %get3A_768 = tpu.vector_load %arg9[%get3A_765, %get3A_766, %get3A_767] {strides = array<i32>} : memref<2x640x32xf32, #tpu.memory_space<vmem>>, vector<1x1x16xf32>,
        %get3A_769 = vector.shape_cast %get3A_768 : vector<1x1x16xf32> to vector<16xf32>
        %sub3A_770 = arith.subf %mul3A_764, %get3A_769 : vector<16xf32>
        %swap3A_771 = arith.index_cast %rem3A_84 : i32 to index
        %swap3A_772 = arith.index_cast %add3A_753 : i32 to index
        %swap3A_773 = arith.constant 0 : index
        %swap3A_774 = tpu.vector_load %arg9[%swap3A_771, %swap3A_772, %swap3A_773] {strides = array<i32>} : memref<2x640x32xf32, #tpu.memory_space<vmem>>, vector<1x1x16xf32>,
        %swap3A_775 = vector.shape_cast %swap3A_774 : vector<1x1x16xf32> to vector<16xf32>
        %swap3A_776 = vector.shape_cast %sub3A_770 : vector<16xf32> to vector<1x1x16xf32>
        tpu.vector_store %arg9[%swap3A_771, %swap3A_772, %swap3A_773], %swap3A_776 {strides = array<i32>} : memref<2x640x32xf32, #tpu.memory_space<vmem>>, vector<1x1x16xf32>,
        %mul3A_777 = arith.mulf %broadcast_in_dim3A_756, %sub3A_770 : vector<16xf32>
        %swap3A_778 = arith.index_cast %add3A_753 : i32 to index
        %swap3A_779 = arith.constant 0 : index
        %swap3A_780 = tpu.vector_load %arg11[%swap3A_778, %swap3A_779] {strides = array<i32>} : memref<640x32xf32, #tpu.memory_space<vmem>>, vector<1x16xf32>,
        %swap3A_781 = vector.shape_cast %swap3A_780 : vector<1x16xf32> to vector<16xf32>
        %swap3A_782 = vector.shape_cast %mul3A_777 : vector<16xf32> to vector<1x16xf32>
        tpu.vector_store %arg11[%swap3A_778, %swap3A_779], %swap3A_782 {strides = array<i32>} : memref<640x32xf32, #tpu.memory_space<vmem>>, vector<1x16xf32>,
        %get3A_783 = arith.index_cast %add3A_753 : i32 to index
        %get3A_784 = arith.constant 0 : index
        %get3A_785 = tpu.vector_load %arg10[%get3A_783, %get3A_784] {strides = array<i32>} : memref<640x32xf32, #tpu.memory_space<vmem>>, vector<1x16xf32>,
        %get3A_786 = vector.shape_cast %get3A_785 : vector<1x16xf32> to vector<16xf32>
        %mul3A_787 = arith.mulf %gather3A_82, %sub3A_770 : vector<16xf32>
        %add3A_788 = arith.addf %get3A_786, %mul3A_787 : vector<16xf32>
        %swap3A_789 = arith.index_cast %add3A_753 : i32 to index
        %swap3A_790 = arith.constant 0 : index
        %swap3A_791 = tpu.vector_load %arg10[%swap3A_789, %swap3A_790] {strides = array<i32>} : memref<640x32xf32, #tpu.memory_space<vmem>>, vector<1x16xf32>,
        %swap3A_792 = vector.shape_cast %swap3A_791 : vector<1x16xf32> to vector<16xf32>
        %swap3A_793 = vector.shape_cast %add3A_788 : vector<16xf32> to vector<1x16xf32>
        tpu.vector_store %arg10[%swap3A_789, %swap3A_790], %swap3A_793 {strides = array<i32>} : memref<640x32xf32, #tpu.memory_space<vmem>>, vector<1x16xf32>,
        %get3A_794 = arith.index_cast %add3A_753 : i32 to index
        %get3A_795 = arith.constant 16 : index
        %get3A_796 = tpu.vector_load %arg11[%get3A_794, %get3A_795] {strides = array<i32>} : memref<640x32xf32, #tpu.memory_space<vmem>>, vector<1x16xf32>,
        %get3A_797 = vector.shape_cast %get3A_796 : vector<1x16xf32> to vector<16xf32>
        %mul3A_798 = arith.mulf %broadcast_in_dim3A_756, %get3A_797 : vector<16xf32>
        %mul3A_799 = arith.constant -2.000000e+00 : f32
        %mul3A_800 = vector.broadcast %mul3A_799 : f32 to vector<16xf32>
        %mul3A_801 = arith.mulf %mul3A_800, %mul3A_798 : vector<16xf32>
        %get3A_802 = arith.index_cast %rem3A_84 : i32 to index
        %get3A_803 = arith.index_cast %add3A_753 : i32 to index
        %get3A_804 = arith.constant 16 : index
        %get3A_805 = tpu.vector_load %arg9[%get3A_802, %get3A_803, %get3A_804] {strides = array<i32>} : memref<2x640x32xf32, #tpu.memory_space<vmem>>, vector<1x1x16xf32>,
        %get3A_806 = vector.shape_cast %get3A_805 : vector<1x1x16xf32> to vector<16xf32>
        %sub3A_807 = arith.subf %mul3A_801, %get3A_806 : vector<16xf32>
        %swap3A_808 = arith.index_cast %rem3A_84 : i32 to index
        %swap3A_809 = arith.index_cast %add3A_753 : i32 to index
        %swap3A_810 = arith.constant 16 : index
        %swap3A_811 = tpu.vector_load %arg9[%swap3A_808, %swap3A_809, %swap3A_810] {strides = array<i32>} : memref<2x640x32xf32, #tpu.memory_space<vmem>>, vector<1x1x16xf32>,
        %swap3A_812 = vector.shape_cast %swap3A_811 : vector<1x1x16xf32> to vector<16xf32>
        %swap3A_813 = vector.shape_cast %sub3A_807 : vector<16xf32> to vector<1x1x16xf32>
        tpu.vector_store %arg9[%swap3A_808, %swap3A_809, %swap3A_810], %swap3A_813 {strides = array<i32>} : memref<2x640x32xf32, #tpu.memory_space<vmem>>, vector<1x1x16xf32>,
        %mul3A_814 = arith.mulf %broadcast_in_dim3A_756, %sub3A_807 : vector<16xf32>
        %swap3A_815 = arith.index_cast %add3A_753 : i32 to index
        %swap3A_816 = arith.constant 16 : index
        %swap3A_817 = tpu.vector_load %arg11[%swap3A_815, %swap3A_816] {strides = array<i32>} : memref<640x32xf32, #tpu.memory_space<vmem>>, vector<1x16xf32>,
        %swap3A_818 = vector.shape_cast %swap3A_817 : vector<1x16xf32> to vector<16xf32>
        %swap3A_819 = vector.shape_cast %mul3A_814 : vector<16xf32> to vector<1x16xf32>
        tpu.vector_store %arg11[%swap3A_815, %swap3A_816], %swap3A_819 {strides = array<i32>} : memref<640x32xf32, #tpu.memory_space<vmem>>, vector<1x16xf32>,
        %get3A_820 = arith.index_cast %add3A_753 : i32 to index
        %get3A_821 = arith.constant 16 : index
        %get3A_822 = tpu.vector_load %arg10[%get3A_820, %get3A_821] {strides = array<i32>} : memref<640x32xf32, #tpu.memory_space<vmem>>, vector<1x16xf32>,
        %get3A_823 = vector.shape_cast %get3A_822 : vector<1x16xf32> to vector<16xf32>
        %mul3A_824 = arith.mulf %gather3A_82, %sub3A_807 : vector<16xf32>
        %add3A_825 = arith.addf %get3A_823, %mul3A_824 : vector<16xf32>
        %swap3A_826 = arith.index_cast %add3A_753 : i32 to index
        %swap3A_827 = arith.constant 16 : index
        %swap3A_828 = tpu.vector_load %arg10[%swap3A_826, %swap3A_827] {strides = array<i32>} : memref<640x32xf32, #tpu.memory_space<vmem>>, vector<1x16xf32>,
        %swap3A_829 = vector.shape_cast %swap3A_828 : vector<1x16xf32> to vector<16xf32>
        %swap3A_830 = vector.shape_cast %add3A_825 : vector<16xf32> to vector<1x16xf32>
        tpu.vector_store %arg10[%swap3A_826, %swap3A_827], %swap3A_830 {strides = array<i32>} : memref<640x32xf32, #tpu.memory_space<vmem>>, vector<1x16xf32>,
        %mul3A_831 = arith.constant 16 : i32
        %mul3A_832 = arith.muli %scan3A_98, %mul3A_831 : i32
        %add3A_833 = arith.constant 9 : i32
        %add3A_834 = arith.addi %mul3A_832, %add3A_833 : i32
        %slice3A_835 = vector.extract_strided_slice %get3A_103 {offsets = [9], sizes = [1], strides = [1]} : vector<16xf32> to vector<1xf32>
        %squeeze3A_836 = vector.extract %slice3A_835[0] : f32 from vector<1xf32>
        %broadcast_in_dim3A_837 = vector.broadcast %squeeze3A_836 : f32 to vector<16xf32>
        %get3A_838 = arith.index_cast %add3A_834 : i32 to index
        %get3A_839 = arith.constant 0 : index
        %get3A_840 = tpu.vector_load %arg11[%get3A_838, %get3A_839] {strides = array<i32>} : memref<640x32xf32, #tpu.memory_space<vmem>>, vector<1x16xf32>,
        %get3A_841 = vector.shape_cast %get3A_840 : vector<1x16xf32> to vector<16xf32>
        %mul3A_842 = arith.mulf %broadcast_in_dim3A_837, %get3A_841 : vector<16xf32>
        %mul3A_843 = arith.constant -2.000000e+00 : f32
        %mul3A_844 = vector.broadcast %mul3A_843 : f32 to vector<16xf32>
        %mul3A_845 = arith.mulf %mul3A_844, %mul3A_842 : vector<16xf32>
        %get3A_846 = arith.index_cast %rem3A_84 : i32 to index
        %get3A_847 = arith.index_cast %add3A_834 : i32 to index
        %get3A_848 = arith.constant 0 : index
        %get3A_849 = tpu.vector_load %arg9[%get3A_846, %get3A_847, %get3A_848] {strides = array<i32>} : memref<2x640x32xf32, #tpu.memory_space<vmem>>, vector<1x1x16xf32>,
        %get3A_850 = vector.shape_cast %get3A_849 : vector<1x1x16xf32> to vector<16xf32>
        %sub3A_851 = arith.subf %mul3A_845, %get3A_850 : vector<16xf32>
        %swap3A_852 = arith.index_cast %rem3A_84 : i32 to index
        %swap3A_853 = arith.index_cast %add3A_834 : i32 to index
        %swap3A_854 = arith.constant 0 : index
        %swap3A_855 = tpu.vector_load %arg9[%swap3A_852, %swap3A_853, %swap3A_854] {strides = array<i32>} : memref<2x640x32xf32, #tpu.memory_space<vmem>>, vector<1x1x16xf32>,
        %swap3A_856 = vector.shape_cast %swap3A_855 : vector<1x1x16xf32> to vector<16xf32>
        %swap3A_857 = vector.shape_cast %sub3A_851 : vector<16xf32> to vector<1x1x16xf32>
        tpu.vector_store %arg9[%swap3A_852, %swap3A_853, %swap3A_854], %swap3A_857 {strides = array<i32>} : memref<2x640x32xf32, #tpu.memory_space<vmem>>, vector<1x1x16xf32>,
        %mul3A_858 = arith.mulf %broadcast_in_dim3A_837, %sub3A_851 : vector<16xf32>
        %swap3A_859 = arith.index_cast %add3A_834 : i32 to index
        %swap3A_860 = arith.constant 0 : index
        %swap3A_861 = tpu.vector_load %arg11[%swap3A_859, %swap3A_860] {strides = array<i32>} : memref<640x32xf32, #tpu.memory_space<vmem>>, vector<1x16xf32>,
        %swap3A_862 = vector.shape_cast %swap3A_861 : vector<1x16xf32> to vector<16xf32>
        %swap3A_863 = vector.shape_cast %mul3A_858 : vector<16xf32> to vector<1x16xf32>
        tpu.vector_store %arg11[%swap3A_859, %swap3A_860], %swap3A_863 {strides = array<i32>} : memref<640x32xf32, #tpu.memory_space<vmem>>, vector<1x16xf32>,
        %get3A_864 = arith.index_cast %add3A_834 : i32 to index
        %get3A_865 = arith.constant 0 : index
        %get3A_866 = tpu.vector_load %arg10[%get3A_864, %get3A_865] {strides = array<i32>} : memref<640x32xf32, #tpu.memory_space<vmem>>, vector<1x16xf32>,
        %get3A_867 = vector.shape_cast %get3A_866 : vector<1x16xf32> to vector<16xf32>
        %mul3A_868 = arith.mulf %gather3A_82, %sub3A_851 : vector<16xf32>
        %add3A_869 = arith.addf %get3A_867, %mul3A_868 : vector<16xf32>
        %swap3A_870 = arith.index_cast %add3A_834 : i32 to index
        %swap3A_871 = arith.constant 0 : index
        %swap3A_872 = tpu.vector_load %arg10[%swap3A_870, %swap3A_871] {strides = array<i32>} : memref<640x32xf32, #tpu.memory_space<vmem>>, vector<1x16xf32>,
        %swap3A_873 = vector.shape_cast %swap3A_872 : vector<1x16xf32> to vector<16xf32>
        %swap3A_874 = vector.shape_cast %add3A_869 : vector<16xf32> to vector<1x16xf32>
        tpu.vector_store %arg10[%swap3A_870, %swap3A_871], %swap3A_874 {strides = array<i32>} : memref<640x32xf32, #tpu.memory_space<vmem>>, vector<1x16xf32>,
        %get3A_875 = arith.index_cast %add3A_834 : i32 to index
        %get3A_876 = arith.constant 16 : index
        %get3A_877 = tpu.vector_load %arg11[%get3A_875, %get3A_876] {strides = array<i32>} : memref<640x32xf32, #tpu.memory_space<vmem>>, vector<1x16xf32>,
        %get3A_878 = vector.shape_cast %get3A_877 : vector<1x16xf32> to vector<16xf32>
        %mul3A_879 = arith.mulf %broadcast_in_dim3A_837, %get3A_878 : vector<16xf32>
        %mul3A_880 = arith.constant -2.000000e+00 : f32
        %mul3A_881 = vector.broadcast %mul3A_880 : f32 to vector<16xf32>
        %mul3A_882 = arith.mulf %mul3A_881, %mul3A_879 : vector<16xf32>
        %get3A_883 = arith.index_cast %rem3A_84 : i32 to index
        %get3A_884 = arith.index_cast %add3A_834 : i32 to index
        %get3A_885 = arith.constant 16 : index
        %get3A_886 = tpu.vector_load %arg9[%get3A_883, %get3A_884, %get3A_885] {strides = array<i32>} : memref<2x640x32xf32, #tpu.memory_space<vmem>>, vector<1x1x16xf32>,
        %get3A_887 = vector.shape_cast %get3A_886 : vector<1x1x16xf32> to vector<16xf32>
        %sub3A_888 = arith.subf %mul3A_882, %get3A_887 : vector<16xf32>
        %swap3A_889 = arith.index_cast %rem3A_84 : i32 to index
        %swap3A_890 = arith.index_cast %add3A_834 : i32 to index
        %swap3A_891 = arith.constant 16 : index
        %swap3A_892 = tpu.vector_load %arg9[%swap3A_889, %swap3A_890, %swap3A_891] {strides = array<i32>} : memref<2x640x32xf32, #tpu.memory_space<vmem>>, vector<1x1x16xf32>,
        %swap3A_893 = vector.shape_cast %swap3A_892 : vector<1x1x16xf32> to vector<16xf32>
        %swap3A_894 = vector.shape_cast %sub3A_888 : vector<16xf32> to vector<1x1x16xf32>
        tpu.vector_store %arg9[%swap3A_889, %swap3A_890, %swap3A_891], %swap3A_894 {strides = array<i32>} : memref<2x640x32xf32, #tpu.memory_space<vmem>>, vector<1x1x16xf32>,
        %mul3A_895 = arith.mulf %broadcast_in_dim3A_837, %sub3A_888 : vector<16xf32>
        %swap3A_896 = arith.index_cast %add3A_834 : i32 to index
        %swap3A_897 = arith.constant 16 : index
        %swap3A_898 = tpu.vector_load %arg11[%swap3A_896, %swap3A_897] {strides = array<i32>} : memref<640x32xf32, #tpu.memory_space<vmem>>, vector<1x16xf32>,
        %swap3A_899 = vector.shape_cast %swap3A_898 : vector<1x16xf32> to vector<16xf32>
        %swap3A_900 = vector.shape_cast %mul3A_895 : vector<16xf32> to vector<1x16xf32>
        tpu.vector_store %arg11[%swap3A_896, %swap3A_897], %swap3A_900 {strides = array<i32>} : memref<640x32xf32, #tpu.memory_space<vmem>>, vector<1x16xf32>,
        %get3A_901 = arith.index_cast %add3A_834 : i32 to index
        %get3A_902 = arith.constant 16 : index
        %get3A_903 = tpu.vector_load %arg10[%get3A_901, %get3A_902] {strides = array<i32>} : memref<640x32xf32, #tpu.memory_space<vmem>>, vector<1x16xf32>,
        %get3A_904 = vector.shape_cast %get3A_903 : vector<1x16xf32> to vector<16xf32>
        %mul3A_905 = arith.mulf %gather3A_82, %sub3A_888 : vector<16xf32>
        %add3A_906 = arith.addf %get3A_904, %mul3A_905 : vector<16xf32>
        %swap3A_907 = arith.index_cast %add3A_834 : i32 to index
        %swap3A_908 = arith.constant 16 : index
        %swap3A_909 = tpu.vector_load %arg10[%swap3A_907, %swap3A_908] {strides = array<i32>} : memref<640x32xf32, #tpu.memory_space<vmem>>, vector<1x16xf32>,
        %swap3A_910 = vector.shape_cast %swap3A_909 : vector<1x16xf32> to vector<16xf32>
        %swap3A_911 = vector.shape_cast %add3A_906 : vector<16xf32> to vector<1x16xf32>
        tpu.vector_store %arg10[%swap3A_907, %swap3A_908], %swap3A_911 {strides = array<i32>} : memref<640x32xf32, #tpu.memory_space<vmem>>, vector<1x16xf32>,
        %mul3A_912 = arith.constant 16 : i32
        %mul3A_913 = arith.muli %scan3A_98, %mul3A_912 : i32
        %add3A_914 = arith.constant 10 : i32
        %add3A_915 = arith.addi %mul3A_913, %add3A_914 : i32
        %slice3A_916 = vector.extract_strided_slice %get3A_103 {offsets = [10], sizes = [1], strides = [1]} : vector<16xf32> to vector<1xf32>
        %squeeze3A_917 = vector.extract %slice3A_916[0] : f32 from vector<1xf32>
        %broadcast_in_dim3A_918 = vector.broadcast %squeeze3A_917 : f32 to vector<16xf32>
        %get3A_919 = arith.index_cast %add3A_915 : i32 to index
        %get3A_920 = arith.constant 0 : index
        %get3A_921 = tpu.vector_load %arg11[%get3A_919, %get3A_920] {strides = array<i32>} : memref<640x32xf32, #tpu.memory_space<vmem>>, vector<1x16xf32>,
        %get3A_922 = vector.shape_cast %get3A_921 : vector<1x16xf32> to vector<16xf32>
        %mul3A_923 = arith.mulf %broadcast_in_dim3A_918, %get3A_922 : vector<16xf32>
        %mul3A_924 = arith.constant -2.000000e+00 : f32
        %mul3A_925 = vector.broadcast %mul3A_924 : f32 to vector<16xf32>
        %mul3A_926 = arith.mulf %mul3A_925, %mul3A_923 : vector<16xf32>
        %get3A_927 = arith.index_cast %rem3A_84 : i32 to index
        %get3A_928 = arith.index_cast %add3A_915 : i32 to index
        %get3A_929 = arith.constant 0 : index
        %get3A_930 = tpu.vector_load %arg9[%get3A_927, %get3A_928, %get3A_929] {strides = array<i32>} : memref<2x640x32xf32, #tpu.memory_space<vmem>>, vector<1x1x16xf32>,
        %get3A_931 = vector.shape_cast %get3A_930 : vector<1x1x16xf32> to vector<16xf32>
        %sub3A_932 = arith.subf %mul3A_926, %get3A_931 : vector<16xf32>
        %swap3A_933 = arith.index_cast %rem3A_84 : i32 to index
        %swap3A_934 = arith.index_cast %add3A_915 : i32 to index
        %swap3A_935 = arith.constant 0 : index
        %swap3A_936 = tpu.vector_load %arg9[%swap3A_933, %swap3A_934, %swap3A_935] {strides = array<i32>} : memref<2x640x32xf32, #tpu.memory_space<vmem>>, vector<1x1x16xf32>,
        %swap3A_937 = vector.shape_cast %swap3A_936 : vector<1x1x16xf32> to vector<16xf32>
        %swap3A_938 = vector.shape_cast %sub3A_932 : vector<16xf32> to vector<1x1x16xf32>
        tpu.vector_store %arg9[%swap3A_933, %swap3A_934, %swap3A_935], %swap3A_938 {strides = array<i32>} : memref<2x640x32xf32, #tpu.memory_space<vmem>>, vector<1x1x16xf32>,
        %mul3A_939 = arith.mulf %broadcast_in_dim3A_918, %sub3A_932 : vector<16xf32>
        %swap3A_940 = arith.index_cast %add3A_915 : i32 to index
        %swap3A_941 = arith.constant 0 : index
        %swap3A_942 = tpu.vector_load %arg11[%swap3A_940, %swap3A_941] {strides = array<i32>} : memref<640x32xf32, #tpu.memory_space<vmem>>, vector<1x16xf32>,
        %swap3A_943 = vector.shape_cast %swap3A_942 : vector<1x16xf32> to vector<16xf32>
        %swap3A_944 = vector.shape_cast %mul3A_939 : vector<16xf32> to vector<1x16xf32>
        tpu.vector_store %arg11[%swap3A_940, %swap3A_941], %swap3A_944 {strides = array<i32>} : memref<640x32xf32, #tpu.memory_space<vmem>>, vector<1x16xf32>,
        %get3A_945 = arith.index_cast %add3A_915 : i32 to index
        %get3A_946 = arith.constant 0 : index
        %get3A_947 = tpu.vector_load %arg10[%get3A_945, %get3A_946] {strides = array<i32>} : memref<640x32xf32, #tpu.memory_space<vmem>>, vector<1x16xf32>,
        %get3A_948 = vector.shape_cast %get3A_947 : vector<1x16xf32> to vector<16xf32>
        %mul3A_949 = arith.mulf %gather3A_82, %sub3A_932 : vector<16xf32>
        %add3A_950 = arith.addf %get3A_948, %mul3A_949 : vector<16xf32>
        %swap3A_951 = arith.index_cast %add3A_915 : i32 to index
        %swap3A_952 = arith.constant 0 : index
        %swap3A_953 = tpu.vector_load %arg10[%swap3A_951, %swap3A_952] {strides = array<i32>} : memref<640x32xf32, #tpu.memory_space<vmem>>, vector<1x16xf32>,
        %swap3A_954 = vector.shape_cast %swap3A_953 : vector<1x16xf32> to vector<16xf32>
        %swap3A_955 = vector.shape_cast %add3A_950 : vector<16xf32> to vector<1x16xf32>
        tpu.vector_store %arg10[%swap3A_951, %swap3A_952], %swap3A_955 {strides = array<i32>} : memref<640x32xf32, #tpu.memory_space<vmem>>, vector<1x16xf32>,
        %get3A_956 = arith.index_cast %add3A_915 : i32 to index
        %get3A_957 = arith.constant 16 : index
        %get3A_958 = tpu.vector_load %arg11[%get3A_956, %get3A_957] {strides = array<i32>} : memref<640x32xf32, #tpu.memory_space<vmem>>, vector<1x16xf32>,
        %get3A_959 = vector.shape_cast %get3A_958 : vector<1x16xf32> to vector<16xf32>
        %mul3A_960 = arith.mulf %broadcast_in_dim3A_918, %get3A_959 : vector<16xf32>
        %mul3A_961 = arith.constant -2.000000e+00 : f32
        %mul3A_962 = vector.broadcast %mul3A_961 : f32 to vector<16xf32>
        %mul3A_963 = arith.mulf %mul3A_962, %mul3A_960 : vector<16xf32>
        %get3A_964 = arith.index_cast %rem3A_84 : i32 to index
        %get3A_965 = arith.index_cast %add3A_915 : i32 to index
        %get3A_966 = arith.constant 16 : index
        %get3A_967 = tpu.vector_load %arg9[%get3A_964, %get3A_965, %get3A_966] {strides = array<i32>} : memref<2x640x32xf32, #tpu.memory_space<vmem>>, vector<1x1x16xf32>,
        %get3A_968 = vector.shape_cast %get3A_967 : vector<1x1x16xf32> to vector<16xf32>
        %sub3A_969 = arith.subf %mul3A_963, %get3A_968 : vector<16xf32>
        %swap3A_970 = arith.index_cast %rem3A_84 : i32 to index
        %swap3A_971 = arith.index_cast %add3A_915 : i32 to index
        %swap3A_972 = arith.constant 16 : index
        %swap3A_973 = tpu.vector_load %arg9[%swap3A_970, %swap3A_971, %swap3A_972] {strides = array<i32>} : memref<2x640x32xf32, #tpu.memory_space<vmem>>, vector<1x1x16xf32>,
        %swap3A_974 = vector.shape_cast %swap3A_973 : vector<1x1x16xf32> to vector<16xf32>
        %swap3A_975 = vector.shape_cast %sub3A_969 : vector<16xf32> to vector<1x1x16xf32>
        tpu.vector_store %arg9[%swap3A_970, %swap3A_971, %swap3A_972], %swap3A_975 {strides = array<i32>} : memref<2x640x32xf32, #tpu.memory_space<vmem>>, vector<1x1x16xf32>,
        %mul3A_976 = arith.mulf %broadcast_in_dim3A_918, %sub3A_969 : vector<16xf32>
        %swap3A_977 = arith.index_cast %add3A_915 : i32 to index
        %swap3A_978 = arith.constant 16 : index
        %swap3A_979 = tpu.vector_load %arg11[%swap3A_977, %swap3A_978] {strides = array<i32>} : memref<640x32xf32, #tpu.memory_space<vmem>>, vector<1x16xf32>,
        %swap3A_980 = vector.shape_cast %swap3A_979 : vector<1x16xf32> to vector<16xf32>
        %swap3A_981 = vector.shape_cast %mul3A_976 : vector<16xf32> to vector<1x16xf32>
        tpu.vector_store %arg11[%swap3A_977, %swap3A_978], %swap3A_981 {strides = array<i32>} : memref<640x32xf32, #tpu.memory_space<vmem>>, vector<1x16xf32>,
        %get3A_982 = arith.index_cast %add3A_915 : i32 to index
        %get3A_983 = arith.constant 16 : index
        %get3A_984 = tpu.vector_load %arg10[%get3A_982, %get3A_983] {strides = array<i32>} : memref<640x32xf32, #tpu.memory_space<vmem>>, vector<1x16xf32>,
        %get3A_985 = vector.shape_cast %get3A_984 : vector<1x16xf32> to vector<16xf32>
        %mul3A_986 = arith.mulf %gather3A_82, %sub3A_969 : vector<16xf32>
        %add3A_987 = arith.addf %get3A_985, %mul3A_986 : vector<16xf32>
        %swap3A_988 = arith.index_cast %add3A_915 : i32 to index
        %swap3A_989 = arith.constant 16 : index
        %swap3A_990 = tpu.vector_load %arg10[%swap3A_988, %swap3A_989] {strides = array<i32>} : memref<640x32xf32, #tpu.memory_space<vmem>>, vector<1x16xf32>,
        %swap3A_991 = vector.shape_cast %swap3A_990 : vector<1x16xf32> to vector<16xf32>
        %swap3A_992 = vector.shape_cast %add3A_987 : vector<16xf32> to vector<1x16xf32>
        tpu.vector_store %arg10[%swap3A_988, %swap3A_989], %swap3A_992 {strides = array<i32>} : memref<640x32xf32, #tpu.memory_space<vmem>>, vector<1x16xf32>,
        %mul3A_993 = arith.constant 16 : i32
        %mul3A_994 = arith.muli %scan3A_98, %mul3A_993 : i32
        %add3A_995 = arith.constant 11 : i32
        %add3A_996 = arith.addi %mul3A_994, %add3A_995 : i32
        %slice3A_997 = vector.extract_strided_slice %get3A_103 {offsets = [11], sizes = [1], strides = [1]} : vector<16xf32> to vector<1xf32>
        %squeeze3A_998 = vector.extract %slice3A_997[0] : f32 from vector<1xf32>
        %broadcast_in_dim3A_999 = vector.broadcast %squeeze3A_998 : f32 to vector<16xf32>
        %get3A_1000 = arith.index_cast %add3A_996 : i32 to index
        %get3A_1001 = arith.constant 0 : index
        %get3A_1002 = tpu.vector_load %arg11[%get3A_1000, %get3A_1001] {strides = array<i32>} : memref<640x32xf32, #tpu.memory_space<vmem>>, vector<1x16xf32>,
        %get3A_1003 = vector.shape_cast %get3A_1002 : vector<1x16xf32> to vector<16xf32>
        %mul3A_1004 = arith.mulf %broadcast_in_dim3A_999, %get3A_1003 : vector<16xf32>
        %mul3A_1005 = arith.constant -2.000000e+00 : f32
        %mul3A_1006 = vector.broadcast %mul3A_1005 : f32 to vector<16xf32>
        %mul3A_1007 = arith.mulf %mul3A_1006, %mul3A_1004 : vector<16xf32>
        %get3A_1008 = arith.index_cast %rem3A_84 : i32 to index
        %get3A_1009 = arith.index_cast %add3A_996 : i32 to index
        %get3A_1010 = arith.constant 0 : index
        %get3A_1011 = tpu.vector_load %arg9[%get3A_1008, %get3A_1009, %get3A_1010] {strides = array<i32>} : memref<2x640x32xf32, #tpu.memory_space<vmem>>, vector<1x1x16xf32>,
        %get3A_1012 = vector.shape_cast %get3A_1011 : vector<1x1x16xf32> to vector<16xf32>
        %sub3A_1013 = arith.subf %mul3A_1007, %get3A_1012 : vector<16xf32>
        %swap3A_1014 = arith.index_cast %rem3A_84 : i32 to index
        %swap3A_1015 = arith.index_cast %add3A_996 : i32 to index
        %swap3A_1016 = arith.constant 0 : index
        %swap3A_1017 = tpu.vector_load %arg9[%swap3A_1014, %swap3A_1015, %swap3A_1016] {strides = array<i32>} : memref<2x640x32xf32, #tpu.memory_space<vmem>>, vector<1x1x16xf32>,
        %swap3A_1018 = vector.shape_cast %swap3A_1017 : vector<1x1x16xf32> to vector<16xf32>
        %swap3A_1019 = vector.shape_cast %sub3A_1013 : vector<16xf32> to vector<1x1x16xf32>
        tpu.vector_store %arg9[%swap3A_1014, %swap3A_1015, %swap3A_1016], %swap3A_1019 {strides = array<i32>} : memref<2x640x32xf32, #tpu.memory_space<vmem>>, vector<1x1x16xf32>,
        %mul3A_1020 = arith.mulf %broadcast_in_dim3A_999, %sub3A_1013 : vector<16xf32>
        %swap3A_1021 = arith.index_cast %add3A_996 : i32 to index
        %swap3A_1022 = arith.constant 0 : index
        %swap3A_1023 = tpu.vector_load %arg11[%swap3A_1021, %swap3A_1022] {strides = array<i32>} : memref<640x32xf32, #tpu.memory_space<vmem>>, vector<1x16xf32>,
        %swap3A_1024 = vector.shape_cast %swap3A_1023 : vector<1x16xf32> to vector<16xf32>
        %swap3A_1025 = vector.shape_cast %mul3A_1020 : vector<16xf32> to vector<1x16xf32>
        tpu.vector_store %arg11[%swap3A_1021, %swap3A_1022], %swap3A_1025 {strides = array<i32>} : memref<640x32xf32, #tpu.memory_space<vmem>>, vector<1x16xf32>,
        %get3A_1026 = arith.index_cast %add3A_996 : i32 to index
        %get3A_1027 = arith.constant 0 : index
        %get3A_1028 = tpu.vector_load %arg10[%get3A_1026, %get3A_1027] {strides = array<i32>} : memref<640x32xf32, #tpu.memory_space<vmem>>, vector<1x16xf32>,
        %get3A_1029 = vector.shape_cast %get3A_1028 : vector<1x16xf32> to vector<16xf32>
        %mul3A_1030 = arith.mulf %gather3A_82, %sub3A_1013 : vector<16xf32>
        %add3A_1031 = arith.addf %get3A_1029, %mul3A_1030 : vector<16xf32>
        %swap3A_1032 = arith.index_cast %add3A_996 : i32 to index
        %swap3A_1033 = arith.constant 0 : index
        %swap3A_1034 = tpu.vector_load %arg10[%swap3A_1032, %swap3A_1033] {strides = array<i32>} : memref<640x32xf32, #tpu.memory_space<vmem>>, vector<1x16xf32>,
        %swap3A_1035 = vector.shape_cast %swap3A_1034 : vector<1x16xf32> to vector<16xf32>
        %swap3A_1036 = vector.shape_cast %add3A_1031 : vector<16xf32> to vector<1x16xf32>
        tpu.vector_store %arg10[%swap3A_1032, %swap3A_1033], %swap3A_1036 {strides = array<i32>} : memref<640x32xf32, #tpu.memory_space<vmem>>, vector<1x16xf32>,
        %get3A_1037 = arith.index_cast %add3A_996 : i32 to index
        %get3A_1038 = arith.constant 16 : index
        %get3A_1039 = tpu.vector_load %arg11[%get3A_1037, %get3A_1038] {strides = array<i32>} : memref<640x32xf32, #tpu.memory_space<vmem>>, vector<1x16xf32>,
        %get3A_1040 = vector.shape_cast %get3A_1039 : vector<1x16xf32> to vector<16xf32>
        %mul3A_1041 = arith.mulf %broadcast_in_dim3A_999, %get3A_1040 : vector<16xf32>
        %mul3A_1042 = arith.constant -2.000000e+00 : f32
        %mul3A_1043 = vector.broadcast %mul3A_1042 : f32 to vector<16xf32>
        %mul3A_1044 = arith.mulf %mul3A_1043, %mul3A_1041 : vector<16xf32>
        %get3A_1045 = arith.index_cast %rem3A_84 : i32 to index
        %get3A_1046 = arith.index_cast %add3A_996 : i32 to index
        %get3A_1047 = arith.constant 16 : index
        %get3A_1048 = tpu.vector_load %arg9[%get3A_1045, %get3A_1046, %get3A_1047] {strides = array<i32>} : memref<2x640x32xf32, #tpu.memory_space<vmem>>, vector<1x1x16xf32>,
        %get3A_1049 = vector.shape_cast %get3A_1048 : vector<1x1x16xf32> to vector<16xf32>
        %sub3A_1050 = arith.subf %mul3A_1044, %get3A_1049 : vector<16xf32>
        %swap3A_1051 = arith.index_cast %rem3A_84 : i32 to index
        %swap3A_1052 = arith.index_cast %add3A_996 : i32 to index
        %swap3A_1053 = arith.constant 16 : index
        %swap3A_1054 = tpu.vector_load %arg9[%swap3A_1051, %swap3A_1052, %swap3A_1053] {strides = array<i32>} : memref<2x640x32xf32, #tpu.memory_space<vmem>>, vector<1x1x16xf32>,
        %swap3A_1055 = vector.shape_cast %swap3A_1054 : vector<1x1x16xf32> to vector<16xf32>
        %swap3A_1056 = vector.shape_cast %sub3A_1050 : vector<16xf32> to vector<1x1x16xf32>
        tpu.vector_store %arg9[%swap3A_1051, %swap3A_1052, %swap3A_1053], %swap3A_1056 {strides = array<i32>} : memref<2x640x32xf32, #tpu.memory_space<vmem>>, vector<1x1x16xf32>,
        %mul3A_1057 = arith.mulf %broadcast_in_dim3A_999, %sub3A_1050 : vector<16xf32>
        %swap3A_1058 = arith.index_cast %add3A_996 : i32 to index
        %swap3A_1059 = arith.constant 16 : index
        %swap3A_1060 = tpu.vector_load %arg11[%swap3A_1058, %swap3A_1059] {strides = array<i32>} : memref<640x32xf32, #tpu.memory_space<vmem>>, vector<1x16xf32>,
        %swap3A_1061 = vector.shape_cast %swap3A_1060 : vector<1x16xf32> to vector<16xf32>
        %swap3A_1062 = vector.shape_cast %mul3A_1057 : vector<16xf32> to vector<1x16xf32>
        tpu.vector_store %arg11[%swap3A_1058, %swap3A_1059], %swap3A_1062 {strides = array<i32>} : memref<640x32xf32, #tpu.memory_space<vmem>>, vector<1x16xf32>,
        %get3A_1063 = arith.index_cast %add3A_996 : i32 to index
        %get3A_1064 = arith.constant 16 : index
        %get3A_1065 = tpu.vector_load %arg10[%get3A_1063, %get3A_1064] {strides = array<i32>} : memref<640x32xf32, #tpu.memory_space<vmem>>, vector<1x16xf32>,
        %get3A_1066 = vector.shape_cast %get3A_1065 : vector<1x16xf32> to vector<16xf32>
        %mul3A_1067 = arith.mulf %gather3A_82, %sub3A_1050 : vector<16xf32>
        %add3A_1068 = arith.addf %get3A_1066, %mul3A_1067 : vector<16xf32>
        %swap3A_1069 = arith.index_cast %add3A_996 : i32 to index
        %swap3A_1070 = arith.constant 16 : index
        %swap3A_1071 = tpu.vector_load %arg10[%swap3A_1069, %swap3A_1070] {strides = array<i32>} : memref<640x32xf32, #tpu.memory_space<vmem>>, vector<1x16xf32>,
        %swap3A_1072 = vector.shape_cast %swap3A_1071 : vector<1x16xf32> to vector<16xf32>
        %swap3A_1073 = vector.shape_cast %add3A_1068 : vector<16xf32> to vector<1x16xf32>
        tpu.vector_store %arg10[%swap3A_1069, %swap3A_1070], %swap3A_1073 {strides = array<i32>} : memref<640x32xf32, #tpu.memory_space<vmem>>, vector<1x16xf32>,
        %mul3A_1074 = arith.constant 16 : i32
        %mul3A_1075 = arith.muli %scan3A_98, %mul3A_1074 : i32
        %add3A_1076 = arith.constant 12 : i32
        %add3A_1077 = arith.addi %mul3A_1075, %add3A_1076 : i32
        %slice3A_1078 = vector.extract_strided_slice %get3A_103 {offsets = [12], sizes = [1], strides = [1]} : vector<16xf32> to vector<1xf32>
        %squeeze3A_1079 = vector.extract %slice3A_1078[0] : f32 from vector<1xf32>
        %broadcast_in_dim3A_1080 = vector.broadcast %squeeze3A_1079 : f32 to vector<16xf32>
        %get3A_1081 = arith.index_cast %add3A_1077 : i32 to index
        %get3A_1082 = arith.constant 0 : index
        %get3A_1083 = tpu.vector_load %arg11[%get3A_1081, %get3A_1082] {strides = array<i32>} : memref<640x32xf32, #tpu.memory_space<vmem>>, vector<1x16xf32>,
        %get3A_1084 = vector.shape_cast %get3A_1083 : vector<1x16xf32> to vector<16xf32>
        %mul3A_1085 = arith.mulf %broadcast_in_dim3A_1080, %get3A_1084 : vector<16xf32>
        %mul3A_1086 = arith.constant -2.000000e+00 : f32
        %mul3A_1087 = vector.broadcast %mul3A_1086 : f32 to vector<16xf32>
        %mul3A_1088 = arith.mulf %mul3A_1087, %mul3A_1085 : vector<16xf32>
        %get3A_1089 = arith.index_cast %rem3A_84 : i32 to index
        %get3A_1090 = arith.index_cast %add3A_1077 : i32 to index
        %get3A_1091 = arith.constant 0 : index
        %get3A_1092 = tpu.vector_load %arg9[%get3A_1089, %get3A_1090, %get3A_1091] {strides = array<i32>} : memref<2x640x32xf32, #tpu.memory_space<vmem>>, vector<1x1x16xf32>,
        %get3A_1093 = vector.shape_cast %get3A_1092 : vector<1x1x16xf32> to vector<16xf32>
        %sub3A_1094 = arith.subf %mul3A_1088, %get3A_1093 : vector<16xf32>
        %swap3A_1095 = arith.index_cast %rem3A_84 : i32 to index
        %swap3A_1096 = arith.index_cast %add3A_1077 : i32 to index
        %swap3A_1097 = arith.constant 0 : index
        %swap3A_1098 = tpu.vector_load %arg9[%swap3A_1095, %swap3A_1096, %swap3A_1097] {strides = array<i32>} : memref<2x640x32xf32, #tpu.memory_space<vmem>>, vector<1x1x16xf32>,
        %swap3A_1099 = vector.shape_cast %swap3A_1098 : vector<1x1x16xf32> to vector<16xf32>
        %swap3A_1100 = vector.shape_cast %sub3A_1094 : vector<16xf32> to vector<1x1x16xf32>
        tpu.vector_store %arg9[%swap3A_1095, %swap3A_1096, %swap3A_1097], %swap3A_1100 {strides = array<i32>} : memref<2x640x32xf32, #tpu.memory_space<vmem>>, vector<1x1x16xf32>,
        %mul3A_1101 = arith.mulf %broadcast_in_dim3A_1080, %sub3A_1094 : vector<16xf32>
        %swap3A_1102 = arith.index_cast %add3A_1077 : i32 to index
        %swap3A_1103 = arith.constant 0 : index
        %swap3A_1104 = tpu.vector_load %arg11[%swap3A_1102, %swap3A_1103] {strides = array<i32>} : memref<640x32xf32, #tpu.memory_space<vmem>>, vector<1x16xf32>,
        %swap3A_1105 = vector.shape_cast %swap3A_1104 : vector<1x16xf32> to vector<16xf32>
        %swap3A_1106 = vector.shape_cast %mul3A_1101 : vector<16xf32> to vector<1x16xf32>
        tpu.vector_store %arg11[%swap3A_1102, %swap3A_1103], %swap3A_1106 {strides = array<i32>} : memref<640x32xf32, #tpu.memory_space<vmem>>, vector<1x16xf32>,
        %get3A_1107 = arith.index_cast %add3A_1077 : i32 to index
        %get3A_1108 = arith.constant 0 : index
        %get3A_1109 = tpu.vector_load %arg10[%get3A_1107, %get3A_1108] {strides = array<i32>} : memref<640x32xf32, #tpu.memory_space<vmem>>, vector<1x16xf32>,
        %get3A_1110 = vector.shape_cast %get3A_1109 : vector<1x16xf32> to vector<16xf32>
        %mul3A_1111 = arith.mulf %gather3A_82, %sub3A_1094 : vector<16xf32>
        %add3A_1112 = arith.addf %get3A_1110, %mul3A_1111 : vector<16xf32>
        %swap3A_1113 = arith.index_cast %add3A_1077 : i32 to index
        %swap3A_1114 = arith.constant 0 : index
        %swap3A_1115 = tpu.vector_load %arg10[%swap3A_1113, %swap3A_1114] {strides = array<i32>} : memref<640x32xf32, #tpu.memory_space<vmem>>, vector<1x16xf32>,
        %swap3A_1116 = vector.shape_cast %swap3A_1115 : vector<1x16xf32> to vector<16xf32>
        %swap3A_1117 = vector.shape_cast %add3A_1112 : vector<16xf32> to vector<1x16xf32>
        tpu.vector_store %arg10[%swap3A_1113, %swap3A_1114], %swap3A_1117 {strides = array<i32>} : memref<640x32xf32, #tpu.memory_space<vmem>>, vector<1x16xf32>,
        %get3A_1118 = arith.index_cast %add3A_1077 : i32 to index
        %get3A_1119 = arith.constant 16 : index
        %get3A_1120 = tpu.vector_load %arg11[%get3A_1118, %get3A_1119] {strides = array<i32>} : memref<640x32xf32, #tpu.memory_space<vmem>>, vector<1x16xf32>,
        %get3A_1121 = vector.shape_cast %get3A_1120 : vector<1x16xf32> to vector<16xf32>
        %mul3A_1122 = arith.mulf %broadcast_in_dim3A_1080, %get3A_1121 : vector<16xf32>
        %mul3A_1123 = arith.constant -2.000000e+00 : f32
        %mul3A_1124 = vector.broadcast %mul3A_1123 : f32 to vector<16xf32>
        %mul3A_1125 = arith.mulf %mul3A_1124, %mul3A_1122 : vector<16xf32>
        %get3A_1126 = arith.index_cast %rem3A_84 : i32 to index
        %get3A_1127 = arith.index_cast %add3A_1077 : i32 to index
        %get3A_1128 = arith.constant 16 : index
        %get3A_1129 = tpu.vector_load %arg9[%get3A_1126, %get3A_1127, %get3A_1128] {strides = array<i32>} : memref<2x640x32xf32, #tpu.memory_space<vmem>>, vector<1x1x16xf32>,
        %get3A_1130 = vector.shape_cast %get3A_1129 : vector<1x1x16xf32> to vector<16xf32>
        %sub3A_1131 = arith.subf %mul3A_1125, %get3A_1130 : vector<16xf32>
        %swap3A_1132 = arith.index_cast %rem3A_84 : i32 to index
        %swap3A_1133 = arith.index_cast %add3A_1077 : i32 to index
        %swap3A_1134 = arith.constant 16 : index
        %swap3A_1135 = tpu.vector_load %arg9[%swap3A_1132, %swap3A_1133, %swap3A_1134] {strides = array<i32>} : memref<2x640x32xf32, #tpu.memory_space<vmem>>, vector<1x1x16xf32>,
        %swap3A_1136 = vector.shape_cast %swap3A_1135 : vector<1x1x16xf32> to vector<16xf32>
        %swap3A_1137 = vector.shape_cast %sub3A_1131 : vector<16xf32> to vector<1x1x16xf32>
        tpu.vector_store %arg9[%swap3A_1132, %swap3A_1133, %swap3A_1134], %swap3A_1137 {strides = array<i32>} : memref<2x640x32xf32, #tpu.memory_space<vmem>>, vector<1x1x16xf32>,
        %mul3A_1138 = arith.mulf %broadcast_in_dim3A_1080, %sub3A_1131 : vector<16xf32>
        %swap3A_1139 = arith.index_cast %add3A_1077 : i32 to index
        %swap3A_1140 = arith.constant 16 : index
        %swap3A_1141 = tpu.vector_load %arg11[%swap3A_1139, %swap3A_1140] {strides = array<i32>} : memref<640x32xf32, #tpu.memory_space<vmem>>, vector<1x16xf32>,
        %swap3A_1142 = vector.shape_cast %swap3A_1141 : vector<1x16xf32> to vector<16xf32>
        %swap3A_1143 = vector.shape_cast %mul3A_1138 : vector<16xf32> to vector<1x16xf32>
        tpu.vector_store %arg11[%swap3A_1139, %swap3A_1140], %swap3A_1143 {strides = array<i32>} : memref<640x32xf32, #tpu.memory_space<vmem>>, vector<1x16xf32>,
        %get3A_1144 = arith.index_cast %add3A_1077 : i32 to index
        %get3A_1145 = arith.constant 16 : index
        %get3A_1146 = tpu.vector_load %arg10[%get3A_1144, %get3A_1145] {strides = array<i32>} : memref<640x32xf32, #tpu.memory_space<vmem>>, vector<1x16xf32>,
        %get3A_1147 = vector.shape_cast %get3A_1146 : vector<1x16xf32> to vector<16xf32>
        %mul3A_1148 = arith.mulf %gather3A_82, %sub3A_1131 : vector<16xf32>
        %add3A_1149 = arith.addf %get3A_1147, %mul3A_1148 : vector<16xf32>
        %swap3A_1150 = arith.index_cast %add3A_1077 : i32 to index
        %swap3A_1151 = arith.constant 16 : index
        %swap3A_1152 = tpu.vector_load %arg10[%swap3A_1150, %swap3A_1151] {strides = array<i32>} : memref<640x32xf32, #tpu.memory_space<vmem>>, vector<1x16xf32>,
        %swap3A_1153 = vector.shape_cast %swap3A_1152 : vector<1x16xf32> to vector<16xf32>
        %swap3A_1154 = vector.shape_cast %add3A_1149 : vector<16xf32> to vector<1x16xf32>
        tpu.vector_store %arg10[%swap3A_1150, %swap3A_1151], %swap3A_1154 {strides = array<i32>} : memref<640x32xf32, #tpu.memory_space<vmem>>, vector<1x16xf32>,
        %mul3A_1155 = arith.constant 16 : i32
        %mul3A_1156 = arith.muli %scan3A_98, %mul3A_1155 : i32
        %add3A_1157 = arith.constant 13 : i32
        %add3A_1158 = arith.addi %mul3A_1156, %add3A_1157 : i32
        %slice3A_1159 = vector.extract_strided_slice %get3A_103 {offsets = [13], sizes = [1], strides = [1]} : vector<16xf32> to vector<1xf32>
        %squeeze3A_1160 = vector.extract %slice3A_1159[0] : f32 from vector<1xf32>
        %broadcast_in_dim3A_1161 = vector.broadcast %squeeze3A_1160 : f32 to vector<16xf32>
        %get3A_1162 = arith.index_cast %add3A_1158 : i32 to index
        %get3A_1163 = arith.constant 0 : index
        %get3A_1164 = tpu.vector_load %arg11[%get3A_1162, %get3A_1163] {strides = array<i32>} : memref<640x32xf32, #tpu.memory_space<vmem>>, vector<1x16xf32>,
        %get3A_1165 = vector.shape_cast %get3A_1164 : vector<1x16xf32> to vector<16xf32>
        %mul3A_1166 = arith.mulf %broadcast_in_dim3A_1161, %get3A_1165 : vector<16xf32>
        %mul3A_1167 = arith.constant -2.000000e+00 : f32
        %mul3A_1168 = vector.broadcast %mul3A_1167 : f32 to vector<16xf32>
        %mul3A_1169 = arith.mulf %mul3A_1168, %mul3A_1166 : vector<16xf32>
        %get3A_1170 = arith.index_cast %rem3A_84 : i32 to index
        %get3A_1171 = arith.index_cast %add3A_1158 : i32 to index
        %get3A_1172 = arith.constant 0 : index
        %get3A_1173 = tpu.vector_load %arg9[%get3A_1170, %get3A_1171, %get3A_1172] {strides = array<i32>} : memref<2x640x32xf32, #tpu.memory_space<vmem>>, vector<1x1x16xf32>,
        %get3A_1174 = vector.shape_cast %get3A_1173 : vector<1x1x16xf32> to vector<16xf32>
        %sub3A_1175 = arith.subf %mul3A_1169, %get3A_1174 : vector<16xf32>
        %swap3A_1176 = arith.index_cast %rem3A_84 : i32 to index
        %swap3A_1177 = arith.index_cast %add3A_1158 : i32 to index
        %swap3A_1178 = arith.constant 0 : index
        %swap3A_1179 = tpu.vector_load %arg9[%swap3A_1176, %swap3A_1177, %swap3A_1178] {strides = array<i32>} : memref<2x640x32xf32, #tpu.memory_space<vmem>>, vector<1x1x16xf32>,
        %swap3A_1180 = vector.shape_cast %swap3A_1179 : vector<1x1x16xf32> to vector<16xf32>
        %swap3A_1181 = vector.shape_cast %sub3A_1175 : vector<16xf32> to vector<1x1x16xf32>
        tpu.vector_store %arg9[%swap3A_1176, %swap3A_1177, %swap3A_1178], %swap3A_1181 {strides = array<i32>} : memref<2x640x32xf32, #tpu.memory_space<vmem>>, vector<1x1x16xf32>,
        %mul3A_1182 = arith.mulf %broadcast_in_dim3A_1161, %sub3A_1175 : vector<16xf32>
        %swap3A_1183 = arith.index_cast %add3A_1158 : i32 to index
        %swap3A_1184 = arith.constant 0 : index
        %swap3A_1185 = tpu.vector_load %arg11[%swap3A_1183, %swap3A_1184] {strides = array<i32>} : memref<640x32xf32, #tpu.memory_space<vmem>>, vector<1x16xf32>,
        %swap3A_1186 = vector.shape_cast %swap3A_1185 : vector<1x16xf32> to vector<16xf32>
        %swap3A_1187 = vector.shape_cast %mul3A_1182 : vector<16xf32> to vector<1x16xf32>
        tpu.vector_store %arg11[%swap3A_1183, %swap3A_1184], %swap3A_1187 {strides = array<i32>} : memref<640x32xf32, #tpu.memory_space<vmem>>, vector<1x16xf32>,
        %get3A_1188 = arith.index_cast %add3A_1158 : i32 to index
        %get3A_1189 = arith.constant 0 : index
        %get3A_1190 = tpu.vector_load %arg10[%get3A_1188, %get3A_1189] {strides = array<i32>} : memref<640x32xf32, #tpu.memory_space<vmem>>, vector<1x16xf32>,
        %get3A_1191 = vector.shape_cast %get3A_1190 : vector<1x16xf32> to vector<16xf32>
        %mul3A_1192 = arith.mulf %gather3A_82, %sub3A_1175 : vector<16xf32>
        %add3A_1193 = arith.addf %get3A_1191, %mul3A_1192 : vector<16xf32>
        %swap3A_1194 = arith.index_cast %add3A_1158 : i32 to index
        %swap3A_1195 = arith.constant 0 : index
        %swap3A_1196 = tpu.vector_load %arg10[%swap3A_1194, %swap3A_1195] {strides = array<i32>} : memref<640x32xf32, #tpu.memory_space<vmem>>, vector<1x16xf32>,
        %swap3A_1197 = vector.shape_cast %swap3A_1196 : vector<1x16xf32> to vector<16xf32>
        %swap3A_1198 = vector.shape_cast %add3A_1193 : vector<16xf32> to vector<1x16xf32>
        tpu.vector_store %arg10[%swap3A_1194, %swap3A_1195], %swap3A_1198 {strides = array<i32>} : memref<640x32xf32, #tpu.memory_space<vmem>>, vector<1x16xf32>,
        %get3A_1199 = arith.index_cast %add3A_1158 : i32 to index
        %get3A_1200 = arith.constant 16 : index
        %get3A_1201 = tpu.vector_load %arg11[%get3A_1199, %get3A_1200] {strides = array<i32>} : memref<640x32xf32, #tpu.memory_space<vmem>>, vector<1x16xf32>,
        %get3A_1202 = vector.shape_cast %get3A_1201 : vector<1x16xf32> to vector<16xf32>
        %mul3A_1203 = arith.mulf %broadcast_in_dim3A_1161, %get3A_1202 : vector<16xf32>
        %mul3A_1204 = arith.constant -2.000000e+00 : f32
        %mul3A_1205 = vector.broadcast %mul3A_1204 : f32 to vector<16xf32>
        %mul3A_1206 = arith.mulf %mul3A_1205, %mul3A_1203 : vector<16xf32>
        %get3A_1207 = arith.index_cast %rem3A_84 : i32 to index
        %get3A_1208 = arith.index_cast %add3A_1158 : i32 to index
        %get3A_1209 = arith.constant 16 : index
        %get3A_1210 = tpu.vector_load %arg9[%get3A_1207, %get3A_1208, %get3A_1209] {strides = array<i32>} : memref<2x640x32xf32, #tpu.memory_space<vmem>>, vector<1x1x16xf32>,
        %get3A_1211 = vector.shape_cast %get3A_1210 : vector<1x1x16xf32> to vector<16xf32>
        %sub3A_1212 = arith.subf %mul3A_1206, %get3A_1211 : vector<16xf32>
        %swap3A_1213 = arith.index_cast %rem3A_84 : i32 to index
        %swap3A_1214 = arith.index_cast %add3A_1158 : i32 to index
        %swap3A_1215 = arith.constant 16 : index
        %swap3A_1216 = tpu.vector_load %arg9[%swap3A_1213, %swap3A_1214, %swap3A_1215] {strides = array<i32>} : memref<2x640x32xf32, #tpu.memory_space<vmem>>, vector<1x1x16xf32>,
        %swap3A_1217 = vector.shape_cast %swap3A_1216 : vector<1x1x16xf32> to vector<16xf32>
        %swap3A_1218 = vector.shape_cast %sub3A_1212 : vector<16xf32> to vector<1x1x16xf32>
        tpu.vector_store %arg9[%swap3A_1213, %swap3A_1214, %swap3A_1215], %swap3A_1218 {strides = array<i32>} : memref<2x640x32xf32, #tpu.memory_space<vmem>>, vector<1x1x16xf32>,
        %mul3A_1219 = arith.mulf %broadcast_in_dim3A_1161, %sub3A_1212 : vector<16xf32>
        %swap3A_1220 = arith.index_cast %add3A_1158 : i32 to index
        %swap3A_1221 = arith.constant 16 : index
        %swap3A_1222 = tpu.vector_load %arg11[%swap3A_1220, %swap3A_1221] {strides = array<i32>} : memref<640x32xf32, #tpu.memory_space<vmem>>, vector<1x16xf32>,
        %swap3A_1223 = vector.shape_cast %swap3A_1222 : vector<1x16xf32> to vector<16xf32>
        %swap3A_1224 = vector.shape_cast %mul3A_1219 : vector<16xf32> to vector<1x16xf32>
        tpu.vector_store %arg11[%swap3A_1220, %swap3A_1221], %swap3A_1224 {strides = array<i32>} : memref<640x32xf32, #tpu.memory_space<vmem>>, vector<1x16xf32>,
        %get3A_1225 = arith.index_cast %add3A_1158 : i32 to index
        %get3A_1226 = arith.constant 16 : index
        %get3A_1227 = tpu.vector_load %arg10[%get3A_1225, %get3A_1226] {strides = array<i32>} : memref<640x32xf32, #tpu.memory_space<vmem>>, vector<1x16xf32>,
        %get3A_1228 = vector.shape_cast %get3A_1227 : vector<1x16xf32> to vector<16xf32>
        %mul3A_1229 = arith.mulf %gather3A_82, %sub3A_1212 : vector<16xf32>
        %add3A_1230 = arith.addf %get3A_1228, %mul3A_1229 : vector<16xf32>
        %swap3A_1231 = arith.index_cast %add3A_1158 : i32 to index
        %swap3A_1232 = arith.constant 16 : index
        %swap3A_1233 = tpu.vector_load %arg10[%swap3A_1231, %swap3A_1232] {strides = array<i32>} : memref<640x32xf32, #tpu.memory_space<vmem>>, vector<1x16xf32>,
        %swap3A_1234 = vector.shape_cast %swap3A_1233 : vector<1x16xf32> to vector<16xf32>
        %swap3A_1235 = vector.shape_cast %add3A_1230 : vector<16xf32> to vector<1x16xf32>
        tpu.vector_store %arg10[%swap3A_1231, %swap3A_1232], %swap3A_1235 {strides = array<i32>} : memref<640x32xf32, #tpu.memory_space<vmem>>, vector<1x16xf32>,
        %mul3A_1236 = arith.constant 16 : i32
        %mul3A_1237 = arith.muli %scan3A_98, %mul3A_1236 : i32
        %add3A_1238 = arith.constant 14 : i32
        %add3A_1239 = arith.addi %mul3A_1237, %add3A_1238 : i32
        %slice3A_1240 = vector.extract_strided_slice %get3A_103 {offsets = [14], sizes = [1], strides = [1]} : vector<16xf32> to vector<1xf32>
        %squeeze3A_1241 = vector.extract %slice3A_1240[0] : f32 from vector<1xf32>
        %broadcast_in_dim3A_1242 = vector.broadcast %squeeze3A_1241 : f32 to vector<16xf32>
        %get3A_1243 = arith.index_cast %add3A_1239 : i32 to index
        %get3A_1244 = arith.constant 0 : index
        %get3A_1245 = tpu.vector_load %arg11[%get3A_1243, %get3A_1244] {strides = array<i32>} : memref<640x32xf32, #tpu.memory_space<vmem>>, vector<1x16xf32>,
        %get3A_1246 = vector.shape_cast %get3A_1245 : vector<1x16xf32> to vector<16xf32>
        %mul3A_1247 = arith.mulf %broadcast_in_dim3A_1242, %get3A_1246 : vector<16xf32>
        %mul3A_1248 = arith.constant -2.000000e+00 : f32
        %mul3A_1249 = vector.broadcast %mul3A_1248 : f32 to vector<16xf32>
        %mul3A_1250 = arith.mulf %mul3A_1249, %mul3A_1247 : vector<16xf32>
        %get3A_1251 = arith.index_cast %rem3A_84 : i32 to index
        %get3A_1252 = arith.index_cast %add3A_1239 : i32 to index
        %get3A_1253 = arith.constant 0 : index
        %get3A_1254 = tpu.vector_load %arg9[%get3A_1251, %get3A_1252, %get3A_1253] {strides = array<i32>} : memref<2x640x32xf32, #tpu.memory_space<vmem>>, vector<1x1x16xf32>,
        %get3A_1255 = vector.shape_cast %get3A_1254 : vector<1x1x16xf32> to vector<16xf32>
        %sub3A_1256 = arith.subf %mul3A_1250, %get3A_1255 : vector<16xf32>
        %swap3A_1257 = arith.index_cast %rem3A_84 : i32 to index
        %swap3A_1258 = arith.index_cast %add3A_1239 : i32 to index
        %swap3A_1259 = arith.constant 0 : index
        %swap3A_1260 = tpu.vector_load %arg9[%swap3A_1257, %swap3A_1258, %swap3A_1259] {strides = array<i32>} : memref<2x640x32xf32, #tpu.memory_space<vmem>>, vector<1x1x16xf32>,
        %swap3A_1261 = vector.shape_cast %swap3A_1260 : vector<1x1x16xf32> to vector<16xf32>
        %swap3A_1262 = vector.shape_cast %sub3A_1256 : vector<16xf32> to vector<1x1x16xf32>
        tpu.vector_store %arg9[%swap3A_1257, %swap3A_1258, %swap3A_1259], %swap3A_1262 {strides = array<i32>} : memref<2x640x32xf32, #tpu.memory_space<vmem>>, vector<1x1x16xf32>,
        %mul3A_1263 = arith.mulf %broadcast_in_dim3A_1242, %sub3A_1256 : vector<16xf32>
        %swap3A_1264 = arith.index_cast %add3A_1239 : i32 to index
        %swap3A_1265 = arith.constant 0 : index
        %swap3A_1266 = tpu.vector_load %arg11[%swap3A_1264, %swap3A_1265] {strides = array<i32>} : memref<640x32xf32, #tpu.memory_space<vmem>>, vector<1x16xf32>,
        %swap3A_1267 = vector.shape_cast %swap3A_1266 : vector<1x16xf32> to vector<16xf32>
        %swap3A_1268 = vector.shape_cast %mul3A_1263 : vector<16xf32> to vector<1x16xf32>
        tpu.vector_store %arg11[%swap3A_1264, %swap3A_1265], %swap3A_1268 {strides = array<i32>} : memref<640x32xf32, #tpu.memory_space<vmem>>, vector<1x16xf32>,
        %get3A_1269 = arith.index_cast %add3A_1239 : i32 to index
        %get3A_1270 = arith.constant 0 : index
        %get3A_1271 = tpu.vector_load %arg10[%get3A_1269, %get3A_1270] {strides = array<i32>} : memref<640x32xf32, #tpu.memory_space<vmem>>, vector<1x16xf32>,
        %get3A_1272 = vector.shape_cast %get3A_1271 : vector<1x16xf32> to vector<16xf32>
        %mul3A_1273 = arith.mulf %gather3A_82, %sub3A_1256 : vector<16xf32>
        %add3A_1274 = arith.addf %get3A_1272, %mul3A_1273 : vector<16xf32>
        %swap3A_1275 = arith.index_cast %add3A_1239 : i32 to index
        %swap3A_1276 = arith.constant 0 : index
        %swap3A_1277 = tpu.vector_load %arg10[%swap3A_1275, %swap3A_1276] {strides = array<i32>} : memref<640x32xf32, #tpu.memory_space<vmem>>, vector<1x16xf32>,
        %swap3A_1278 = vector.shape_cast %swap3A_1277 : vector<1x16xf32> to vector<16xf32>
        %swap3A_1279 = vector.shape_cast %add3A_1274 : vector<16xf32> to vector<1x16xf32>
        tpu.vector_store %arg10[%swap3A_1275, %swap3A_1276], %swap3A_1279 {strides = array<i32>} : memref<640x32xf32, #tpu.memory_space<vmem>>, vector<1x16xf32>,
        %get3A_1280 = arith.index_cast %add3A_1239 : i32 to index
        %get3A_1281 = arith.constant 16 : index
        %get3A_1282 = tpu.vector_load %arg11[%get3A_1280, %get3A_1281] {strides = array<i32>} : memref<640x32xf32, #tpu.memory_space<vmem>>, vector<1x16xf32>,
        %get3A_1283 = vector.shape_cast %get3A_1282 : vector<1x16xf32> to vector<16xf32>
        %mul3A_1284 = arith.mulf %broadcast_in_dim3A_1242, %get3A_1283 : vector<16xf32>
        %mul3A_1285 = arith.constant -2.000000e+00 : f32
        %mul3A_1286 = vector.broadcast %mul3A_1285 : f32 to vector<16xf32>
        %mul3A_1287 = arith.mulf %mul3A_1286, %mul3A_1284 : vector<16xf32>
        %get3A_1288 = arith.index_cast %rem3A_84 : i32 to index
        %get3A_1289 = arith.index_cast %add3A_1239 : i32 to index
        %get3A_1290 = arith.constant 16 : index
        %get3A_1291 = tpu.vector_load %arg9[%get3A_1288, %get3A_1289, %get3A_1290] {strides = array<i32>} : memref<2x640x32xf32, #tpu.memory_space<vmem>>, vector<1x1x16xf32>,
        %get3A_1292 = vector.shape_cast %get3A_1291 : vector<1x1x16xf32> to vector<16xf32>
        %sub3A_1293 = arith.subf %mul3A_1287, %get3A_1292 : vector<16xf32>
        %swap3A_1294 = arith.index_cast %rem3A_84 : i32 to index
        %swap3A_1295 = arith.index_cast %add3A_1239 : i32 to index
        %swap3A_1296 = arith.constant 16 : index
        %swap3A_1297 = tpu.vector_load %arg9[%swap3A_1294, %swap3A_1295, %swap3A_1296] {strides = array<i32>} : memref<2x640x32xf32, #tpu.memory_space<vmem>>, vector<1x1x16xf32>,
        %swap3A_1298 = vector.shape_cast %swap3A_1297 : vector<1x1x16xf32> to vector<16xf32>
        %swap3A_1299 = vector.shape_cast %sub3A_1293 : vector<16xf32> to vector<1x1x16xf32>
        tpu.vector_store %arg9[%swap3A_1294, %swap3A_1295, %swap3A_1296], %swap3A_1299 {strides = array<i32>} : memref<2x640x32xf32, #tpu.memory_space<vmem>>, vector<1x1x16xf32>,
        %mul3A_1300 = arith.mulf %broadcast_in_dim3A_1242, %sub3A_1293 : vector<16xf32>
        %swap3A_1301 = arith.index_cast %add3A_1239 : i32 to index
        %swap3A_1302 = arith.constant 16 : index
        %swap3A_1303 = tpu.vector_load %arg11[%swap3A_1301, %swap3A_1302] {strides = array<i32>} : memref<640x32xf32, #tpu.memory_space<vmem>>, vector<1x16xf32>,
        %swap3A_1304 = vector.shape_cast %swap3A_1303 : vector<1x16xf32> to vector<16xf32>
        %swap3A_1305 = vector.shape_cast %mul3A_1300 : vector<16xf32> to vector<1x16xf32>
        tpu.vector_store %arg11[%swap3A_1301, %swap3A_1302], %swap3A_1305 {strides = array<i32>} : memref<640x32xf32, #tpu.memory_space<vmem>>, vector<1x16xf32>,
        %get3A_1306 = arith.index_cast %add3A_1239 : i32 to index
        %get3A_1307 = arith.constant 16 : index
        %get3A_1308 = tpu.vector_load %arg10[%get3A_1306, %get3A_1307] {strides = array<i32>} : memref<640x32xf32, #tpu.memory_space<vmem>>, vector<1x16xf32>,
        %get3A_1309 = vector.shape_cast %get3A_1308 : vector<1x16xf32> to vector<16xf32>
        %mul3A_1310 = arith.mulf %gather3A_82, %sub3A_1293 : vector<16xf32>
        %add3A_1311 = arith.addf %get3A_1309, %mul3A_1310 : vector<16xf32>
        %swap3A_1312 = arith.index_cast %add3A_1239 : i32 to index
        %swap3A_1313 = arith.constant 16 : index
        %swap3A_1314 = tpu.vector_load %arg10[%swap3A_1312, %swap3A_1313] {strides = array<i32>} : memref<640x32xf32, #tpu.memory_space<vmem>>, vector<1x16xf32>,
        %swap3A_1315 = vector.shape_cast %swap3A_1314 : vector<1x16xf32> to vector<16xf32>
        %swap3A_1316 = vector.shape_cast %add3A_1311 : vector<16xf32> to vector<1x16xf32>
        tpu.vector_store %arg10[%swap3A_1312, %swap3A_1313], %swap3A_1316 {strides = array<i32>} : memref<640x32xf32, #tpu.memory_space<vmem>>, vector<1x16xf32>,
        %mul3A_1317 = arith.constant 16 : i32
        %mul3A_1318 = arith.muli %scan3A_98, %mul3A_1317 : i32
        %add3A_1319 = arith.constant 15 : i32
        %add3A_1320 = arith.addi %mul3A_1318, %add3A_1319 : i32
        %slice3A_1321 = vector.extract_strided_slice %get3A_103 {offsets = [15], sizes = [1], strides = [1]} : vector<16xf32> to vector<1xf32>
        %squeeze3A_1322 = vector.extract %slice3A_1321[0] : f32 from vector<1xf32>
        %broadcast_in_dim3A_1323 = vector.broadcast %squeeze3A_1322 : f32 to vector<16xf32>
        %get3A_1324 = arith.index_cast %add3A_1320 : i32 to index
        %get3A_1325 = arith.constant 0 : index
        %get3A_1326 = tpu.vector_load %arg11[%get3A_1324, %get3A_1325] {strides = array<i32>} : memref<640x32xf32, #tpu.memory_space<vmem>>, vector<1x16xf32>,
        %get3A_1327 = vector.shape_cast %get3A_1326 : vector<1x16xf32> to vector<16xf32>
        %mul3A_1328 = arith.mulf %broadcast_in_dim3A_1323, %get3A_1327 : vector<16xf32>
        %mul3A_1329 = arith.constant -2.000000e+00 : f32
        %mul3A_1330 = vector.broadcast %mul3A_1329 : f32 to vector<16xf32>
        %mul3A_1331 = arith.mulf %mul3A_1330, %mul3A_1328 : vector<16xf32>
        %get3A_1332 = arith.index_cast %rem3A_84 : i32 to index
        %get3A_1333 = arith.index_cast %add3A_1320 : i32 to index
        %get3A_1334 = arith.constant 0 : index
        %get3A_1335 = tpu.vector_load %arg9[%get3A_1332, %get3A_1333, %get3A_1334] {strides = array<i32>} : memref<2x640x32xf32, #tpu.memory_space<vmem>>, vector<1x1x16xf32>,
        %get3A_1336 = vector.shape_cast %get3A_1335 : vector<1x1x16xf32> to vector<16xf32>
        %sub3A_1337 = arith.subf %mul3A_1331, %get3A_1336 : vector<16xf32>
        %swap3A_1338 = arith.index_cast %rem3A_84 : i32 to index
        %swap3A_1339 = arith.index_cast %add3A_1320 : i32 to index
        %swap3A_1340 = arith.constant 0 : index
        %swap3A_1341 = tpu.vector_load %arg9[%swap3A_1338, %swap3A_1339, %swap3A_1340] {strides = array<i32>} : memref<2x640x32xf32, #tpu.memory_space<vmem>>, vector<1x1x16xf32>,
        %swap3A_1342 = vector.shape_cast %swap3A_1341 : vector<1x1x16xf32> to vector<16xf32>
        %swap3A_1343 = vector.shape_cast %sub3A_1337 : vector<16xf32> to vector<1x1x16xf32>
        tpu.vector_store %arg9[%swap3A_1338, %swap3A_1339, %swap3A_1340], %swap3A_1343 {strides = array<i32>} : memref<2x640x32xf32, #tpu.memory_space<vmem>>, vector<1x1x16xf32>,
        %mul3A_1344 = arith.mulf %broadcast_in_dim3A_1323, %sub3A_1337 : vector<16xf32>
        %swap3A_1345 = arith.index_cast %add3A_1320 : i32 to index
        %swap3A_1346 = arith.constant 0 : index
        %swap3A_1347 = tpu.vector_load %arg11[%swap3A_1345, %swap3A_1346] {strides = array<i32>} : memref<640x32xf32, #tpu.memory_space<vmem>>, vector<1x16xf32>,
        %swap3A_1348 = vector.shape_cast %swap3A_1347 : vector<1x16xf32> to vector<16xf32>
        %swap3A_1349 = vector.shape_cast %mul3A_1344 : vector<16xf32> to vector<1x16xf32>
        tpu.vector_store %arg11[%swap3A_1345, %swap3A_1346], %swap3A_1349 {strides = array<i32>} : memref<640x32xf32, #tpu.memory_space<vmem>>, vector<1x16xf32>,
        %get3A_1350 = arith.index_cast %add3A_1320 : i32 to index
        %get3A_1351 = arith.constant 0 : index
        %get3A_1352 = tpu.vector_load %arg10[%get3A_1350, %get3A_1351] {strides = array<i32>} : memref<640x32xf32, #tpu.memory_space<vmem>>, vector<1x16xf32>,
        %get3A_1353 = vector.shape_cast %get3A_1352 : vector<1x16xf32> to vector<16xf32>
        %mul3A_1354 = arith.mulf %gather3A_82, %sub3A_1337 : vector<16xf32>
        %add3A_1355 = arith.addf %get3A_1353, %mul3A_1354 : vector<16xf32>
        %swap3A_1356 = arith.index_cast %add3A_1320 : i32 to index
        %swap3A_1357 = arith.constant 0 : index
        %swap3A_1358 = tpu.vector_load %arg10[%swap3A_1356, %swap3A_1357] {strides = array<i32>} : memref<640x32xf32, #tpu.memory_space<vmem>>, vector<1x16xf32>,
        %swap3A_1359 = vector.shape_cast %swap3A_1358 : vector<1x16xf32> to vector<16xf32>
        %swap3A_1360 = vector.shape_cast %add3A_1355 : vector<16xf32> to vector<1x16xf32>
        tpu.vector_store %arg10[%swap3A_1356, %swap3A_1357], %swap3A_1360 {strides = array<i32>} : memref<640x32xf32, #tpu.memory_space<vmem>>, vector<1x16xf32>,
        %get3A_1361 = arith.index_cast %add3A_1320 : i32 to index
        %get3A_1362 = arith.constant 16 : index
        %get3A_1363 = tpu.vector_load %arg11[%get3A_1361, %get3A_1362] {strides = array<i32>} : memref<640x32xf32, #tpu.memory_space<vmem>>, vector<1x16xf32>,
        %get3A_1364 = vector.shape_cast %get3A_1363 : vector<1x16xf32> to vector<16xf32>
        %mul3A_1365 = arith.mulf %broadcast_in_dim3A_1323, %get3A_1364 : vector<16xf32>
        %mul3A_1366 = arith.constant -2.000000e+00 : f32
        %mul3A_1367 = vector.broadcast %mul3A_1366 : f32 to vector<16xf32>
        %mul3A_1368 = arith.mulf %mul3A_1367, %mul3A_1365 : vector<16xf32>
        %get3A_1369 = arith.index_cast %rem3A_84 : i32 to index
        %get3A_1370 = arith.index_cast %add3A_1320 : i32 to index
        %get3A_1371 = arith.constant 16 : index
        %get3A_1372 = tpu.vector_load %arg9[%get3A_1369, %get3A_1370, %get3A_1371] {strides = array<i32>} : memref<2x640x32xf32, #tpu.memory_space<vmem>>, vector<1x1x16xf32>,
        %get3A_1373 = vector.shape_cast %get3A_1372 : vector<1x1x16xf32> to vector<16xf32>
        %sub3A_1374 = arith.subf %mul3A_1368, %get3A_1373 : vector<16xf32>
        %swap3A_1375 = arith.index_cast %rem3A_84 : i32 to index
        %swap3A_1376 = arith.index_cast %add3A_1320 : i32 to index
        %swap3A_1377 = arith.constant 16 : index
        %swap3A_1378 = tpu.vector_load %arg9[%swap3A_1375, %swap3A_1376, %swap3A_1377] {strides = array<i32>} : memref<2x640x32xf32, #tpu.memory_space<vmem>>, vector<1x1x16xf32>,
        %swap3A_1379 = vector.shape_cast %swap3A_1378 : vector<1x1x16xf32> to vector<16xf32>
        %swap3A_1380 = vector.shape_cast %sub3A_1374 : vector<16xf32> to vector<1x1x16xf32>
        tpu.vector_store %arg9[%swap3A_1375, %swap3A_1376, %swap3A_1377], %swap3A_1380 {strides = array<i32>} : memref<2x640x32xf32, #tpu.memory_space<vmem>>, vector<1x1x16xf32>,
        %mul3A_1381 = arith.mulf %broadcast_in_dim3A_1323, %sub3A_1374 : vector<16xf32>
        %swap3A_1382 = arith.index_cast %add3A_1320 : i32 to index
        %swap3A_1383 = arith.constant 16 : index
        %swap3A_1384 = tpu.vector_load %arg11[%swap3A_1382, %swap3A_1383] {strides = array<i32>} : memref<640x32xf32, #tpu.memory_space<vmem>>, vector<1x16xf32>,
        %swap3A_1385 = vector.shape_cast %swap3A_1384 : vector<1x16xf32> to vector<16xf32>
        %swap3A_1386 = vector.shape_cast %mul3A_1381 : vector<16xf32> to vector<1x16xf32>
        tpu.vector_store %arg11[%swap3A_1382, %swap3A_1383], %swap3A_1386 {strides = array<i32>} : memref<640x32xf32, #tpu.memory_space<vmem>>, vector<1x16xf32>,
        %get3A_1387 = arith.index_cast %add3A_1320 : i32 to index
        %get3A_1388 = arith.constant 16 : index
        %get3A_1389 = tpu.vector_load %arg10[%get3A_1387, %get3A_1388] {strides = array<i32>} : memref<640x32xf32, #tpu.memory_space<vmem>>, vector<1x16xf32>,
        %get3A_1390 = vector.shape_cast %get3A_1389 : vector<1x16xf32> to vector<16xf32>
        %mul3A_1391 = arith.mulf %gather3A_82, %sub3A_1374 : vector<16xf32>
        %add3A_1392 = arith.addf %get3A_1390, %mul3A_1391 : vector<16xf32>
        %swap3A_1393 = arith.index_cast %add3A_1320 : i32 to index
        %swap3A_1394 = arith.constant 16 : index
        %swap3A_1395 = tpu.vector_load %arg10[%swap3A_1393, %swap3A_1394] {strides = array<i32>} : memref<640x32xf32, #tpu.memory_space<vmem>>, vector<1x16xf32>,
        %swap3A_1396 = vector.shape_cast %swap3A_1395 : vector<1x16xf32> to vector<16xf32>
        %swap3A_1397 = vector.shape_cast %add3A_1392 : vector<16xf32> to vector<1x16xf32>
        tpu.vector_store %arg10[%swap3A_1393, %swap3A_1394], %swap3A_1397 {strides = array<i32>} : memref<640x32xf32, #tpu.memory_space<vmem>>, vector<1x16xf32>,
      }
      %scan3A_89 = arith.constant 40 : i32
      "tpu.region"() ({
        %run_scoped3A_98 = tpu.sem_alloc : memref<!tpu.dma_semaphore, #tpu.memory_space<semaphore_mem>>
        %dma_start3A = arith.constant 0 : i32
        %dma_start3A_99 = tpu.memref_slice %arg8[%mul3A_2, %dma_start3A] : memref<20480x32xf32, #tpu.memory_space<vmem_shared>> -> memref<640x32xf32, #tpu.memory_space<vmem_shared>>
        %dma_start3A_100 = arith.constant 0 : i32
        %dma_start3A_101 = tpu.memref_slice %arg8[%mul3A_2, %dma_start3A_100] : memref<20480x32xf32, #tpu.memory_space<vmem_shared>> -> memref<640x32xf32, #tpu.memory_space<vmem_shared>>
        tpu.enqueue_dma source(%arg11 : memref<640x32xf32, #tpu.memory_space<vmem>>) target(%dma_start3A_101 : memref<640x32xf32, #tpu.memory_space<vmem_shared>>) target_semaphore(%run_scoped3A_98 : memref<!tpu.dma_semaphore, #tpu.memory_space<semaphore_mem>>)
        %dma_wait3A = arith.constant 0 : i32
        %dma_wait3A_102 = tpu.memref_slice %arg8[%mul3A_2, %dma_wait3A] : memref<20480x32xf32, #tpu.memory_space<vmem_shared>> -> memref<640x32xf32, #tpu.memory_space<vmem_shared>>
        %dma_wait3A_103 = arith.constant 0 : i32
        %dma_wait3A_104 = tpu.memref_slice %arg8[%mul3A_2, %dma_wait3A_103] : memref<20480x32xf32, #tpu.memory_space<vmem_shared>> -> memref<640x32xf32, #tpu.memory_space<vmem_shared>>
        tpu.wait_dma2 semaphore(%run_scoped3A_98 : memref<!tpu.dma_semaphore, #tpu.memory_space<semaphore_mem>>) src(%arg11 : memref<640x32xf32, #tpu.memory_space<vmem>>) dst(%dma_wait3A_104 : memref<640x32xf32, #tpu.memory_space<vmem_shared>>)
        tpu.yield
      }) : () -> ()
      %scan3A_90 = arith.constant 0 : i32
      %scan3A_91 = arith.constant 640 : i32
      %scan3A_92 = arith.addi %scan3A_90, %scan3A_91 : i32
      %scan3A_93 = arith.constant 1 : i32
      scf.for %scan3A_98 = %scan3A_90 to %scan3A_92 step %scan3A_93  : i32 {
        %broadcast_in_dim3A_99 = arith.constant 0.000000e+00 : f32
        %broadcast_in_dim3A_100 = vector.broadcast %broadcast_in_dim3A_99 : f32 to vector<16xf32>
        %swap3A = arith.index_cast %scan3A_98 : i32 to index
        %swap3A_101 = arith.constant 0 : index
        %swap3A_102 = tpu.vector_load %arg11[%swap3A, %swap3A_101] {strides = array<i32>} : memref<640x32xf32, #tpu.memory_space<vmem>>, vector<1x16xf32>,
        %swap3A_103 = vector.shape_cast %swap3A_102 : vector<1x16xf32> to vector<16xf32>
        %swap3A_104 = vector.shape_cast %broadcast_in_dim3A_100 : vector<16xf32> to vector<1x16xf32>
        tpu.vector_store %arg11[%swap3A, %swap3A_101], %swap3A_104 {strides = array<i32>} : memref<640x32xf32, #tpu.memory_space<vmem>>, vector<1x16xf32>,
        %broadcast_in_dim3A_105 = arith.constant 0.000000e+00 : f32
        %broadcast_in_dim3A_106 = vector.broadcast %broadcast_in_dim3A_105 : f32 to vector<16xf32>
        %swap3A_107 = arith.index_cast %scan3A_98 : i32 to index
        %swap3A_108 = arith.constant 16 : index
        %swap3A_109 = tpu.vector_load %arg11[%swap3A_107, %swap3A_108] {strides = array<i32>} : memref<640x32xf32, #tpu.memory_space<vmem>>, vector<1x16xf32>,
        %swap3A_110 = vector.shape_cast %swap3A_109 : vector<1x16xf32> to vector<16xf32>
        %swap3A_111 = vector.shape_cast %broadcast_in_dim3A_106 : vector<16xf32> to vector<1x16xf32>
        tpu.vector_store %arg11[%swap3A_107, %swap3A_108], %swap3A_111 {strides = array<i32>} : memref<640x32xf32, #tpu.memory_space<vmem>>, vector<1x16xf32>,
      }
      %scan3A_94 = arith.constant 640 : i32
      %add3A_95 = arith.constant 10240 : i32
      %add3A_96 = arith.addi %add3A_95, %mul3A_2 : i32
      "tpu.region"() ({
        %run_scoped3A_98 = tpu.sem_alloc : memref<!tpu.dma_semaphore, #tpu.memory_space<semaphore_mem>>
        %dma_start3A = arith.constant 0 : i32
        %dma_start3A_99 = tpu.memref_slice %arg8[%add3A_96, %dma_start3A] : memref<20480x32xf32, #tpu.memory_space<vmem_shared>> -> memref<640x32xf32, #tpu.memory_space<vmem_shared>>
        %dma_start3A_100 = arith.constant 0 : i32
        %dma_start3A_101 = tpu.memref_slice %arg8[%add3A_96, %dma_start3A_100] : memref<20480x32xf32, #tpu.memory_space<vmem_shared>> -> memref<640x32xf32, #tpu.memory_space<vmem_shared>>
        tpu.enqueue_dma source(%arg11 : memref<640x32xf32, #tpu.memory_space<vmem>>) target(%dma_start3A_101 : memref<640x32xf32, #tpu.memory_space<vmem_shared>>) target_semaphore(%run_scoped3A_98 : memref<!tpu.dma_semaphore, #tpu.memory_space<semaphore_mem>>)
        %dma_wait3A = arith.constant 0 : i32
        %dma_wait3A_102 = tpu.memref_slice %arg8[%add3A_96, %dma_wait3A] : memref<20480x32xf32, #tpu.memory_space<vmem_shared>> -> memref<640x32xf32, #tpu.memory_space<vmem_shared>>
        %dma_wait3A_103 = arith.constant 0 : i32
        %dma_wait3A_104 = tpu.memref_slice %arg8[%add3A_96, %dma_wait3A_103] : memref<20480x32xf32, #tpu.memory_space<vmem_shared>> -> memref<640x32xf32, #tpu.memory_space<vmem_shared>>
        tpu.wait_dma2 semaphore(%run_scoped3A_98 : memref<!tpu.dma_semaphore, #tpu.memory_space<semaphore_mem>>) src(%arg11 : memref<640x32xf32, #tpu.memory_space<vmem>>) dst(%dma_wait3A_104 : memref<640x32xf32, #tpu.memory_space<vmem_shared>>)
        tpu.yield
      }) : () -> ()
      %barrier3A_97 = arith.constant 0 : index
      tpu.barrier barrier_id(%barrier3A_97)
    }
    %scan3A_61 = arith.constant 9 : i32
    %add3A_62 = arith.addi %mul3A_0, %mul3A_2 : i32
    "tpu.region"() ({
      %run_scoped3A_63 = tpu.sem_alloc : memref<!tpu.dma_semaphore, #tpu.memory_space<semaphore_mem>>
      %dma_start3A = arith.constant 0 : i32
      %dma_start3A_64 = tpu.memref_slice %arg7[%add3A_62, %dma_start3A] : memref<20480x32xf32, #tpu.memory_space<hbm>> -> memref<640x32xf32, #tpu.memory_space<hbm>>
      %dma_start3A_65 = arith.constant 0 : i32
      %dma_start3A_66 = tpu.memref_slice %arg7[%add3A_62, %dma_start3A_65] : memref<20480x32xf32, #tpu.memory_space<hbm>> -> memref<640x32xf32, #tpu.memory_space<hbm>>
      tpu.enqueue_dma source(%arg10 : memref<640x32xf32, #tpu.memory_space<vmem>>) target(%dma_start3A_66 : memref<640x32xf32, #tpu.memory_space<hbm>>) target_semaphore(%run_scoped3A_63 : memref<!tpu.dma_semaphore, #tpu.memory_space<semaphore_mem>>)
      %dma_wait3A = arith.constant 0 : i32
      %dma_wait3A_67 = tpu.memref_slice %arg7[%add3A_62, %dma_wait3A] : memref<20480x32xf32, #tpu.memory_space<hbm>> -> memref<640x32xf32, #tpu.memory_space<hbm>>
      %dma_wait3A_68 = arith.constant 0 : i32
      %dma_wait3A_69 = tpu.memref_slice %arg7[%add3A_62, %dma_wait3A_68] : memref<20480x32xf32, #tpu.memory_space<hbm>> -> memref<640x32xf32, #tpu.memory_space<hbm>>
      tpu.wait_dma2 semaphore(%run_scoped3A_63 : memref<!tpu.dma_semaphore, #tpu.memory_space<semaphore_mem>>) src(%arg10 : memref<640x32xf32, #tpu.memory_space<vmem>>) dst(%dma_wait3A_69 : memref<640x32xf32, #tpu.memory_space<hbm>>)
      tpu.yield
    }) : () -> ()
    return
  }
}

#map = affine_map<(d0, d1) -> (0)>
module attributes {stable_mosaic.version = 14 : i64} {
  func.func @_sc1_body(%arg0: i32, %arg1: i32, %arg2: memref<320000xi32, #tpu.memory_space<hbm>>, %arg3: memref<320000xi32, #tpu.memory_space<hbm>>, %arg4: memref<20480xf32, #tpu.memory_space<hbm>>, %arg5: memref<320000xi32, #tpu.memory_space<hbm>>, %arg6: memref<320000xi32, #tpu.memory_space<hbm>>, %arg7: memref<10240xf32, #tpu.memory_space<vmem_shared>>, %arg8: memref<80xi32, #tpu.memory_space<vmem>>, %arg9: memref<80xi32, #tpu.memory_space<vmem>>, %arg10: memref<80xf32, #tpu.memory_space<vmem>>, %arg11: memref<80xi32, #tpu.memory_space<vmem>>, %arg12: memref<80xi32, #tpu.memory_space<vmem>>, %arg13: memref<640xf32, #tpu.memory_space<vmem>>, %arg14: memref<640xf32, #tpu.memory_space<vmem>>) attributes {dimension_semantics = [#tpu.dimension_semantics<core_parallel>, #tpu.dimension_semantics<subcore_parallel>], iteration_bounds = array<i64: 2, 16>, scalar_prefetch = 0 : i64, scratch_operands = 8 : i64, tpu.core_type = #tpu.core_type<sc_vector_subcore>, window_params = [{transform_indices = #map}, {transform_indices = #map}, {transform_indices = #map}, {transform_indices = #map}, {transform_indices = #map}]} {
    %mul3A = arith.constant 640 : i32
    %mul3A_0 = arith.muli %arg1, %mul3A : i32
    %broadcast_in_dim3A = arith.constant 0.000000e+00 : f32
    %broadcast_in_dim3A_1 = vector.broadcast %broadcast_in_dim3A : f32 to vector<16xf32>
    %swap3A = arith.constant 0 : index
    %swap3A_2 = tpu.vector_load %arg13[%swap3A] {strides = array<i32>} : memref<640xf32, #tpu.memory_space<vmem>>, vector<16xf32>,
    %swap3A_3 = vector.shape_cast %swap3A_2 : vector<16xf32> to vector<16xf32>
    %swap3A_4 = vector.shape_cast %broadcast_in_dim3A_1 : vector<16xf32> to vector<16xf32>
    tpu.vector_store %arg13[%swap3A], %swap3A_4 {strides = array<i32>} : memref<640xf32, #tpu.memory_space<vmem>>, vector<16xf32>,
    %broadcast_in_dim3A_5 = arith.constant 0.000000e+00 : f32
    %broadcast_in_dim3A_6 = vector.broadcast %broadcast_in_dim3A_5 : f32 to vector<16xf32>
    %swap3A_7 = arith.constant 16 : index
    %swap3A_8 = tpu.vector_load %arg13[%swap3A_7] {strides = array<i32>} : memref<640xf32, #tpu.memory_space<vmem>>, vector<16xf32>,
    %swap3A_9 = vector.shape_cast %swap3A_8 : vector<16xf32> to vector<16xf32>
    %swap3A_10 = vector.shape_cast %broadcast_in_dim3A_6 : vector<16xf32> to vector<16xf32>
    tpu.vector_store %arg13[%swap3A_7], %swap3A_10 {strides = array<i32>} : memref<640xf32, #tpu.memory_space<vmem>>, vector<16xf32>,
    %broadcast_in_dim3A_11 = arith.constant 0.000000e+00 : f32
    %broadcast_in_dim3A_12 = vector.broadcast %broadcast_in_dim3A_11 : f32 to vector<16xf32>
    %swap3A_13 = arith.constant 32 : index
    %swap3A_14 = tpu.vector_load %arg13[%swap3A_13] {strides = array<i32>} : memref<640xf32, #tpu.memory_space<vmem>>, vector<16xf32>,
    %swap3A_15 = vector.shape_cast %swap3A_14 : vector<16xf32> to vector<16xf32>
    %swap3A_16 = vector.shape_cast %broadcast_in_dim3A_12 : vector<16xf32> to vector<16xf32>
    tpu.vector_store %arg13[%swap3A_13], %swap3A_16 {strides = array<i32>} : memref<640xf32, #tpu.memory_space<vmem>>, vector<16xf32>,
    %broadcast_in_dim3A_17 = arith.constant 0.000000e+00 : f32
    %broadcast_in_dim3A_18 = vector.broadcast %broadcast_in_dim3A_17 : f32 to vector<16xf32>
    %swap3A_19 = arith.constant 48 : index
    %swap3A_20 = tpu.vector_load %arg13[%swap3A_19] {strides = array<i32>} : memref<640xf32, #tpu.memory_space<vmem>>, vector<16xf32>,
    %swap3A_21 = vector.shape_cast %swap3A_20 : vector<16xf32> to vector<16xf32>
    %swap3A_22 = vector.shape_cast %broadcast_in_dim3A_18 : vector<16xf32> to vector<16xf32>
    tpu.vector_store %arg13[%swap3A_19], %swap3A_22 {strides = array<i32>} : memref<640xf32, #tpu.memory_space<vmem>>, vector<16xf32>,
    %broadcast_in_dim3A_23 = arith.constant 0.000000e+00 : f32
    %broadcast_in_dim3A_24 = vector.broadcast %broadcast_in_dim3A_23 : f32 to vector<16xf32>
    %swap3A_25 = arith.constant 64 : index
    %swap3A_26 = tpu.vector_load %arg13[%swap3A_25] {strides = array<i32>} : memref<640xf32, #tpu.memory_space<vmem>>, vector<16xf32>,
    %swap3A_27 = vector.shape_cast %swap3A_26 : vector<16xf32> to vector<16xf32>
    %swap3A_28 = vector.shape_cast %broadcast_in_dim3A_24 : vector<16xf32> to vector<16xf32>
    tpu.vector_store %arg13[%swap3A_25], %swap3A_28 {strides = array<i32>} : memref<640xf32, #tpu.memory_space<vmem>>, vector<16xf32>,
    %broadcast_in_dim3A_29 = arith.constant 0.000000e+00 : f32
    %broadcast_in_dim3A_30 = vector.broadcast %broadcast_in_dim3A_29 : f32 to vector<16xf32>
    %swap3A_31 = arith.constant 80 : index
    %swap3A_32 = tpu.vector_load %arg13[%swap3A_31] {strides = array<i32>} : memref<640xf32, #tpu.memory_space<vmem>>, vector<16xf32>,
    %swap3A_33 = vector.shape_cast %swap3A_32 : vector<16xf32> to vector<16xf32>
    %swap3A_34 = vector.shape_cast %broadcast_in_dim3A_30 : vector<16xf32> to vector<16xf32>
    tpu.vector_store %arg13[%swap3A_31], %swap3A_34 {strides = array<i32>} : memref<640xf32, #tpu.memory_space<vmem>>, vector<16xf32>,
    %broadcast_in_dim3A_35 = arith.constant 0.000000e+00 : f32
    %broadcast_in_dim3A_36 = vector.broadcast %broadcast_in_dim3A_35 : f32 to vector<16xf32>
    %swap3A_37 = arith.constant 96 : index
    %swap3A_38 = tpu.vector_load %arg13[%swap3A_37] {strides = array<i32>} : memref<640xf32, #tpu.memory_space<vmem>>, vector<16xf32>,
    %swap3A_39 = vector.shape_cast %swap3A_38 : vector<16xf32> to vector<16xf32>
    %swap3A_40 = vector.shape_cast %broadcast_in_dim3A_36 : vector<16xf32> to vector<16xf32>
    tpu.vector_store %arg13[%swap3A_37], %swap3A_40 {strides = array<i32>} : memref<640xf32, #tpu.memory_space<vmem>>, vector<16xf32>,
    %broadcast_in_dim3A_41 = arith.constant 0.000000e+00 : f32
    %broadcast_in_dim3A_42 = vector.broadcast %broadcast_in_dim3A_41 : f32 to vector<16xf32>
    %swap3A_43 = arith.constant 112 : index
    %swap3A_44 = tpu.vector_load %arg13[%swap3A_43] {strides = array<i32>} : memref<640xf32, #tpu.memory_space<vmem>>, vector<16xf32>,
    %swap3A_45 = vector.shape_cast %swap3A_44 : vector<16xf32> to vector<16xf32>
    %swap3A_46 = vector.shape_cast %broadcast_in_dim3A_42 : vector<16xf32> to vector<16xf32>
    tpu.vector_store %arg13[%swap3A_43], %swap3A_46 {strides = array<i32>} : memref<640xf32, #tpu.memory_space<vmem>>, vector<16xf32>,
    %broadcast_in_dim3A_47 = arith.constant 0.000000e+00 : f32
    %broadcast_in_dim3A_48 = vector.broadcast %broadcast_in_dim3A_47 : f32 to vector<16xf32>
    %swap3A_49 = arith.constant 128 : index
    %swap3A_50 = tpu.vector_load %arg13[%swap3A_49] {strides = array<i32>} : memref<640xf32, #tpu.memory_space<vmem>>, vector<16xf32>,
    %swap3A_51 = vector.shape_cast %swap3A_50 : vector<16xf32> to vector<16xf32>
    %swap3A_52 = vector.shape_cast %broadcast_in_dim3A_48 : vector<16xf32> to vector<16xf32>
    tpu.vector_store %arg13[%swap3A_49], %swap3A_52 {strides = array<i32>} : memref<640xf32, #tpu.memory_space<vmem>>, vector<16xf32>,
    %broadcast_in_dim3A_53 = arith.constant 0.000000e+00 : f32
    %broadcast_in_dim3A_54 = vector.broadcast %broadcast_in_dim3A_53 : f32 to vector<16xf32>
    %swap3A_55 = arith.constant 144 : index
    %swap3A_56 = tpu.vector_load %arg13[%swap3A_55] {strides = array<i32>} : memref<640xf32, #tpu.memory_space<vmem>>, vector<16xf32>,
    %swap3A_57 = vector.shape_cast %swap3A_56 : vector<16xf32> to vector<16xf32>
    %swap3A_58 = vector.shape_cast %broadcast_in_dim3A_54 : vector<16xf32> to vector<16xf32>
    tpu.vector_store %arg13[%swap3A_55], %swap3A_58 {strides = array<i32>} : memref<640xf32, #tpu.memory_space<vmem>>, vector<16xf32>,
    %broadcast_in_dim3A_59 = arith.constant 0.000000e+00 : f32
    %broadcast_in_dim3A_60 = vector.broadcast %broadcast_in_dim3A_59 : f32 to vector<16xf32>
    %swap3A_61 = arith.constant 160 : index
    %swap3A_62 = tpu.vector_load %arg13[%swap3A_61] {strides = array<i32>} : memref<640xf32, #tpu.memory_space<vmem>>, vector<16xf32>,
    %swap3A_63 = vector.shape_cast %swap3A_62 : vector<16xf32> to vector<16xf32>
    %swap3A_64 = vector.shape_cast %broadcast_in_dim3A_60 : vector<16xf32> to vector<16xf32>
    tpu.vector_store %arg13[%swap3A_61], %swap3A_64 {strides = array<i32>} : memref<640xf32, #tpu.memory_space<vmem>>, vector<16xf32>,
    %broadcast_in_dim3A_65 = arith.constant 0.000000e+00 : f32
    %broadcast_in_dim3A_66 = vector.broadcast %broadcast_in_dim3A_65 : f32 to vector<16xf32>
    %swap3A_67 = arith.constant 176 : index
    %swap3A_68 = tpu.vector_load %arg13[%swap3A_67] {strides = array<i32>} : memref<640xf32, #tpu.memory_space<vmem>>, vector<16xf32>,
    %swap3A_69 = vector.shape_cast %swap3A_68 : vector<16xf32> to vector<16xf32>
    %swap3A_70 = vector.shape_cast %broadcast_in_dim3A_66 : vector<16xf32> to vector<16xf32>
    tpu.vector_store %arg13[%swap3A_67], %swap3A_70 {strides = array<i32>} : memref<640xf32, #tpu.memory_space<vmem>>, vector<16xf32>,
    %broadcast_in_dim3A_71 = arith.constant 0.000000e+00 : f32
    %broadcast_in_dim3A_72 = vector.broadcast %broadcast_in_dim3A_71 : f32 to vector<16xf32>
    %swap3A_73 = arith.constant 192 : index
    %swap3A_74 = tpu.vector_load %arg13[%swap3A_73] {strides = array<i32>} : memref<640xf32, #tpu.memory_space<vmem>>, vector<16xf32>,
    %swap3A_75 = vector.shape_cast %swap3A_74 : vector<16xf32> to vector<16xf32>
    %swap3A_76 = vector.shape_cast %broadcast_in_dim3A_72 : vector<16xf32> to vector<16xf32>
    tpu.vector_store %arg13[%swap3A_73], %swap3A_76 {strides = array<i32>} : memref<640xf32, #tpu.memory_space<vmem>>, vector<16xf32>,
    %broadcast_in_dim3A_77 = arith.constant 0.000000e+00 : f32
    %broadcast_in_dim3A_78 = vector.broadcast %broadcast_in_dim3A_77 : f32 to vector<16xf32>
    %swap3A_79 = arith.constant 208 : index
    %swap3A_80 = tpu.vector_load %arg13[%swap3A_79] {strides = array<i32>} : memref<640xf32, #tpu.memory_space<vmem>>, vector<16xf32>,
    %swap3A_81 = vector.shape_cast %swap3A_80 : vector<16xf32> to vector<16xf32>
    %swap3A_82 = vector.shape_cast %broadcast_in_dim3A_78 : vector<16xf32> to vector<16xf32>
    tpu.vector_store %arg13[%swap3A_79], %swap3A_82 {strides = array<i32>} : memref<640xf32, #tpu.memory_space<vmem>>, vector<16xf32>,
    %broadcast_in_dim3A_83 = arith.constant 0.000000e+00 : f32
    %broadcast_in_dim3A_84 = vector.broadcast %broadcast_in_dim3A_83 : f32 to vector<16xf32>
    %swap3A_85 = arith.constant 224 : index
    %swap3A_86 = tpu.vector_load %arg13[%swap3A_85] {strides = array<i32>} : memref<640xf32, #tpu.memory_space<vmem>>, vector<16xf32>,
    %swap3A_87 = vector.shape_cast %swap3A_86 : vector<16xf32> to vector<16xf32>
    %swap3A_88 = vector.shape_cast %broadcast_in_dim3A_84 : vector<16xf32> to vector<16xf32>
    tpu.vector_store %arg13[%swap3A_85], %swap3A_88 {strides = array<i32>} : memref<640xf32, #tpu.memory_space<vmem>>, vector<16xf32>,
    %broadcast_in_dim3A_89 = arith.constant 0.000000e+00 : f32
    %broadcast_in_dim3A_90 = vector.broadcast %broadcast_in_dim3A_89 : f32 to vector<16xf32>
    %swap3A_91 = arith.constant 240 : index
    %swap3A_92 = tpu.vector_load %arg13[%swap3A_91] {strides = array<i32>} : memref<640xf32, #tpu.memory_space<vmem>>, vector<16xf32>,
    %swap3A_93 = vector.shape_cast %swap3A_92 : vector<16xf32> to vector<16xf32>
    %swap3A_94 = vector.shape_cast %broadcast_in_dim3A_90 : vector<16xf32> to vector<16xf32>
    tpu.vector_store %arg13[%swap3A_91], %swap3A_94 {strides = array<i32>} : memref<640xf32, #tpu.memory_space<vmem>>, vector<16xf32>,
    %broadcast_in_dim3A_95 = arith.constant 0.000000e+00 : f32
    %broadcast_in_dim3A_96 = vector.broadcast %broadcast_in_dim3A_95 : f32 to vector<16xf32>
    %swap3A_97 = arith.constant 256 : index
    %swap3A_98 = tpu.vector_load %arg13[%swap3A_97] {strides = array<i32>} : memref<640xf32, #tpu.memory_space<vmem>>, vector<16xf32>,
    %swap3A_99 = vector.shape_cast %swap3A_98 : vector<16xf32> to vector<16xf32>
    %swap3A_100 = vector.shape_cast %broadcast_in_dim3A_96 : vector<16xf32> to vector<16xf32>
    tpu.vector_store %arg13[%swap3A_97], %swap3A_100 {strides = array<i32>} : memref<640xf32, #tpu.memory_space<vmem>>, vector<16xf32>,
    %broadcast_in_dim3A_101 = arith.constant 0.000000e+00 : f32
    %broadcast_in_dim3A_102 = vector.broadcast %broadcast_in_dim3A_101 : f32 to vector<16xf32>
    %swap3A_103 = arith.constant 272 : index
    %swap3A_104 = tpu.vector_load %arg13[%swap3A_103] {strides = array<i32>} : memref<640xf32, #tpu.memory_space<vmem>>, vector<16xf32>,
    %swap3A_105 = vector.shape_cast %swap3A_104 : vector<16xf32> to vector<16xf32>
    %swap3A_106 = vector.shape_cast %broadcast_in_dim3A_102 : vector<16xf32> to vector<16xf32>
    tpu.vector_store %arg13[%swap3A_103], %swap3A_106 {strides = array<i32>} : memref<640xf32, #tpu.memory_space<vmem>>, vector<16xf32>,
    %broadcast_in_dim3A_107 = arith.constant 0.000000e+00 : f32
    %broadcast_in_dim3A_108 = vector.broadcast %broadcast_in_dim3A_107 : f32 to vector<16xf32>
    %swap3A_109 = arith.constant 288 : index
    %swap3A_110 = tpu.vector_load %arg13[%swap3A_109] {strides = array<i32>} : memref<640xf32, #tpu.memory_space<vmem>>, vector<16xf32>,
    %swap3A_111 = vector.shape_cast %swap3A_110 : vector<16xf32> to vector<16xf32>
    %swap3A_112 = vector.shape_cast %broadcast_in_dim3A_108 : vector<16xf32> to vector<16xf32>
    tpu.vector_store %arg13[%swap3A_109], %swap3A_112 {strides = array<i32>} : memref<640xf32, #tpu.memory_space<vmem>>, vector<16xf32>,
    %broadcast_in_dim3A_113 = arith.constant 0.000000e+00 : f32
    %broadcast_in_dim3A_114 = vector.broadcast %broadcast_in_dim3A_113 : f32 to vector<16xf32>
    %swap3A_115 = arith.constant 304 : index
    %swap3A_116 = tpu.vector_load %arg13[%swap3A_115] {strides = array<i32>} : memref<640xf32, #tpu.memory_space<vmem>>, vector<16xf32>,
    %swap3A_117 = vector.shape_cast %swap3A_116 : vector<16xf32> to vector<16xf32>
    %swap3A_118 = vector.shape_cast %broadcast_in_dim3A_114 : vector<16xf32> to vector<16xf32>
    tpu.vector_store %arg13[%swap3A_115], %swap3A_118 {strides = array<i32>} : memref<640xf32, #tpu.memory_space<vmem>>, vector<16xf32>,
    %broadcast_in_dim3A_119 = arith.constant 0.000000e+00 : f32
    %broadcast_in_dim3A_120 = vector.broadcast %broadcast_in_dim3A_119 : f32 to vector<16xf32>
    %swap3A_121 = arith.constant 320 : index
    %swap3A_122 = tpu.vector_load %arg13[%swap3A_121] {strides = array<i32>} : memref<640xf32, #tpu.memory_space<vmem>>, vector<16xf32>,
    %swap3A_123 = vector.shape_cast %swap3A_122 : vector<16xf32> to vector<16xf32>
    %swap3A_124 = vector.shape_cast %broadcast_in_dim3A_120 : vector<16xf32> to vector<16xf32>
    tpu.vector_store %arg13[%swap3A_121], %swap3A_124 {strides = array<i32>} : memref<640xf32, #tpu.memory_space<vmem>>, vector<16xf32>,
    %broadcast_in_dim3A_125 = arith.constant 0.000000e+00 : f32
    %broadcast_in_dim3A_126 = vector.broadcast %broadcast_in_dim3A_125 : f32 to vector<16xf32>
    %swap3A_127 = arith.constant 336 : index
    %swap3A_128 = tpu.vector_load %arg13[%swap3A_127] {strides = array<i32>} : memref<640xf32, #tpu.memory_space<vmem>>, vector<16xf32>,
    %swap3A_129 = vector.shape_cast %swap3A_128 : vector<16xf32> to vector<16xf32>
    %swap3A_130 = vector.shape_cast %broadcast_in_dim3A_126 : vector<16xf32> to vector<16xf32>
    tpu.vector_store %arg13[%swap3A_127], %swap3A_130 {strides = array<i32>} : memref<640xf32, #tpu.memory_space<vmem>>, vector<16xf32>,
    %broadcast_in_dim3A_131 = arith.constant 0.000000e+00 : f32
    %broadcast_in_dim3A_132 = vector.broadcast %broadcast_in_dim3A_131 : f32 to vector<16xf32>
    %swap3A_133 = arith.constant 352 : index
    %swap3A_134 = tpu.vector_load %arg13[%swap3A_133] {strides = array<i32>} : memref<640xf32, #tpu.memory_space<vmem>>, vector<16xf32>,
    %swap3A_135 = vector.shape_cast %swap3A_134 : vector<16xf32> to vector<16xf32>
    %swap3A_136 = vector.shape_cast %broadcast_in_dim3A_132 : vector<16xf32> to vector<16xf32>
    tpu.vector_store %arg13[%swap3A_133], %swap3A_136 {strides = array<i32>} : memref<640xf32, #tpu.memory_space<vmem>>, vector<16xf32>,
    %broadcast_in_dim3A_137 = arith.constant 0.000000e+00 : f32
    %broadcast_in_dim3A_138 = vector.broadcast %broadcast_in_dim3A_137 : f32 to vector<16xf32>
    %swap3A_139 = arith.constant 368 : index
    %swap3A_140 = tpu.vector_load %arg13[%swap3A_139] {strides = array<i32>} : memref<640xf32, #tpu.memory_space<vmem>>, vector<16xf32>,
    %swap3A_141 = vector.shape_cast %swap3A_140 : vector<16xf32> to vector<16xf32>
    %swap3A_142 = vector.shape_cast %broadcast_in_dim3A_138 : vector<16xf32> to vector<16xf32>
    tpu.vector_store %arg13[%swap3A_139], %swap3A_142 {strides = array<i32>} : memref<640xf32, #tpu.memory_space<vmem>>, vector<16xf32>,
    %broadcast_in_dim3A_143 = arith.constant 0.000000e+00 : f32
    %broadcast_in_dim3A_144 = vector.broadcast %broadcast_in_dim3A_143 : f32 to vector<16xf32>
    %swap3A_145 = arith.constant 384 : index
    %swap3A_146 = tpu.vector_load %arg13[%swap3A_145] {strides = array<i32>} : memref<640xf32, #tpu.memory_space<vmem>>, vector<16xf32>,
    %swap3A_147 = vector.shape_cast %swap3A_146 : vector<16xf32> to vector<16xf32>
    %swap3A_148 = vector.shape_cast %broadcast_in_dim3A_144 : vector<16xf32> to vector<16xf32>
    tpu.vector_store %arg13[%swap3A_145], %swap3A_148 {strides = array<i32>} : memref<640xf32, #tpu.memory_space<vmem>>, vector<16xf32>,
    %broadcast_in_dim3A_149 = arith.constant 0.000000e+00 : f32
    %broadcast_in_dim3A_150 = vector.broadcast %broadcast_in_dim3A_149 : f32 to vector<16xf32>
    %swap3A_151 = arith.constant 400 : index
    %swap3A_152 = tpu.vector_load %arg13[%swap3A_151] {strides = array<i32>} : memref<640xf32, #tpu.memory_space<vmem>>, vector<16xf32>,
    %swap3A_153 = vector.shape_cast %swap3A_152 : vector<16xf32> to vector<16xf32>
    %swap3A_154 = vector.shape_cast %broadcast_in_dim3A_150 : vector<16xf32> to vector<16xf32>
    tpu.vector_store %arg13[%swap3A_151], %swap3A_154 {strides = array<i32>} : memref<640xf32, #tpu.memory_space<vmem>>, vector<16xf32>,
    %broadcast_in_dim3A_155 = arith.constant 0.000000e+00 : f32
    %broadcast_in_dim3A_156 = vector.broadcast %broadcast_in_dim3A_155 : f32 to vector<16xf32>
    %swap3A_157 = arith.constant 416 : index
    %swap3A_158 = tpu.vector_load %arg13[%swap3A_157] {strides = array<i32>} : memref<640xf32, #tpu.memory_space<vmem>>, vector<16xf32>,
    %swap3A_159 = vector.shape_cast %swap3A_158 : vector<16xf32> to vector<16xf32>
    %swap3A_160 = vector.shape_cast %broadcast_in_dim3A_156 : vector<16xf32> to vector<16xf32>
    tpu.vector_store %arg13[%swap3A_157], %swap3A_160 {strides = array<i32>} : memref<640xf32, #tpu.memory_space<vmem>>, vector<16xf32>,
    %broadcast_in_dim3A_161 = arith.constant 0.000000e+00 : f32
    %broadcast_in_dim3A_162 = vector.broadcast %broadcast_in_dim3A_161 : f32 to vector<16xf32>
    %swap3A_163 = arith.constant 432 : index
    %swap3A_164 = tpu.vector_load %arg13[%swap3A_163] {strides = array<i32>} : memref<640xf32, #tpu.memory_space<vmem>>, vector<16xf32>,
    %swap3A_165 = vector.shape_cast %swap3A_164 : vector<16xf32> to vector<16xf32>
    %swap3A_166 = vector.shape_cast %broadcast_in_dim3A_162 : vector<16xf32> to vector<16xf32>
    tpu.vector_store %arg13[%swap3A_163], %swap3A_166 {strides = array<i32>} : memref<640xf32, #tpu.memory_space<vmem>>, vector<16xf32>,
    %broadcast_in_dim3A_167 = arith.constant 0.000000e+00 : f32
    %broadcast_in_dim3A_168 = vector.broadcast %broadcast_in_dim3A_167 : f32 to vector<16xf32>
    %swap3A_169 = arith.constant 448 : index
    %swap3A_170 = tpu.vector_load %arg13[%swap3A_169] {strides = array<i32>} : memref<640xf32, #tpu.memory_space<vmem>>, vector<16xf32>,
    %swap3A_171 = vector.shape_cast %swap3A_170 : vector<16xf32> to vector<16xf32>
    %swap3A_172 = vector.shape_cast %broadcast_in_dim3A_168 : vector<16xf32> to vector<16xf32>
    tpu.vector_store %arg13[%swap3A_169], %swap3A_172 {strides = array<i32>} : memref<640xf32, #tpu.memory_space<vmem>>, vector<16xf32>,
    %broadcast_in_dim3A_173 = arith.constant 0.000000e+00 : f32
    %broadcast_in_dim3A_174 = vector.broadcast %broadcast_in_dim3A_173 : f32 to vector<16xf32>
    %swap3A_175 = arith.constant 464 : index
    %swap3A_176 = tpu.vector_load %arg13[%swap3A_175] {strides = array<i32>} : memref<640xf32, #tpu.memory_space<vmem>>, vector<16xf32>,
    %swap3A_177 = vector.shape_cast %swap3A_176 : vector<16xf32> to vector<16xf32>
    %swap3A_178 = vector.shape_cast %broadcast_in_dim3A_174 : vector<16xf32> to vector<16xf32>
    tpu.vector_store %arg13[%swap3A_175], %swap3A_178 {strides = array<i32>} : memref<640xf32, #tpu.memory_space<vmem>>, vector<16xf32>,
    %broadcast_in_dim3A_179 = arith.constant 0.000000e+00 : f32
    %broadcast_in_dim3A_180 = vector.broadcast %broadcast_in_dim3A_179 : f32 to vector<16xf32>
    %swap3A_181 = arith.constant 480 : index
    %swap3A_182 = tpu.vector_load %arg13[%swap3A_181] {strides = array<i32>} : memref<640xf32, #tpu.memory_space<vmem>>, vector<16xf32>,
    %swap3A_183 = vector.shape_cast %swap3A_182 : vector<16xf32> to vector<16xf32>
    %swap3A_184 = vector.shape_cast %broadcast_in_dim3A_180 : vector<16xf32> to vector<16xf32>
    tpu.vector_store %arg13[%swap3A_181], %swap3A_184 {strides = array<i32>} : memref<640xf32, #tpu.memory_space<vmem>>, vector<16xf32>,
    %broadcast_in_dim3A_185 = arith.constant 0.000000e+00 : f32
    %broadcast_in_dim3A_186 = vector.broadcast %broadcast_in_dim3A_185 : f32 to vector<16xf32>
    %swap3A_187 = arith.constant 496 : index
    %swap3A_188 = tpu.vector_load %arg13[%swap3A_187] {strides = array<i32>} : memref<640xf32, #tpu.memory_space<vmem>>, vector<16xf32>,
    %swap3A_189 = vector.shape_cast %swap3A_188 : vector<16xf32> to vector<16xf32>
    %swap3A_190 = vector.shape_cast %broadcast_in_dim3A_186 : vector<16xf32> to vector<16xf32>
    tpu.vector_store %arg13[%swap3A_187], %swap3A_190 {strides = array<i32>} : memref<640xf32, #tpu.memory_space<vmem>>, vector<16xf32>,
    %broadcast_in_dim3A_191 = arith.constant 0.000000e+00 : f32
    %broadcast_in_dim3A_192 = vector.broadcast %broadcast_in_dim3A_191 : f32 to vector<16xf32>
    %swap3A_193 = arith.constant 512 : index
    %swap3A_194 = tpu.vector_load %arg13[%swap3A_193] {strides = array<i32>} : memref<640xf32, #tpu.memory_space<vmem>>, vector<16xf32>,
    %swap3A_195 = vector.shape_cast %swap3A_194 : vector<16xf32> to vector<16xf32>
    %swap3A_196 = vector.shape_cast %broadcast_in_dim3A_192 : vector<16xf32> to vector<16xf32>
    tpu.vector_store %arg13[%swap3A_193], %swap3A_196 {strides = array<i32>} : memref<640xf32, #tpu.memory_space<vmem>>, vector<16xf32>,
    %broadcast_in_dim3A_197 = arith.constant 0.000000e+00 : f32
    %broadcast_in_dim3A_198 = vector.broadcast %broadcast_in_dim3A_197 : f32 to vector<16xf32>
    %swap3A_199 = arith.constant 528 : index
    %swap3A_200 = tpu.vector_load %arg13[%swap3A_199] {strides = array<i32>} : memref<640xf32, #tpu.memory_space<vmem>>, vector<16xf32>,
    %swap3A_201 = vector.shape_cast %swap3A_200 : vector<16xf32> to vector<16xf32>
    %swap3A_202 = vector.shape_cast %broadcast_in_dim3A_198 : vector<16xf32> to vector<16xf32>
    tpu.vector_store %arg13[%swap3A_199], %swap3A_202 {strides = array<i32>} : memref<640xf32, #tpu.memory_space<vmem>>, vector<16xf32>,
    %broadcast_in_dim3A_203 = arith.constant 0.000000e+00 : f32
    %broadcast_in_dim3A_204 = vector.broadcast %broadcast_in_dim3A_203 : f32 to vector<16xf32>
    %swap3A_205 = arith.constant 544 : index
    %swap3A_206 = tpu.vector_load %arg13[%swap3A_205] {strides = array<i32>} : memref<640xf32, #tpu.memory_space<vmem>>, vector<16xf32>,
    %swap3A_207 = vector.shape_cast %swap3A_206 : vector<16xf32> to vector<16xf32>
    %swap3A_208 = vector.shape_cast %broadcast_in_dim3A_204 : vector<16xf32> to vector<16xf32>
    tpu.vector_store %arg13[%swap3A_205], %swap3A_208 {strides = array<i32>} : memref<640xf32, #tpu.memory_space<vmem>>, vector<16xf32>,
    %broadcast_in_dim3A_209 = arith.constant 0.000000e+00 : f32
    %broadcast_in_dim3A_210 = vector.broadcast %broadcast_in_dim3A_209 : f32 to vector<16xf32>
    %swap3A_211 = arith.constant 560 : index
    %swap3A_212 = tpu.vector_load %arg13[%swap3A_211] {strides = array<i32>} : memref<640xf32, #tpu.memory_space<vmem>>, vector<16xf32>,
    %swap3A_213 = vector.shape_cast %swap3A_212 : vector<16xf32> to vector<16xf32>
    %swap3A_214 = vector.shape_cast %broadcast_in_dim3A_210 : vector<16xf32> to vector<16xf32>
    tpu.vector_store %arg13[%swap3A_211], %swap3A_214 {strides = array<i32>} : memref<640xf32, #tpu.memory_space<vmem>>, vector<16xf32>,
    %broadcast_in_dim3A_215 = arith.constant 0.000000e+00 : f32
    %broadcast_in_dim3A_216 = vector.broadcast %broadcast_in_dim3A_215 : f32 to vector<16xf32>
    %swap3A_217 = arith.constant 576 : index
    %swap3A_218 = tpu.vector_load %arg13[%swap3A_217] {strides = array<i32>} : memref<640xf32, #tpu.memory_space<vmem>>, vector<16xf32>,
    %swap3A_219 = vector.shape_cast %swap3A_218 : vector<16xf32> to vector<16xf32>
    %swap3A_220 = vector.shape_cast %broadcast_in_dim3A_216 : vector<16xf32> to vector<16xf32>
    tpu.vector_store %arg13[%swap3A_217], %swap3A_220 {strides = array<i32>} : memref<640xf32, #tpu.memory_space<vmem>>, vector<16xf32>,
    %broadcast_in_dim3A_221 = arith.constant 0.000000e+00 : f32
    %broadcast_in_dim3A_222 = vector.broadcast %broadcast_in_dim3A_221 : f32 to vector<16xf32>
    %swap3A_223 = arith.constant 592 : index
    %swap3A_224 = tpu.vector_load %arg13[%swap3A_223] {strides = array<i32>} : memref<640xf32, #tpu.memory_space<vmem>>, vector<16xf32>,
    %swap3A_225 = vector.shape_cast %swap3A_224 : vector<16xf32> to vector<16xf32>
    %swap3A_226 = vector.shape_cast %broadcast_in_dim3A_222 : vector<16xf32> to vector<16xf32>
    tpu.vector_store %arg13[%swap3A_223], %swap3A_226 {strides = array<i32>} : memref<640xf32, #tpu.memory_space<vmem>>, vector<16xf32>,
    %broadcast_in_dim3A_227 = arith.constant 0.000000e+00 : f32
    %broadcast_in_dim3A_228 = vector.broadcast %broadcast_in_dim3A_227 : f32 to vector<16xf32>
    %swap3A_229 = arith.constant 608 : index
    %swap3A_230 = tpu.vector_load %arg13[%swap3A_229] {strides = array<i32>} : memref<640xf32, #tpu.memory_space<vmem>>, vector<16xf32>,
    %swap3A_231 = vector.shape_cast %swap3A_230 : vector<16xf32> to vector<16xf32>
    %swap3A_232 = vector.shape_cast %broadcast_in_dim3A_228 : vector<16xf32> to vector<16xf32>
    tpu.vector_store %arg13[%swap3A_229], %swap3A_232 {strides = array<i32>} : memref<640xf32, #tpu.memory_space<vmem>>, vector<16xf32>,
    %broadcast_in_dim3A_233 = arith.constant 0.000000e+00 : f32
    %broadcast_in_dim3A_234 = vector.broadcast %broadcast_in_dim3A_233 : f32 to vector<16xf32>
    %swap3A_235 = arith.constant 624 : index
    %swap3A_236 = tpu.vector_load %arg13[%swap3A_235] {strides = array<i32>} : memref<640xf32, #tpu.memory_space<vmem>>, vector<16xf32>,
    %swap3A_237 = vector.shape_cast %swap3A_236 : vector<16xf32> to vector<16xf32>
    %swap3A_238 = vector.shape_cast %broadcast_in_dim3A_234 : vector<16xf32> to vector<16xf32>
    tpu.vector_store %arg13[%swap3A_235], %swap3A_238 {strides = array<i32>} : memref<640xf32, #tpu.memory_space<vmem>>, vector<16xf32>,
    "tpu.region"() ({
      %run_scoped3A = tpu.sem_alloc : memref<!tpu.dma_semaphore, #tpu.memory_space<semaphore_mem>>
      %dma_start3A = tpu.memref_slice %arg7[%mul3A_0] : memref<10240xf32, #tpu.memory_space<vmem_shared>> -> memref<640xf32, #tpu.memory_space<vmem_shared>>
      %dma_start3A_255 = tpu.memref_slice %arg7[%mul3A_0] : memref<10240xf32, #tpu.memory_space<vmem_shared>> -> memref<640xf32, #tpu.memory_space<vmem_shared>>
      tpu.enqueue_dma source(%arg13 : memref<640xf32, #tpu.memory_space<vmem>>) target(%dma_start3A_255 : memref<640xf32, #tpu.memory_space<vmem_shared>>) target_semaphore(%run_scoped3A : memref<!tpu.dma_semaphore, #tpu.memory_space<semaphore_mem>>)
      %dma_wait3A = tpu.memref_slice %arg7[%mul3A_0] : memref<10240xf32, #tpu.memory_space<vmem_shared>> -> memref<640xf32, #tpu.memory_space<vmem_shared>>
      %dma_wait3A_256 = tpu.memref_slice %arg7[%mul3A_0] : memref<10240xf32, #tpu.memory_space<vmem_shared>> -> memref<640xf32, #tpu.memory_space<vmem_shared>>
      tpu.wait_dma2 semaphore(%run_scoped3A : memref<!tpu.dma_semaphore, #tpu.memory_space<semaphore_mem>>) src(%arg13 : memref<640xf32, #tpu.memory_space<vmem>>) dst(%dma_wait3A_256 : memref<640xf32, #tpu.memory_space<vmem_shared>>)
      tpu.yield
    }) : () -> ()
    %barrier3A = arith.constant 0 : index
    tpu.barrier barrier_id(%barrier3A)
    %mul3A_239 = arith.constant 160000 : i32
    %mul3A_240 = arith.muli %arg0, %mul3A_239 : i32
    %mul3A_241 = arith.constant 10000 : i32
    %mul3A_242 = arith.muli %arg1, %mul3A_241 : i32
    %add3A = arith.addi %mul3A_240, %mul3A_242 : i32
    %broadcast_in_dim3A_243 = arith.constant 10000 : i32
    %broadcast_in_dim3A_244 = vector.broadcast %broadcast_in_dim3A_243 : i32 to vector<16xi32>
    %broadcast_in_dim3A_245 = arith.constant 10240 : i32
    %broadcast_in_dim3A_246 = vector.broadcast %broadcast_in_dim3A_245 : i32 to vector<16xi32>
    %scan3A = arith.constant 0 : i32
    %scan3A_247 = arith.constant 125 : i32
    %scan3A_248 = arith.addi %scan3A, %scan3A_247 : i32
    %scan3A_249 = arith.constant 1 : i32
    scf.for %scan3A_255 = %scan3A to %scan3A_248 step %scan3A_249  : i32 {
      %mul3A_256 = arith.constant 80 : i32
      %mul3A_257 = arith.muli %scan3A_255, %mul3A_256 : i32
      %add3A_258 = arith.addi %add3A, %mul3A_257 : i32
      "tpu.region"() ({
        %run_scoped3A = tpu.sem_alloc : memref<!tpu.dma_semaphore, #tpu.memory_space<semaphore_mem>>
        %dma_start3A = tpu.memref_slice %arg2[%add3A_258] : memref<320000xi32, #tpu.memory_space<hbm>> -> memref<80xi32, #tpu.memory_space<hbm>>
        %dma_start3A_385 = tpu.memref_slice %arg2[%add3A_258] : memref<320000xi32, #tpu.memory_space<hbm>> -> memref<80xi32, #tpu.memory_space<hbm>>
        tpu.enqueue_dma source(%dma_start3A_385 : memref<80xi32, #tpu.memory_space<hbm>>) target(%arg8 : memref<80xi32, #tpu.memory_space<vmem>>) target_semaphore(%run_scoped3A : memref<!tpu.dma_semaphore, #tpu.memory_space<semaphore_mem>>)
        %dma_wait3A = tpu.memref_slice %arg2[%add3A_258] : memref<320000xi32, #tpu.memory_space<hbm>> -> memref<80xi32, #tpu.memory_space<hbm>>
        %dma_wait3A_386 = tpu.memref_slice %arg2[%add3A_258] : memref<320000xi32, #tpu.memory_space<hbm>> -> memref<80xi32, #tpu.memory_space<hbm>>
        tpu.wait_dma2 semaphore(%run_scoped3A : memref<!tpu.dma_semaphore, #tpu.memory_space<semaphore_mem>>) src(%dma_wait3A_386 : memref<80xi32, #tpu.memory_space<hbm>>) dst(%arg8 : memref<80xi32, #tpu.memory_space<vmem>>)
        tpu.yield
      }) : () -> ()
      "tpu.region"() ({
        %run_scoped3A = tpu.sem_alloc : memref<!tpu.dma_semaphore, #tpu.memory_space<semaphore_mem>>
        %dma_start3A = tpu.memref_slice %arg3[%add3A_258] : memref<320000xi32, #tpu.memory_space<hbm>> -> memref<80xi32, #tpu.memory_space<hbm>>
        %dma_start3A_385 = tpu.memref_slice %arg3[%add3A_258] : memref<320000xi32, #tpu.memory_space<hbm>> -> memref<80xi32, #tpu.memory_space<hbm>>
        tpu.enqueue_dma source(%dma_start3A_385 : memref<80xi32, #tpu.memory_space<hbm>>) target(%arg9 : memref<80xi32, #tpu.memory_space<vmem>>) target_semaphore(%run_scoped3A : memref<!tpu.dma_semaphore, #tpu.memory_space<semaphore_mem>>)
        %dma_wait3A = tpu.memref_slice %arg3[%add3A_258] : memref<320000xi32, #tpu.memory_space<hbm>> -> memref<80xi32, #tpu.memory_space<hbm>>
        %dma_wait3A_386 = tpu.memref_slice %arg3[%add3A_258] : memref<320000xi32, #tpu.memory_space<hbm>> -> memref<80xi32, #tpu.memory_space<hbm>>
        tpu.wait_dma2 semaphore(%run_scoped3A : memref<!tpu.dma_semaphore, #tpu.memory_space<semaphore_mem>>) src(%dma_wait3A_386 : memref<80xi32, #tpu.memory_space<hbm>>) dst(%arg9 : memref<80xi32, #tpu.memory_space<vmem>>)
        tpu.yield
      }) : () -> ()
      %get3A = arith.constant 0 : index
      %get3A_259 = tpu.vector_load %arg8[%get3A] {strides = array<i32>} : memref<80xi32, #tpu.memory_space<vmem>>, vector<16xi32>,
      %get3A_260 = vector.shape_cast %get3A_259 : vector<16xi32> to vector<16xi32>
      %get3A_261 = arith.constant 0 : index
      %get3A_262 = tpu.vector_load %arg9[%get3A_261] {strides = array<i32>} : memref<80xi32, #tpu.memory_space<vmem>>, vector<16xi32>,
      %get3A_263 = vector.shape_cast %get3A_262 : vector<16xi32> to vector<16xi32>
      %ne3A = arith.cmpi ne, %get3A_260, %get3A_263 : vector<16xi32>
      %jit3A = arith.constant 1.000000e+00 : f32
      %jit3A_264 = arith.constant 0.000000e+00 : f32
      %broadcast_in_dim3A_265 = vector.broadcast %jit3A : f32 to vector<16xf32>
      %broadcast_in_dim3A_266 = vector.broadcast %jit3A_264 : f32 to vector<16xf32>
      %select_n3A = arith.select %ne3A, %broadcast_in_dim3A_265, %broadcast_in_dim3A_266 : vector<16xi1>, vector<16xf32>
      %swap3A_267 = arith.constant 0 : index
      %swap3A_268 = tpu.vector_load %arg10[%swap3A_267] {strides = array<i32>} : memref<80xf32, #tpu.memory_space<vmem>>, vector<16xf32>,
      %swap3A_269 = vector.shape_cast %swap3A_268 : vector<16xf32> to vector<16xf32>
      %swap3A_270 = vector.shape_cast %select_n3A : vector<16xf32> to vector<16xf32>
      tpu.vector_store %arg10[%swap3A_267], %swap3A_270 {strides = array<i32>} : memref<80xf32, #tpu.memory_space<vmem>>, vector<16xf32>,
      %select_n3A_271 = arith.select %ne3A, %get3A_263, %broadcast_in_dim3A_244 : vector<16xi1>, vector<16xi32>
      %swap3A_272 = arith.constant 0 : index
      %swap3A_273 = tpu.vector_load %arg11[%swap3A_272] {strides = array<i32>} : memref<80xi32, #tpu.memory_space<vmem>>, vector<16xi32>,
      %swap3A_274 = vector.shape_cast %swap3A_273 : vector<16xi32> to vector<16xi32>
      %swap3A_275 = vector.shape_cast %select_n3A_271 : vector<16xi32> to vector<16xi32>
      tpu.vector_store %arg11[%swap3A_272], %swap3A_275 {strides = array<i32>} : memref<80xi32, #tpu.memory_space<vmem>>, vector<16xi32>,
      %add3A_276 = arith.addi %get3A_260, %broadcast_in_dim3A_246 : vector<16xi32>
      %swap3A_277 = arith.constant 0 : index
      %swap3A_278 = tpu.vector_load %arg12[%swap3A_277] {strides = array<i32>} : memref<80xi32, #tpu.memory_space<vmem>>, vector<16xi32>,
      %swap3A_279 = vector.shape_cast %swap3A_278 : vector<16xi32> to vector<16xi32>
      %swap3A_280 = vector.shape_cast %add3A_276 : vector<16xi32> to vector<16xi32>
      tpu.vector_store %arg12[%swap3A_277], %swap3A_280 {strides = array<i32>} : memref<80xi32, #tpu.memory_space<vmem>>, vector<16xi32>,
      %get3A_281 = arith.constant 16 : index
      %get3A_282 = tpu.vector_load %arg8[%get3A_281] {strides = array<i32>} : memref<80xi32, #tpu.memory_space<vmem>>, vector<16xi32>,
      %get3A_283 = vector.shape_cast %get3A_282 : vector<16xi32> to vector<16xi32>
      %get3A_284 = arith.constant 16 : index
      %get3A_285 = tpu.vector_load %arg9[%get3A_284] {strides = array<i32>} : memref<80xi32, #tpu.memory_space<vmem>>, vector<16xi32>,
      %get3A_286 = vector.shape_cast %get3A_285 : vector<16xi32> to vector<16xi32>
      %ne3A_287 = arith.cmpi ne, %get3A_283, %get3A_286 : vector<16xi32>
      %jit3A_288 = arith.constant 1.000000e+00 : f32
      %jit3A_289 = arith.constant 0.000000e+00 : f32
      %broadcast_in_dim3A_290 = vector.broadcast %jit3A_288 : f32 to vector<16xf32>
      %broadcast_in_dim3A_291 = vector.broadcast %jit3A_289 : f32 to vector<16xf32>
      %select_n3A_292 = arith.select %ne3A_287, %broadcast_in_dim3A_290, %broadcast_in_dim3A_291 : vector<16xi1>, vector<16xf32>
      %swap3A_293 = arith.constant 16 : index
      %swap3A_294 = tpu.vector_load %arg10[%swap3A_293] {strides = array<i32>} : memref<80xf32, #tpu.memory_space<vmem>>, vector<16xf32>,
      %swap3A_295 = vector.shape_cast %swap3A_294 : vector<16xf32> to vector<16xf32>
      %swap3A_296 = vector.shape_cast %select_n3A_292 : vector<16xf32> to vector<16xf32>
      tpu.vector_store %arg10[%swap3A_293], %swap3A_296 {strides = array<i32>} : memref<80xf32, #tpu.memory_space<vmem>>, vector<16xf32>,
      %select_n3A_297 = arith.select %ne3A_287, %get3A_286, %broadcast_in_dim3A_244 : vector<16xi1>, vector<16xi32>
      %swap3A_298 = arith.constant 16 : index
      %swap3A_299 = tpu.vector_load %arg11[%swap3A_298] {strides = array<i32>} : memref<80xi32, #tpu.memory_space<vmem>>, vector<16xi32>,
      %swap3A_300 = vector.shape_cast %swap3A_299 : vector<16xi32> to vector<16xi32>
      %swap3A_301 = vector.shape_cast %select_n3A_297 : vector<16xi32> to vector<16xi32>
      tpu.vector_store %arg11[%swap3A_298], %swap3A_301 {strides = array<i32>} : memref<80xi32, #tpu.memory_space<vmem>>, vector<16xi32>,
      %add3A_302 = arith.addi %get3A_283, %broadcast_in_dim3A_246 : vector<16xi32>
      %swap3A_303 = arith.constant 16 : index
      %swap3A_304 = tpu.vector_load %arg12[%swap3A_303] {strides = array<i32>} : memref<80xi32, #tpu.memory_space<vmem>>, vector<16xi32>,
      %swap3A_305 = vector.shape_cast %swap3A_304 : vector<16xi32> to vector<16xi32>
      %swap3A_306 = vector.shape_cast %add3A_302 : vector<16xi32> to vector<16xi32>
      tpu.vector_store %arg12[%swap3A_303], %swap3A_306 {strides = array<i32>} : memref<80xi32, #tpu.memory_space<vmem>>, vector<16xi32>,
      %get3A_307 = arith.constant 32 : index
      %get3A_308 = tpu.vector_load %arg8[%get3A_307] {strides = array<i32>} : memref<80xi32, #tpu.memory_space<vmem>>, vector<16xi32>,
      %get3A_309 = vector.shape_cast %get3A_308 : vector<16xi32> to vector<16xi32>
      %get3A_310 = arith.constant 32 : index
      %get3A_311 = tpu.vector_load %arg9[%get3A_310] {strides = array<i32>} : memref<80xi32, #tpu.memory_space<vmem>>, vector<16xi32>,
      %get3A_312 = vector.shape_cast %get3A_311 : vector<16xi32> to vector<16xi32>
      %ne3A_313 = arith.cmpi ne, %get3A_309, %get3A_312 : vector<16xi32>
      %jit3A_314 = arith.constant 1.000000e+00 : f32
      %jit3A_315 = arith.constant 0.000000e+00 : f32
      %broadcast_in_dim3A_316 = vector.broadcast %jit3A_314 : f32 to vector<16xf32>
      %broadcast_in_dim3A_317 = vector.broadcast %jit3A_315 : f32 to vector<16xf32>
      %select_n3A_318 = arith.select %ne3A_313, %broadcast_in_dim3A_316, %broadcast_in_dim3A_317 : vector<16xi1>, vector<16xf32>
      %swap3A_319 = arith.constant 32 : index
      %swap3A_320 = tpu.vector_load %arg10[%swap3A_319] {strides = array<i32>} : memref<80xf32, #tpu.memory_space<vmem>>, vector<16xf32>,
      %swap3A_321 = vector.shape_cast %swap3A_320 : vector<16xf32> to vector<16xf32>
      %swap3A_322 = vector.shape_cast %select_n3A_318 : vector<16xf32> to vector<16xf32>
      tpu.vector_store %arg10[%swap3A_319], %swap3A_322 {strides = array<i32>} : memref<80xf32, #tpu.memory_space<vmem>>, vector<16xf32>,
      %select_n3A_323 = arith.select %ne3A_313, %get3A_312, %broadcast_in_dim3A_244 : vector<16xi1>, vector<16xi32>
      %swap3A_324 = arith.constant 32 : index
      %swap3A_325 = tpu.vector_load %arg11[%swap3A_324] {strides = array<i32>} : memref<80xi32, #tpu.memory_space<vmem>>, vector<16xi32>,
      %swap3A_326 = vector.shape_cast %swap3A_325 : vector<16xi32> to vector<16xi32>
      %swap3A_327 = vector.shape_cast %select_n3A_323 : vector<16xi32> to vector<16xi32>
      tpu.vector_store %arg11[%swap3A_324], %swap3A_327 {strides = array<i32>} : memref<80xi32, #tpu.memory_space<vmem>>, vector<16xi32>,
      %add3A_328 = arith.addi %get3A_309, %broadcast_in_dim3A_246 : vector<16xi32>
      %swap3A_329 = arith.constant 32 : index
      %swap3A_330 = tpu.vector_load %arg12[%swap3A_329] {strides = array<i32>} : memref<80xi32, #tpu.memory_space<vmem>>, vector<16xi32>,
      %swap3A_331 = vector.shape_cast %swap3A_330 : vector<16xi32> to vector<16xi32>
      %swap3A_332 = vector.shape_cast %add3A_328 : vector<16xi32> to vector<16xi32>
      tpu.vector_store %arg12[%swap3A_329], %swap3A_332 {strides = array<i32>} : memref<80xi32, #tpu.memory_space<vmem>>, vector<16xi32>,
      %get3A_333 = arith.constant 48 : index
      %get3A_334 = tpu.vector_load %arg8[%get3A_333] {strides = array<i32>} : memref<80xi32, #tpu.memory_space<vmem>>, vector<16xi32>,
      %get3A_335 = vector.shape_cast %get3A_334 : vector<16xi32> to vector<16xi32>
      %get3A_336 = arith.constant 48 : index
      %get3A_337 = tpu.vector_load %arg9[%get3A_336] {strides = array<i32>} : memref<80xi32, #tpu.memory_space<vmem>>, vector<16xi32>,
      %get3A_338 = vector.shape_cast %get3A_337 : vector<16xi32> to vector<16xi32>
      %ne3A_339 = arith.cmpi ne, %get3A_335, %get3A_338 : vector<16xi32>
      %jit3A_340 = arith.constant 1.000000e+00 : f32
      %jit3A_341 = arith.constant 0.000000e+00 : f32
      %broadcast_in_dim3A_342 = vector.broadcast %jit3A_340 : f32 to vector<16xf32>
      %broadcast_in_dim3A_343 = vector.broadcast %jit3A_341 : f32 to vector<16xf32>
      %select_n3A_344 = arith.select %ne3A_339, %broadcast_in_dim3A_342, %broadcast_in_dim3A_343 : vector<16xi1>, vector<16xf32>
      %swap3A_345 = arith.constant 48 : index
      %swap3A_346 = tpu.vector_load %arg10[%swap3A_345] {strides = array<i32>} : memref<80xf32, #tpu.memory_space<vmem>>, vector<16xf32>,
      %swap3A_347 = vector.shape_cast %swap3A_346 : vector<16xf32> to vector<16xf32>
      %swap3A_348 = vector.shape_cast %select_n3A_344 : vector<16xf32> to vector<16xf32>
      tpu.vector_store %arg10[%swap3A_345], %swap3A_348 {strides = array<i32>} : memref<80xf32, #tpu.memory_space<vmem>>, vector<16xf32>,
      %select_n3A_349 = arith.select %ne3A_339, %get3A_338, %broadcast_in_dim3A_244 : vector<16xi1>, vector<16xi32>
      %swap3A_350 = arith.constant 48 : index
      %swap3A_351 = tpu.vector_load %arg11[%swap3A_350] {strides = array<i32>} : memref<80xi32, #tpu.memory_space<vmem>>, vector<16xi32>,
      %swap3A_352 = vector.shape_cast %swap3A_351 : vector<16xi32> to vector<16xi32>
      %swap3A_353 = vector.shape_cast %select_n3A_349 : vector<16xi32> to vector<16xi32>
      tpu.vector_store %arg11[%swap3A_350], %swap3A_353 {strides = array<i32>} : memref<80xi32, #tpu.memory_space<vmem>>, vector<16xi32>,
      %add3A_354 = arith.addi %get3A_335, %broadcast_in_dim3A_246 : vector<16xi32>
      %swap3A_355 = arith.constant 48 : index
      %swap3A_356 = tpu.vector_load %arg12[%swap3A_355] {strides = array<i32>} : memref<80xi32, #tpu.memory_space<vmem>>, vector<16xi32>,
      %swap3A_357 = vector.shape_cast %swap3A_356 : vector<16xi32> to vector<16xi32>
      %swap3A_358 = vector.shape_cast %add3A_354 : vector<16xi32> to vector<16xi32>
      tpu.vector_store %arg12[%swap3A_355], %swap3A_358 {strides = array<i32>} : memref<80xi32, #tpu.memory_space<vmem>>, vector<16xi32>,
      %get3A_359 = arith.constant 64 : index
      %get3A_360 = tpu.vector_load %arg8[%get3A_359] {strides = array<i32>} : memref<80xi32, #tpu.memory_space<vmem>>, vector<16xi32>,
      %get3A_361 = vector.shape_cast %get3A_360 : vector<16xi32> to vector<16xi32>
      %get3A_362 = arith.constant 64 : index
      %get3A_363 = tpu.vector_load %arg9[%get3A_362] {strides = array<i32>} : memref<80xi32, #tpu.memory_space<vmem>>, vector<16xi32>,
      %get3A_364 = vector.shape_cast %get3A_363 : vector<16xi32> to vector<16xi32>
      %ne3A_365 = arith.cmpi ne, %get3A_361, %get3A_364 : vector<16xi32>
      %jit3A_366 = arith.constant 1.000000e+00 : f32
      %jit3A_367 = arith.constant 0.000000e+00 : f32
      %broadcast_in_dim3A_368 = vector.broadcast %jit3A_366 : f32 to vector<16xf32>
      %broadcast_in_dim3A_369 = vector.broadcast %jit3A_367 : f32 to vector<16xf32>
      %select_n3A_370 = arith.select %ne3A_365, %broadcast_in_dim3A_368, %broadcast_in_dim3A_369 : vector<16xi1>, vector<16xf32>
      %swap3A_371 = arith.constant 64 : index
      %swap3A_372 = tpu.vector_load %arg10[%swap3A_371] {strides = array<i32>} : memref<80xf32, #tpu.memory_space<vmem>>, vector<16xf32>,
      %swap3A_373 = vector.shape_cast %swap3A_372 : vector<16xf32> to vector<16xf32>
      %swap3A_374 = vector.shape_cast %select_n3A_370 : vector<16xf32> to vector<16xf32>
      tpu.vector_store %arg10[%swap3A_371], %swap3A_374 {strides = array<i32>} : memref<80xf32, #tpu.memory_space<vmem>>, vector<16xf32>,
      %select_n3A_375 = arith.select %ne3A_365, %get3A_364, %broadcast_in_dim3A_244 : vector<16xi1>, vector<16xi32>
      %swap3A_376 = arith.constant 64 : index
      %swap3A_377 = tpu.vector_load %arg11[%swap3A_376] {strides = array<i32>} : memref<80xi32, #tpu.memory_space<vmem>>, vector<16xi32>,
      %swap3A_378 = vector.shape_cast %swap3A_377 : vector<16xi32> to vector<16xi32>
      %swap3A_379 = vector.shape_cast %select_n3A_375 : vector<16xi32> to vector<16xi32>
      tpu.vector_store %arg11[%swap3A_376], %swap3A_379 {strides = array<i32>} : memref<80xi32, #tpu.memory_space<vmem>>, vector<16xi32>,
      %add3A_380 = arith.addi %get3A_361, %broadcast_in_dim3A_246 : vector<16xi32>
      %swap3A_381 = arith.constant 64 : index
      %swap3A_382 = tpu.vector_load %arg12[%swap3A_381] {strides = array<i32>} : memref<80xi32, #tpu.memory_space<vmem>>, vector<16xi32>,
      %swap3A_383 = vector.shape_cast %swap3A_382 : vector<16xi32> to vector<16xi32>
      %swap3A_384 = vector.shape_cast %add3A_380 : vector<16xi32> to vector<16xi32>
      tpu.vector_store %arg12[%swap3A_381], %swap3A_384 {strides = array<i32>} : memref<80xi32, #tpu.memory_space<vmem>>, vector<16xi32>,
      "tpu.region"() ({
        %run_scoped3A = tpu.sem_alloc : memref<!tpu.dma_semaphore, #tpu.memory_space<semaphore_mem>>
        %dma_start3A = tpu.memref_slice %arg5[%add3A_258] : memref<320000xi32, #tpu.memory_space<hbm>> -> memref<80xi32, #tpu.memory_space<hbm>>
        %dma_start3A_385 = tpu.memref_slice %arg5[%add3A_258] : memref<320000xi32, #tpu.memory_space<hbm>> -> memref<80xi32, #tpu.memory_space<hbm>>
        tpu.enqueue_dma source(%arg11 : memref<80xi32, #tpu.memory_space<vmem>>) target(%dma_start3A_385 : memref<80xi32, #tpu.memory_space<hbm>>) target_semaphore(%run_scoped3A : memref<!tpu.dma_semaphore, #tpu.memory_space<semaphore_mem>>)
        %dma_wait3A = tpu.memref_slice %arg5[%add3A_258] : memref<320000xi32, #tpu.memory_space<hbm>> -> memref<80xi32, #tpu.memory_space<hbm>>
        %dma_wait3A_386 = tpu.memref_slice %arg5[%add3A_258] : memref<320000xi32, #tpu.memory_space<hbm>> -> memref<80xi32, #tpu.memory_space<hbm>>
        tpu.wait_dma2 semaphore(%run_scoped3A : memref<!tpu.dma_semaphore, #tpu.memory_space<semaphore_mem>>) src(%arg11 : memref<80xi32, #tpu.memory_space<vmem>>) dst(%dma_wait3A_386 : memref<80xi32, #tpu.memory_space<hbm>>)
        tpu.yield
      }) : () -> ()
      "tpu.region"() ({
        %run_scoped3A = tpu.sem_alloc : memref<!tpu.dma_semaphore, #tpu.memory_space<semaphore_mem>>
        %dma_start3A = tpu.memref_slice %arg6[%add3A_258] : memref<320000xi32, #tpu.memory_space<hbm>> -> memref<80xi32, #tpu.memory_space<hbm>>
        %dma_start3A_385 = tpu.memref_slice %arg6[%add3A_258] : memref<320000xi32, #tpu.memory_space<hbm>> -> memref<80xi32, #tpu.memory_space<hbm>>
        tpu.enqueue_dma source(%arg12 : memref<80xi32, #tpu.memory_space<vmem>>) target(%dma_start3A_385 : memref<80xi32, #tpu.memory_space<hbm>>) target_semaphore(%run_scoped3A : memref<!tpu.dma_semaphore, #tpu.memory_space<semaphore_mem>>)
        %dma_wait3A = tpu.memref_slice %arg6[%add3A_258] : memref<320000xi32, #tpu.memory_space<hbm>> -> memref<80xi32, #tpu.memory_space<hbm>>
        %dma_wait3A_386 = tpu.memref_slice %arg6[%add3A_258] : memref<320000xi32, #tpu.memory_space<hbm>> -> memref<80xi32, #tpu.memory_space<hbm>>
        tpu.wait_dma2 semaphore(%run_scoped3A : memref<!tpu.dma_semaphore, #tpu.memory_space<semaphore_mem>>) src(%arg12 : memref<80xi32, #tpu.memory_space<vmem>>) dst(%dma_wait3A_386 : memref<80xi32, #tpu.memory_space<hbm>>)
        tpu.yield
      }) : () -> ()
      "tpu.region"() ({
        %run_scoped3A = tpu.sem_alloc : memref<!tpu.dma_semaphore, #tpu.memory_space<semaphore_mem>>
        %dma_start3A = arith.constant 0 : i32
        %dma_start3A_385 = tpu.memref_slice %arg7[%dma_start3A] : memref<10240xf32, #tpu.memory_space<vmem_shared>> -> memref<10240xf32, #tpu.memory_space<vmem_shared>>
        tpu.enqueue_indirect_dma source(%arg10 : memref<80xf32, #tpu.memory_space<vmem>>) target(%dma_start3A_385 : memref<10240xf32, #tpu.memory_space<vmem_shared>>) offsets(%arg8 : memref<80xi32, #tpu.memory_space<vmem>>) semaphore(%run_scoped3A : memref<!tpu.dma_semaphore, #tpu.memory_space<semaphore_mem>>) {add = true}
        %dma_wait3A = arith.constant 0 : i32
        %dma_wait3A_386 = tpu.memref_slice %arg7[%dma_wait3A] : memref<10240xf32, #tpu.memory_space<vmem_shared>> -> memref<10240xf32, #tpu.memory_space<vmem_shared>>
        tpu.wait_indirect_dma semaphore(%run_scoped3A : memref<!tpu.dma_semaphore, #tpu.memory_space<semaphore_mem>>) src(%arg10 : memref<80xf32, #tpu.memory_space<vmem>>) dst(%dma_wait3A_386 : memref<10240xf32, #tpu.memory_space<vmem_shared>>)
        tpu.yield
      }) : () -> ()
    }
    %scan3A_250 = arith.constant 125 : i32
    %barrier3A_251 = arith.constant 0 : index
    tpu.barrier barrier_id(%barrier3A_251)
    "tpu.region"() ({
      %run_scoped3A = tpu.sem_alloc : memref<!tpu.dma_semaphore, #tpu.memory_space<semaphore_mem>>
      %dma_start3A = tpu.memref_slice %arg7[%mul3A_0] : memref<10240xf32, #tpu.memory_space<vmem_shared>> -> memref<640xf32, #tpu.memory_space<vmem_shared>>
      %dma_start3A_255 = tpu.memref_slice %arg7[%mul3A_0] : memref<10240xf32, #tpu.memory_space<vmem_shared>> -> memref<640xf32, #tpu.memory_space<vmem_shared>>
      tpu.enqueue_dma source(%dma_start3A_255 : memref<640xf32, #tpu.memory_space<vmem_shared>>) target(%arg14 : memref<640xf32, #tpu.memory_space<vmem>>) target_semaphore(%run_scoped3A : memref<!tpu.dma_semaphore, #tpu.memory_space<semaphore_mem>>)
      %dma_wait3A = tpu.memref_slice %arg7[%mul3A_0] : memref<10240xf32, #tpu.memory_space<vmem_shared>> -> memref<640xf32, #tpu.memory_space<vmem_shared>>
      %dma_wait3A_256 = tpu.memref_slice %arg7[%mul3A_0] : memref<10240xf32, #tpu.memory_space<vmem_shared>> -> memref<640xf32, #tpu.memory_space<vmem_shared>>
      tpu.wait_dma2 semaphore(%run_scoped3A : memref<!tpu.dma_semaphore, #tpu.memory_space<semaphore_mem>>) src(%dma_wait3A_256 : memref<640xf32, #tpu.memory_space<vmem_shared>>) dst(%arg14 : memref<640xf32, #tpu.memory_space<vmem>>)
      tpu.yield
    }) : () -> ()
    %mul3A_252 = arith.constant 10240 : i32
    %mul3A_253 = arith.muli %arg0, %mul3A_252 : i32
    %add3A_254 = arith.addi %mul3A_253, %mul3A_0 : i32
    "tpu.region"() ({
      %run_scoped3A = tpu.sem_alloc : memref<!tpu.dma_semaphore, #tpu.memory_space<semaphore_mem>>
      %dma_start3A = tpu.memref_slice %arg4[%add3A_254] : memref<20480xf32, #tpu.memory_space<hbm>> -> memref<640xf32, #tpu.memory_space<hbm>>
      %dma_start3A_255 = tpu.memref_slice %arg4[%add3A_254] : memref<20480xf32, #tpu.memory_space<hbm>> -> memref<640xf32, #tpu.memory_space<hbm>>
      tpu.enqueue_dma source(%arg14 : memref<640xf32, #tpu.memory_space<vmem>>) target(%dma_start3A_255 : memref<640xf32, #tpu.memory_space<hbm>>) target_semaphore(%run_scoped3A : memref<!tpu.dma_semaphore, #tpu.memory_space<semaphore_mem>>)
      %dma_wait3A = tpu.memref_slice %arg4[%add3A_254] : memref<20480xf32, #tpu.memory_space<hbm>> -> memref<640xf32, #tpu.memory_space<hbm>>
      %dma_wait3A_256 = tpu.memref_slice %arg4[%add3A_254] : memref<20480xf32, #tpu.memory_space<hbm>> -> memref<640xf32, #tpu.memory_space<hbm>>
      tpu.wait_dma2 semaphore(%run_scoped3A : memref<!tpu.dma_semaphore, #tpu.memory_space<semaphore_mem>>) src(%arg14 : memref<640xf32, #tpu.memory_space<vmem>>) dst(%dma_wait3A_256 : memref<640xf32, #tpu.memory_space<hbm>>)
      tpu.yield
    }) : () -> ()
    return
  }
}

module attributes {stable_mosaic.version = 14 : i64} {
  func.func @_tca_body(%arg0: i32, %arg1: memref<1024x128xf32, #tpu.memory_space<vmem>>, %arg2: memref<128x64xf32, #tpu.memory_space<vmem>>, %arg3: memref<2x1024x32xf32, #tpu.memory_space<vmem>>) attributes {dimension_semantics = [#tpu.dimension_semantics<arbitrary>], iteration_bounds = array<i64: 10>, scalar_prefetch = 0 : i64, scratch_operands = 0 : i64, tpu.core_type = #tpu.core_type<tc>, window_params = [{transform_indices = @transform_0, window_bounds = array<i64: 1024, 128>}, {pipeline_mode = #tpu.pipeline_mode<synchronous>, transform_indices = @transform_1, window_bounds = array<i64: 128, 64>}, {transform_indices = @transform_2, window_bounds = array<i64: 2, 1024, 32>}]} {
    %get3A = arith.constant 0 : index
    %get3A_0 = arith.constant 0 : index
    %get3A_1 = vector.load %arg1[%get3A, %get3A_0] : memref<1024x128xf32, #tpu.memory_space<vmem>>, vector<1024x128xf32>
    %get3A_2 = arith.constant 0 : index
    %get3A_3 = arith.constant 0 : index
    %get3A_4 = vector.load %arg2[%get3A_2, %get3A_3] : memref<128x64xf32, #tpu.memory_space<vmem>>, vector<128x64xf32>
    %dot_general3A = arith.constant dense<0.000000e+00> : vector<1024x64xf32>
    %dot_general3A_5 = tpu.matmul %get3A_1, %get3A_4, %dot_general3A {dimension_numbers = #tpu.dot_dimension_numbers<[1], [0], [0], [1], [0, 0, 1, 1], [], []>, transpose_lhs_hint = false} : vector<1024x128xf32>, vector<128x64xf32>, vector<1024x64xf32> -> vector<1024x64xf32>
    %max3A = arith.constant 0.000000e+00 : f32
    %max3A_6 = vector.broadcast %max3A : f32 to vector<1024x64xf32>
    %max3A_7 = arith.maximumf %dot_general3A_5, %max3A_6 : vector<1024x64xf32>
    %slice3A = vector.extract_strided_slice %max3A_7 {offsets = [0, 0], sizes = [1024, 32], strides = [1, 1]} : vector<1024x64xf32> to vector<1024x32xf32>
    %swap3A = arith.constant 0 : index
    %swap3A_8 = arith.constant 0 : index
    %swap3A_9 = arith.constant 0 : index
    %swap3A_10 = vector.load %arg3[%swap3A, %swap3A_8, %swap3A_9] : memref<2x1024x32xf32, #tpu.memory_space<vmem>>, vector<1x1024x32xf32>
    %swap3A_11 = vector.shape_cast %swap3A_10 : vector<1x1024x32xf32> to vector<1024x32xf32>
    %swap3A_12 = vector.shape_cast %slice3A : vector<1024x32xf32> to vector<1x1024x32xf32>
    tpu.vector_store %arg3[%swap3A, %swap3A_8, %swap3A_9], %swap3A_12 {strides = array<i32>} : memref<2x1024x32xf32, #tpu.memory_space<vmem>>, vector<1x1024x32xf32>,
    %slice3A_13 = vector.extract_strided_slice %max3A_7 {offsets = [0, 32], sizes = [1024, 32], strides = [1, 1]} : vector<1024x64xf32> to vector<1024x32xf32>
    %swap3A_14 = arith.constant 1 : index
    %swap3A_15 = arith.constant 0 : index
    %swap3A_16 = arith.constant 0 : index
    %swap3A_17 = vector.load %arg3[%swap3A_14, %swap3A_15, %swap3A_16] : memref<2x1024x32xf32, #tpu.memory_space<vmem>>, vector<1x1024x32xf32>
    %swap3A_18 = vector.shape_cast %swap3A_17 : vector<1x1024x32xf32> to vector<1024x32xf32>
    %swap3A_19 = vector.shape_cast %slice3A_13 : vector<1024x32xf32> to vector<1x1024x32xf32>
    tpu.vector_store %arg3[%swap3A_14, %swap3A_15, %swap3A_16], %swap3A_19 {strides = array<i32>} : memref<2x1024x32xf32, #tpu.memory_space<vmem>>, vector<1x1024x32xf32>,
    return
  }
  func.func @transform_0(%arg0: i32) -> (i32, i32) {
    %c0_i32 = arith.constant 0 : i32
    %c0_i32_0 = arith.constant 0 : i32
    return %arg0, %c0_i32 : i32, i32
  }
  func.func @transform_1(%arg0: i32) -> (i32, i32) {
    %c0_i32 = arith.constant 0 : i32
    %c0_i32_0 = arith.constant 0 : i32
    %c0_i32_1 = arith.constant 0 : i32
    return %c0_i32, %c0_i32_0 : i32, i32
  }
  func.func @transform_2(%arg0: i32) -> (i32, i32, i32) {
    %c0_i32 = arith.constant 0 : i32
    %c0_i32_0 = arith.constant 0 : i32
    %c0_i32_1 = arith.constant 0 : i32
    return %c0_i32, %arg0, %c0_i32_0 : i32, i32, i32
  }
}

module attributes {stable_mosaic.version = 14 : i64} {
  func.func @_tcb_body(%arg0: i32, %arg1: memref<1024x32xf32, #tpu.memory_space<vmem>>, %arg2: memref<1024x32xf32, #tpu.memory_space<vmem>>, %arg3: memref<64x64xf32, #tpu.memory_space<vmem>>, %arg4: memref<1024x64xf32, #tpu.memory_space<vmem>>) attributes {dimension_semantics = [#tpu.dimension_semantics<arbitrary>], iteration_bounds = array<i64: 10>, scalar_prefetch = 0 : i64, scratch_operands = 0 : i64, tpu.core_type = #tpu.core_type<tc>, window_params = [{transform_indices = @transform_0, window_bounds = array<i64: 1024, 32>}, {transform_indices = @transform_1, window_bounds = array<i64: 1024, 32>}, {pipeline_mode = #tpu.pipeline_mode<synchronous>, transform_indices = @transform_2, window_bounds = array<i64: 64, 64>}, {transform_indices = @transform_3, window_bounds = array<i64: 1024, 64>}]} {
    %get3A = arith.constant 0 : index
    %get3A_0 = arith.constant 0 : index
    %get3A_1 = vector.load %arg1[%get3A, %get3A_0] : memref<1024x32xf32, #tpu.memory_space<vmem>>, vector<1024x32xf32>
    %get3A_2 = arith.constant 0 : index
    %get3A_3 = arith.constant 0 : index
    %get3A_4 = vector.load %arg2[%get3A_2, %get3A_3] : memref<1024x32xf32, #tpu.memory_space<vmem>>, vector<1024x32xf32>
    %concatenate3A = tpu.concatenate %get3A_1, %get3A_4 in 1 : vector<1024x32xf32>, vector<1024x32xf32> -> vector<1024x64xf32>
    %get3A_5 = arith.constant 0 : index
    %get3A_6 = arith.constant 0 : index
    %get3A_7 = vector.load %arg3[%get3A_5, %get3A_6] : memref<64x64xf32, #tpu.memory_space<vmem>>, vector<64x64xf32>
    %dot_general3A = arith.constant dense<0.000000e+00> : vector<1024x64xf32>
    %dot_general3A_8 = tpu.matmul %concatenate3A, %get3A_7, %dot_general3A {dimension_numbers = #tpu.dot_dimension_numbers<[1], [0], [0], [1], [0, 0, 1, 1], [], []>, transpose_lhs_hint = false} : vector<1024x64xf32>, vector<64x64xf32>, vector<1024x64xf32> -> vector<1024x64xf32>
    %swap3A = arith.constant 0 : index
    %swap3A_9 = arith.constant 0 : index
    %swap3A_10 = vector.load %arg4[%swap3A, %swap3A_9] : memref<1024x64xf32, #tpu.memory_space<vmem>>, vector<1024x64xf32>
    tpu.vector_store %arg4[%swap3A, %swap3A_9], %dot_general3A_8 {strides = array<i32>} : memref<1024x64xf32, #tpu.memory_space<vmem>>, vector<1024x64xf32>,
    return
  }
  func.func @transform_0(%arg0: i32) -> (i32, i32) {
    %c0_i32 = arith.constant 0 : i32
    %c0_i32_0 = arith.constant 0 : i32
    return %arg0, %c0_i32 : i32, i32
  }
  func.func @transform_1(%arg0: i32) -> (i32, i32) {
    %add3A = arith.constant 10 : i32
    %add3A_0 = arith.addi %add3A, %arg0 : i32
    %c0_i32 = arith.constant 0 : i32
    %c0_i32_1 = arith.constant 0 : i32
    return %add3A_0, %c0_i32 : i32, i32
  }
  func.func @transform_2(%arg0: i32) -> (i32, i32) {
    %c0_i32 = arith.constant 0 : i32
    %c0_i32_0 = arith.constant 0 : i32
    %c0_i32_1 = arith.constant 0 : i32
    return %c0_i32, %c0_i32_0 : i32, i32
  }
  func.func @transform_3(%arg0: i32) -> (i32, i32) {
    %c0_i32 = arith.constant 0 : i32
    %c0_i32_0 = arith.constant 0 : i32
    return %arg0, %c0_i32 : i32, i32
  }
}

</mosaic_0001>

<sc_bundles>
// kernel: kernel.6.cloned.1.call-start
scs
__scs_entry_jumppad:
0x0: {  	(pc) =	sbr.rel $0x88, $3  }
0x1: {  	(tag) =	ssettag $0x0;
	lr =	simm.s32 $0x1  }
0x2: {  	[smem:$0x3F9C] =	sst lr;
	_ =	strace $0xD0000000  }
0x3: {  	_ = 	snop  }
0x4: {  	_ = 	snop  }
0x5: {  	_ = 	snop  }
0x6: {  	_ = 	snop  }
0x7: {  	_ = 	snop  }
__scs_overlays_trampoline_lowered:
0x8: {  	[smem:$0x3FAB] =	sst s0  }
0x9: {  	[smem:$0x3FAC] =	sst s1  }
0xa: {  	[smem:$0x3FAD] =	sst s2  }
0xb: {  	[smem:$0x3FAE] =	sst s3  }
0xc: {  	[smem:$0x3FAF] =	sst s4  }
0xd: {  	[smem:$0x3FB0] =	sst s5  }
0xe: {  	[smem:$0x3FB1] =	sst s6  }
0xf: {  	[smem:$0x3FB2] =	sst s7  }
0x10: {  	[smem:$0x3FB3] =	sst s8  }
0x11: {  	[smem:$0x3FB4] =	sst s9;
	s0 =	simm.s32 @!p0 $0x0  }
0x12: {  	s1 =	sld [smem:$0x3F9A];
	s0 =	simm.s32 @p0 $0x1  }
0x13: {  	[smem:$0x3FB5] =	sst s0;
	s0 =	simm.s32 @!p1 $0x0  }
0x14: {  	s2 =	sld [smem:$0x3F99];
	s0 =	simm.s32 @p1 $0x1  }
0x15: {  	[smem:$0x3FB6] =	sst s0;
	s0 =	simm.s32 @!p2 $0x0  }
0x16: {  	s3 =	sld [smem:$0x3FDB];
	s0 =	simm.s32 @p2 $0x1  }
0x17: {  	s4 =	simm.s32 $0x1BF5;
	[smem:$0x3FB8] =	sst s0  }
0x18: {  	s0 =	sld [smem:$0x3F9B];
	_ =	swait.ge [sflag:s4], $0x0  }
0x19: {  	s7 =	sld [smem:$0x3F9C]  }
0x1a: {  	s8 =	sadd.s32 $0xFFFFE003, lr  }
0x1b: {  	s9 =	sadd.s32 $0xFFFFFEF7, lr;
	s5 =	simm.s32 $0xFFFFFFFF;
	p2 =	slt.u32 s8, $0xFFFFF086  }
0x1c: {  	p1 =	slt.u32 s9, $0xF7A;
	s5 =	simm.s32 @!p2 $0x0  }
0x1d: {  	s5 =	simm.s32 @p1 $0x1;
	p0 =	seq.s32 s7, s2  }
0x1e: {  	s7 =	smul.u32 @!p0 $0xF7A, s2;
	p2 =	seq.s32 @!p0 s5, $0x0  }
0x1f: {  	s9 =	smul.u32 $0xF7A, s1;
	s8 =	simm.s32 @!p0 $0x1BF5;
	p2 =	por !p2, p0  }
0x20: {  	[sflag:s8] =	ssyncset.s32 @!p0 $0xFFFFF086;
	s6 =	sadd.s32 @!p0 s3, s7;
	s7 =	simm.s32 @!p0 $0x108  }
0x21: {  	s3 =	sadd.s32 s3, s9;
	s6 =	sadd.s32 @!p0 $0x88, s6;
	s7 =	simm.s32 @p2 $0x1082  }
0x22: {  	[simem:s7], [sflag:s8] =	dma.local @!p0 [hbm:s6], $0xF7A  }
0x23: {  	s9 =	sor.u32 $0xD0000000, s2;
	s6 =	simm.s32 $0x108;
	_ =	swait.ge @!p0 [sflag:s8], $0x0  }
0x24: {  	s3 =	sadd.s32 $0x88, s3;
	s6 =	simm.s32 @!p1 $0x1082;
	[sflag:s4] =	ssyncset.s32 $0xFFFFF086  }
0x25: {  	[simem:s6], [sflag:s4] =	dma.local [hbm:s3], $0xF7A  }
0x26: {  	[smem:$0x3F9C] =	sst s1;
	(tag) =	ssettag s2;
	_ =	strace s9  }
0x27: {  	s1 =	sld [smem:$0x3FAC]  }
0x28: {  	s2 =	sld [smem:$0x3FAD]  }
0x29: {  	s4 =	sld [smem:$0x3FAF]  }
0x2a: {  	p0 =	seq.s32 s5, $0x0;
	s5 =	sld [smem:$0x3FB0]  }
0x2b: {  	s6 =	sld [smem:$0x3FB1]  }
0x2c: {  	s7 =	sld [smem:$0x3FB2]  }
0x2d: {  	s3 =	simm.s32 $0x108;
	s8 =	sld [smem:$0x3FB3]  }
0x2e: {  	s3 =	simm.s32 @!p0 $0x1082;
	s9 =	sld [smem:$0x3FB4]  }
0x2f: {  	lr =	sadd.s32 s0, s3;
	s0 =	sld [smem:$0x3FAB]  }
0x30: {  	s3 =	sld [smem:$0x3FAE]  }
0x31: {  	[smem:$0x3FB7] =	sst s10  }
0x32: {  	s10 =	sld [smem:$0x3FB5];
	_ =	sdelay $0x3  }
0x33: {  	p0 =	seq.s32 s10, $0x1;
	s10 =	sld [smem:$0x3FB7];
	_ =	sdelay $0x3  }
0x34: {  	[smem:$0x3FB7] =	sst s10  }
0x35: {  	s10 =	sld [smem:$0x3FB6];
	_ =	sdelay $0x3  }
0x36: {  	p1 =	seq.s32 s10, $0x1;
	s10 =	sld [smem:$0x3FB7];
	_ =	sdelay $0x3  }
0x37: {  	[smem:$0x3FB7] =	sst s10  }
0x38: {  	s10 =	sld [smem:$0x3FB8]  }
0x39: {  	_ = 	snop;
	(pc) =	sbr.ind lr, $3  }
0x3a: {  	_ = 	snop  }
0x3b: {  	_ = 	snop  }
0x3c: {  	p2 =	seq.s32 s10, $0x1;
	s10 =	sld [smem:$0x3FB7]  }
0x3d: {  	_ =	shalt  }
0x3e: {  	_ =	shalt  }
0x3f: {  	_ =	shalt  }
0x40: {  	_ =	shalt  }
0x41: {  	_ =	shalt  }
0x42: {  	_ =	shalt  }
0x43: {  	_ =	shalt  }
0x44: {  	_ =	shalt  }
0x45: {  	_ =	shalt  }
0x46: {  	_ =	shalt  }
0x47: {  	_ =	shalt  }
0x48: {  	_ =	shalt  }
0x49: {  	_ =	shalt  }
0x4a: {  	_ =	shalt  }
0x4b: {  	_ =	shalt  }
0x4c: {  	_ =	shalt  }
0x4d: {  	_ =	shalt  }
0x4e: {  	_ =	shalt  }
0x4f: {  	_ =	shalt  }
0x50: {  	_ =	shalt  }
0x51: {  	_ =	shalt  }
0x52: {  	_ =	shalt  }
0x53: {  	_ =	shalt  }
0x54: {  	_ =	shalt  }
0x55: {  	_ =	shalt  }
0x56: {  	_ =	shalt  }
0x57: {  	_ =	shalt  }
0x58: {  	_ =	shalt  }
0x59: {  	_ =	shalt  }
0x5a: {  	_ =	shalt  }
0x5b: {  	_ =	shalt  }
0x5c: {  	_ =	shalt  }
0x5d: {  	_ =	shalt  }
0x5e: {  	_ =	shalt  }
0x5f: {  	_ =	shalt  }
0x60: {  	_ =	shalt  }
0x61: {  	_ =	shalt  }
0x62: {  	_ =	shalt  }
0x63: {  	_ =	shalt  }
0x64: {  	_ =	shalt  }
0x65: {  	_ =	shalt  }
0x66: {  	_ =	shalt  }
0x67: {  	_ =	shalt  }
0x68: {  	_ =	shalt  }
0x69: {  	_ =	shalt  }
0x6a: {  	_ =	shalt  }
0x6b: {  	_ =	shalt  }
0x6c: {  	_ =	shalt  }
0x6d: {  	_ =	shalt  }
0x6e: {  	_ =	shalt  }
0x6f: {  	_ =	shalt  }
0x70: {  	_ =	shalt  }
0x71: {  	_ =	shalt  }
0x72: {  	_ =	shalt  }
0x73: {  	_ =	shalt  }
0x74: {  	_ =	shalt  }
0x75: {  	_ =	shalt  }
0x76: {  	_ =	shalt  }
0x77: {  	_ =	shalt  }
0x78: {  	_ =	shalt  }
0x79: {  	_ =	shalt  }
0x7a: {  	_ =	shalt  }
0x7b: {  	_ =	shalt  }
0x7c: {  	_ =	shalt  }
0x7d: {  	_ =	shalt  }
0x7e: {  	_ =	shalt  }
0x7f: {  	_ =	shalt  }
0x80: {  	_ =	shalt  }
0x81: {  	_ =	shalt  }
0x82: {  	_ =	shalt  }
0x83: {  	_ =	shalt  }
0x84: {  	_ =	shalt  }
0x85: {  	_ =	shalt  }
0x86: {  	_ =	shalt  }
0x87: {  	_ =	shalt  }
.Lfunc_end0:
.L_simem_size_0:
called_computation_lowered:
.L_overlay_start_0:
0x88: {  	s2 =	sld [smem:$0x3FD9]  }
0x89: {  	s3 =	sld [smem:$0x3FFE];
	_ =	sdelay $0x1  }
0x8a: {  	s1 =	srdreg.scid  }
0x8b: {  	s0 =	sand.u32 $0x1, s1  }
0x8c: {  	s17 =	sshll.u32 s0, $0xA;
	s2 =	sadd.s32 s3, s2  }
0x8d: {  	s2 =	sadd.s32 s2, s17  }
0x8e: {  	[smem:$0x3FC3] =	sst s2  }
0x8f: {  	_ = 	snop  }
0x90: {  	s2 =	sld [smem:$0x3FD0];
	(tm) =	ssettm $0x1  }
0x91: {  	s18 =	sld [smem:$0x3FFB];
	_ =	sdelay $0x3  }
0x92: {  	_ =	strace s18  }
0x93: {  	s3 =	sld [smem:$0x3FFC];
	_ =	sdelay $0x3  }
0x94: {  	_ =	strace s3  }
0x95: {  	s3 =	sld [smem:$0x3FFD];
	_ =	sdelay $0x3  }
0x96: {  	_ =	strace s3  }
0x97: {  	_ =	strace $0x8FFFFFFF  }
0x98: {  	s19 =	sld [smem:$0x3FDB];
	_ =	sdelay $0x1  }
0x99: {  	s4 =	simm.s32 $_scs_section_size  }
0x9a: {  	s5 =	simm.s32 $_size__tile_overlayer_lowered;
	s6 =	simm.s32 $_tile_overlayer_lowered  }
0x9b: {  	s22 =	simm.s32 $0x1BFF;
	s21 =	sshll.u32 s6, $0x1;
	s3 =	sadd.s32 s4, s19  }
0x9c: {  	s7 =	simm.s32 $0x0;
	s20 =	sshll.u32 s5, $0x1;
	s5 =	sadd.s32 s21, s3  }
0x9d: {  	[timem:s7], [sflag:s22] =	dma.local [hbm:s5], s20  }
0x9e: {  	_ =	swait.ge [sflag:s22], s20  }
0x9f: {  	s4 =	ssub.s32 $0x0, s20;
	[sflag:s22] =	ssyncset.done $0x0  }
0xa0: {  	[sflag:s22] =	ssyncadd.s32 s4;
	_ =	sdelay $0x1  }
0xa1: {  	s23 =	simm.s32 $0x1B8B  }
0xa2: {  	_ =	swait.ge [sflag:s23], $0x1  }
0xa3: {  	[sflag:s23] =	ssyncset.done $0x0  }
0xa4: {  	s25 =	simm.s32 $0x1B8E;
	s24 =	sld [smem:$0x3FFE];
	[sflag:s23] =	ssyncadd.s32 $0xFFFFFFFF  }
0xa5: {  	s26 =	simm.s32 $execute0_lowered;
	[smem:$0x3FD2] =	sst s25  }
0xa6: {  	s5 =	sshll.u32 s26, $0x1;
	_ =	strace $0x80000046;
	[dreg:$0x1] =	wrdreg $0xFFFFFFFF  }
0xa7: {  	s28 =	simm.s32 $_size_execute0_lowered;
	s3 =	sadd.s32 s3, s5;
	[dreg:$0x0] =	wrdreg $0x0  }
0xa8: {  	s5 =	sshll.u32 s28, $0x1;
	[dreg:$0x2] =	wrdreg s3  }
0xa9: {  	[dreg:$0x3] =	wrdreg s5  }
0xaa: {  	[dreg:$0x4] =	wrdreg $0xC0  }
0xab: {  	_ =	task [dreg:s7], $0x5FFFF  }
0xac: {  	[dreg:$0x1] =	wrdreg $0xFFFFFFFF  }
0xad: {  	[dreg:$0x0] =	wrdreg $0x60  }
0xae: {  	[dreg:$0x2] =	wrdreg s24  }
0xaf: {  	[dreg:$0x3] =	wrdreg s2  }
0xb0: {  	[dreg:$0x4] =	wrdreg $0x0  }
0xb1: {  	[dreg:$0x5] =	wrdreg $0x9  }
0xb2: {  	_ =	task.clear_ibuf [dreg:s7], $0x6FFFF;
	_ =	strace $0x90000046  }
0xb3: {  	s29 =	simm.s32 $0x9;
	_ =	strace $0x80000048  }
0xb4: {  	_ =	swait.ge [sflag:s29], $0x1  }
0xb5: {  	[sflag:s29] =	ssyncadd.s32 $0xFFFFFFFF  }
0xb6: {  	_ =	strace $0x90000048  }
0xb7: {  	_ =	sfence  }
0xb8: {  	s30 =	sld [smem:$0x0];
	_ =	sdelay $0x2  }
0xb9: {  	s31 =	sshll.u32 s1, $0xD;
	s1 =	sshrl.u32 s1, $0x2  }
0xba: {  	s3 =	sand.u32 $0x4000, s31;
	s1 =	sadd.s32 s1, s30  }
0xbb: {  	s0 =	sor.u32 s3, s0;
	s1 =	sshll.u32 s1, $0x11  }
0xbc: {  	s0 =	sor.u32 s1, s0  }
0xbd: {  	s0 =	sadd.s32 $0x8F2B, s0  }
0xbe: {  	[sflag:s0] =	ssyncadd.remote.s32 $0x1  }
0xbf: {  	_ =	sfence.sel $0xFFFF  }
0xc0: {  	[dreg:$0x0] =	wrdreg $0xFFFFFFFF;
	(pc) =	sbr.abs _section_cstart, $3  }
0xc1: {  	[dreg:$0x1] =	wrdreg $0xFFFFFFFF  }
0xc2: {  	_ =	task.clear_ibuf [dreg:s7], $0x2FFFF;
	_ =	strace $0x9FFFFFFF  }
0xc3: {  	(tm) =	ssettm $0x7FFFFFFF  }
tec
execute0_lowered:
.L_overlay_start_1:
0x0: {  	(tag) =	ssettag $0x1  }
0x1: {  	s4 =	rddreg [dreg:$0x0]  }
0x2: {  	s9 =	rddreg [dreg:$0x1]  }
0x3: {  	s0 =	srdreg.scid;
	s2 =	rddreg [dreg:$0x2]  }
0x4: {  	s1 =	rddreg [dreg:$0x3];
	s3 =	simm.s32 $0x0;
	s12 =	simm.s32 $0x1  }
0x5: {  	s13 =	simm.s32 $0x280;
	s14 =	simm.s32 $0x2D0;
	s5 =	sand.u32 $0x1, s0  }
0x6: {  	s15 =	simm.s32 $0x370;
	s0 =	stileid.u32;
	s6 =	smul.u32 $0x27100, s5  }
0x7: {  	s16 =	simm.s32 $0x3C0;
	s17 =	simm.s32 $0x50;
	s7 =	smul.u32 $0x2710, s0  }
0x8: {  	s18 =	simm.s32 $0x320;
	s19 =	simm.s32 $0x690;
	s8 =	smul.u32 $0x280, s0  }
0x9: {  	s20 =	simm.s32 $0x0;
	[smem:$0x7FF] =	sst s3;
	s10 =	smul.u32 $0x2800, s5  }
0xa: {  	_ =	strace $0x80000047;
	s5 =	ssub.s32 $0x2, s5;
	s6 =	sadd.s32 s7, s6  }
0xb: {  	s30 =	sshrl.u32 s5, $0x1;
	s26 =	sadd.s32 s8, s10;
	s28 =	sshrl.u32 s6, $0x3  }
0xc: {  	s31 =	ssub.s32 s5, s30;
	s29 =	sshrl.u32 s26, $0x3;
	s11 =	sadd.s32 s28, s4  }
0xd: {  	s6 =	sadd.s32 s29, s4;
	s4 =	sadd.s32 s8, s2;
	s9 =	sadd.s32 s28, s9  }
0xe: {  	s5 =	sadd.s32 $0xB000, s6;
	s6 =	smax.u32 s31, $0x1;
	s7 =	sadd.s32 $0x15800, s11  }
0xf: {  	v0 =	vimm.f32 $0.0e+00;
	v1 =	vimm.f32 $1.000000000e+00;
	s8 =	sadd.s32 $0xBA00, s11;
	s10 =	sadd.s32 $0x1200, s11;
	s11 =	simm.s32 $0x410  }
.LBB2_1:
0x10: {  	[tilespmem:$0x410] =	vst v0  }
0x11: {  	[tilespmem:$0x420] =	vst v0  }
0x12: {  	[tilespmem:$0x430] =	vst v0  }
0x13: {  	[tilespmem:$0x440] =	vst v0  }
0x14: {  	[tilespmem:$0x450] =	vst v0  }
0x15: {  	[tilespmem:$0x460] =	vst v0  }
0x16: {  	[tilespmem:$0x470] =	vst v0  }
0x17: {  	[tilespmem:$0x480] =	vst v0  }
0x18: {  	[tilespmem:$0x490] =	vst v0  }
0x19: {  	[tilespmem:$0x4A0] =	vst v0  }
0x1a: {  	[tilespmem:$0x4B0] =	vst v0  }
0x1b: {  	[tilespmem:$0x4C0] =	vst v0  }
0x1c: {  	[tilespmem:$0x4D0] =	vst v0  }
0x1d: {  	[tilespmem:$0x4E0] =	vst v0  }
0x1e: {  	[tilespmem:$0x4F0] =	vst v0  }
0x1f: {  	[tilespmem:$0x500] =	vst v0  }
0x20: {  	[tilespmem:$0x510] =	vst v0  }
0x21: {  	[tilespmem:$0x520] =	vst v0  }
0x22: {  	[tilespmem:$0x530] =	vst v0  }
0x23: {  	[tilespmem:$0x540] =	vst v0  }
0x24: {  	[tilespmem:$0x550] =	vst v0  }
0x25: {  	[tilespmem:$0x560] =	vst v0  }
0x26: {  	[tilespmem:$0x570] =	vst v0  }
0x27: {  	[tilespmem:$0x580] =	vst v0  }
0x28: {  	[tilespmem:$0x590] =	vst v0  }
0x29: {  	[tilespmem:$0x5A0] =	vst v0  }
0x2a: {  	[tilespmem:$0x5B0] =	vst v0  }
0x2b: {  	[tilespmem:$0x5C0] =	vst v0  }
0x2c: {  	[tilespmem:$0x5D0] =	vst v0  }
0x2d: {  	[tilespmem:$0x5E0] =	vst v0  }
0x2e: {  	[tilespmem:$0x5F0] =	vst v0  }
0x2f: {  	[tilespmem:$0x600] =	vst v0  }
0x30: {  	[tilespmem:$0x610] =	vst v0  }
0x31: {  	[tilespmem:$0x620] =	vst v0  }
0x32: {  	[tilespmem:$0x630] =	vst v0  }
0x33: {  	[tilespmem:$0x640] =	vst v0  }
0x34: {  	[tilespmem:$0x650] =	vst v0  }
0x35: {  	[tilespmem:$0x660] =	vst v0  }
0x36: {  	[tilespmem:$0x670] =	vst v0  }
0x37: {  	[tilespmem:$0x680] =	vst v0  }
0x38: {  	[spmem:s4] =	stream.linear.scatter [tilespmem:s11], [sflag:$0x1], $0x280, $0x38;
	[tilespmem:$0x910] =	vst v63  }
0x39: {  	_ =	swait.ge [sflag:s12], $0x280  }
0x3a: {  	[sflag:s12] =	ssyncset.done $0x0  }
0x3b: {  	[sflag:s12] =	ssyncadd.s32 $0xFFFFFD80  }
0x3c: {  	s21 =	sadd.s32 $0x0, s10;
	[bflag:$0x0] =	sbarrier.arrive $0xFFFF  }
0x3d: {  	[tilespmem:s13], [sflag:$0x1] =	stream.linear.gather [hbm4b:s21+s3], $0x50, $0x38;
	[tilespmem:$0x910] =	vst v63  }
0x3e: {  	_ =	swait.ge [sflag:s12], $0x50  }
0x3f: {  	[sflag:s12] =	ssyncset.done $0x0  }
0x40: {  	s31 =	sadd.s32 $0x0, s9;
	[sflag:s12] =	ssyncadd.s32 $0xFFFFFFB0  }
0x41: {  	[tilespmem:s14], [sflag:$0x1] =	stream.linear.gather [hbm4b:s31+s3], $0x50, $0x38;
	[tilespmem:$0x910] =	vst v63  }
0x42: {  	_ =	swait.ge [sflag:s12], $0x50  }
0x43: {  	[sflag:s12] =	ssyncset.done $0x0  }
0x44: {  	[sflag:s12] =	ssyncadd.s32 $0xFFFFFFB0  }
0x45: {  	v2 =	vld [tilespmem:$0x300]  }
0x46: {  	v5 =	vld [tilespmem:$0x2B0]  }
0x47: {  	v4 =	vld [tilespmem:$0x2A0]  }
0x48: {  	s22 =	simm.s32 $0xA;
	s21 =	simm.s32 $0x0;
	v3 =	vld [tilespmem:$0x2F0]  }
.LBB2_2:
0x49: {  	p0 =	sne.s32 s22, $0x4D8;
	s23 =	smov.u32 s22;
	s22 =	sadd.s32 $0xA, s22  }
0x4a: {  	v6 =	vld [tilespmem:$0x280]  }
0x4b: {  	v7 =	vld [tilespmem:$0x2D0];
	v8 =	vadd.s32 $0x2800, v5  }
0x4c: {  	vm0 =	veq.s32 v5, v2;
	v9 =	vadd.s32 $0x2800, v4;
	[tilespmem:$0x3F0] =	vst v8  }
0x4d: {  	v2 =	vsel vm0, $0x2710, v2;
	vm1 =	veq.s32 v4, v3;
	[tilespmem:$0x3E0] =	vst v9;
	v4 =	vsel vm0, $0x0, v1;
	v5 =	vld [tilespmem:$0x2C0]  }
0x4e: {  	v8 =	vsel vm1, $0x0, v1;
	v3 =	vsel vm1, $0x2710, v3;
	[tilespmem:$0x3A0] =	vst v2;
	v2 =	vld [tilespmem:$0x310]  }
0x4f: {  	[tilespmem:$0x350] =	vst v4  }
0x50: {  	vm0 =	veq.s32 v6, v7;
	v4 =	vld [tilespmem:$0x2E0];
	[tilespmem:$0x390] =	vst v3  }
0x51: {  	v6 =	vadd.s32 $0x2800, v6;
	v3 =	vsel vm0, $0x0, v1;
	v7 =	vsel vm0, $0x2710, v7;
	v9 =	vld [tilespmem:$0x290];
	[tilespmem:$0x340] =	vst v8  }
0x52: {  	[tilespmem:$0x320] =	vst v3;
	v3 =	vadd.s32 $0x2800, v5  }
0x53: {  	[tilespmem:$0x3C0] =	vst v6;
	vm0 =	veq.s32 v5, v2  }
0x54: {  	[tilespmem:$0x370] =	vst v7;
	v5 =	vsel vm0, $0x0, v1;
	v2 =	vsel vm0, $0x2710, v2  }
0x55: {  	[tilespmem:$0x400] =	vst v3  }
0x56: {  	vm0 =	veq.s32 v9, v4;
	v3 =	vadd.s32 $0x2800, v9;
	[tilespmem:$0x360] =	vst v5  }
0x57: {  	v5 =	vsel vm0, $0x0, v1;
	v4 =	vsel vm0, $0x2710, v4;
	[tilespmem:$0x3D0] =	vst v3  }
0x58: {  	[tilespmem:$0x3B0] =	vst v2  }
0x59: {  	[tilespmem:$0x380] =	vst v4  }
0x5a: {  	s24 =	sadd.s32 s21, s8;
	[tilespmem:$0x330] =	vst v5  }
0x5b: {  	[hbm4b:s24+s3] =	stream.linear.scatter [tilespmem:s15], [sflag:$0x1], $0x50, $0x38;
	[tilespmem:$0x910] =	vst v63  }
0x5c: {  	_ =	swait.ge [sflag:s12], $0x50  }
0x5d: {  	[sflag:s12] =	ssyncset.done $0x0  }
0x5e: {  	s24 =	sadd.s32 s21, s7;
	s21 =	smov.u32 s23;
	[sflag:s12] =	ssyncadd.s32 $0xFFFFFFB0  }
0x5f: {  	[hbm4b:s24+s3] =	stream.linear.scatter [tilespmem:s16], [sflag:$0x1], $0x50, $0x38;
	[tilespmem:$0x910] =	vst v63  }
0x60: {  	_ =	swait.ge [sflag:s12], $0x50  }
0x61: {  	[sflag:s12] =	ssyncset.done $0x0  }
0x62: {  	[sflag:s12] =	ssyncadd.s32 $0xFFFFFFB0  }
0x63: {  	[spmem:s2] =	stream.indirect.scatter.add.f32 [tilespmem:s18], [sflag:$0x1], $0x1, s13, s17, $0xb8;
	[tilespmem:$0x910] =	vst v63  }
0x64: {  	_ =	swait.ge [sflag:s12], $0x50  }
0x65: {  	[sflag:s12] =	ssyncset.done $0x0  }
0x66: {  	s23 =	sadd.s32 s21, s10;
	[sflag:s12] =	ssyncadd.s32 $0xFFFFFFB0  }
0x67: {  	[tilespmem:s13], [sflag:$0x1] =	stream.linear.gather [hbm4b:s23+s3], $0x50, $0x38;
	[tilespmem:$0x910] =	vst v63  }
0x68: {  	_ =	swait.ge [sflag:s12], $0x50  }
0x69: {  	[sflag:s12] =	ssyncset.done $0x0  }
0x6a: {  	s23 =	sadd.s32 s21, s9;
	[sflag:s12] =	ssyncadd.s32 $0xFFFFFFB0  }
0x6b: {  	[tilespmem:s14], [sflag:$0x1] =	stream.linear.gather [hbm4b:s23+s3], $0x50, $0x38;
	[tilespmem:$0x910] =	vst v63  }
0x6c: {  	_ =	swait.ge [sflag:s12], $0x50  }
0x6d: {  	[sflag:s12] =	ssyncset.done $0x0  }
.Ltmp0:
0x6e: {  	[sflag:s12] =	ssyncadd.s32 $0xFFFFFFB0;
	(pc) =	sbr.rel @p0 .LBB2_2-.Ltmp0, $4  }
0x6f: {  	v2 =	vld [tilespmem:$0x300]  }
0x70: {  	v5 =	vld [tilespmem:$0x2B0]  }
0x71: {  	v4 =	vld [tilespmem:$0x2A0]  }
0x72: {  	v3 =	vld [tilespmem:$0x2F0]  }
0x73: {  	_ =	sdelay $0x1  }
0x74: {  	v6 =	vld [tilespmem:$0x280];
	v8 =	vadd.s32 $0x2800, v5  }
0x75: {  	v7 =	vld [tilespmem:$0x2D0];
	vm0 =	veq.s32 v5, v2;
	v9 =	vadd.s32 $0x2800, v4;
	[tilespmem:$0x3F0] =	vst v8  }
0x76: {  	v58 =	vld [tilespmem:$0x2C0];
	v2 =	vsel vm0, $0x2710, v2;
	[tilespmem:$0x3E0] =	vst v9  }
0x77: {  	v60 =	vld [tilespmem:$0x290];
	v57 =	vsel vm0, $0x0, v1;
	vm1 =	veq.s32 v4, v3;
	[tilespmem:$0x3A0] =	vst v2  }
0x78: {  	[tilespmem:$0x350] =	vst v57;
	v2 =	vsel vm1, $0x2710, v3  }
0x79: {  	v3 =	vld [tilespmem:$0x310];
	v59 =	vsel vm1, $0x0, v1;
	[tilespmem:$0x390] =	vst v2  }
0x7a: {  	vm13 =	veq.s32 v6, v7;
	v6 =	vadd.s32 $0x2800, v6;
	[tilespmem:$0x340] =	vst v59  }
0x7b: {  	v61 =	vld [tilespmem:$0x2E0];
	v62 =	vadd.s32 $0x2800, v58;
	[tilespmem:$0x3C0] =	vst v6  }
0x7c: {  	v63 =	vadd.s32 $0x2800, v60;
	[tilespmem:$0x400] =	vst v62  }
0x7d: {  	v2 =	vsel vm13, $0x0, v1;
	[tilespmem:$0x3D0] =	vst v63  }
0x7e: {  	[tilespmem:$0x320] =	vst v2;
	v2 =	vsel vm13, $0x2710, v7;
	vm14 =	veq.s32 v58, v3  }
0x7f: {  	[tilespmem:$0x370] =	vst v2;
	v2 =	vsel vm14, $0x0, v1  }
0x80: {  	vm15 =	veq.s32 v60, v61;
	[tilespmem:$0x360] =	vst v2;
	v2 =	vsel vm14, $0x2710, v3  }
0x81: {  	v3 =	vsel vm15, $0x2710, v61;
	[tilespmem:$0x3B0] =	vst v2  }
0x82: {  	v2 =	vsel vm15, $0x0, v1;
	[tilespmem:$0x380] =	vst v3  }
0x83: {  	s22 =	sadd.s32 s21, s8;
	[tilespmem:$0x330] =	vst v2  }
0x84: {  	[hbm4b:s22+s3] =	stream.linear.scatter [tilespmem:s15], [sflag:$0x1], $0x50, $0x38;
	[tilespmem:$0x910] =	vst v63  }
0x85: {  	_ =	swait.ge [sflag:s12], $0x50  }
0x86: {  	[sflag:s12] =	ssyncset.done $0x0  }
0x87: {  	s31 =	sadd.s32 s21, s7;
	[sflag:s12] =	ssyncadd.s32 $0xFFFFFFB0  }
0x88: {  	[hbm4b:s31+s3] =	stream.linear.scatter [tilespmem:s16], [sflag:$0x1], $0x50, $0x38;
	[tilespmem:$0x910] =	vst v63  }
0x89: {  	_ =	swait.ge [sflag:s12], $0x50  }
0x8a: {  	[sflag:s12] =	ssyncset.done $0x0  }
0x8b: {  	[sflag:s12] =	ssyncadd.s32 $0xFFFFFFB0  }
0x8c: {  	[spmem:s2] =	stream.indirect.scatter.add.f32 [tilespmem:s18], [sflag:$0x1], $0x1, s13, s17, $0xb8;
	[tilespmem:$0x910] =	vst v63  }
0x8d: {  	_ =	swait.ge [sflag:s12], $0x50  }
0x8e: {  	[sflag:s12] =	ssyncset.done $0x0  }
0x8f: {  	[sflag:s12] =	ssyncadd.s32 $0xFFFFFFB0  }
0x90: {  	[bflag:$0x0] =	sbarrier.arrive $0xFFFF  }
0x91: {  	[tilespmem:s19], [sflag:$0x1] =	stream.linear.gather [spmem:s4], $0x280, $0x38;
	[tilespmem:$0x910] =	vst v63  }
0x92: {  	s20 =	sadd.s32 $0x1, s20;
	_ =	swait.ge [sflag:s12], $0x280  }
0x93: {  	p0 =	sne.s32 s20, s6;
	[sflag:s12] =	ssyncset.done $0x0  }
.Ltmp1:
0x94: {  	[sflag:s12] =	ssyncadd.s32 $0xFFFFFD80;
	(pc) =	sbr.rel @p0 .LBB2_1-.Ltmp1, $4  }
0x95: {  	[hbm4b:s5+s3] =	stream.linear.scatter [tilespmem:s19], [sflag:$0x1], $0x280, $0x38;
	[tilespmem:$0x910] =	vst v63  }
0x96: {  	_ =	swait.ge [sflag:s12], $0x280  }
0x97: {  	[sflag:s12] =	ssyncset.done $0x0  }
0x98: {  	[sflag:s12] =	ssyncadd.s32 $0xFFFFFD80  }
0x99: {  	_ =	sfence.sel $0x180000  }
0x9a: {  	[bflag:$0x0] =	sbarrier.arrive $0xFFFF  }
0x9b: {  	p0 =	sne.s32 s0, $0x0;
	_ =	strace $0x90000047  }
0x9c: {  	s0 =	sadd.s32 @!p0 $0x100000, s1;
	[bflag:$0x2] =	sbarrier.arrive $0xFFFF  }
0x9d: {  	[sflag:s0] =	ssyncadd.tile.s32 @!p0 $0x1;
	_ =	shalt  }
.Lfunc_end2:
_tile_overlayer_lowered:
.L_overlay_start_2:
0x9e: {  	(tag) =	ssettag $0x2  }
0x9f: {  	s0 =	rddreg [dreg:$0x0];
	s2 =	stileid.u32  }
0xa0: {  	s1 =	rddreg [dreg:$0x1];
	p0 =	sne.s32 s2, $0x0  }
0xa1: {  	s3 =	rddreg [dreg:$0x2];
	[bflag:$0x3] =	sbarrier.arrive $0xFFFF;
	s2 =	simm.s32 @!p0 $0x1C01  }
0xa2: {  	[timem:s3], [sflag:s2] =	dma.local @!p0 [hbm:s0], s1  }
0xa3: {  	s0 =	simm.s32 @!p0 $0x1  }
0xa4: {  	_ =	swait.ge @!p0 [sflag:s0], s1  }
0xa5: {  	s1 =	ssub.s32 @!p0 $0x0, s1;
	[sflag:s0] =	ssyncset.done @!p0 $0x0  }
0xa6: {  	[sflag:s0] =	ssyncadd.s32 @!p0 s1  }
0xa7: {  	[bflag:$0x3] =	sbarrier.arrive $0xFFFF  }
0xa8: {  	_ =	shalt  }

// kernel: kernel.9.cloned.1.call-start
scs
__scs_entry_jumppad:
0x0: {  	(pc) =	sbr.rel $0x88, $3  }
0x1: {  	(tag) =	ssettag $0x0;
	lr =	simm.s32 $0x1  }
0x2: {  	[smem:$0x3F9C] =	sst lr;
	_ =	strace $0xD0000000  }
0x3: {  	_ = 	snop  }
0x4: {  	_ = 	snop  }
0x5: {  	_ = 	snop  }
0x6: {  	_ = 	snop  }
0x7: {  	_ = 	snop  }
__scs_overlays_trampoline_lowered:
0x8: {  	[smem:$0x3FAB] =	sst s0  }
0x9: {  	[smem:$0x3FAC] =	sst s1  }
0xa: {  	[smem:$0x3FAD] =	sst s2  }
0xb: {  	[smem:$0x3FAE] =	sst s3  }
0xc: {  	[smem:$0x3FAF] =	sst s4  }
0xd: {  	[smem:$0x3FB0] =	sst s5  }
0xe: {  	[smem:$0x3FB1] =	sst s6  }
0xf: {  	[smem:$0x3FB2] =	sst s7  }
0x10: {  	[smem:$0x3FB3] =	sst s8  }
0x11: {  	[smem:$0x3FB4] =	sst s9;
	s0 =	simm.s32 @!p0 $0x0  }
0x12: {  	s1 =	sld [smem:$0x3F9A];
	s0 =	simm.s32 @p0 $0x1  }
0x13: {  	[smem:$0x3FB5] =	sst s0;
	s0 =	simm.s32 @!p1 $0x0  }
0x14: {  	s2 =	sld [smem:$0x3F99];
	s0 =	simm.s32 @p1 $0x1  }
0x15: {  	[smem:$0x3FB6] =	sst s0;
	s0 =	simm.s32 @!p2 $0x0  }
0x16: {  	s3 =	sld [smem:$0x3FDB];
	s0 =	simm.s32 @p2 $0x1  }
0x17: {  	s4 =	simm.s32 $0x1BF5;
	[smem:$0x3FB8] =	sst s0  }
0x18: {  	s0 =	sld [smem:$0x3F9B];
	_ =	swait.ge [sflag:s4], $0x0  }
0x19: {  	s7 =	sld [smem:$0x3F9C]  }
0x1a: {  	s8 =	sadd.s32 $0xFFFFE003, lr  }
0x1b: {  	s9 =	sadd.s32 $0xFFFFFEF7, lr;
	s5 =	simm.s32 $0xFFFFFFFF;
	p2 =	slt.u32 s8, $0xFFFFF086  }
0x1c: {  	p1 =	slt.u32 s9, $0xF7A;
	s5 =	simm.s32 @!p2 $0x0  }
0x1d: {  	s5 =	simm.s32 @p1 $0x1;
	p0 =	seq.s32 s7, s2  }
0x1e: {  	s7 =	smul.u32 @!p0 $0xF7A, s2;
	p2 =	seq.s32 @!p0 s5, $0x0  }
0x1f: {  	s9 =	smul.u32 $0xF7A, s1;
	s8 =	simm.s32 @!p0 $0x1BF5;
	p2 =	por !p2, p0  }
0x20: {  	[sflag:s8] =	ssyncset.s32 @!p0 $0xFFFFF086;
	s6 =	sadd.s32 @!p0 s3, s7;
	s7 =	simm.s32 @!p0 $0x108  }
0x21: {  	s3 =	sadd.s32 s3, s9;
	s6 =	sadd.s32 @!p0 $0x88, s6;
	s7 =	simm.s32 @p2 $0x1082  }
0x22: {  	[simem:s7], [sflag:s8] =	dma.local @!p0 [hbm:s6], $0xF7A  }
0x23: {  	s9 =	sor.u32 $0xD0000000, s2;
	s6 =	simm.s32 $0x108;
	_ =	swait.ge @!p0 [sflag:s8], $0x0  }
0x24: {  	s3 =	sadd.s32 $0x88, s3;
	s6 =	simm.s32 @!p1 $0x1082;
	[sflag:s4] =	ssyncset.s32 $0xFFFFF086  }
0x25: {  	[simem:s6], [sflag:s4] =	dma.local [hbm:s3], $0xF7A  }
0x26: {  	[smem:$0x3F9C] =	sst s1;
	(tag) =	ssettag s2;
	_ =	strace s9  }
0x27: {  	s1 =	sld [smem:$0x3FAC]  }
0x28: {  	s2 =	sld [smem:$0x3FAD]  }
0x29: {  	s4 =	sld [smem:$0x3FAF]  }
0x2a: {  	p0 =	seq.s32 s5, $0x0;
	s5 =	sld [smem:$0x3FB0]  }
0x2b: {  	s6 =	sld [smem:$0x3FB1]  }
0x2c: {  	s7 =	sld [smem:$0x3FB2]  }
0x2d: {  	s3 =	simm.s32 $0x108;
	s8 =	sld [smem:$0x3FB3]  }
0x2e: {  	s3 =	simm.s32 @!p0 $0x1082;
	s9 =	sld [smem:$0x3FB4]  }
0x2f: {  	lr =	sadd.s32 s0, s3;
	s0 =	sld [smem:$0x3FAB]  }
0x30: {  	s3 =	sld [smem:$0x3FAE]  }
0x31: {  	[smem:$0x3FB7] =	sst s10  }
0x32: {  	s10 =	sld [smem:$0x3FB5];
	_ =	sdelay $0x3  }
0x33: {  	p0 =	seq.s32 s10, $0x1;
	s10 =	sld [smem:$0x3FB7];
	_ =	sdelay $0x3  }
0x34: {  	[smem:$0x3FB7] =	sst s10  }
0x35: {  	s10 =	sld [smem:$0x3FB6];
	_ =	sdelay $0x3  }
0x36: {  	p1 =	seq.s32 s10, $0x1;
	s10 =	sld [smem:$0x3FB7];
	_ =	sdelay $0x3  }
0x37: {  	[smem:$0x3FB7] =	sst s10  }
0x38: {  	s10 =	sld [smem:$0x3FB8]  }
0x39: {  	_ = 	snop;
	(pc) =	sbr.ind lr, $3  }
0x3a: {  	_ = 	snop  }
0x3b: {  	_ = 	snop  }
0x3c: {  	p2 =	seq.s32 s10, $0x1;
	s10 =	sld [smem:$0x3FB7]  }
0x3d: {  	_ =	shalt  }
0x3e: {  	_ =	shalt  }
0x3f: {  	_ =	shalt  }
0x40: {  	_ =	shalt  }
0x41: {  	_ =	shalt  }
0x42: {  	_ =	shalt  }
0x43: {  	_ =	shalt  }
0x44: {  	_ =	shalt  }
0x45: {  	_ =	shalt  }
0x46: {  	_ =	shalt  }
0x47: {  	_ =	shalt  }
0x48: {  	_ =	shalt  }
0x49: {  	_ =	shalt  }
0x4a: {  	_ =	shalt  }
0x4b: {  	_ =	shalt  }
0x4c: {  	_ =	shalt  }
0x4d: {  	_ =	shalt  }
0x4e: {  	_ =	shalt  }
0x4f: {  	_ =	shalt  }
0x50: {  	_ =	shalt  }
0x51: {  	_ =	shalt  }
0x52: {  	_ =	shalt  }
0x53: {  	_ =	shalt  }
0x54: {  	_ =	shalt  }
0x55: {  	_ =	shalt  }
0x56: {  	_ =	shalt  }
0x57: {  	_ =	shalt  }
0x58: {  	_ =	shalt  }
0x59: {  	_ =	shalt  }
0x5a: {  	_ =	shalt  }
0x5b: {  	_ =	shalt  }
0x5c: {  	_ =	shalt  }
0x5d: {  	_ =	shalt  }
0x5e: {  	_ =	shalt  }
0x5f: {  	_ =	shalt  }
0x60: {  	_ =	shalt  }
0x61: {  	_ =	shalt  }
0x62: {  	_ =	shalt  }
0x63: {  	_ =	shalt  }
0x64: {  	_ =	shalt  }
0x65: {  	_ =	shalt  }
0x66: {  	_ =	shalt  }
0x67: {  	_ =	shalt  }
0x68: {  	_ =	shalt  }
0x69: {  	_ =	shalt  }
0x6a: {  	_ =	shalt  }
0x6b: {  	_ =	shalt  }
0x6c: {  	_ =	shalt  }
0x6d: {  	_ =	shalt  }
0x6e: {  	_ =	shalt  }
0x6f: {  	_ =	shalt  }
0x70: {  	_ =	shalt  }
0x71: {  	_ =	shalt  }
0x72: {  	_ =	shalt  }
0x73: {  	_ =	shalt  }
0x74: {  	_ =	shalt  }
0x75: {  	_ =	shalt  }
0x76: {  	_ =	shalt  }
0x77: {  	_ =	shalt  }
0x78: {  	_ =	shalt  }
0x79: {  	_ =	shalt  }
0x7a: {  	_ =	shalt  }
0x7b: {  	_ =	shalt  }
0x7c: {  	_ =	shalt  }
0x7d: {  	_ =	shalt  }
0x7e: {  	_ =	shalt  }
0x7f: {  	_ =	shalt  }
0x80: {  	_ =	shalt  }
0x81: {  	_ =	shalt  }
0x82: {  	_ =	shalt  }
0x83: {  	_ =	shalt  }
0x84: {  	_ =	shalt  }
0x85: {  	_ =	shalt  }
0x86: {  	_ =	shalt  }
0x87: {  	_ =	shalt  }
.Lfunc_end0:
.L_simem_size_0:
called_computation.1_lowered:
.L_overlay_start_0:
0x88: {  	s2 =	sld [smem:$0x3FD9]  }
0x89: {  	s3 =	sld [smem:$0x3FFE];
	_ =	sdelay $0x1  }
0x8a: {  	s1 =	srdreg.scid  }
0x8b: {  	s0 =	sand.u32 $0x1, s1  }
0x8c: {  	s16 =	sshll.u32 s0, $0xA;
	s2 =	sadd.s32 s3, s2  }
0x8d: {  	s2 =	sadd.s32 s2, s16  }
0x8e: {  	[smem:$0x3FC3] =	sst s2  }
0x8f: {  	_ = 	snop  }
0x90: {  	(tm) =	ssettm $0x1  }
0x91: {  	s17 =	sld [smem:$0x3FFB];
	_ =	sdelay $0x3  }
0x92: {  	_ =	strace s17  }
0x93: {  	s2 =	sld [smem:$0x3FFC];
	_ =	sdelay $0x3  }
0x94: {  	_ =	strace s2  }
0x95: {  	s2 =	sld [smem:$0x3FFD];
	_ =	sdelay $0x3  }
0x96: {  	_ =	strace s2  }
0x97: {  	_ =	strace $0x8FFFFFFF  }
0x98: {  	s18 =	sld [smem:$0x3FDB];
	_ =	sdelay $0x1  }
0x99: {  	s19 =	simm.s32 $_scs_section_size  }
0x9a: {  	s4 =	simm.s32 $_size__tile_overlayer_lowered;
	s5 =	simm.s32 $_tile_overlayer_lowered  }
0x9b: {  	s22 =	simm.s32 $0x1BFF;
	s21 =	sshll.u32 s5, $0x1;
	s2 =	sadd.s32 s19, s18  }
0x9c: {  	s6 =	simm.s32 $0x0;
	s20 =	sshll.u32 s4, $0x1;
	s4 =	sadd.s32 s21, s2  }
0x9d: {  	[timem:s6], [sflag:s22] =	dma.local [hbm:s4], s20  }
0x9e: {  	_ =	swait.ge [sflag:s22], s20  }
0x9f: {  	s3 =	ssub.s32 $0x0, s20;
	[sflag:s22] =	ssyncset.done $0x0  }
0xa0: {  	[sflag:s22] =	ssyncadd.s32 s3;
	_ =	sdelay $0x1  }
0xa1: {  	s23 =	simm.s32 $0x1B8B  }
0xa2: {  	_ =	swait.ge [sflag:s23], $0x1  }
0xa3: {  	[sflag:s23] =	ssyncset.done $0x0  }
0xa4: {  	s25 =	simm.s32 $0x1B8E;
	s24 =	sld [smem:$0x3FFE];
	[sflag:s23] =	ssyncadd.s32 $0xFFFFFFFF  }
0xa5: {  	s26 =	simm.s32 $execute0_lowered;
	[smem:$0x3FD2] =	sst s25  }
0xa6: {  	s4 =	sshll.u32 s26, $0x1;
	_ =	strace $0x80000049;
	[dreg:$0x1] =	wrdreg $0xFFFFFFFF  }
0xa7: {  	s28 =	simm.s32 $_size_execute0_lowered;
	s2 =	sadd.s32 s2, s4;
	[dreg:$0x0] =	wrdreg $0x0  }
0xa8: {  	s4 =	sshll.u32 s28, $0x1;
	[dreg:$0x2] =	wrdreg s2  }
0xa9: {  	[dreg:$0x3] =	wrdreg s4  }
0xaa: {  	[dreg:$0x4] =	wrdreg $0xC0  }
0xab: {  	_ =	task [dreg:s6], $0x5FFFF  }
0xac: {  	[dreg:$0x1] =	wrdreg $0xFFFFFFFF  }
0xad: {  	[dreg:$0x0] =	wrdreg $0x60  }
0xae: {  	[dreg:$0x2] =	wrdreg s24  }
0xaf: {  	[dreg:$0x3] =	wrdreg $0x0  }
0xb0: {  	[dreg:$0x4] =	wrdreg $0x9  }
0xb1: {  	_ =	task.clear_ibuf [dreg:s6], $0x5FFFF;
	_ =	strace $0x90000049  }
0xb2: {  	s29 =	simm.s32 $0x9;
	_ =	strace $0x8000004B  }
0xb3: {  	_ =	swait.ge [sflag:s29], $0x1  }
0xb4: {  	[sflag:s29] =	ssyncadd.s32 $0xFFFFFFFF  }
0xb5: {  	_ =	strace $0x9000004B  }
0xb6: {  	_ =	sfence  }
0xb7: {  	s30 =	sld [smem:$0x0];
	_ =	sdelay $0x2  }
0xb8: {  	s31 =	sshll.u32 s1, $0xD;
	s1 =	sshrl.u32 s1, $0x2  }
0xb9: {  	s3 =	sand.u32 $0x4000, s31;
	s1 =	sadd.s32 s1, s30  }
0xba: {  	s0 =	sor.u32 s3, s0;
	s1 =	sshll.u32 s1, $0x11  }
0xbb: {  	s0 =	sor.u32 s1, s0  }
0xbc: {  	s0 =	sadd.s32 $0x8F2B, s0  }
0xbd: {  	[sflag:s0] =	ssyncadd.remote.s32 $0x1  }
0xbe: {  	_ =	sfence.sel $0xFFFF  }
0xbf: {  	[dreg:$0x0] =	wrdreg $0xFFFFFFFF;
	(pc) =	sbr.abs _section_cstart, $3  }
0xc0: {  	[dreg:$0x1] =	wrdreg $0xFFFFFFFF  }
0xc1: {  	_ =	task.clear_ibuf [dreg:s6], $0x2FFFF;
	_ =	strace $0x9FFFFFFF  }
0xc2: {  	(tm) =	ssettm $0x7FFFFFFF  }
0xc3: {  	_ =	shalt  }
tec
execute0_lowered:
.L_overlay_start_1:
0x0: {  	(tag) =	ssettag $0x1  }
0x1: {  	s5 =	rddreg [dreg:$0x0]  }
0x2: {  	s0 =	srdreg.scid;
	s2 =	rddreg [dreg:$0x1]  }
0x3: {  	s24 =	stileid.u32;
	s3 =	simm.s32 $0x0;
	s14 =	simm.s32 $0x1EFA0  }
0x4: {  	s15 =	simm.s32 $0x2;
	s16 =	simm.s32 $0x1EAA0;
	s17 =	simm.s32 $0x1ED20  }
0x5: {  	s18 =	simm.s32 $0xA000;
	s19 =	simm.s32 $0x19000;
	s20 =	simm.s32 $0x1EA00  }
0x6: {  	s21 =	simm.s32 $0x1EA50;
	s22 =	simm.s32 $0x50;
	s7 =	smul.u32 $0x280, s24  }
0x7: {  	s23 =	simm.s32 $0x1E000;
	s6 =	sand.u32 $0x1, s0;
	s8 =	smul.u32 $0x9C4, s24  }
0x8: {  	[smem:$0x7FF] =	sst s3;
	s9 =	sadd.s32 $0xB000, s5;
	s28 =	smul.u32 $0x14000, s24  }
0x9: {  	s24 =	simm.s32 $0x1;
	s4 =	smul.u32 $0x2800, s6;
	s26 =	ssub.s32 $0x2, s6  }
0xa: {  	_ =	strace $0x8000004A;
	s13 =	sadd.s32 s8, s5;
	s6 =	sshrl.u32 s26, $0x1  }
0xb: {  	s11 =	sadd.s32 $0x2800, s7;
	s29 =	sshrl.u32 s7, $0x3;
	s8 =	sshrl.u32 s28, $0x2  }
0xc: {  	s4 =	sadd.s32 s7, s4;
	s12 =	ssub.s32 s26, s6;
	s30 =	sshrl.u32 s11, $0x3  }
0xd: {  	s8 =	sadd.s32 s8, s2;
	s31 =	sshll.u32 s11, $0x5;
	s26 =	simm.s32 $0x0  }
0xe: {  	s25 =	sshll.u32 s4, $0x2;
	s4 =	sadd.s32 $0x33600, s5;
	s6 =	sadd.s32 s9, s30  }
0xf: {  	s11 =	smax.u32 s12, $0x1;
	s12 =	sadd.s32 $0x15800, s13;
	s13 =	sadd.s32 $0xBA00, s13  }
0x10: {  	s10 =	sadd.s32 s25, s5;
	s5 =	sadd.s32 s9, s29;
	s9 =	sadd.s32 s31, s2  }
0x11: {  	v0 =	vimm.f32 $0.0e+00;
	v1 =	vimm.s32 $0x1;
	s25 =	simm.s32 $0x14000;
	s7 =	sadd.s32 $0x1F600, s10;
	s10 =	sadd.s32 $0x33800, s10  }
.LBB2_1:
0x12: {  	[tilespmem:s14], [sflag:$0x2] =	stream.linear.gather [hbm4b:s4+s3], $0x10, $0x38;
	[tilespmem:$0x1EFB0] =	vst v63  }
0x13: {  	_ =	swait.ge [sflag:s15], $0x10  }
0x14: {  	[sflag:s15] =	ssyncset.done $0x0  }
0x15: {  	[sflag:s15] =	ssyncadd.s32 $0xFFFFFFF0  }
0x16: {  	[tilespmem:s16], [sflag:$0x2] =	stream.linear.gather [hbm4b:s5+s3], $0x280, $0x38;
	[tilespmem:$0x1EFB0] =	vst v63  }
0x17: {  	_ =	swait.ge [sflag:s15], $0x280  }
0x18: {  	[sflag:s15] =	ssyncset.done $0x0  }
0x19: {  	[sflag:s15] =	ssyncadd.s32 $0xFFFFFD80  }
0x1a: {  	[tilespmem:s17], [sflag:$0x2] =	stream.linear.gather [hbm4b:s6+s3], $0x280, $0x38;
	[tilespmem:$0x1EFB0] =	vst v63  }
0x1b: {  	_ =	swait.ge [sflag:s15], $0x280  }
0x1c: {  	[sflag:s15] =	ssyncset.done $0x0  }
0x1d: {  	s28 =	simm.s32 $0x0;
	[sflag:s15] =	ssyncadd.s32 $0xFFFFFD80  }
0x1e: {  	s29 =	simm.s32 $0x40;
	v2 =	vld [tilespmem:s28+$0x1ED20]  }
.LBB2_2:
0x1f: {  	p0 =	sne.s32 s29, $0x9C0;
	v3 =	vld [tilespmem:s28+$0x1EAA0];
	_ =	sdelay $0x4  }
0x20: {  	v2 =	vadd.f32 v2, v3;
	_ =	sdelay $0x1  }
0x21: {  	vm0 =	vgt.f32 v2, $0.0e+00  }
0x22: {  	v2 =	vnsel vm0, $0x3F800000, v2  }
0x23: {  	v3 =	vshra.s32 v2, $0x1;
	v2 =	vmul.f32 $5.000000000e-01, v2  }
0x24: {  	v3 =	vsub.s32 $0x5F3759DF, v3  }
0x25: {  	v4 =	vmul.f32 v3, v2;
	_ =	sdelay $0x1  }
0x26: {  	v4 =	vmul.f32 v3, v4;
	_ =	sdelay $0x1  }
0x27: {  	v4 =	vsub.f32 $1.500000000e+00, v4;
	_ =	sdelay $0x1  }
0x28: {  	v3 =	vmul.f32 v3, v4;
	_ =	sdelay $0x1  }
0x29: {  	v4 =	vmul.f32 v3, v2;
	_ =	sdelay $0x1  }
0x2a: {  	v4 =	vmul.f32 v4, v3;
	_ =	sdelay $0x1  }
0x2b: {  	v4 =	vsub.f32 $1.500000000e+00, v4;
	_ =	sdelay $0x1  }
0x2c: {  	v3 =	vmul.f32 v4, v3;
	_ =	sdelay $0x1  }
0x2d: {  	v4 =	vmul.f32 v3, v2;
	_ =	sdelay $0x1  }
0x2e: {  	v4 =	vmul.f32 v4, v3;
	_ =	sdelay $0x1  }
0x2f: {  	v4 =	vsub.f32 $1.500000000e+00, v4;
	_ =	sdelay $0x1  }
0x30: {  	v3 =	vmul.f32 v4, v3;
	_ =	sdelay $0x1  }
0x31: {  	v2 =	vmul.f32 v3, v2;
	_ =	sdelay $0x1  }
0x32: {  	v2 =	vmul.f32 v2, v3;
	_ =	sdelay $0x1  }
0x33: {  	v2 =	vsub.f32 $1.500000000e+00, v2  }
.Ltmp0:
0x34: {  	(pc) =	sbr.rel @p0 .LBB2_2-.Ltmp0, $3  }
0x35: {  	v2 =	vmul.f32 v2, v3;
	_ =	sdelay $0x1  }
0x36: {  	s30 =	sshra.s32 s29, $0x2;
	v3 =	vnsel vm0, $0x0, v2  }
0x37: {  	s29 =	sadd.s32 $0x40, s29;
	v2 =	vld [tilespmem:s30+$0x1ED20];
	[tilespmem:s28+$0x1EAA0] =	vst v3;
	s28 =	smov.u32 s30  }
0x38: {  	v3 =	vld [tilespmem:s28+$0x1EAA0];
	_ =	sdelay $0x4  }
0x39: {  	v2 =	vadd.f32 v2, v3;
	_ =	sdelay $0x1  }
0x3a: {  	vm0 =	vgt.f32 v2, $0.0e+00  }
0x3b: {  	v2 =	vnsel vm0, $0x3F800000, v2  }
0x3c: {  	v3 =	vshra.s32 v2, $0x1;
	v2 =	vmul.f32 $5.000000000e-01, v2  }
0x3d: {  	v3 =	vsub.s32 $0x5F3759DF, v3  }
0x3e: {  	v4 =	vmul.f32 v3, v2;
	_ =	sdelay $0x1  }
0x3f: {  	v4 =	vmul.f32 v3, v4;
	_ =	sdelay $0x1  }
0x40: {  	v4 =	vsub.f32 $1.500000000e+00, v4;
	_ =	sdelay $0x1  }
0x41: {  	v3 =	vmul.f32 v3, v4;
	_ =	sdelay $0x1  }
0x42: {  	v4 =	vmul.f32 v3, v2;
	_ =	sdelay $0x1  }
0x43: {  	v4 =	vmul.f32 v4, v3;
	_ =	sdelay $0x1  }
0x44: {  	v4 =	vsub.f32 $1.500000000e+00, v4;
	_ =	sdelay $0x1  }
0x45: {  	v3 =	vmul.f32 v4, v3;
	_ =	sdelay $0x1  }
0x46: {  	v4 =	vmul.f32 v3, v2;
	_ =	sdelay $0x1  }
0x47: {  	v4 =	vmul.f32 v4, v3;
	_ =	sdelay $0x1  }
0x48: {  	v4 =	vsub.f32 $1.500000000e+00, v4;
	_ =	sdelay $0x1  }
0x49: {  	v3 =	vmul.f32 v4, v3;
	_ =	sdelay $0x1  }
0x4a: {  	v2 =	vmul.f32 v3, v2;
	_ =	sdelay $0x1  }
0x4b: {  	v2 =	vmul.f32 v2, v3;
	_ =	sdelay $0x1  }
0x4c: {  	v2 =	vsub.f32 $1.500000000e+00, v2;
	_ =	sdelay $0x1  }
0x4d: {  	v2 =	vmul.f32 v2, v3;
	_ =	sdelay $0x1  }
0x4e: {  	v2 =	vnsel vm0, $0x0, v2  }
0x4f: {  	[tilespmem:s28+$0x1EAA0] =	vst v2  }
0x50: {  	[tilespmem:s18], [sflag:$0x2] =	stream.linear.gather [hbm4b:s7+s3], $0x5000, $0x38;
	[tilespmem:$0x1EFB0] =	vst v63  }
0x51: {  	_ =	swait.ge [sflag:s15], $0x5000  }
0x52: {  	[sflag:s15] =	ssyncset.done $0x0  }
0x53: {  	[sflag:s15] =	ssyncadd.s32 $0xFFFFB000  }
0x54: {  	s28 =	simm.s32 $0x1F0;
	v2 =	vld [tilespmem:$0x1EFA0]  }
0x55: {  	v11 =	vld [tilespmem:s28+$0x9E10]  }
0x56: {  	v19 =	vld [tilespmem:s28+$0x9E20]  }
0x57: {  	v18 =	vld [tilespmem:s28+$0x9E30]  }
0x58: {  	v12 =	vld [tilespmem:s28+$0x9E40]  }
0x59: {  	v13 =	vld [tilespmem:s28+$0x9E50]  }
0x5a: {  	v15 =	vld [tilespmem:s28+$0x9E60];
	v3 =	vbroadcast v2, $0x0  }
0x5b: {  	v14 =	vld [tilespmem:s28+$0x9E70]  }
0x5c: {  	v16 =	vld [tilespmem:s28+$0x9E80];
	v6 =	vmul.f32 v11, v3  }
0x5d: {  	s29 =	simm.s32 $0x1EAA0;
	v17 =	vld [tilespmem:s28+$0x9E90];
	v5 =	vmul.f32 v19, v3  }
0x5e: {  	s30 =	simm.s32 $0xFC0;
	v4 =	vld [tilespmem:s29+$0x0];
	[tilespmem:s28+$0x13E10] =	vst v6;
	v6 =	vmul.f32 v18, v3  }
.LBB2_4:
0x5f: {  	p0 =	sne.s32 s30, $0x13FC0;
	[tilespmem:s28+$0x13E20] =	vst v5;
	v7 =	vmul.f32 v12, v3;
	v5 =	vld [tilespmem:s28+$0x9EA0]  }
0x60: {  	v8 =	vmul.f32 v13, v3;
	[tilespmem:s28+$0x13E30] =	vst v6;
	v6 =	vld [tilespmem:s28+$0x9EB0]  }
0x61: {  	v9 =	vmul.f32 v15, v3;
	v10 =	vmul.f32 v14, v3;
	[tilespmem:s28+$0x13E40] =	vst v7;
	v7 =	vld [tilespmem:s28+$0x9EC0]  }
0x62: {  	v20 =	vmul.f32 v16, v3;
	[tilespmem:s28+$0x13E50] =	vst v8;
	v21 =	vmul.f32 v17, v3;
	v8 =	vld [tilespmem:s28+$0x9ED0]  }
0x63: {  	v22 =	vbroadcast v4, $0x0;
	v23 =	vbroadcast v4, $0x1;
	[tilespmem:s28+$0x13E60] =	vst v9;
	v9 =	vld [tilespmem:s28+$0x9EE0]  }
0x64: {  	v24 =	vbroadcast v4, $0x2;
	v25 =	vbroadcast v4, $0x3;
	[tilespmem:s28+$0x13E70] =	vst v10;
	v10 =	vld [tilespmem:s28+$0x9EF0]  }
0x65: {  	v26 =	vmul.f32 v11, v22;
	v19 =	vmul.f32 v19, v22;
	[tilespmem:s28+$0x13E80] =	vst v20;
	v11 =	vld [tilespmem:s28+$0x9F00]  }
0x66: {  	v18 =	vmul.f32 v18, v23;
	v20 =	vmul.f32 v12, v23;
	[tilespmem:s28+$0x13E90] =	vst v21;
	v12 =	vld [tilespmem:s28+$0x9F10]  }
0x67: {  	v22 =	vmul.f32 v15, v24;
	v21 =	vmul.f32 v13, v24;
	[tilespmem:s28+$0x18E10] =	vst v26;
	v13 =	vld [tilespmem:s28+$0x9F20]  }
0x68: {  	v23 =	vmul.f32 v16, v25;
	[tilespmem:s28+$0x18E20] =	vst v19;
	v19 =	vmul.f32 v14, v25;
	v14 =	vld [tilespmem:s28+$0x9F30]  }
0x69: {  	v24 =	vbroadcast v4, $0x5;
	[tilespmem:s28+$0x18E30] =	vst v18;
	v18 =	vbroadcast v4, $0x4;
	v15 =	vld [tilespmem:s28+$0x9F40]  }
0x6a: {  	v25 =	vbroadcast v4, $0x7;
	[tilespmem:s28+$0x18E40] =	vst v20;
	v20 =	vbroadcast v4, $0x6;
	v16 =	vld [tilespmem:s28+$0x9F50]  }
0x6b: {  	[tilespmem:s28+$0x18E50] =	vst v21;
	v21 =	vmul.f32 v17, v18;
	v18 =	vmul.f32 v5, v18;
	v17 =	vld [tilespmem:s28+$0x9F60]  }
0x6c: {  	[tilespmem:s28+$0x18E60] =	vst v22;
	v22 =	vmul.f32 v6, v24;
	v24 =	vmul.f32 v7, v24;
	v26 =	vld [tilespmem:s28+$0x9F70]  }
0x6d: {  	[tilespmem:s28+$0x18E70] =	vst v19;
	v19 =	vmul.f32 v8, v20;
	v20 =	vmul.f32 v9, v20;
	v27 =	vld [tilespmem:s28+$0x9F80]  }
0x6e: {  	[tilespmem:s28+$0x18E80] =	vst v23;
	v23 =	vmul.f32 v10, v25;
	v25 =	vmul.f32 v11, v25;
	v28 =	vld [tilespmem:s28+$0x9F90]  }
0x6f: {  	v29 =	vbroadcast v4, $0x9;
	[tilespmem:s28+$0x18E90] =	vst v21;
	v21 =	vbroadcast v4, $0x8;
	v30 =	vld [tilespmem:s28+$0x9FA0]  }
0x70: {  	v31 =	vbroadcast v4, $0xB;
	[tilespmem:s28+$0x18EA0] =	vst v18;
	v18 =	vbroadcast v4, $0xA;
	v32 =	vld [tilespmem:s28+$0x9FB0]  }
0x71: {  	[tilespmem:s28+$0x18EB0] =	vst v22;
	v22 =	vmul.f32 v12, v21;
	v21 =	vmul.f32 v13, v21;
	v33 =	vld [tilespmem:s28+$0x9FC0]  }
0x72: {  	[tilespmem:s28+$0x18EC0] =	vst v24;
	v24 =	vmul.f32 v14, v29;
	v29 =	vmul.f32 v15, v29;
	v34 =	vld [tilespmem:s28+$0x9FD0]  }
0x73: {  	[tilespmem:s28+$0x18ED0] =	vst v19;
	v19 =	vmul.f32 v16, v18;
	v18 =	vmul.f32 v17, v18;
	v35 =	vld [tilespmem:s28+$0x9FE0]  }
0x74: {  	[tilespmem:s28+$0x18EE0] =	vst v20;
	v20 =	vmul.f32 v26, v31;
	v31 =	vmul.f32 v27, v31;
	v36 =	vld [tilespmem:s28+$0x9FF0]  }
0x75: {  	v37 =	vbroadcast v4, $0xD;
	[tilespmem:s28+$0x18EF0] =	vst v23;
	v23 =	vbroadcast v4, $0xC;
	v38 =	vld [tilespmem:s28+$0xA000]  }
0x76: {  	[tilespmem:s28+$0x18F00] =	vst v25;
	v25 =	vbroadcast v4, $0xE;
	v4 =	vbroadcast v4, $0xF  }
0x77: {  	[tilespmem:s28+$0x18F10] =	vst v22;
	v22 =	vmul.f32 v28, v23;
	v23 =	vmul.f32 v30, v23  }
0x78: {  	[tilespmem:s28+$0x18F20] =	vst v21;
	v21 =	vmul.f32 v32, v37;
	v37 =	vmul.f32 v33, v37  }
0x79: {  	[tilespmem:s28+$0x18F30] =	vst v24;
	v24 =	vmul.f32 v34, v25;
	v25 =	vmul.f32 v35, v25  }
0x7a: {  	[tilespmem:s28+$0x18F40] =	vst v29;
	v29 =	vmul.f32 v36, v4;
	v4 =	vmul.f32 v38, v4  }
0x7b: {  	[tilespmem:s28+$0x18F50] =	vst v19  }
0x7c: {  	[tilespmem:s28+$0x18F60] =	vst v18  }
0x7d: {  	[tilespmem:s28+$0x18F70] =	vst v20  }
0x7e: {  	[tilespmem:s28+$0x18F80] =	vst v31  }
0x7f: {  	[tilespmem:s28+$0x18F90] =	vst v22  }
0x80: {  	[tilespmem:s28+$0x18FA0] =	vst v23  }
0x81: {  	[tilespmem:s28+$0x18FB0] =	vst v21  }
0x82: {  	[tilespmem:s28+$0x18FC0] =	vst v37  }
0x83: {  	[tilespmem:s28+$0x18FD0] =	vst v24  }
0x84: {  	[tilespmem:s28+$0x18FE0] =	vst v25  }
0x85: {  	v5 =	vmul.f32 v5, v3;
	[tilespmem:s28+$0x18FF0] =	vst v29  }
0x86: {  	v6 =	vmul.f32 v6, v3;
	[tilespmem:s28+$0x19000] =	vst v4  }
0x87: {  	v4 =	vmul.f32 v7, v3;
	[tilespmem:s28+$0x13EA0] =	vst v5  }
0x88: {  	v5 =	vmul.f32 v8, v3;
	[tilespmem:s28+$0x13EB0] =	vst v6  }
0x89: {  	[tilespmem:s28+$0x13EC0] =	vst v4;
	v4 =	vmul.f32 v9, v3  }
0x8a: {  	[tilespmem:s28+$0x13ED0] =	vst v5;
	v5 =	vmul.f32 v10, v3  }
0x8b: {  	[tilespmem:s28+$0x13EE0] =	vst v4;
	v4 =	vmul.f32 v11, v3  }
0x8c: {  	[tilespmem:s28+$0x13EF0] =	vst v5;
	v5 =	vmul.f32 v12, v3  }
0x8d: {  	[tilespmem:s28+$0x13F00] =	vst v4;
	v4 =	vmul.f32 v13, v3  }
0x8e: {  	[tilespmem:s28+$0x13F10] =	vst v5;
	v5 =	vmul.f32 v14, v3  }
0x8f: {  	[tilespmem:s28+$0x13F20] =	vst v4;
	v4 =	vmul.f32 v15, v3  }
0x90: {  	[tilespmem:s28+$0x13F30] =	vst v5;
	v5 =	vmul.f32 v16, v3  }
0x91: {  	[tilespmem:s28+$0x13F40] =	vst v4;
	v4 =	vmul.f32 v17, v3  }
0x92: {  	[tilespmem:s28+$0x13F50] =	vst v5;
	v5 =	vmul.f32 v26, v3  }
0x93: {  	[tilespmem:s28+$0x13F60] =	vst v4;
	v4 =	vmul.f32 v27, v3  }
0x94: {  	s31 =	sshra.s32 s30, $0x2;
	[tilespmem:s28+$0x13F70] =	vst v5;
	v5 =	vmul.f32 v28, v3  }
0x95: {  	v11 =	vld [tilespmem:s31+$0x9E10];
	[tilespmem:s28+$0x13F80] =	vst v4;
	v4 =	vmul.f32 v30, v3  }
0x96: {  	v19 =	vld [tilespmem:s31+$0x9E20];
	[tilespmem:s28+$0x13F90] =	vst v5;
	v5 =	vmul.f32 v32, v3  }
0x97: {  	v18 =	vld [tilespmem:s31+$0x9E30];
	[tilespmem:s28+$0x13FA0] =	vst v4;
	v4 =	vmul.f32 v33, v3  }
0x98: {  	v12 =	vld [tilespmem:s31+$0x9E40];
	[tilespmem:s28+$0x13FB0] =	vst v5;
	v5 =	vmul.f32 v34, v3  }
0x99: {  	v13 =	vld [tilespmem:s31+$0x9E50];
	[tilespmem:s28+$0x13FC0] =	vst v4;
	v4 =	vmul.f32 v35, v3  }
.Ltmp1:
0x9a: {  	v15 =	vld [tilespmem:s31+$0x9E60];
	[tilespmem:s28+$0x13FD0] =	vst v5;
	v5 =	vmul.f32 v36, v3;
	(pc) =	sbr.rel @p0 .LBB2_4-.Ltmp1, $4  }
0x9b: {  	v14 =	vld [tilespmem:s31+$0x9E70];
	[tilespmem:s28+$0x13FE0] =	vst v4;
	v4 =	vmul.f32 v38, v3  }
0x9c: {  	v6 =	vmul.f32 v11, v3;
	v16 =	vld [tilespmem:s31+$0x9E80];
	[tilespmem:s28+$0x13FF0] =	vst v5  }
0x9d: {  	s29 =	sadd.s32 $0x10, s29;
	v5 =	vmul.f32 v19, v3;
	v17 =	vld [tilespmem:s31+$0x9E90];
	[tilespmem:s28+$0x14000] =	vst v4;
	s28 =	smov.u32 s31  }
0x9e: {  	s30 =	sadd.s32 $0x800, s30;
	v4 =	vld [tilespmem:s29+$0x0];
	[tilespmem:s28+$0x13E10] =	vst v6;
	v6 =	vmul.f32 v18, v3  }
0x9f: {  	[tilespmem:s28+$0x13E20] =	vst v5;
	v7 =	vmul.f32 v12, v3  }
0xa0: {  	v8 =	vmul.f32 v13, v3;
	[tilespmem:s28+$0x13E30] =	vst v6  }
0xa1: {  	v9 =	vmul.f32 v15, v3;
	[tilespmem:s28+$0x13E40] =	vst v7  }
0xa2: {  	v10 =	vmul.f32 v14, v3;
	[tilespmem:s28+$0x13E50] =	vst v8  }
0xa3: {  	[tilespmem:s28+$0x13E60] =	vst v9;
	v20 =	vmul.f32 v16, v3;
	v22 =	vbroadcast v4, $0x0  }
0xa4: {  	[tilespmem:s28+$0x13E70] =	vst v10;
	v21 =	vmul.f32 v17, v3  }
0xa5: {  	[tilespmem:s28+$0x13E80] =	vst v20;
	v23 =	vbroadcast v4, $0x1;
	v11 =	vmul.f32 v11, v22  }
0xa6: {  	[tilespmem:s28+$0x13E90] =	vst v21;
	v19 =	vmul.f32 v19, v22  }
0xa7: {  	v47 =	vbroadcast v4, $0x2;
	v18 =	vmul.f32 v18, v23;
	[tilespmem:s28+$0x18E10] =	vst v11  }
0xa8: {  	v50 =	vbroadcast v4, $0x3;
	v48 =	vmul.f32 v12, v23;
	[tilespmem:s28+$0x18E20] =	vst v19  }
0xa9: {  	v5 =	vld [tilespmem:s28+$0x9EA0];
	v54 =	vbroadcast v4, $0x4;
	v49 =	vmul.f32 v13, v47;
	[tilespmem:s28+$0x18E30] =	vst v18  }
0xaa: {  	v6 =	vld [tilespmem:s28+$0x9EB0];
	v56 =	vbroadcast v4, $0x5;
	v51 =	vmul.f32 v15, v47;
	[tilespmem:s28+$0x18E40] =	vst v48  }
0xab: {  	v44 =	vld [tilespmem:s28+$0x9EC0];
	v25 =	vbroadcast v4, $0x6;
	v52 =	vmul.f32 v14, v50;
	[tilespmem:s28+$0x18E50] =	vst v49  }
0xac: {  	v45 =	vld [tilespmem:s28+$0x9ED0];
	v27 =	vbroadcast v4, $0x7;
	v53 =	vmul.f32 v16, v50;
	[tilespmem:s28+$0x18E60] =	vst v51  }
0xad: {  	v46 =	vld [tilespmem:s28+$0x9EE0];
	v57 =	vbroadcast v4, $0x8;
	v55 =	vmul.f32 v17, v54;
	[tilespmem:s28+$0x18E70] =	vst v52  }
0xae: {  	v29 =	vld [tilespmem:s28+$0x9FF0];
	v58 =	vbroadcast v4, $0x9;
	v22 =	vmul.f32 v5, v54;
	[tilespmem:s28+$0x18E80] =	vst v53  }
0xaf: {  	v31 =	vld [tilespmem:s28+$0xA000];
	v59 =	vbroadcast v4, $0xA;
	v24 =	vmul.f32 v6, v56;
	[tilespmem:s28+$0x18E90] =	vst v55  }
0xb0: {  	v60 =	vbroadcast v4, $0xB;
	v23 =	vmul.f32 v44, v56;
	[tilespmem:s28+$0x18EA0] =	vst v22  }
0xb1: {  	v41 =	vbroadcast v4, $0xF;
	v26 =	vmul.f32 v45, v25;
	[tilespmem:s28+$0x18EB0] =	vst v24  }
0xb2: {  	v63 =	vbroadcast v4, $0xC;
	v25 =	vmul.f32 v46, v25;
	[tilespmem:s28+$0x18EC0] =	vst v23  }
0xb3: {  	v36 =	vbroadcast v4, $0xD;
	v43 =	vmul.f32 v29, v41;
	[tilespmem:s28+$0x18ED0] =	vst v26  }
0xb4: {  	v39 =	vbroadcast v4, $0xE;
	v4 =	vmul.f32 v31, v41;
	[tilespmem:s28+$0x18EE0] =	vst v25  }
0xb5: {  	v10 =	vld [tilespmem:s28+$0x9EF0];
	v5 =	vmul.f32 v5, v3;
	[tilespmem:s28+$0x18FF0] =	vst v43  }
0xb6: {  	v6 =	vmul.f32 v6, v3;
	[tilespmem:s28+$0x19000] =	vst v4  }
0xb7: {  	v20 =	vld [tilespmem:s28+$0x9F00];
	v44 =	vmul.f32 v44, v3;
	[tilespmem:s28+$0x13EA0] =	vst v5  }
0xb8: {  	v45 =	vmul.f32 v45, v3;
	[tilespmem:s28+$0x13EB0] =	vst v6  }
0xb9: {  	v21 =	vld [tilespmem:s28+$0x9F10];
	v46 =	vmul.f32 v46, v3;
	[tilespmem:s28+$0x13EC0] =	vst v44  }
0xba: {  	v28 =	vmul.f32 v10, v27;
	[tilespmem:s28+$0x13ED0] =	vst v45  }
0xbb: {  	v12 =	vld [tilespmem:s28+$0x9F50];
	v47 =	vmul.f32 v10, v3;
	[tilespmem:s28+$0x13EE0] =	vst v46  }
0xbc: {  	v13 =	vld [tilespmem:s28+$0x9F60];
	v27 =	vmul.f32 v20, v27;
	[tilespmem:s28+$0x18EF0] =	vst v28  }
0xbd: {  	v15 =	vld [tilespmem:s28+$0x9F70];
	v48 =	vmul.f32 v20, v3;
	[tilespmem:s28+$0x13EF0] =	vst v47  }
0xbe: {  	v16 =	vld [tilespmem:s28+$0x9F90];
	v30 =	vmul.f32 v21, v57;
	[tilespmem:s28+$0x18F00] =	vst v27  }
0xbf: {  	v17 =	vld [tilespmem:s28+$0x9FA0];
	v49 =	vmul.f32 v21, v3;
	[tilespmem:s28+$0x13F00] =	vst v48  }
0xc0: {  	v61 =	vmul.f32 v12, v59;
	[tilespmem:s28+$0x18F10] =	vst v30  }
0xc1: {  	v27 =	vmul.f32 v13, v59;
	[tilespmem:s28+$0x13F10] =	vst v49  }
0xc2: {  	v62 =	vmul.f32 v15, v60;
	[tilespmem:s28+$0x18F50] =	vst v61  }
0xc3: {  	v14 =	vld [tilespmem:s28+$0x9F80];
	v37 =	vmul.f32 v16, v63;
	[tilespmem:s28+$0x18F60] =	vst v27  }
0xc4: {  	v38 =	vmul.f32 v17, v63;
	[tilespmem:s28+$0x18F70] =	vst v62  }
0xc5: {  	v11 =	vld [tilespmem:s28+$0x9F20];
	v53 =	vmul.f32 v12, v3;
	[tilespmem:s28+$0x18F90] =	vst v37  }
0xc6: {  	v19 =	vld [tilespmem:s28+$0x9F30];
	v54 =	vmul.f32 v13, v3;
	[tilespmem:s28+$0x18FA0] =	vst v38  }
0xc7: {  	v18 =	vld [tilespmem:s28+$0x9F40];
	v55 =	vmul.f32 v15, v3;
	[tilespmem:s28+$0x13F50] =	vst v53  }
0xc8: {  	v22 =	vld [tilespmem:s28+$0x9FB0];
	v56 =	vmul.f32 v14, v3;
	[tilespmem:s28+$0x13F60] =	vst v54  }
0xc9: {  	v24 =	vld [tilespmem:s28+$0x9FC0];
	v63 =	vmul.f32 v29, v3;
	[tilespmem:s28+$0x13F70] =	vst v55  }
0xca: {  	v23 =	vld [tilespmem:s28+$0x9FD0];
	v25 =	vmul.f32 v11, v57;
	[tilespmem:s28+$0x13F80] =	vst v56  }
0xcb: {  	v32 =	vmul.f32 v19, v58;
	[tilespmem:s28+$0x13FF0] =	vst v63  }
0xcc: {  	v28 =	vmul.f32 v18, v58;
	[tilespmem:s28+$0x18F20] =	vst v25  }
0xcd: {  	v40 =	vmul.f32 v22, v36;
	[tilespmem:s28+$0x18F30] =	vst v32  }
0xce: {  	v27 =	vmul.f32 v24, v36;
	[tilespmem:s28+$0x18F40] =	vst v28  }
0xcf: {  	v42 =	vmul.f32 v23, v39;
	[tilespmem:s28+$0x18FB0] =	vst v40  }
0xd0: {  	v50 =	vmul.f32 v11, v3;
	[tilespmem:s28+$0x18FC0] =	vst v27  }
0xd1: {  	v51 =	vmul.f32 v19, v3;
	[tilespmem:s28+$0x18FD0] =	vst v42  }
0xd2: {  	v26 =	vld [tilespmem:s28+$0x9FE0];
	v52 =	vmul.f32 v18, v3;
	[tilespmem:s28+$0x13F20] =	vst v50  }
0xd3: {  	v57 =	vmul.f32 v16, v3;
	[tilespmem:s28+$0x13F30] =	vst v51  }
0xd4: {  	v58 =	vmul.f32 v17, v3;
	[tilespmem:s28+$0x13F40] =	vst v52  }
0xd5: {  	v59 =	vmul.f32 v22, v3;
	[tilespmem:s28+$0x13F90] =	vst v57  }
0xd6: {  	v61 =	vmul.f32 v23, v3;
	[tilespmem:s28+$0x13FA0] =	vst v58  }
0xd7: {  	v62 =	vmul.f32 v26, v3;
	[tilespmem:s28+$0x13FB0] =	vst v59  }
0xd8: {  	v25 =	vmul.f32 v14, v60;
	[tilespmem:s28+$0x13FD0] =	vst v61  }
0xd9: {  	v60 =	vmul.f32 v24, v3;
	[tilespmem:s28+$0x13FE0] =	vst v62  }
0xda: {  	v3 =	vmul.f32 v31, v3;
	[tilespmem:s28+$0x18F80] =	vst v25  }
0xdb: {  	v25 =	vmul.f32 v26, v39;
	[tilespmem:s28+$0x13FC0] =	vst v60  }
0xdc: {  	[tilespmem:s28+$0x14000] =	vst v3  }
0xdd: {  	[tilespmem:s28+$0x18FE0] =	vst v25  }
0xde: {  	[spmem:s8] =	stream.linear.scatter [tilespmem:s19], [sflag:$0x2], $0x5000, $0x38;
	[tilespmem:$0x1EFB0] =	vst v63  }
0xdf: {  	_ =	swait.ge [sflag:s15], $0x5000  }
0xe0: {  	[sflag:s15] =	ssyncset.done $0x0  }
0xe1: {  	s29 =	simm.s32 $0x0;
	s28 =	simm.s32 $0x80;
	[sflag:s15] =	ssyncadd.s32 $0xFFFFB000  }
.LBB2_6:
0xe2: {  	p0 =	sne.s32 s28, $0x13F80;
	[tilespmem:s29+$0x19000] =	vst v0;
	s30 =	smov.u32 s28;
	s28 =	sadd.s32 $0x80, s28  }
.Ltmp2:
0xe3: {  	[tilespmem:s29+$0x19010] =	vst v0;
	(pc) =	sbr.rel @p0 .LBB2_6-.Ltmp2, $2  }
0xe4: {  	_ =	sdelay $0x2  }
0xe5: {  	s29 =	sshra.s32 s30, $0x2  }
0xe6: {  	[tilespmem:s29+$0x19000] =	vst v0  }
0xe7: {  	[tilespmem:s29+$0x19010] =	vst v0  }
0xe8: {  	[spmem:s9] =	stream.linear.scatter [tilespmem:s19], [sflag:$0x2], $0x5000, $0x38;
	[tilespmem:$0x1EFB0] =	vst v63  }
0xe9: {  	_ =	swait.ge [sflag:s15], $0x5000  }
0xea: {  	[sflag:s15] =	ssyncset.done $0x0  }
0xeb: {  	[sflag:s15] =	ssyncadd.s32 $0xFFFFB000  }
0xec: {  	s28 =	sadd.s32 $0x0, s13;
	[bflag:$0x0] =	sbarrier.arrive $0xFFFF  }
0xed: {  	[tilespmem:s20], [sflag:$0x2] =	stream.linear.gather [hbm4b:s28+s3], $0x50, $0x38;
	[tilespmem:$0x1EFB0] =	vst v63  }
0xee: {  	_ =	swait.ge [sflag:s15], $0x50  }
0xef: {  	[sflag:s15] =	ssyncset.done $0x0  }
0xf0: {  	s28 =	sadd.s32 $0x0, s12;
	[sflag:s15] =	ssyncadd.s32 $0xFFFFFFB0  }
0xf1: {  	[tilespmem:s21], [sflag:$0x2] =	stream.linear.gather [hbm4b:s28+s3], $0x50, $0x38;
	[tilespmem:$0x1EFB0] =	vst v63  }
0xf2: {  	_ =	swait.ge [sflag:s15], $0x50  }
0xf3: {  	[sflag:s15] =	ssyncset.done $0x0  }
0xf4: {  	[sflag:s15] =	ssyncadd.s32 $0xFFFFFFB0  }
0xf5: {  	[tilespmem:s23], [sflag:$0x1] =	stream.indirect.gather [spmem:s2], $0x20, s20, s22, $0xb8;
	[tilespmem:$0x1EFB0] =	vst v63  }
0xf6: {  	_ =	swait.ge [sflag:s24], $0xA00  }
0xf7: {  	[sflag:s24] =	ssyncset.done $0x0  }
0xf8: {  	[sflag:s24] =	ssyncadd.s32 $0xFFFFF600  }
0xf9: {  	[spmem:s2] =	stream.indirect.scatter.add.f32 [tilespmem:s23], [sflag:$0x2], $0x20, s21, s22, $0xb8;
	[tilespmem:$0x1EFB0] =	vst v63  }
0xfa: {  	_ =	swait.ge [sflag:s15], $0xA00  }
0xfb: {  	s29 =	simm.s32 $0x14;
	s28 =	simm.s32 $0xA;
	[sflag:s15] =	ssyncset.done $0x0  }
.LBB2_8:
0xfc: {  	s30 =	sadd.s32 s28, s13  }
0xfd: {  	[sflag:s15] =	ssyncadd.s32 $0xFFFFF600;
	s31 =	smov.u32 s29;
	s0 =	sadd.s32 $0xA, s29  }
0xfe: {  	[tilespmem:s20], [sflag:$0x2] =	stream.linear.gather [hbm4b:s30+s3], $0x50, $0x38;
	[tilespmem:$0x1EFB0] =	vst v63  }
0xff: {  	p0 =	sne.s32 s29, $0x9BA;
	_ =	swait.ge [sflag:s15], $0x50  }
0x100: {  	[sflag:s15] =	ssyncset.done $0x0  }
0x101: {  	s29 =	sadd.s32 s28, s12;
	s28 =	smov.u32 s31;
	[sflag:s15] =	ssyncadd.s32 $0xFFFFFFB0  }
0x102: {  	[tilespmem:s21], [sflag:$0x2] =	stream.linear.gather [hbm4b:s29+s3], $0x50, $0x38;
	[tilespmem:$0x1EFB0] =	vst v63  }
0x103: {  	_ =	swait.ge [sflag:s15], $0x50  }
0x104: {  	[sflag:s15] =	ssyncset.done $0x0  }
0x105: {  	[sflag:s15] =	ssyncadd.s32 $0xFFFFFFB0  }
0x106: {  	[tilespmem:s23], [sflag:$0x1] =	stream.indirect.gather [spmem:s2], $0x20, s20, s22, $0xb8;
	[tilespmem:$0x1EFB0] =	vst v63  }
0x107: {  	_ =	swait.ge [sflag:s24], $0xA00  }
.Ltmp3:
0x108: {  	[sflag:s24] =	ssyncset.done $0x0;
	(pc) =	sbr.rel @p0 .LBB2_8-.Ltmp3, $4  }
0x109: {  	[sflag:s24] =	ssyncadd.s32 $0xFFFFF600  }
0x10a: {  	[spmem:s2] =	stream.indirect.scatter.add.f32 [tilespmem:s23], [sflag:$0x2], $0x20, s21, s22, $0xb8;
	[tilespmem:$0x1EFB0] =	vst v63  }
0x10b: {  	_ =	swait.ge [sflag:s15], $0xA00  }
0x10c: {  	s29 =	smov.u32 s0;
	[sflag:s15] =	ssyncset.done $0x0  }
0x10d: {  	s0 =	sadd.s32 s28, s13;
	[sflag:s15] =	ssyncadd.s32 $0xFFFFF600  }
0x10e: {  	[tilespmem:s20], [sflag:$0x2] =	stream.linear.gather [hbm4b:s0+s3], $0x50, $0x38;
	[tilespmem:$0x1EFB0] =	vst v63  }
0x10f: {  	_ =	swait.ge [sflag:s15], $0x50  }
0x110: {  	[sflag:s15] =	ssyncset.done $0x0  }
0x111: {  	s31 =	sadd.s32 s28, s12;
	[sflag:s15] =	ssyncadd.s32 $0xFFFFFFB0  }
0x112: {  	[tilespmem:s21], [sflag:$0x2] =	stream.linear.gather [hbm4b:s31+s3], $0x50, $0x38;
	[tilespmem:$0x1EFB0] =	vst v63  }
0x113: {  	_ =	swait.ge [sflag:s15], $0x50  }
0x114: {  	[sflag:s15] =	ssyncset.done $0x0  }
0x115: {  	[sflag:s15] =	ssyncadd.s32 $0xFFFFFFB0  }
0x116: {  	[tilespmem:s23], [sflag:$0x1] =	stream.indirect.gather [spmem:s2], $0x20, s20, s22, $0xb8;
	[tilespmem:$0x1EFB0] =	vst v63  }
0x117: {  	_ =	swait.ge [sflag:s24], $0xA00  }
0x118: {  	[sflag:s24] =	ssyncset.done $0x0  }
0x119: {  	[sflag:s24] =	ssyncadd.s32 $0xFFFFF600  }
0x11a: {  	[spmem:s2] =	stream.indirect.scatter.add.f32 [tilespmem:s23], [sflag:$0x2], $0x20, s21, s22, $0xb8;
	[tilespmem:$0x1EFB0] =	vst v63  }
0x11b: {  	_ =	swait.ge [sflag:s15], $0xA00  }
0x11c: {  	[sflag:s15] =	ssyncset.done $0x0  }
0x11d: {  	[sflag:s15] =	ssyncadd.s32 $0xFFFFF600  }
0x11e: {  	[bflag:$0x0] =	sbarrier.arrive $0xFFFF  }
0x11f: {  	[tilespmem:s19], [sflag:$0x2] =	stream.linear.gather [spmem:s9], $0x5000, $0x38;
	[tilespmem:$0x1EFB0] =	vst v63  }
0x120: {  	_ =	swait.ge [sflag:s15], $0x5000  }
0x121: {  	[sflag:s15] =	ssyncset.done $0x0  }
0x122: {  	s28 =	simm.s32 $0x0;
	[sflag:s15] =	ssyncadd.s32 $0xFFFFB000  }
0x123: {  	v4 =	vld [tilespmem:s28+$0x14190]  }
0x124: {  	v5 =	vld [tilespmem:s28+$0x14180]  }
0x125: {  	v7 =	vld [tilespmem:s28+$0x14150]  }
0x126: {  	v8 =	vld [tilespmem:s28+$0x14110]  }
0x127: {  	v9 =	vld [tilespmem:s28+$0x14100]  }
0x128: {  	v10 =	vld [tilespmem:s28+$0x140D0]  }
0x129: {  	v13 =	vld [tilespmem:s28+$0x140C0]  }
0x12a: {  	v26 =	vld [tilespmem:s28+$0x14090]  }
0x12b: {  	v30 =	vld [tilespmem:s28+$0x14070]  }
0x12c: {  	v22 =	vld [tilespmem:s28+$0x14040]  }
0x12d: {  	v23 =	vld [tilespmem:s28+$0x14030]  }
0x12e: {  	s29 =	simm.s32 $0x1EAA0;
	v17 =	vld [tilespmem:s28+$0x19030]  }
0x12f: {  	v3 =	vperm.xlane v2, v1;
	s30 =	simm.s32 $0x800;
	v6 =	vld [tilespmem:s29+$0x0]  }
.LBB2_10:
0x130: {  	p0 =	sne.s32 s30, $0x13800;
	v16 =	vld [tilespmem:s28+$0x19010]  }
0x131: {  	v18 =	vld [tilespmem:s28+$0x19000]  }
0x132: {  	v19 =	vld [tilespmem:s28+$0x19020]  }
0x133: {  	v21 =	vld [tilespmem:s28+$0x19040]  }
0x134: {  	v15 =	vbroadcast v6, $0x0;
	v14 =	vbroadcast v6, $0x1;
	v25 =	vld [tilespmem:s28+$0x19050]  }
0x135: {  	v12 =	vbroadcast v6, $0x2;
	v11 =	vbroadcast v6, $0x3;
	v27 =	vld [tilespmem:s28+$0x14020]  }
0x136: {  	v18 =	vmul.f32 v18, v15;
	v16 =	vmul.f32 v16, v15;
	v28 =	vld [tilespmem:s28+$0x14010]  }
0x137: {  	v17 =	vmul.f32 v17, v14;
	v29 =	vld [tilespmem:s28+$0x14000];
	v19 =	vmul.f32 v19, v14  }
0x138: {  	v24 =	vsub.f32 $0.0e+00, v18;
	v20 =	vsub.f32 $0.0e+00, v16;
	v21 =	vmul.f32 v21, v12;
	v31 =	vld [tilespmem:s28+$0x19070]  }
0x139: {  	v16 =	vsub.f32 $0.0e+00, v17;
	v18 =	vsub.f32 $0.0e+00, v19;
	v19 =	vmul.f32 v25, v12;
	v25 =	vld [tilespmem:s28+$0x19060]  }
0x13a: {  	[tilespmem:s28+$0xF000] =	vst v24;
	v32 =	vmul.f32 v24, v3;
	v33 =	vmul.f32 v20, v3;
	v17 =	vsub.f32 $0.0e+00, v21;
	v21 =	vld [tilespmem:s28+$0x14050]  }
0x13b: {  	v35 =	vmul.f32 v16, v3;
	[tilespmem:s28+$0xF010] =	vst v20;
	v34 =	vmul.f32 v18, v3;
	v19 =	vsub.f32 $0.0e+00, v19;
	v36 =	vld [tilespmem:s28+$0x19090]  }
0x13c: {  	v29 =	vadd.f32 v32, v29;
	v28 =	vadd.f32 v33, v28;
	[tilespmem:s28+$0xF020] =	vst v18;
	v32 =	vmul.f32 v17, v3;
	v33 =	vld [tilespmem:s28+$0x19080]  }
0x13d: {  	v27 =	vadd.f32 v34, v27;
	[tilespmem:s28+$0xF030] =	vst v16;
	v34 =	vadd.f32 v35, v23;
	v23 =	vmul.f32 v19, v3;
	v35 =	vld [tilespmem:s28+$0x14060]  }
0x13e: {  	[tilespmem:s28+$0x14000] =	vst v29;
	v29 =	vadd.f32 v32, v22;
	v22 =	vmul.f32 v25, v11;
	v25 =	vmul.f32 v31, v11;
	v31 =	vld [tilespmem:s28+$0x190A0]  }
0x13f: {  	[tilespmem:s28+$0x14010] =	vst v28;
	v28 =	vadd.f32 v23, v21;
	v23 =	vbroadcast v6, $0x4;
	v21 =	vbroadcast v6, $0x5;
	v32 =	vld [tilespmem:s28+$0x190B0]  }
0x140: {  	[tilespmem:s28+$0x14020] =	vst v27;
	v27 =	vsub.f32 $0.0e+00, v22;
	v25 =	vsub.f32 $0.0e+00, v25;
	v22 =	vbroadcast v6, $0x6;
	v37 =	vld [tilespmem:s28+$0x190D0]  }
0x141: {  	[tilespmem:s28+$0x14030] =	vst v34;
	v33 =	vmul.f32 v33, v23;
	v34 =	vmul.f32 v36, v23;
	v36 =	vld [tilespmem:s28+$0x190C0]  }
0x142: {  	[tilespmem:s28+$0x14040] =	vst v29;
	v38 =	vmul.f32 v27, v3;
	v39 =	vmul.f32 v25, v3;
	v40 =	vld [tilespmem:s28+$0x14080]  }
0x143: {  	[tilespmem:s28+$0x14050] =	vst v28;
	v29 =	vsub.f32 $0.0e+00, v33;
	v28 =	vsub.f32 $0.0e+00, v34;
	v31 =	vmul.f32 v31, v21;
	v41 =	vld [tilespmem:s28+$0x140B0]  }
0x144: {  	[tilespmem:s28+$0xF040] =	vst v17;
	v33 =	vadd.f32 v38, v35;
	v30 =	vadd.f32 v39, v30;
	v35 =	vld [tilespmem:s28+$0x140A0];
	v32 =	vmul.f32 v32, v21  }
0x145: {  	[tilespmem:s28+$0xF050] =	vst v19;
	v34 =	vmul.f32 v29, v3;
	v38 =	vmul.f32 v28, v3;
	v31 =	vsub.f32 $0.0e+00, v31;
	v39 =	vld [tilespmem:s28+$0x190F0]  }
0x146: {  	[tilespmem:s28+$0x14060] =	vst v33;
	v32 =	vsub.f32 $0.0e+00, v32;
	v33 =	vmul.f32 v36, v22;
	v36 =	vmul.f32 v37, v22;
	v42 =	vld [tilespmem:s28+$0x190E0]  }
0x147: {  	[tilespmem:s28+$0x14070] =	vst v30;
	v30 =	vadd.f32 v34, v40;
	v26 =	vadd.f32 v38, v26;
	v38 =	vmul.f32 v31, v3;
	v40 =	vld [tilespmem:s28+$0x19100]  }
0x148: {  	[tilespmem:s28+$0xF060] =	vst v27;
	v43 =	vmul.f32 v32, v3;
	v37 =	vsub.f32 $0.0e+00, v33;
	v34 =	vsub.f32 $0.0e+00, v36;
	v45 =	vld [tilespmem:s28+$0x19110]  }
0x149: {  	v36 =	vbroadcast v6, $0x7;
	v33 =	vbroadcast v6, $0x8;
	[tilespmem:s28+$0x14080] =	vst v30;
	v30 =	vadd.f32 v38, v35;
	v35 =	vld [tilespmem:s28+$0x140F0]  }
0x14a: {  	[tilespmem:s28+$0x14090] =	vst v26;
	v26 =	vadd.f32 v43, v41;
	v38 =	vmul.f32 v37, v3;
	v41 =	vmul.f32 v34, v3;
	v46 =	vld [tilespmem:s28+$0x140E0]  }
0x14b: {  	v39 =	vmul.f32 v39, v36;
	[tilespmem:s28+$0x140A0] =	vst v30;
	v30 =	vmul.f32 v42, v36;
	v47 =	vld [tilespmem:s28+$0x19120]  }
0x14c: {  	[tilespmem:s28+$0x140B0] =	vst v26;
	v13 =	vadd.f32 v38, v13;
	v26 =	vadd.f32 v41, v10;
	v10 =	vmul.f32 v40, v33;
	v38 =	vld [tilespmem:s28+$0x19150]  }
0x14d: {  	v43 =	vsub.f32 $0.0e+00, v39;
	[tilespmem:s28+$0xF070] =	vst v25;
	v44 =	vsub.f32 $0.0e+00, v30;
	v30 =	vmul.f32 v45, v33;
	v39 =	vld [tilespmem:s28+$0x19130]  }
0x14e: {  	v42 =	vbroadcast v6, $0x9;
	v41 =	vbroadcast v6, $0xA;
	[tilespmem:s28+$0x140C0] =	vst v13;
	v10 =	vsub.f32 $0.0e+00, v10;
	v40 =	vld [tilespmem:s28+$0x19140]  }
0x14f: {  	v45 =	vmul.f32 v43, v3;
	[tilespmem:s28+$0x140D0] =	vst v26;
	v26 =	vmul.f32 v44, v3;
	v13 =	vsub.f32 $0.0e+00, v30;
	v50 =	vld [tilespmem:s28+$0x14140]  }
0x150: {  	[tilespmem:s28+$0xF080] =	vst v29;
	v30 =	vmul.f32 v10, v3;
	v47 =	vmul.f32 v47, v42;
	v51 =	vld [tilespmem:s28+$0x14120]  }
0x151: {  	v35 =	vadd.f32 v45, v35;
	[tilespmem:s28+$0xF090] =	vst v28;
	v26 =	vadd.f32 v26, v46;
	v45 =	vmul.f32 v13, v3;
	v46 =	vld [tilespmem:s28+$0x19160]  }
0x152: {  	[tilespmem:s28+$0xF0A0] =	vst v31;
	v30 =	vadd.f32 v30, v9;
	v9 =	vsub.f32 $0.0e+00, v47;
	v39 =	vmul.f32 v39, v42;
	v47 =	vld [tilespmem:s28+$0x14130]  }
0x153: {  	v38 =	vmul.f32 v38, v41;
	[tilespmem:s28+$0x140E0] =	vst v26;
	v45 =	vadd.f32 v45, v8;
	v26 =	vmul.f32 v40, v41;
	v40 =	vld [tilespmem:s28+$0x19170]  }
0x154: {  	v48 =	vbroadcast v6, $0xB;
	[tilespmem:s28+$0x140F0] =	vst v35;
	v35 =	vmul.f32 v9, v3;
	v8 =	vsub.f32 $0.0e+00, v39;
	v39 =	vld [tilespmem:s28+$0x19180]  }
0x155: {  	v49 =	vbroadcast v6, $0xC;
	[tilespmem:s28+$0x14100] =	vst v30;
	v30 =	vsub.f32 $0.0e+00, v26;
	v26 =	vsub.f32 $0.0e+00, v38;
	v52 =	vld [tilespmem:s28+$0x19190]  }
0x156: {  	[tilespmem:s28+$0x14110] =	vst v45;
	v35 =	vadd.f32 v35, v51;
	v38 =	vmul.f32 v8, v3;
	v45 =	vmul.f32 v46, v48;
	v46 =	vld [tilespmem:s28+$0x14170]  }
0x157: {  	[tilespmem:s28+$0xF0B0] =	vst v32;
	v51 =	vmul.f32 v30, v3;
	v53 =	vmul.f32 v26, v3;
	v54 =	vld [tilespmem:s28+$0x14160]  }
0x158: {  	[tilespmem:s28+$0x14120] =	vst v35;
	v38 =	vadd.f32 v38, v47;
	v35 =	vsub.f32 $0.0e+00, v45;
	v40 =	vmul.f32 v40, v48;
	v45 =	vld [tilespmem:s28+$0x191A0]  }
0x159: {  	[tilespmem:s28+$0xF0C0] =	vst v37;
	v47 =	vadd.f32 v51, v50;
	v7 =	vadd.f32 v53, v7;
	v39 =	vmul.f32 v39, v49;
	v50 =	vld [tilespmem:s28+$0x191B0]  }
0x15a: {  	[tilespmem:s28+$0x14130] =	vst v38;
	v51 =	vmul.f32 v35, v3;
	v38 =	vsub.f32 $0.0e+00, v40;
	v40 =	vmul.f32 v52, v49;
	v52 =	vld [tilespmem:s28+$0x191C0]  }
0x15b: {  	v55 =	vbroadcast v6, $0xE;
	v53 =	vbroadcast v6, $0xD;
	[tilespmem:s28+$0x14140] =	vst v47;
	v39 =	vsub.f32 $0.0e+00, v39;
	v47 =	vld [tilespmem:s28+$0x191D0]  }
0x15c: {  	[tilespmem:s28+$0x14150] =	vst v7;
	v7 =	vadd.f32 v51, v54;
	v51 =	vmul.f32 v38, v3;
	v40 =	vsub.f32 $0.0e+00, v40;
	v54 =	vld [tilespmem:s28+$0x141B0]  }
0x15d: {  	[tilespmem:s28+$0xF0D0] =	vst v34;
	v56 =	vmul.f32 v39, v3;
	v45 =	vmul.f32 v45, v53;
	v57 =	vld [tilespmem:s28+$0x141A0]  }
0x15e: {  	[tilespmem:s28+$0x14160] =	vst v7;
	v7 =	vadd.f32 v51, v46;
	v46 =	vmul.f32 v40, v3;
	v50 =	vmul.f32 v50, v53;
	v51 =	vld [tilespmem:s28+$0x191E0]  }
0x15f: {  	[tilespmem:s28+$0xF0E0] =	vst v44;
	v5 =	vadd.f32 v56, v5;
	v45 =	vsub.f32 $0.0e+00, v45;
	v52 =	vmul.f32 v52, v55;
	v56 =	vld [tilespmem:s28+$0x191F0]  }
0x160: {  	[tilespmem:s28+$0x14170] =	vst v7;
	v4 =	vadd.f32 v46, v4;
	v46 =	vsub.f32 $0.0e+00, v50;
	v7 =	vld [tilespmem:s28+$0x141C0];
	v50 =	vmul.f32 v47, v55  }
0x161: {  	v58 =	vbroadcast v6, $0xF;
	[tilespmem:s28+$0x14180] =	vst v5;
	v5 =	vmul.f32 v45, v3;
	v47 =	vsub.f32 $0.0e+00, v52;
	v52 =	vld [tilespmem:s28+$0x141D0]  }
0x162: {  	v24 =	vmul.f32 v24, v15;
	[tilespmem:s28+$0x14190] =	vst v4;
	v4 =	vmul.f32 v46, v3;
	v6 =	vsub.f32 $0.0e+00, v50  }
0x163: {  	[tilespmem:s28+$0xF0F0] =	vst v43;
	v5 =	vadd.f32 v5, v57;
	v50 =	vmul.f32 v47, v3;
	v51 =	vmul.f32 v51, v58  }
0x164: {  	[tilespmem:s28+$0x19000] =	vst v24;
	v4 =	vadd.f32 v4, v54;
	v24 =	vmul.f32 v6, v3;
	v54 =	vld [tilespmem:s28+$0x141E0];
	v56 =	vmul.f32 v56, v58  }
0x165: {  	v20 =	vmul.f32 v20, v15;
	[tilespmem:s28+$0x141A0] =	vst v5;
	v5 =	vadd.f32 v50, v7;
	v15 =	vsub.f32 $0.0e+00, v51;
	v7 =	vld [tilespmem:s28+$0x141F0]  }
0x166: {  	v50 =	vmul.f32 v18, v14;
	[tilespmem:s28+$0x141B0] =	vst v4;
	v4 =	vadd.f32 v24, v52;
	v18 =	vsub.f32 $0.0e+00, v56  }
0x167: {  	v14 =	vmul.f32 v16, v14;
	[tilespmem:s28+$0x141C0] =	vst v5;
	v5 =	vmul.f32 v15, v3  }
0x168: {  	v16 =	vmul.f32 v17, v12;
	[tilespmem:s28+$0x141D0] =	vst v4;
	v4 =	vmul.f32 v18, v3  }
0x169: {  	v12 =	vmul.f32 v19, v12;
	v17 =	vmul.f32 v27, v11;
	[tilespmem:s28+$0x19010] =	vst v20;
	v5 =	vadd.f32 v5, v54  }
0x16a: {  	v11 =	vmul.f32 v25, v11;
	v19 =	vmul.f32 v29, v23;
	[tilespmem:s28+$0x19020] =	vst v50;
	v4 =	vadd.f32 v4, v7  }
0x16b: {  	v20 =	vmul.f32 v31, v21;
	v7 =	vmul.f32 v28, v23;
	[tilespmem:s28+$0x141E0] =	vst v5  }
0x16c: {  	v5 =	vmul.f32 v32, v21;
	v21 =	vmul.f32 v37, v22;
	[tilespmem:s28+$0x141F0] =	vst v4  }
0x16d: {  	v4 =	vmul.f32 v34, v22;
	[tilespmem:s28+$0x19030] =	vst v14;
	v14 =	vmul.f32 v44, v36  }
0x16e: {  	v22 =	vmul.f32 v10, v33;
	[tilespmem:s28+$0x19040] =	vst v16;
	v16 =	vmul.f32 v43, v36  }
0x16f: {  	v23 =	vmul.f32 v9, v42;
	[tilespmem:s28+$0x19050] =	vst v12;
	v12 =	vmul.f32 v13, v33  }
0x170: {  	v24 =	vmul.f32 v30, v41;
	[tilespmem:s28+$0x19060] =	vst v17;
	v17 =	vmul.f32 v8, v42  }
0x171: {  	v25 =	vmul.f32 v35, v48;
	[tilespmem:s28+$0x19070] =	vst v11;
	v11 =	vmul.f32 v26, v41  }
0x172: {  	v27 =	vmul.f32 v39, v49;
	[tilespmem:s28+$0x19080] =	vst v19;
	v19 =	vmul.f32 v38, v48  }
0x173: {  	v28 =	vmul.f32 v45, v53;
	[tilespmem:s28+$0x19090] =	vst v7;
	v7 =	vmul.f32 v40, v49  }
0x174: {  	v29 =	vmul.f32 v47, v55;
	[tilespmem:s28+$0x190A0] =	vst v20;
	v20 =	vmul.f32 v46, v53  }
0x175: {  	v31 =	vmul.f32 v15, v58;
	[tilespmem:s28+$0x190B0] =	vst v5;
	v5 =	vmul.f32 v6, v55  }
0x176: {  	[tilespmem:s28+$0x190C0] =	vst v21;
	v21 =	vmul.f32 v18, v58  }
0x177: {  	[tilespmem:s28+$0x190D0] =	vst v4  }
0x178: {  	[tilespmem:s28+$0x190E0] =	vst v14  }
0x179: {  	[tilespmem:s28+$0x190F0] =	vst v16  }
0x17a: {  	[tilespmem:s28+$0x19100] =	vst v22  }
0x17b: {  	[tilespmem:s28+$0x19110] =	vst v12  }
0x17c: {  	[tilespmem:s28+$0x19120] =	vst v23  }
0x17d: {  	[tilespmem:s28+$0x19130] =	vst v17  }
0x17e: {  	[tilespmem:s28+$0x19140] =	vst v24  }
0x17f: {  	[tilespmem:s28+$0x19150] =	vst v11  }
0x180: {  	[tilespmem:s28+$0x19160] =	vst v25  }
0x181: {  	[tilespmem:s28+$0x19170] =	vst v19  }
0x182: {  	[tilespmem:s28+$0x19180] =	vst v27  }
0x183: {  	[tilespmem:s28+$0x19190] =	vst v7  }
0x184: {  	[tilespmem:s28+$0x191A0] =	vst v28  }
0x185: {  	[tilespmem:s28+$0x191B0] =	vst v20  }
0x186: {  	[tilespmem:s28+$0x191C0] =	vst v29  }
0x187: {  	[tilespmem:s28+$0x191D0] =	vst v5  }
0x188: {  	[tilespmem:s28+$0x191E0] =	vst v31  }
0x189: {  	[tilespmem:s28+$0x191F0] =	vst v21  }
0x18a: {  	[tilespmem:s28+$0xF100] =	vst v10  }
0x18b: {  	[tilespmem:s28+$0xF110] =	vst v13  }
0x18c: {  	[tilespmem:s28+$0xF120] =	vst v9  }
0x18d: {  	s0 =	sshra.s32 s30, $0x2;
	[tilespmem:s28+$0xF130] =	vst v8  }
0x18e: {  	v4 =	vld [tilespmem:s0+$0x14190];
	[tilespmem:s28+$0xF140] =	vst v30  }
0x18f: {  	v5 =	vld [tilespmem:s0+$0x14180];
	[tilespmem:s28+$0xF150] =	vst v26  }
0x190: {  	v7 =	vld [tilespmem:s0+$0x14150];
	[tilespmem:s28+$0xF160] =	vst v35  }
0x191: {  	v8 =	vld [tilespmem:s0+$0x14110];
	[tilespmem:s28+$0xF170] =	vst v38  }
0x192: {  	v9 =	vld [tilespmem:s0+$0x14100];
	[tilespmem:s28+$0xF180] =	vst v39  }
0x193: {  	v10 =	vld [tilespmem:s0+$0x140D0];
	[tilespmem:s28+$0xF190] =	vst v40  }
0x194: {  	v13 =	vld [tilespmem:s0+$0x140C0];
	[tilespmem:s28+$0xF1A0] =	vst v45  }
0x195: {  	v26 =	vld [tilespmem:s0+$0x14090];
	[tilespmem:s28+$0xF1B0] =	vst v46  }
.Ltmp4:
0x196: {  	v30 =	vld [tilespmem:s0+$0x14070];
	[tilespmem:s28+$0xF1C0] =	vst v47;
	(pc) =	sbr.rel @p0 .LBB2_10-.Ltmp4, $4  }
0x197: {  	v22 =	vld [tilespmem:s0+$0x14040];
	[tilespmem:s28+$0xF1D0] =	vst v6  }
0x198: {  	v23 =	vld [tilespmem:s0+$0x14030];
	[tilespmem:s28+$0xF1E0] =	vst v15  }
0x199: {  	s29 =	sadd.s32 $0x10, s29;
	v17 =	vld [tilespmem:s0+$0x19030];
	[tilespmem:s28+$0xF1F0] =	vst v18;
	s28 =	smov.u32 s0  }
0x19a: {  	s30 =	sadd.s32 $0x800, s30;
	v6 =	vld [tilespmem:s29+$0x0]  }
0x19b: {  	_ = 	snop  }
0x19c: {  	v11 =	vld [tilespmem:s28+$0x19000]  }
0x19d: {  	v14 =	vld [tilespmem:s28+$0x19010]  }
0x19e: {  	v15 =	vld [tilespmem:s28+$0x19020]  }
0x19f: {  	v12 =	vbroadcast v6, $0x0;
	_ =	sdelay $0x1  }
0x1a0: {  	v16 =	vmul.f32 v11, v12;
	v11 =	vbroadcast v6, $0x1  }
0x1a1: {  	v18 =	vld [tilespmem:s28+$0x19040];
	v14 =	vmul.f32 v14, v12  }
0x1a2: {  	v19 =	vld [tilespmem:s28+$0x19050];
	v21 =	vsub.f32 $0.0e+00, v16;
	v15 =	vmul.f32 v15, v11  }
0x1a3: {  	v25 =	vld [tilespmem:s28+$0x14000];
	v16 =	vsub.f32 $0.0e+00, v14;
	v51 =	vmul.f32 v17, v11  }
0x1a4: {  	v24 =	vld [tilespmem:s28+$0x14010];
	[tilespmem:s28+$0xF000] =	vst v21;
	v17 =	vsub.f32 $0.0e+00, v15  }
0x1a5: {  	v14 =	vbroadcast v6, $0x2;
	[tilespmem:s28+$0xF010] =	vst v16;
	v15 =	vsub.f32 $0.0e+00, v51  }
0x1a6: {  	v32 =	vmul.f32 v21, v3;
	v21 =	vmul.f32 v21, v12;
	[tilespmem:s28+$0xF020] =	vst v17  }
0x1a7: {  	v20 =	vld [tilespmem:s28+$0x14020];
	v34 =	vmul.f32 v16, v3;
	v12 =	vmul.f32 v16, v12;
	[tilespmem:s28+$0xF030] =	vst v15  }
0x1a8: {  	v18 =	vmul.f32 v18, v14;
	v25 =	vadd.f32 v32, v25;
	[tilespmem:s28+$0x19000] =	vst v21  }
0x1a9: {  	v19 =	vmul.f32 v19, v14;
	v24 =	vadd.f32 v34, v24;
	[tilespmem:s28+$0x19010] =	vst v12  }
0x1aa: {  	v27 =	vld [tilespmem:s28+$0x19070];
	v35 =	vmul.f32 v17, v3;
	v18 =	vsub.f32 $0.0e+00, v18;
	[tilespmem:s28+$0x14000] =	vst v25  }
0x1ab: {  	v28 =	vld [tilespmem:s28+$0x19060];
	v19 =	vsub.f32 $0.0e+00, v19;
	[tilespmem:s28+$0x14010] =	vst v24  }
0x1ac: {  	v29 =	vld [tilespmem:s28+$0x14050];
	v20 =	vadd.f32 v35, v20;
	v56 =	vmul.f32 v18, v3;
	[tilespmem:s28+$0xF040] =	vst v18  }
0x1ad: {  	v33 =	vld [tilespmem:s28+$0x19080];
	v17 =	vmul.f32 v17, v11;
	[tilespmem:s28+$0xF050] =	vst v19  }
0x1ae: {  	v31 =	vld [tilespmem:s28+$0x19090];
	v54 =	vmul.f32 v15, v3;
	[tilespmem:s28+$0x14020] =	vst v20;
	v20 =	vbroadcast v6, $0x3;
	v22 =	vadd.f32 v56, v22  }
0x1af: {  	v55 =	vld [tilespmem:s28+$0x190B0];
	v11 =	vmul.f32 v15, v11;
	v57 =	vmul.f32 v19, v3;
	[tilespmem:s28+$0x19020] =	vst v17  }
0x1b0: {  	v23 =	vadd.f32 v54, v23;
	v58 =	vmul.f32 v28, v20;
	[tilespmem:s28+$0x14040] =	vst v22;
	v22 =	vbroadcast v6, $0x4  }
0x1b1: {  	[tilespmem:s28+$0x19030] =	vst v11;
	v59 =	vadd.f32 v57, v29;
	v61 =	vmul.f32 v27, v20  }
0x1b2: {  	v24 =	vbroadcast v6, $0x5;
	[tilespmem:s28+$0x14030] =	vst v23;
	v23 =	vsub.f32 $0.0e+00, v58;
	v63 =	vmul.f32 v33, v22  }
0x1b3: {  	[tilespmem:s28+$0x14050] =	vst v59;
	v25 =	vsub.f32 $0.0e+00, v61;
	v31 =	vmul.f32 v31, v22  }
0x1b4: {  	v52 =	vld [tilespmem:s28+$0x14060];
	v47 =	vmul.f32 v55, v24;
	v27 =	vsub.f32 $0.0e+00, v63;
	[tilespmem:s28+$0xF060] =	vst v23  }
0x1b5: {  	v28 =	vsub.f32 $0.0e+00, v31;
	[tilespmem:s28+$0xF070] =	vst v25  }
0x1b6: {  	v53 =	vld [tilespmem:s28+$0x190A0];
	v31 =	vsub.f32 $0.0e+00, v47;
	[tilespmem:s28+$0xF080] =	vst v27  }
0x1b7: {  	v60 =	vld [tilespmem:s28+$0x14080];
	v62 =	vmul.f32 v23, v3;
	v23 =	vmul.f32 v23, v20;
	[tilespmem:s28+$0xF090] =	vst v28  }
0x1b8: {  	v37 =	vld [tilespmem:s28+$0x190C0];
	v44 =	vmul.f32 v25, v3;
	v25 =	vmul.f32 v25, v20;
	[tilespmem:s28+$0xF0B0] =	vst v31  }
0x1b9: {  	v38 =	vld [tilespmem:s28+$0x140B0];
	v32 =	vadd.f32 v62, v52;
	[tilespmem:s28+$0x19060] =	vst v23  }
0x1ba: {  	v36 =	vld [tilespmem:s28+$0x190D0];
	v30 =	vadd.f32 v44, v30;
	v46 =	vmul.f32 v27, v3;
	[tilespmem:s28+$0x19070] =	vst v25  }
0x1bb: {  	v54 =	vmul.f32 v28, v3;
	v28 =	vmul.f32 v28, v22;
	[tilespmem:s28+$0x14060] =	vst v32  }
0x1bc: {  	v29 =	vbroadcast v6, $0x6;
	v57 =	vmul.f32 v31, v3;
	[tilespmem:s28+$0x14070] =	vst v30;
	v32 =	vadd.f32 v46, v60  }
0x1bd: {  	v45 =	vmul.f32 v53, v24;
	v26 =	vadd.f32 v54, v26;
	[tilespmem:s28+$0x19090] =	vst v28  }
0x1be: {  	v39 =	vld [tilespmem:s28+$0x140A0];
	v56 =	vmul.f32 v37, v29;
	v34 =	vadd.f32 v57, v38;
	[tilespmem:s28+$0x14080] =	vst v32  }
0x1bf: {  	v36 =	vmul.f32 v36, v29;
	v30 =	vsub.f32 $0.0e+00, v45;
	[tilespmem:s28+$0x14090] =	vst v26  }
0x1c0: {  	v48 =	vld [tilespmem:s28+$0x19100];
	v26 =	vsub.f32 $0.0e+00, v56;
	[tilespmem:s28+$0x140B0] =	vst v34  }
0x1c1: {  	v42 =	vld [tilespmem:s28+$0x19110];
	v55 =	vmul.f32 v30, v3;
	v32 =	vsub.f32 $0.0e+00, v36;
	[tilespmem:s28+$0xF0A0] =	vst v30  }
0x1c2: {  	v41 =	vld [tilespmem:s28+$0x190E0];
	v30 =	vmul.f32 v30, v24;
	[tilespmem:s28+$0xF0C0] =	vst v26  }
0x1c3: {  	v40 =	vld [tilespmem:s28+$0x190F0];
	v34 =	vbroadcast v6, $0x8;
	v33 =	vadd.f32 v55, v39;
	v50 =	vmul.f32 v32, v3;
	[tilespmem:s28+$0xF0D0] =	vst v32  }
0x1c4: {  	v49 =	vmul.f32 v26, v3;
	[tilespmem:s28+$0x190A0] =	vst v30;
	v32 =	vmul.f32 v32, v29  }
0x1c5: {  	v59 =	vld [tilespmem:s28+$0x19120];
	v60 =	vmul.f32 v48, v34;
	[tilespmem:s28+$0x140A0] =	vst v33;
	v33 =	vbroadcast v6, $0x7;
	v10 =	vadd.f32 v50, v10  }
0x1c6: {  	v43 =	vld [tilespmem:s28+$0x140F0];
	v62 =	vmul.f32 v42, v34;
	v13 =	vadd.f32 v49, v13;
	[tilespmem:s28+$0x190D0] =	vst v32  }
0x1c7: {  	v53 =	vld [tilespmem:s28+$0x14120];
	v51 =	vmul.f32 v41, v33;
	[tilespmem:s28+$0x140D0] =	vst v10;
	v10 =	vsub.f32 $0.0e+00, v60  }
0x1c8: {  	v58 =	vld [tilespmem:s28+$0x140E0];
	v39 =	vbroadcast v6, $0x9;
	[tilespmem:s28+$0x140C0] =	vst v13;
	v52 =	vmul.f32 v40, v33;
	v13 =	vsub.f32 $0.0e+00, v62  }
0x1c9: {  	v45 =	vld [tilespmem:s28+$0x19130];
	v36 =	vsub.f32 $0.0e+00, v51;
	v54 =	vmul.f32 v10, v3;
	[tilespmem:s28+$0xF100] =	vst v10  }
0x1ca: {  	v46 =	vld [tilespmem:s28+$0x19140];
	v55 =	vmul.f32 v59, v39;
	v37 =	vsub.f32 $0.0e+00, v52;
	v56 =	vmul.f32 v13, v3;
	[tilespmem:s28+$0xF110] =	vst v13  }
0x1cb: {  	v44 =	vld [tilespmem:s28+$0x19150];
	v41 =	vadd.f32 v54, v9;
	[tilespmem:s28+$0xF0E0] =	vst v36  }
0x1cc: {  	v61 =	vmul.f32 v36, v3;
	v9 =	vsub.f32 $0.0e+00, v55;
	v8 =	vadd.f32 v56, v8;
	[tilespmem:s28+$0xF0F0] =	vst v37  }
0x1cd: {  	v48 =	vmul.f32 v37, v3;
	[tilespmem:s28+$0x14100] =	vst v41;
	v41 =	vbroadcast v6, $0xA  }
0x1ce: {  	v63 =	vld [tilespmem:s28+$0x19160];
	v35 =	vadd.f32 v61, v58;
	v58 =	vmul.f32 v45, v39;
	v59 =	vmul.f32 v9, v3;
	[tilespmem:s28+$0x14110] =	vst v8  }
0x1cf: {  	v49 =	vld [tilespmem:s28+$0x14130];
	v43 =	vadd.f32 v48, v43;
	[tilespmem:s28+$0xF120] =	vst v9;
	v46 =	vmul.f32 v46, v41  }
0x1d0: {  	v47 =	vld [tilespmem:s28+$0x14140];
	[tilespmem:s28+$0x140E0] =	vst v35;
	v8 =	vsub.f32 $0.0e+00, v58;
	v38 =	vadd.f32 v59, v53;
	v60 =	vmul.f32 v44, v41  }
0x1d1: {  	[tilespmem:s28+$0x140F0] =	vst v43;
	v35 =	vsub.f32 $0.0e+00, v46  }
0x1d2: {  	v48 =	vld [tilespmem:s28+$0x19170];
	v61 =	vmul.f32 v8, v3;
	[tilespmem:s28+$0x14120] =	vst v38;
	v46 =	vbroadcast v6, $0xB;
	v38 =	vsub.f32 $0.0e+00, v60  }
0x1d3: {  	v57 =	vld [tilespmem:s28+$0x19180];
	[tilespmem:s28+$0xF130] =	vst v8;
	v62 =	vmul.f32 v35, v3  }
0x1d4: {  	v50 =	vld [tilespmem:s28+$0x19190];
	v44 =	vadd.f32 v61, v49;
	v42 =	vmul.f32 v63, v46;
	v53 =	vmul.f32 v38, v3;
	[tilespmem:s28+$0xF140] =	vst v35  }
0x1d5: {  	v51 =	vld [tilespmem:s28+$0x14160];
	[tilespmem:s28+$0xF150] =	vst v38;
	v47 =	vadd.f32 v62, v47  }
0x1d6: {  	[tilespmem:s28+$0x14130] =	vst v44;
	v40 =	vsub.f32 $0.0e+00, v42;
	v7 =	vadd.f32 v53, v7  }
0x1d7: {  	v52 =	vld [tilespmem:s28+$0x191A0];
	v48 =	vmul.f32 v48, v46;
	v42 =	vbroadcast v6, $0xC;
	[tilespmem:s28+$0x14140] =	vst v47  }
0x1d8: {  	v45 =	vld [tilespmem:s28+$0x14170];
	v60 =	vmul.f32 v40, v3;
	[tilespmem:s28+$0x14150] =	vst v7;
	v58 =	vmul.f32 v40, v46  }
0x1d9: {  	v49 =	vld [tilespmem:s28+$0x191B0];
	v43 =	vmul.f32 v57, v42;
	v7 =	vsub.f32 $0.0e+00, v48;
	[tilespmem:s28+$0xF160] =	vst v40  }
0x1da: {  	v50 =	vmul.f32 v50, v42;
	v61 =	vadd.f32 v60, v51;
	[tilespmem:s28+$0x19160] =	vst v58  }
0x1db: {  	v48 =	vbroadcast v6, $0xD;
	v43 =	vsub.f32 $0.0e+00, v43;
	v62 =	vmul.f32 v7, v3;
	[tilespmem:s28+$0xF170] =	vst v7  }
0x1dc: {  	v50 =	vsub.f32 $0.0e+00, v50;
	[tilespmem:s28+$0x14160] =	vst v61  }
0x1dd: {  	v54 =	vld [tilespmem:s28+$0x141B0];
	v52 =	vmul.f32 v52, v48;
	v45 =	vadd.f32 v62, v45;
	[tilespmem:s28+$0xF180] =	vst v43  }
0x1de: {  	v51 =	vld [tilespmem:s28+$0x141A0];
	v49 =	vmul.f32 v49, v48;
	v59 =	vmul.f32 v43, v42;
	[tilespmem:s28+$0xF190] =	vst v50  }
0x1df: {  	v63 =	vld [tilespmem:s28+$0x191C0];
	v56 =	vmul.f32 v43, v3;
	v52 =	vsub.f32 $0.0e+00, v52;
	[tilespmem:s28+$0x14170] =	vst v45  }
0x1e0: {  	v47 =	vld [tilespmem:s28+$0x191D0];
	v57 =	vmul.f32 v50, v3;
	v49 =	vsub.f32 $0.0e+00, v49;
	[tilespmem:s28+$0x19180] =	vst v59  }
0x1e1: {  	v55 =	vld [tilespmem:s28+$0x191E0];
	v5 =	vadd.f32 v56, v5;
	v61 =	vmul.f32 v52, v3;
	[tilespmem:s28+$0xF1A0] =	vst v52  }
0x1e2: {  	v45 =	vbroadcast v6, $0xE;
	v4 =	vadd.f32 v57, v4;
	v62 =	vmul.f32 v49, v3;
	[tilespmem:s28+$0xF1B0] =	vst v49  }
0x1e3: {  	[tilespmem:s28+$0x14180] =	vst v5;
	v51 =	vadd.f32 v61, v51  }
0x1e4: {  	v53 =	vld [tilespmem:s28+$0x191F0];
	v63 =	vmul.f32 v63, v45;
	[tilespmem:s28+$0x14190] =	vst v4;
	v5 =	vbroadcast v6, $0xF;
	v6 =	vadd.f32 v62, v54  }
0x1e5: {  	v56 =	vld [tilespmem:s28+$0x141C0];
	v60 =	vmul.f32 v47, v45;
	v54 =	vmul.f32 v10, v34;
	[tilespmem:s28+$0x141A0] =	vst v51  }
0x1e6: {  	v47 =	vld [tilespmem:s28+$0x141D0];
	v4 =	vsub.f32 $0.0e+00, v63;
	v55 =	vmul.f32 v55, v5;
	[tilespmem:s28+$0x141B0] =	vst v6  }
0x1e7: {  	v44 =	vsub.f32 $0.0e+00, v60;
	[tilespmem:s28+$0x19100] =	vst v54  }
0x1e8: {  	v63 =	vmul.f32 v4, v3;
	v51 =	vsub.f32 $0.0e+00, v55;
	v55 =	vmul.f32 v9, v39;
	[tilespmem:s28+$0xF1C0] =	vst v4  }
0x1e9: {  	v53 =	vmul.f32 v53, v5;
	v60 =	vmul.f32 v44, v3;
	[tilespmem:s28+$0xF1D0] =	vst v44  }
0x1ea: {  	v61 =	vld [tilespmem:s28+$0x141F0];
	v21 =	vadd.f32 v63, v56;
	[tilespmem:s28+$0x19120] =	vst v55  }
0x1eb: {  	v62 =	vadd.f32 v60, v47;
	v47 =	vsub.f32 $0.0e+00, v53;
	[tilespmem:s28+$0xF1E0] =	vst v51  }
0x1ec: {  	v63 =	vmul.f32 v51, v3;
	v53 =	vmul.f32 v37, v33;
	[tilespmem:s28+$0x141C0] =	vst v21  }
0x1ed: {  	v57 =	vld [tilespmem:s28+$0x141E0];
	v56 =	vmul.f32 v8, v39;
	[tilespmem:s28+$0x141D0] =	vst v62;
	v3 =	vmul.f32 v47, v3  }
0x1ee: {  	v60 =	vmul.f32 v50, v42;
	[tilespmem:s28+$0x190F0] =	vst v53  }
0x1ef: {  	[tilespmem:s28+$0x19130] =	vst v56;
	v3 =	vadd.f32 v3, v61  }
0x1f0: {  	[tilespmem:s28+$0x19190] =	vst v60  }
0x1f1: {  	[tilespmem:s28+$0x141F0] =	vst v3;
	v3 =	vmul.f32 v19, v14  }
0x1f2: {  	v16 =	vadd.f32 v63, v57;
	[tilespmem:s28+$0xF1F0] =	vst v47  }
0x1f3: {  	[tilespmem:s28+$0x19050] =	vst v3;
	v3 =	vmul.f32 v27, v22  }
0x1f4: {  	v21 =	vmul.f32 v18, v14;
	[tilespmem:s28+$0x141E0] =	vst v16  }
0x1f5: {  	[tilespmem:s28+$0x19080] =	vst v3;
	v3 =	vmul.f32 v31, v24  }
0x1f6: {  	v57 =	vmul.f32 v38, v41;
	[tilespmem:s28+$0x19040] =	vst v21  }
0x1f7: {  	[tilespmem:s28+$0x190B0] =	vst v3;
	v3 =	vmul.f32 v36, v33  }
0x1f8: {  	v62 =	vmul.f32 v4, v45;
	[tilespmem:s28+$0x19150] =	vst v57  }
0x1f9: {  	[tilespmem:s28+$0x190E0] =	vst v3;
	v3 =	vmul.f32 v13, v34  }
0x1fa: {  	v63 =	vmul.f32 v51, v5;
	[tilespmem:s28+$0x191C0] =	vst v62  }
0x1fb: {  	[tilespmem:s28+$0x19110] =	vst v3;
	v3 =	vmul.f32 v35, v41  }
0x1fc: {  	v5 =	vmul.f32 v47, v5;
	[tilespmem:s28+$0x191E0] =	vst v63  }
0x1fd: {  	[tilespmem:s28+$0x19140] =	vst v3;
	v3 =	vmul.f32 v7, v46  }
0x1fe: {  	v61 =	vmul.f32 v49, v48;
	[tilespmem:s28+$0x191F0] =	vst v5  }
0x1ff: {  	[tilespmem:s28+$0x19170] =	vst v3;
	v3 =	vmul.f32 v52, v48  }
0x200: {  	[tilespmem:s28+$0x191B0] =	vst v61;
	v31 =	vmul.f32 v26, v29  }
0x201: {  	[tilespmem:s28+$0x191A0] =	vst v3;
	v3 =	vmul.f32 v44, v45  }
0x202: {  	[tilespmem:s28+$0x190C0] =	vst v31  }
0x203: {  	[tilespmem:s28+$0x191D0] =	vst v3  }
0x204: {  	[spmem:s8] =	stream.linear.scatter [tilespmem:s19], [sflag:$0x2], $0x5000, $0x38;
	[tilespmem:$0x1EFB0] =	vst v63  }
0x205: {  	_ =	swait.ge [sflag:s15], $0x5000  }
0x206: {  	[sflag:s15] =	ssyncset.done $0x0  }
0x207: {  	s29 =	simm.s32 $0x0;
	s28 =	simm.s32 $0x80;
	[sflag:s15] =	ssyncadd.s32 $0xFFFFB000  }
.LBB2_12:
0x208: {  	p0 =	sne.s32 s28, $0x13F80;
	[tilespmem:s29+$0x19000] =	vst v0;
	s0 =	smov.u32 s28;
	s28 =	sadd.s32 $0x80, s28  }
.Ltmp5:
0x209: {  	[tilespmem:s29+$0x19010] =	vst v0;
	(pc) =	sbr.rel @p0 .LBB2_12-.Ltmp5, $2  }
0x20a: {  	_ =	sdelay $0x2  }
0x20b: {  	s29 =	sshra.s32 s0, $0x2  }
0x20c: {  	[tilespmem:s29+$0x19000] =	vst v0  }
0x20d: {  	[tilespmem:s29+$0x19010] =	vst v0;
	s28 =	simm.s32 $0x2  }
0x20e: {  	[spmem:s9] =	stream.linear.scatter [tilespmem:s19], [sflag:$0x2], $0x5000, $0x38;
	[tilespmem:$0x1EFB0] =	vst v63  }
0x20f: {  	_ =	swait.ge [sflag:s28], $0x5000  }
0x210: {  	[sflag:s28] =	ssyncset.done $0x0  }
0x211: {  	[sflag:s28] =	ssyncadd.s32 $0xFFFFB000  }
0x212: {  	[bflag:$0x0] =	sbarrier.arrive $0xFFFF  }
.LBB2_14:
0x213: {  	s0 =	sadd.s32 $0x0, s13  }
0x214: {  	[tilespmem:s20], [sflag:$0x2] =	stream.linear.gather [hbm4b:s0+s3], $0x50, $0x38;
	[tilespmem:$0x1EFB0] =	vst v63  }
0x215: {  	_ =	swait.ge [sflag:s15], $0x50  }
0x216: {  	[sflag:s15] =	ssyncset.done $0x0  }
0x217: {  	s31 =	sadd.s32 $0x0, s12;
	[sflag:s15] =	ssyncadd.s32 $0xFFFFFFB0  }
0x218: {  	[tilespmem:s21], [sflag:$0x2] =	stream.linear.gather [hbm4b:s31+s3], $0x50, $0x38;
	[tilespmem:$0x1EFB0] =	vst v63  }
0x219: {  	_ =	swait.ge [sflag:s15], $0x50  }
0x21a: {  	[sflag:s15] =	ssyncset.done $0x0  }
0x21b: {  	[sflag:s15] =	ssyncadd.s32 $0xFFFFFFB0  }
0x21c: {  	[tilespmem:s23], [sflag:$0x1] =	stream.indirect.gather [spmem:s2], $0x20, s20, s22, $0xb8;
	[tilespmem:$0x1EFB0] =	vst v63  }
0x21d: {  	_ =	swait.ge [sflag:s24], $0xA00  }
0x21e: {  	[sflag:s24] =	ssyncset.done $0x0  }
0x21f: {  	[sflag:s24] =	ssyncadd.s32 $0xFFFFF600  }
0x220: {  	[spmem:s2] =	stream.indirect.scatter.add.f32 [tilespmem:s23], [sflag:$0x2], $0x20, s21, s22, $0xb8;
	[tilespmem:$0x1EFB0] =	vst v63  }
0x221: {  	_ =	swait.ge [sflag:s15], $0xA00  }
0x222: {  	s29 =	simm.s32 $0xA;
	s30 =	simm.s32 $0x14;
	[sflag:s15] =	ssyncset.done $0x0  }
.LBB2_15:
0x223: {  	s0 =	sadd.s32 s29, s13  }
0x224: {  	[sflag:s15] =	ssyncadd.s32 $0xFFFFF600;
	s31 =	smov.u32 s30;
	s1 =	sadd.s32 $0xA, s30  }
0x225: {  	[tilespmem:s20], [sflag:$0x2] =	stream.linear.gather [hbm4b:s0+s3], $0x50, $0x38;
	[tilespmem:$0x1EFB0] =	vst v63  }
0x226: {  	p0 =	sne.s32 s30, $0x9BA;
	_ =	swait.ge [sflag:s15], $0x50  }
0x227: {  	[sflag:s15] =	ssyncset.done $0x0  }
0x228: {  	s0 =	sadd.s32 s29, s12;
	s29 =	smov.u32 s31;
	[sflag:s15] =	ssyncadd.s32 $0xFFFFFFB0  }
0x229: {  	[tilespmem:s21], [sflag:$0x2] =	stream.linear.gather [hbm4b:s0+s3], $0x50, $0x38;
	[tilespmem:$0x1EFB0] =	vst v63  }
0x22a: {  	_ =	swait.ge [sflag:s15], $0x50  }
0x22b: {  	[sflag:s15] =	ssyncset.done $0x0  }
0x22c: {  	[sflag:s15] =	ssyncadd.s32 $0xFFFFFFB0  }
0x22d: {  	[tilespmem:s23], [sflag:$0x1] =	stream.indirect.gather [spmem:s2], $0x20, s20, s22, $0xb8;
	[tilespmem:$0x1EFB0] =	vst v63  }
0x22e: {  	_ =	swait.ge [sflag:s24], $0xA00  }
.Ltmp6:
0x22f: {  	[sflag:s24] =	ssyncset.done $0x0;
	(pc) =	sbr.rel @p0 .LBB2_15-.Ltmp6, $4  }
0x230: {  	[sflag:s24] =	ssyncadd.s32 $0xFFFFF600  }
0x231: {  	[spmem:s2] =	stream.indirect.scatter.add.f32 [tilespmem:s23], [sflag:$0x2], $0x20, s21, s22, $0xb8;
	[tilespmem:$0x1EFB0] =	vst v63  }
0x232: {  	_ =	swait.ge [sflag:s15], $0xA00  }
0x233: {  	s30 =	smov.u32 s1;
	[sflag:s15] =	ssyncset.done $0x0  }
0x234: {  	s0 =	sadd.s32 s29, s13;
	[sflag:s15] =	ssyncadd.s32 $0xFFFFF600  }
0x235: {  	[tilespmem:s20], [sflag:$0x2] =	stream.linear.gather [hbm4b:s0+s3], $0x50, $0x38;
	[tilespmem:$0x1EFB0] =	vst v63  }
0x236: {  	_ =	swait.ge [sflag:s15], $0x50  }
0x237: {  	[sflag:s15] =	ssyncset.done $0x0  }
0x238: {  	s1 =	sadd.s32 s29, s12;
	[sflag:s15] =	ssyncadd.s32 $0xFFFFFFB0  }
0x239: {  	[tilespmem:s21], [sflag:$0x2] =	stream.linear.gather [hbm4b:s1+s3], $0x50, $0x38;
	[tilespmem:$0x1EFB0] =	vst v63  }
0x23a: {  	_ =	swait.ge [sflag:s15], $0x50  }
0x23b: {  	[sflag:s15] =	ssyncset.done $0x0  }
0x23c: {  	[sflag:s15] =	ssyncadd.s32 $0xFFFFFFB0  }
0x23d: {  	[tilespmem:s23], [sflag:$0x1] =	stream.indirect.gather [spmem:s2], $0x20, s20, s22, $0xb8;
	[tilespmem:$0x1EFB0] =	vst v63  }
0x23e: {  	_ =	swait.ge [sflag:s24], $0xA00  }
0x23f: {  	[sflag:s24] =	ssyncset.done $0x0  }
0x240: {  	[sflag:s24] =	ssyncadd.s32 $0xFFFFF600  }
0x241: {  	[spmem:s2] =	stream.indirect.scatter.add.f32 [tilespmem:s23], [sflag:$0x2], $0x20, s21, s22, $0xb8;
	[tilespmem:$0x1EFB0] =	vst v63  }
0x242: {  	_ =	swait.ge [sflag:s15], $0xA00  }
0x243: {  	[sflag:s15] =	ssyncset.done $0x0  }
0x244: {  	[sflag:s15] =	ssyncadd.s32 $0xFFFFF600  }
0x245: {  	s31 =	sand.u32 $0x1, s28;
	[bflag:$0x0] =	sbarrier.arrive $0xFFFF  }
0x246: {  	[tilespmem:s19], [sflag:$0x2] =	stream.linear.gather [spmem:s9], $0x5000, $0x38;
	[tilespmem:$0x1EFB0] =	vst v63  }
0x247: {  	p0 =	seq.s32 s31, $0x1;
	s0 =	simm.s32 $0xF000;
	_ =	swait.ge [sflag:s15], $0x5000  }
0x248: {  	v3 =	vmov s28;
	s0 =	simm.s32 @!p0 $0xA000;
	[sflag:s15] =	ssyncset.done $0x0  }
0x249: {  	s29 =	simm.s32 $0x7C0;
	s30 =	simm.s32 $0x1EAA0;
	v3 =	vperm.xlane v2, v3;
	v4 =	vmov s0;
	[sflag:s15] =	ssyncadd.s32 $0xFFFFB000  }
.LBB2_17:
0x24a: {  	v5 =	vld [tilespmem:s30+$0x0]  }
0x24b: {  	s31 =	sshra.s32 s29, $0x2  }
0x24c: {  	v6 =	vld [tilespmem:s31+$0x18E10];
	_ =	sdelay $0x2  }
0x24d: {  	v7 =	vbroadcast v5, $0x0  }
0x24e: {  	v8 =	vld.idx.msk [tilespmem:v4+s31+$0xFFFFFE10 ss:$0x1], $0xffff  }
0x24f: {  	v6 =	vmul.f32 v6, v7;
	_ =	sdelay $0x1  }
0x250: {  	v6 =	vmul.f32 $-2.000000000e+00, v6;
	_ =	sdelay $0x1  }
0x251: {  	v6 =	vsub.f32 v6, v8;
	_ =	sdelay $0x1  }
0x252: {  	[tilespmem:v4+s31+$0xFFFFFE10 ss:$0x1] =	vst.idx.msk $0xffff, v6  }
0x253: {  	v25 =	vld [tilespmem:s31+$0x13E10];
	_ =	sdelay $0x2  }
0x254: {  	v9 =	vmul.f32 v6, v3  }
0x255: {  	v6 =	vmul.f32 v6, v7;
	v10 =	vld [tilespmem:s31+$0x18E20]  }
0x256: {  	v8 =	vadd.f32 v9, v25  }
0x257: {  	[tilespmem:s31+$0x18E10] =	vst v6  }
0x258: {  	[tilespmem:s31+$0x13E10] =	vst v8  }
0x259: {  	v6 =	vld.idx.msk [tilespmem:v4+s31+$0xFFFFFE20 ss:$0x1], $0xffff  }
0x25a: {  	v26 =	vmul.f32 v10, v7;
	_ =	sdelay $0x1  }
0x25b: {  	v8 =	vmul.f32 $-2.000000000e+00, v26;
	_ =	sdelay $0x1  }
0x25c: {  	v6 =	vsub.f32 v8, v6;
	_ =	sdelay $0x1  }
0x25d: {  	[tilespmem:v4+s31+$0xFFFFFE20 ss:$0x1] =	vst.idx.msk $0xffff, v6  }
0x25e: {  	v27 =	vld [tilespmem:s31+$0x13E20];
	_ =	sdelay $0x2  }
0x25f: {  	v28 =	vmul.f32 v6, v3  }
0x260: {  	v6 =	vmul.f32 v6, v7;
	v7 =	vld [tilespmem:s31+$0x18E30]  }
0x261: {  	v8 =	vadd.f32 v28, v27  }
0x262: {  	[tilespmem:s31+$0x18E20] =	vst v6  }
0x263: {  	v6 =	vbroadcast v5, $0x1;
	[tilespmem:s31+$0x13E20] =	vst v8  }
0x264: {  	v8 =	vld.idx.msk [tilespmem:v4+s31+$0xFFFFFE30 ss:$0x1], $0xffff  }
0x265: {  	v7 =	vmul.f32 v7, v6;
	_ =	sdelay $0x1  }
0x266: {  	v7 =	vmul.f32 $-2.000000000e+00, v7;
	_ =	sdelay $0x1  }
0x267: {  	v7 =	vsub.f32 v7, v8;
	_ =	sdelay $0x1  }
0x268: {  	[tilespmem:v4+s31+$0xFFFFFE30 ss:$0x1] =	vst.idx.msk $0xffff, v7  }
0x269: {  	v29 =	vld [tilespmem:s31+$0x13E30];
	_ =	sdelay $0x2  }
0x26a: {  	v30 =	vmul.f32 v7, v3  }
0x26b: {  	v7 =	vmul.f32 v7, v6;
	v31 =	vld [tilespmem:s31+$0x18E40]  }
0x26c: {  	v8 =	vadd.f32 v30, v29  }
0x26d: {  	[tilespmem:s31+$0x18E30] =	vst v7  }
0x26e: {  	[tilespmem:s31+$0x13E30] =	vst v8  }
0x26f: {  	v7 =	vld.idx.msk [tilespmem:v4+s31+$0xFFFFFE40 ss:$0x1], $0xffff  }
0x270: {  	v32 =	vmul.f32 v31, v6;
	_ =	sdelay $0x1  }
0x271: {  	v8 =	vmul.f32 $-2.000000000e+00, v32;
	_ =	sdelay $0x1  }
0x272: {  	v7 =	vsub.f32 v8, v7;
	_ =	sdelay $0x1  }
0x273: {  	[tilespmem:v4+s31+$0xFFFFFE40 ss:$0x1] =	vst.idx.msk $0xffff, v7  }
0x274: {  	v33 =	vld [tilespmem:s31+$0x13E40];
	_ =	sdelay $0x2  }
0x275: {  	v34 =	vmul.f32 v7, v3  }
0x276: {  	v6 =	vmul.f32 v7, v6;
	v7 =	vld [tilespmem:s31+$0x18E50]  }
0x277: {  	v8 =	vadd.f32 v34, v33  }
0x278: {  	[tilespmem:s31+$0x18E40] =	vst v6  }
0x279: {  	v6 =	vbroadcast v5, $0x2;
	[tilespmem:s31+$0x13E40] =	vst v8  }
0x27a: {  	v8 =	vld.idx.msk [tilespmem:v4+s31+$0xFFFFFE50 ss:$0x1], $0xffff  }
0x27b: {  	v7 =	vmul.f32 v7, v6;
	_ =	sdelay $0x1  }
0x27c: {  	v7 =	vmul.f32 $-2.000000000e+00, v7;
	_ =	sdelay $0x1  }
0x27d: {  	v7 =	vsub.f32 v7, v8;
	_ =	sdelay $0x1  }
0x27e: {  	[tilespmem:v4+s31+$0xFFFFFE50 ss:$0x1] =	vst.idx.msk $0xffff, v7  }
0x27f: {  	v35 =	vld [tilespmem:s31+$0x13E50];
	_ =	sdelay $0x2  }
0x280: {  	v36 =	vmul.f32 v7, v3  }
0x281: {  	v7 =	vmul.f32 v7, v6;
	v37 =	vld [tilespmem:s31+$0x18E60]  }
0x282: {  	v8 =	vadd.f32 v36, v35  }
0x283: {  	[tilespmem:s31+$0x18E50] =	vst v7  }
0x284: {  	[tilespmem:s31+$0x13E50] =	vst v8  }
0x285: {  	v7 =	vld.idx.msk [tilespmem:v4+s31+$0xFFFFFE60 ss:$0x1], $0xffff  }
0x286: {  	v38 =	vmul.f32 v37, v6;
	_ =	sdelay $0x1  }
0x287: {  	v8 =	vmul.f32 $-2.000000000e+00, v38;
	_ =	sdelay $0x1  }
0x288: {  	v7 =	vsub.f32 v8, v7;
	_ =	sdelay $0x1  }
0x289: {  	[tilespmem:v4+s31+$0xFFFFFE60 ss:$0x1] =	vst.idx.msk $0xffff, v7  }
0x28a: {  	v39 =	vld [tilespmem:s31+$0x13E60];
	_ =	sdelay $0x2  }
0x28b: {  	v40 =	vmul.f32 v7, v3  }
0x28c: {  	v6 =	vmul.f32 v7, v6;
	v7 =	vld [tilespmem:s31+$0x18E70]  }
0x28d: {  	v8 =	vadd.f32 v40, v39  }
0x28e: {  	[tilespmem:s31+$0x18E60] =	vst v6  }
0x28f: {  	v6 =	vbroadcast v5, $0x3;
	[tilespmem:s31+$0x13E60] =	vst v8  }
0x290: {  	v8 =	vld.idx.msk [tilespmem:v4+s31+$0xFFFFFE70 ss:$0x1], $0xffff  }
0x291: {  	v7 =	vmul.f32 v7, v6;
	_ =	sdelay $0x1  }
0x292: {  	v7 =	vmul.f32 $-2.000000000e+00, v7;
	_ =	sdelay $0x1  }
0x293: {  	v7 =	vsub.f32 v7, v8;
	_ =	sdelay $0x1  }
0x294: {  	[tilespmem:v4+s31+$0xFFFFFE70 ss:$0x1] =	vst.idx.msk $0xffff, v7  }
0x295: {  	v41 =	vld [tilespmem:s31+$0x13E70];
	_ =	sdelay $0x2  }
0x296: {  	v42 =	vmul.f32 v7, v3  }
0x297: {  	v7 =	vmul.f32 v7, v6;
	v43 =	vld [tilespmem:s31+$0x18E80]  }
0x298: {  	v8 =	vadd.f32 v42, v41  }
0x299: {  	[tilespmem:s31+$0x18E70] =	vst v7  }
0x29a: {  	[tilespmem:s31+$0x13E70] =	vst v8  }
0x29b: {  	v7 =	vld.idx.msk [tilespmem:v4+s31+$0xFFFFFE80 ss:$0x1], $0xffff  }
0x29c: {  	v44 =	vmul.f32 v43, v6;
	_ =	sdelay $0x1  }
0x29d: {  	v8 =	vmul.f32 $-2.000000000e+00, v44;
	_ =	sdelay $0x1  }
0x29e: {  	v7 =	vsub.f32 v8, v7;
	_ =	sdelay $0x1  }
0x29f: {  	[tilespmem:v4+s31+$0xFFFFFE80 ss:$0x1] =	vst.idx.msk $0xffff, v7  }
0x2a0: {  	v45 =	vld [tilespmem:s31+$0x13E80];
	_ =	sdelay $0x2  }
0x2a1: {  	v46 =	vmul.f32 v7, v3  }
0x2a2: {  	v6 =	vmul.f32 v7, v6;
	v7 =	vld [tilespmem:s31+$0x18E90]  }
0x2a3: {  	v8 =	vadd.f32 v46, v45  }
0x2a4: {  	[tilespmem:s31+$0x18E80] =	vst v6  }
0x2a5: {  	v6 =	vbroadcast v5, $0x4;
	[tilespmem:s31+$0x13E80] =	vst v8  }
0x2a6: {  	v8 =	vld.idx.msk [tilespmem:v4+s31+$0xFFFFFE90 ss:$0x1], $0xffff  }
0x2a7: {  	v7 =	vmul.f32 v7, v6;
	_ =	sdelay $0x1  }
0x2a8: {  	v7 =	vmul.f32 $-2.000000000e+00, v7;
	_ =	sdelay $0x1  }
0x2a9: {  	v7 =	vsub.f32 v7, v8;
	_ =	sdelay $0x1  }
0x2aa: {  	[tilespmem:v4+s31+$0xFFFFFE90 ss:$0x1] =	vst.idx.msk $0xffff, v7  }
0x2ab: {  	v47 =	vld [tilespmem:s31+$0x13E90];
	_ =	sdelay $0x2  }
0x2ac: {  	v48 =	vmul.f32 v7, v3  }
0x2ad: {  	v7 =	vmul.f32 v7, v6;
	v49 =	vld [tilespmem:s31+$0x18EA0]  }
0x2ae: {  	v8 =	vadd.f32 v48, v47  }
0x2af: {  	[tilespmem:s31+$0x18E90] =	vst v7  }
0x2b0: {  	[tilespmem:s31+$0x13E90] =	vst v8  }
0x2b1: {  	v7 =	vld.idx.msk [tilespmem:v4+s31+$0xFFFFFEA0 ss:$0x1], $0xffff  }
0x2b2: {  	v50 =	vmul.f32 v49, v6;
	_ =	sdelay $0x1  }
0x2b3: {  	v8 =	vmul.f32 $-2.000000000e+00, v50;
	_ =	sdelay $0x1  }
0x2b4: {  	v7 =	vsub.f32 v8, v7;
	_ =	sdelay $0x1  }
0x2b5: {  	[tilespmem:v4+s31+$0xFFFFFEA0 ss:$0x1] =	vst.idx.msk $0xffff, v7  }
0x2b6: {  	v51 =	vld [tilespmem:s31+$0x13EA0];
	_ =	sdelay $0x2  }
0x2b7: {  	v52 =	vmul.f32 v7, v3  }
0x2b8: {  	v6 =	vmul.f32 v7, v6;
	v7 =	vld [tilespmem:s31+$0x18EB0]  }
0x2b9: {  	v8 =	vadd.f32 v52, v51  }
0x2ba: {  	[tilespmem:s31+$0x18EA0] =	vst v6  }
0x2bb: {  	v6 =	vbroadcast v5, $0x5;
	[tilespmem:s31+$0x13EA0] =	vst v8  }
0x2bc: {  	v8 =	vld.idx.msk [tilespmem:v4+s31+$0xFFFFFEB0 ss:$0x1], $0xffff  }
0x2bd: {  	v7 =	vmul.f32 v7, v6;
	_ =	sdelay $0x1  }
0x2be: {  	v7 =	vmul.f32 $-2.000000000e+00, v7;
	_ =	sdelay $0x1  }
0x2bf: {  	v7 =	vsub.f32 v7, v8;
	_ =	sdelay $0x1  }
0x2c0: {  	[tilespmem:v4+s31+$0xFFFFFEB0 ss:$0x1] =	vst.idx.msk $0xffff, v7  }
0x2c1: {  	v53 =	vld [tilespmem:s31+$0x13EB0];
	_ =	sdelay $0x2  }
0x2c2: {  	v54 =	vmul.f32 v7, v3  }
0x2c3: {  	v7 =	vmul.f32 v7, v6;
	v55 =	vld [tilespmem:s31+$0x18EC0]  }
0x2c4: {  	v8 =	vadd.f32 v54, v53  }
0x2c5: {  	[tilespmem:s31+$0x18EB0] =	vst v7  }
0x2c6: {  	[tilespmem:s31+$0x13EB0] =	vst v8  }
0x2c7: {  	v7 =	vld.idx.msk [tilespmem:v4+s31+$0xFFFFFEC0 ss:$0x1], $0xffff  }
0x2c8: {  	v56 =	vmul.f32 v55, v6;
	_ =	sdelay $0x1  }
0x2c9: {  	v8 =	vmul.f32 $-2.000000000e+00, v56;
	_ =	sdelay $0x1  }
0x2ca: {  	v7 =	vsub.f32 v8, v7;
	_ =	sdelay $0x1  }
0x2cb: {  	[tilespmem:v4+s31+$0xFFFFFEC0 ss:$0x1] =	vst.idx.msk $0xffff, v7  }
0x2cc: {  	v57 =	vld [tilespmem:s31+$0x13EC0];
	_ =	sdelay $0x2  }
0x2cd: {  	v58 =	vmul.f32 v7, v3  }
0x2ce: {  	v6 =	vmul.f32 v7, v6;
	v7 =	vld [tilespmem:s31+$0x18ED0]  }
0x2cf: {  	v8 =	vadd.f32 v58, v57  }
0x2d0: {  	[tilespmem:s31+$0x18EC0] =	vst v6  }
0x2d1: {  	v6 =	vbroadcast v5, $0x6;
	[tilespmem:s31+$0x13EC0] =	vst v8  }
0x2d2: {  	v8 =	vld.idx.msk [tilespmem:v4+s31+$0xFFFFFED0 ss:$0x1], $0xffff  }
0x2d3: {  	v7 =	vmul.f32 v7, v6;
	_ =	sdelay $0x1  }
0x2d4: {  	v7 =	vmul.f32 $-2.000000000e+00, v7;
	_ =	sdelay $0x1  }
0x2d5: {  	v7 =	vsub.f32 v7, v8;
	_ =	sdelay $0x1  }
0x2d6: {  	[tilespmem:v4+s31+$0xFFFFFED0 ss:$0x1] =	vst.idx.msk $0xffff, v7  }
0x2d7: {  	v59 =	vld [tilespmem:s31+$0x13ED0];
	_ =	sdelay $0x2  }
0x2d8: {  	v60 =	vmul.f32 v7, v3  }
0x2d9: {  	v7 =	vmul.f32 v7, v6;
	v61 =	vld [tilespmem:s31+$0x18EE0]  }
0x2da: {  	v8 =	vadd.f32 v60, v59  }
0x2db: {  	[tilespmem:s31+$0x18ED0] =	vst v7  }
0x2dc: {  	[tilespmem:s31+$0x13ED0] =	vst v8  }
0x2dd: {  	v7 =	vld.idx.msk [tilespmem:v4+s31+$0xFFFFFEE0 ss:$0x1], $0xffff  }
0x2de: {  	v62 =	vmul.f32 v61, v6;
	_ =	sdelay $0x1  }
0x2df: {  	v8 =	vmul.f32 $-2.000000000e+00, v62;
	_ =	sdelay $0x1  }
0x2e0: {  	v7 =	vsub.f32 v8, v7;
	_ =	sdelay $0x1  }
0x2e1: {  	[tilespmem:v4+s31+$0xFFFFFEE0 ss:$0x1] =	vst.idx.msk $0xffff, v7  }
0x2e2: {  	v63 =	vld [tilespmem:s31+$0x13EE0];
	_ =	sdelay $0x2  }
0x2e3: {  	v12 =	vmul.f32 v7, v3  }
0x2e4: {  	v6 =	vmul.f32 v7, v6;
	v7 =	vld [tilespmem:s31+$0x18EF0]  }
0x2e5: {  	v8 =	vadd.f32 v12, v63  }
0x2e6: {  	[tilespmem:s31+$0x18EE0] =	vst v6  }
0x2e7: {  	v6 =	vbroadcast v5, $0x7;
	[tilespmem:s31+$0x13EE0] =	vst v8  }
0x2e8: {  	v8 =	vld.idx.msk [tilespmem:v4+s31+$0xFFFFFEF0 ss:$0x1], $0xffff  }
0x2e9: {  	v7 =	vmul.f32 v7, v6;
	_ =	sdelay $0x1  }
0x2ea: {  	v7 =	vmul.f32 $-2.000000000e+00, v7;
	_ =	sdelay $0x1  }
0x2eb: {  	v7 =	vsub.f32 v7, v8;
	_ =	sdelay $0x1  }
0x2ec: {  	[tilespmem:v4+s31+$0xFFFFFEF0 ss:$0x1] =	vst.idx.msk $0xffff, v7  }
0x2ed: {  	v13 =	vld [tilespmem:s31+$0x13EF0];
	_ =	sdelay $0x2  }
0x2ee: {  	v14 =	vmul.f32 v7, v3  }
0x2ef: {  	v7 =	vmul.f32 v7, v6;
	v15 =	vld [tilespmem:s31+$0x18F00]  }
0x2f0: {  	v8 =	vadd.f32 v14, v13  }
0x2f1: {  	[tilespmem:s31+$0x18EF0] =	vst v7  }
0x2f2: {  	[tilespmem:s31+$0x13EF0] =	vst v8  }
0x2f3: {  	v7 =	vld.idx.msk [tilespmem:v4+s31+$0xFFFFFF00 ss:$0x1], $0xffff  }
0x2f4: {  	v16 =	vmul.f32 v15, v6;
	_ =	sdelay $0x1  }
0x2f5: {  	v8 =	vmul.f32 $-2.000000000e+00, v16;
	_ =	sdelay $0x1  }
0x2f6: {  	v7 =	vsub.f32 v8, v7;
	_ =	sdelay $0x1  }
0x2f7: {  	[tilespmem:v4+s31+$0xFFFFFF00 ss:$0x1] =	vst.idx.msk $0xffff, v7  }
0x2f8: {  	v17 =	vld [tilespmem:s31+$0x13F00];
	_ =	sdelay $0x2  }
0x2f9: {  	v18 =	vmul.f32 v7, v3  }
0x2fa: {  	v6 =	vmul.f32 v7, v6;
	v7 =	vld [tilespmem:s31+$0x18F10]  }
0x2fb: {  	v8 =	vadd.f32 v18, v17  }
0x2fc: {  	[tilespmem:s31+$0x18F00] =	vst v6  }
0x2fd: {  	v6 =	vbroadcast v5, $0x8;
	[tilespmem:s31+$0x13F00] =	vst v8  }
0x2fe: {  	v8 =	vld.idx.msk [tilespmem:v4+s31+$0xFFFFFF10 ss:$0x1], $0xffff  }
0x2ff: {  	v7 =	vmul.f32 v7, v6;
	_ =	sdelay $0x1  }
0x300: {  	v7 =	vmul.f32 $-2.000000000e+00, v7;
	_ =	sdelay $0x1  }
0x301: {  	v7 =	vsub.f32 v7, v8;
	_ =	sdelay $0x1  }
0x302: {  	[tilespmem:v4+s31+$0xFFFFFF10 ss:$0x1] =	vst.idx.msk $0xffff, v7  }
0x303: {  	v19 =	vld [tilespmem:s31+$0x13F10];
	_ =	sdelay $0x2  }
0x304: {  	v20 =	vmul.f32 v7, v3  }
0x305: {  	v7 =	vmul.f32 v7, v6;
	v21 =	vld [tilespmem:s31+$0x18F20]  }
0x306: {  	v8 =	vadd.f32 v20, v19  }
0x307: {  	[tilespmem:s31+$0x18F10] =	vst v7  }
0x308: {  	[tilespmem:s31+$0x13F10] =	vst v8  }
0x309: {  	v7 =	vld.idx.msk [tilespmem:v4+s31+$0xFFFFFF20 ss:$0x1], $0xffff  }
0x30a: {  	v22 =	vmul.f32 v21, v6;
	_ =	sdelay $0x1  }
0x30b: {  	v8 =	vmul.f32 $-2.000000000e+00, v22;
	_ =	sdelay $0x1  }
0x30c: {  	v7 =	vsub.f32 v8, v7;
	_ =	sdelay $0x1  }
0x30d: {  	[tilespmem:v4+s31+$0xFFFFFF20 ss:$0x1] =	vst.idx.msk $0xffff, v7  }
0x30e: {  	v23 =	vld [tilespmem:s31+$0x13F20];
	_ =	sdelay $0x2  }
0x30f: {  	v24 =	vmul.f32 v7, v3  }
0x310: {  	v6 =	vmul.f32 v7, v6;
	v7 =	vld [tilespmem:s31+$0x18F30]  }
0x311: {  	v8 =	vadd.f32 v24, v23  }
0x312: {  	[tilespmem:s31+$0x18F20] =	vst v6  }
0x313: {  	v6 =	vbroadcast v5, $0x9;
	[tilespmem:s31+$0x13F20] =	vst v8  }
0x314: {  	v8 =	vld.idx.msk [tilespmem:v4+s31+$0xFFFFFF30 ss:$0x1], $0xffff  }
0x315: {  	v7 =	vmul.f32 v7, v6;
	_ =	sdelay $0x1  }
0x316: {  	v7 =	vmul.f32 $-2.000000000e+00, v7;
	_ =	sdelay $0x1  }
0x317: {  	v7 =	vsub.f32 v7, v8;
	_ =	sdelay $0x1  }
0x318: {  	[tilespmem:v4+s31+$0xFFFFFF30 ss:$0x1] =	vst.idx.msk $0xffff, v7  }
0x319: {  	v25 =	vld [tilespmem:s31+$0x13F30];
	_ =	sdelay $0x2  }
0x31a: {  	v26 =	vmul.f32 v7, v3  }
0x31b: {  	v7 =	vmul.f32 v7, v6;
	v27 =	vld [tilespmem:s31+$0x18F40]  }
0x31c: {  	v8 =	vadd.f32 v26, v25  }
0x31d: {  	[tilespmem:s31+$0x18F30] =	vst v7  }
0x31e: {  	[tilespmem:s31+$0x13F30] =	vst v8  }
0x31f: {  	v7 =	vld.idx.msk [tilespmem:v4+s31+$0xFFFFFF40 ss:$0x1], $0xffff  }
0x320: {  	v28 =	vmul.f32 v27, v6;
	_ =	sdelay $0x1  }
0x321: {  	v8 =	vmul.f32 $-2.000000000e+00, v28;
	_ =	sdelay $0x1  }
0x322: {  	v7 =	vsub.f32 v8, v7;
	_ =	sdelay $0x1  }
0x323: {  	[tilespmem:v4+s31+$0xFFFFFF40 ss:$0x1] =	vst.idx.msk $0xffff, v7  }
0x324: {  	v29 =	vld [tilespmem:s31+$0x13F40];
	_ =	sdelay $0x2  }
0x325: {  	v30 =	vmul.f32 v7, v3  }
0x326: {  	v6 =	vmul.f32 v7, v6;
	v7 =	vld [tilespmem:s31+$0x18F50]  }
0x327: {  	v8 =	vadd.f32 v30, v29  }
0x328: {  	[tilespmem:s31+$0x18F40] =	vst v6  }
0x329: {  	v6 =	vbroadcast v5, $0xA;
	[tilespmem:s31+$0x13F40] =	vst v8  }
0x32a: {  	v8 =	vld.idx.msk [tilespmem:v4+s31+$0xFFFFFF50 ss:$0x1], $0xffff  }
0x32b: {  	v7 =	vmul.f32 v7, v6;
	_ =	sdelay $0x1  }
0x32c: {  	v7 =	vmul.f32 $-2.000000000e+00, v7;
	_ =	sdelay $0x1  }
0x32d: {  	v7 =	vsub.f32 v7, v8;
	_ =	sdelay $0x1  }
0x32e: {  	[tilespmem:v4+s31+$0xFFFFFF50 ss:$0x1] =	vst.idx.msk $0xffff, v7  }
0x32f: {  	v31 =	vld [tilespmem:s31+$0x13F50];
	_ =	sdelay $0x2  }
0x330: {  	v32 =	vmul.f32 v7, v3  }
0x331: {  	v7 =	vmul.f32 v7, v6;
	v33 =	vld [tilespmem:s31+$0x18F60]  }
0x332: {  	v8 =	vadd.f32 v32, v31  }
0x333: {  	[tilespmem:s31+$0x18F50] =	vst v7  }
0x334: {  	[tilespmem:s31+$0x13F50] =	vst v8  }
0x335: {  	v7 =	vld.idx.msk [tilespmem:v4+s31+$0xFFFFFF60 ss:$0x1], $0xffff  }
0x336: {  	v34 =	vmul.f32 v33, v6;
	_ =	sdelay $0x1  }
0x337: {  	v8 =	vmul.f32 $-2.000000000e+00, v34;
	_ =	sdelay $0x1  }
0x338: {  	v7 =	vsub.f32 v8, v7;
	_ =	sdelay $0x1  }
0x339: {  	[tilespmem:v4+s31+$0xFFFFFF60 ss:$0x1] =	vst.idx.msk $0xffff, v7  }
0x33a: {  	v35 =	vld [tilespmem:s31+$0x13F60];
	_ =	sdelay $0x2  }
0x33b: {  	v36 =	vmul.f32 v7, v3  }
0x33c: {  	v6 =	vmul.f32 v7, v6;
	v7 =	vld [tilespmem:s31+$0x18F70]  }
0x33d: {  	v8 =	vadd.f32 v36, v35  }
0x33e: {  	[tilespmem:s31+$0x18F60] =	vst v6  }
0x33f: {  	v6 =	vbroadcast v5, $0xB;
	[tilespmem:s31+$0x13F60] =	vst v8  }
0x340: {  	v8 =	vld.idx.msk [tilespmem:v4+s31+$0xFFFFFF70 ss:$0x1], $0xffff  }
0x341: {  	v7 =	vmul.f32 v7, v6;
	_ =	sdelay $0x1  }
0x342: {  	v7 =	vmul.f32 $-2.000000000e+00, v7;
	_ =	sdelay $0x1  }
0x343: {  	v7 =	vsub.f32 v7, v8;
	_ =	sdelay $0x1  }
0x344: {  	[tilespmem:v4+s31+$0xFFFFFF70 ss:$0x1] =	vst.idx.msk $0xffff, v7  }
0x345: {  	v37 =	vld [tilespmem:s31+$0x13F70];
	_ =	sdelay $0x2  }
0x346: {  	v38 =	vmul.f32 v7, v3  }
0x347: {  	v7 =	vmul.f32 v7, v6;
	v39 =	vld [tilespmem:s31+$0x18F80]  }
0x348: {  	v8 =	vadd.f32 v38, v37  }
0x349: {  	[tilespmem:s31+$0x18F70] =	vst v7  }
0x34a: {  	[tilespmem:s31+$0x13F70] =	vst v8  }
0x34b: {  	v7 =	vld.idx.msk [tilespmem:v4+s31+$0xFFFFFF80 ss:$0x1], $0xffff  }
0x34c: {  	v40 =	vmul.f32 v39, v6;
	_ =	sdelay $0x1  }
0x34d: {  	v8 =	vmul.f32 $-2.000000000e+00, v40;
	_ =	sdelay $0x1  }
0x34e: {  	v7 =	vsub.f32 v8, v7;
	_ =	sdelay $0x1  }
0x34f: {  	[tilespmem:v4+s31+$0xFFFFFF80 ss:$0x1] =	vst.idx.msk $0xffff, v7  }
0x350: {  	v41 =	vld [tilespmem:s31+$0x13F80];
	_ =	sdelay $0x2  }
0x351: {  	v42 =	vmul.f32 v7, v3  }
0x352: {  	v6 =	vmul.f32 v7, v6;
	v7 =	vld [tilespmem:s31+$0x18F90]  }
0x353: {  	v8 =	vadd.f32 v42, v41  }
0x354: {  	[tilespmem:s31+$0x18F80] =	vst v6  }
0x355: {  	v6 =	vbroadcast v5, $0xC;
	[tilespmem:s31+$0x13F80] =	vst v8  }
0x356: {  	v8 =	vld.idx.msk [tilespmem:v4+s31+$0xFFFFFF90 ss:$0x1], $0xffff  }
0x357: {  	v7 =	vmul.f32 v7, v6;
	_ =	sdelay $0x1  }
0x358: {  	v7 =	vmul.f32 $-2.000000000e+00, v7;
	_ =	sdelay $0x1  }
0x359: {  	v7 =	vsub.f32 v7, v8;
	_ =	sdelay $0x1  }
0x35a: {  	[tilespmem:v4+s31+$0xFFFFFF90 ss:$0x1] =	vst.idx.msk $0xffff, v7  }
0x35b: {  	v43 =	vld [tilespmem:s31+$0x13F90];
	_ =	sdelay $0x2  }
0x35c: {  	v44 =	vmul.f32 v7, v3  }
0x35d: {  	v7 =	vmul.f32 v7, v6;
	v45 =	vld [tilespmem:s31+$0x18FA0]  }
0x35e: {  	v8 =	vadd.f32 v44, v43  }
0x35f: {  	[tilespmem:s31+$0x18F90] =	vst v7  }
0x360: {  	[tilespmem:s31+$0x13F90] =	vst v8  }
0x361: {  	v7 =	vld.idx.msk [tilespmem:v4+s31+$0xFFFFFFA0 ss:$0x1], $0xffff  }
0x362: {  	v46 =	vmul.f32 v45, v6;
	_ =	sdelay $0x1  }
0x363: {  	v8 =	vmul.f32 $-2.000000000e+00, v46;
	_ =	sdelay $0x1  }
0x364: {  	v7 =	vsub.f32 v8, v7;
	_ =	sdelay $0x1  }
0x365: {  	[tilespmem:v4+s31+$0xFFFFFFA0 ss:$0x1] =	vst.idx.msk $0xffff, v7  }
0x366: {  	v47 =	vld [tilespmem:s31+$0x13FA0];
	_ =	sdelay $0x2  }
0x367: {  	v48 =	vmul.f32 v7, v3  }
0x368: {  	v6 =	vmul.f32 v7, v6;
	v7 =	vld [tilespmem:s31+$0x18FB0]  }
0x369: {  	v8 =	vadd.f32 v48, v47  }
0x36a: {  	[tilespmem:s31+$0x18FA0] =	vst v6  }
0x36b: {  	v6 =	vbroadcast v5, $0xD;
	[tilespmem:s31+$0x13FA0] =	vst v8  }
0x36c: {  	v8 =	vld.idx.msk [tilespmem:v4+s31+$0xFFFFFFB0 ss:$0x1], $0xffff  }
0x36d: {  	v7 =	vmul.f32 v7, v6;
	_ =	sdelay $0x1  }
0x36e: {  	v7 =	vmul.f32 $-2.000000000e+00, v7;
	_ =	sdelay $0x1  }
0x36f: {  	v7 =	vsub.f32 v7, v8;
	_ =	sdelay $0x1  }
0x370: {  	[tilespmem:v4+s31+$0xFFFFFFB0 ss:$0x1] =	vst.idx.msk $0xffff, v7  }
0x371: {  	v49 =	vld [tilespmem:s31+$0x13FB0];
	_ =	sdelay $0x2  }
0x372: {  	v50 =	vmul.f32 v7, v3  }
0x373: {  	v7 =	vmul.f32 v7, v6;
	v51 =	vld [tilespmem:s31+$0x18FC0]  }
0x374: {  	v8 =	vadd.f32 v50, v49  }
0x375: {  	[tilespmem:s31+$0x18FB0] =	vst v7  }
0x376: {  	[tilespmem:s31+$0x13FB0] =	vst v8  }
0x377: {  	v7 =	vld.idx.msk [tilespmem:v4+s31+$0xFFFFFFC0 ss:$0x1], $0xffff  }
0x378: {  	v52 =	vmul.f32 v51, v6;
	_ =	sdelay $0x1  }
0x379: {  	v8 =	vmul.f32 $-2.000000000e+00, v52;
	_ =	sdelay $0x1  }
0x37a: {  	v7 =	vsub.f32 v8, v7;
	_ =	sdelay $0x1  }
0x37b: {  	[tilespmem:v4+s31+$0xFFFFFFC0 ss:$0x1] =	vst.idx.msk $0xffff, v7  }
0x37c: {  	v53 =	vld [tilespmem:s31+$0x13FC0];
	_ =	sdelay $0x2  }
0x37d: {  	v54 =	vmul.f32 v7, v3  }
0x37e: {  	v6 =	vmul.f32 v7, v6;
	v7 =	vld [tilespmem:s31+$0x18FD0]  }
0x37f: {  	v8 =	vadd.f32 v54, v53  }
0x380: {  	[tilespmem:s31+$0x18FC0] =	vst v6  }
0x381: {  	v6 =	vbroadcast v5, $0xE;
	[tilespmem:s31+$0x13FC0] =	vst v8  }
0x382: {  	v8 =	vld.idx.msk [tilespmem:v4+s31+$0xFFFFFFD0 ss:$0x1], $0xffff  }
0x383: {  	v7 =	vmul.f32 v7, v6;
	_ =	sdelay $0x1  }
0x384: {  	v7 =	vmul.f32 $-2.000000000e+00, v7;
	_ =	sdelay $0x1  }
0x385: {  	v7 =	vsub.f32 v7, v8;
	_ =	sdelay $0x1  }
0x386: {  	[tilespmem:v4+s31+$0xFFFFFFD0 ss:$0x1] =	vst.idx.msk $0xffff, v7  }
0x387: {  	v55 =	vld [tilespmem:s31+$0x13FD0];
	_ =	sdelay $0x2  }
0x388: {  	v56 =	vmul.f32 v7, v3  }
0x389: {  	v7 =	vmul.f32 v7, v6;
	v57 =	vld [tilespmem:s31+$0x18FE0]  }
0x38a: {  	v8 =	vadd.f32 v56, v55  }
0x38b: {  	[tilespmem:s31+$0x18FD0] =	vst v7  }
0x38c: {  	[tilespmem:s31+$0x13FD0] =	vst v8  }
0x38d: {  	v7 =	vld.idx.msk [tilespmem:v4+s31+$0xFFFFFFE0 ss:$0x1], $0xffff  }
0x38e: {  	v58 =	vmul.f32 v57, v6;
	_ =	sdelay $0x1  }
0x38f: {  	v8 =	vmul.f32 $-2.000000000e+00, v58;
	_ =	sdelay $0x1  }
0x390: {  	v7 =	vsub.f32 v8, v7;
	_ =	sdelay $0x1  }
0x391: {  	[tilespmem:v4+s31+$0xFFFFFFE0 ss:$0x1] =	vst.idx.msk $0xffff, v7  }
0x392: {  	v59 =	vld [tilespmem:s31+$0x13FE0];
	_ =	sdelay $0x2  }
0x393: {  	v60 =	vmul.f32 v7, v3  }
0x394: {  	v6 =	vmul.f32 v7, v6;
	v7 =	vld [tilespmem:s31+$0x18FF0]  }
0x395: {  	v8 =	vadd.f32 v60, v59  }
0x396: {  	[tilespmem:s31+$0x18FE0] =	vst v6  }
0x397: {  	v5 =	vbroadcast v5, $0xF;
	[tilespmem:s31+$0x13FE0] =	vst v8  }
0x398: {  	v6 =	vld.idx.msk [tilespmem:v4+s31+$0xFFFFFFF0 ss:$0x1], $0xffff  }
0x399: {  	v7 =	vmul.f32 v7, v5;
	_ =	sdelay $0x1  }
0x39a: {  	v7 =	vmul.f32 $-2.000000000e+00, v7;
	_ =	sdelay $0x1  }
0x39b: {  	v6 =	vsub.f32 v7, v6;
	_ =	sdelay $0x1  }
0x39c: {  	[tilespmem:v4+s31+$0xFFFFFFF0 ss:$0x1] =	vst.idx.msk $0xffff, v6  }
0x39d: {  	v7 =	vld [tilespmem:s31+$0x13FF0];
	_ =	sdelay $0x2  }
0x39e: {  	v61 =	vmul.f32 v6, v3  }
0x39f: {  	v6 =	vmul.f32 v6, v5;
	v62 =	vld [tilespmem:s31+$0x19000]  }
0x3a0: {  	v7 =	vadd.f32 v61, v7  }
0x3a1: {  	[tilespmem:s31+$0x18FF0] =	vst v6  }
0x3a2: {  	[tilespmem:s31+$0x13FF0] =	vst v7  }
0x3a3: {  	v6 =	vld.idx.msk [tilespmem:v4+s31+$0x0 ss:$0x1], $0xffff  }
0x3a4: {  	v7 =	vmul.f32 v62, v5;
	_ =	sdelay $0x1  }
0x3a5: {  	v7 =	vmul.f32 $-2.000000000e+00, v7;
	_ =	sdelay $0x1  }
0x3a6: {  	v6 =	vsub.f32 v7, v6;
	_ =	sdelay $0x1  }
0x3a7: {  	[tilespmem:v4+s31+$0x0 ss:$0x1] =	vst.idx.msk $0xffff, v6  }
0x3a8: {  	v7 =	vld [tilespmem:s31+$0x14000];
	_ =	sdelay $0x1  }
0x3a9: {  	p0 =	sne.s32 s29, $0x13FC0  }
.Ltmp7:
0x3aa: {  	v63 =	vmul.f32 v6, v3;
	(pc) =	sbr.rel @p0 .LBB2_17-.Ltmp7, $4  }
0x3ab: {  	v5 =	vmul.f32 v6, v5  }
0x3ac: {  	v6 =	vadd.f32 v63, v7  }
0x3ad: {  	[tilespmem:s31+$0x19000] =	vst v5  }
0x3ae: {  	s30 =	sadd.s32 $0x10, s30;
	s29 =	sadd.s32 $0x800, s29;
	[tilespmem:s31+$0x14000] =	vst v6  }
0x3af: {  	[spmem:s8] =	stream.linear.scatter [tilespmem:s19], [sflag:$0x2], $0x5000, $0x38;
	[tilespmem:$0x1EFB0] =	vst v63  }
0x3b0: {  	_ =	swait.ge [sflag:s15], $0x5000  }
0x3b1: {  	[sflag:s15] =	ssyncset.done $0x0  }
0x3b2: {  	s29 =	simm.s32 $0x80;
	s30 =	simm.s32 $0x0;
	[sflag:s15] =	ssyncadd.s32 $0xFFFFB000  }
.LBB2_19:
0x3b3: {  	p0 =	sne.s32 s29, $0x13F80;
	[tilespmem:s30+$0x19000] =	vst v0;
	s0 =	smov.u32 s29;
	s29 =	sadd.s32 $0x80, s29  }
.Ltmp8:
0x3b4: {  	[tilespmem:s30+$0x19010] =	vst v0;
	(pc) =	sbr.rel @p0 .LBB2_19-.Ltmp8, $2  }
0x3b5: {  	_ =	sdelay $0x2  }
0x3b6: {  	s30 =	sshra.s32 s0, $0x2  }
0x3b7: {  	[tilespmem:s30+$0x19000] =	vst v0  }
0x3b8: {  	[tilespmem:s30+$0x19010] =	vst v0;
	s28 =	sadd.s32 $0x1, s28  }
0x3b9: {  	[spmem:s9] =	stream.linear.scatter [tilespmem:s19], [sflag:$0x2], $0x5000, $0x38;
	[tilespmem:$0x1EFB0] =	vst v63  }
0x3ba: {  	p0 =	sne.s32 s28, $0xB  }
.Ltmp9:
0x3bb: {  	_ =	swait.ge [sflag:s15], $0x5000;
	(pc) =	sbr.rel @p0 .LBB2_14-.Ltmp9, $3  }
0x3bc: {  	[sflag:s15] =	ssyncset.done $0x0  }
0x3bd: {  	[sflag:s15] =	ssyncadd.s32 $0xFFFFB000  }
0x3be: {  	[bflag:$0x0] =	sbarrier.arrive $0xFFFF;
	_ =	sdelay $0x1  }
0x3bf: {  	s26 =	sadd.s32 $0x1, s26  }
0x3c0: {  	p0 =	sne.s32 s26, s11  }
.Ltmp10:
0x3c1: {  	_ = 	snop;
	(pc) =	sbr.rel @p0 .LBB2_1-.Ltmp10, $4  }
0x3c2: {  	[hbm4b:s10+s3] =	stream.linear.scatter [tilespmem:s25], [sflag:$0x2], $0x5000, $0x38;
	[tilespmem:$0x1EFB0] =	vst v63  }
0x3c3: {  	_ =	swait.ge [sflag:s15], $0x5000  }
0x3c4: {  	[sflag:s15] =	ssyncset.done $0x0  }
0x3c5: {  	[sflag:s15] =	ssyncadd.s32 $0xFFFFB000  }
0x3c6: {  	_ =	sfence.sel $0x180000  }
0x3c7: {  	[bflag:$0x0] =	sbarrier.arrive $0xFFFF  }
0x3c8: {  	_ =	strace $0x9000004A  }
0x3c9: {  	s0 =	stileid.u32;
	[bflag:$0x2] =	sbarrier.arrive $0xFFFF  }
0x3ca: {  	p0 =	sne.s32 s0, $0x0;
	s0 =	rddreg [dreg:$0x2]  }
0x3cb: {  	s0 =	sadd.s32 @!p0 $0x100000, s0  }
0x3cc: {  	[sflag:s0] =	ssyncadd.tile.s32 @!p0 $0x1;
	_ =	shalt  }
.Lfunc_end2:
_tile_overlayer_lowered:
.L_overlay_start_2:
0x3cd: {  	(tag) =	ssettag $0x2  }
0x3ce: {  	s0 =	rddreg [dreg:$0x0];
	s2 =	stileid.u32  }
0x3cf: {  	s1 =	rddreg [dreg:$0x1];
	p0 =	sne.s32 s2, $0x0  }
0x3d0: {  	s3 =	rddreg [dreg:$0x2];
	[bflag:$0x3] =	sbarrier.arrive $0xFFFF;
	s2 =	simm.s32 @!p0 $0x1C02  }
0x3d1: {  	[timem:s3], [sflag:s2] =	dma.local @!p0 [hbm:s0], s1  }
0x3d2: {  	s0 =	simm.s32 @!p0 $0x2  }
0x3d3: {  	_ =	swait.ge @!p0 [sflag:s0], s1  }
0x3d4: {  	s1 =	ssub.s32 @!p0 $0x0, s1;
	[sflag:s0] =	ssyncset.done @!p0 $0x0  }
0x3d5: {  	[sflag:s0] =	ssyncadd.s32 @!p0 s1  }
0x3d6: {  	[bflag:$0x3] =	sbarrier.arrive $0xFFFF  }
0x3d7: {  	_ =	shalt  }

</sc_bundles>
